<compile_context>
chip_gen: v7x
topology: tpu7x:2x2x1
jax: 0.10.2.dev20260603
libtpu: 0.0.44.dev20260713+nightly
codegen_flags: <defaults>
</compile_context>

<pallas_src>
import functools

import jax
import jax.numpy as jnp
from jax import lax
from jax.experimental import pallas as pl
from jax.experimental.pallas import tpu as pltpu
from jax.experimental.pallas import tpu_sc as plsc

LANES = 16
CH = 16


def _make_sc_kernel(B, S, D, dtype):
    info = plsc.get_sparse_core_info()
    NC, NS = info.num_cores, info.num_subcores
    NW = NC * NS
    assert S % NW == 0
    s_per_w = S // NW
    assert s_per_w % (2 * CH) == 0
    n_chunks = s_per_w // CH
    nvec = D // LANES
    mesh = plsc.VectorSubcoreMesh(core_axis_name="c", subcore_axis_name="s")

    @functools.partial(
        pl.kernel,
        mesh=mesh,
        out_type=jax.ShapeDtypeStruct((B, S, D), dtype),
        scratch_types=[
            pltpu.VMEM((B, CH, D), dtype),
            pltpu.VMEM((B, CH, D), dtype),
            pltpu.VMEM((CH, D), dtype),
            pltpu.VMEM((CH, D), dtype),
            pltpu.SemaphoreType.DMA,
            pltpu.SemaphoreType.DMA,
            pltpu.SemaphoreType.DMA,
            pltpu.SemaphoreType.DMA,
            pltpu.SemaphoreType.DMA,
            pltpu.SemaphoreType.DMA,
        ],
    )
    def k(we_hbm, p_hbm, out_hbm, wb0, wb1, pb0, pb1,
          sw0, sw1, sp0, sp1, so0, so1):
        wid = lax.axis_index("s") * NC + lax.axis_index("c")
        base = wid * s_per_w
        wb = [wb0, wb1]
        pb = [pb0, pb1]
        sw = [sw0, sw1]
        sp = [sp0, sp1]
        so = [so0, so1]

        def in_copies(c, j):
            s0 = base + c * CH
            return (
                pltpu.make_async_copy(we_hbm.at[:, pl.ds(s0, CH)], wb[j], sw[j]),
                pltpu.make_async_copy(p_hbm.at[pl.ds(s0, CH)], pb[j], sp[j]),
            )

        def out_copy(c, j):
            s0 = base + c * CH
            return pltpu.make_async_copy(wb[j], out_hbm.at[:, pl.ds(s0, CH)], so[j])

        for cp in in_copies(0, 0):
            cp.start()

        def step(c, j):
            @pl.when(c >= 1)
            def _():
                out_copy(c - 1, 1 - j).wait()

            @pl.when(c + 1 < n_chunks)
            def _():
                for cp in in_copies(c + 1, 1 - j):
                    cp.start()

            for cp in in_copies(c, j):
                cp.wait()

            def row_body(r, _):
                for cv in range(nvec):
                    sl = pl.ds(cv * LANES, LANES)
                    pv = pb[j][r, sl]
                    for b in range(B):
                        plsc.addupdate(wb[j].at[b, r, sl], pv)
                return 0

            lax.fori_loop(0, CH, row_body, 0)
            out_copy(c, j).start()

        def pair_body(g, _):
            step(2 * g, 0)
            step(2 * g + 1, 1)
            return 0

        lax.fori_loop(0, n_chunks // 2, pair_body, 0)
        out_copy(n_chunks - 1, 1).wait()

    return k


def kernel(inputs, word_embeddings, P):
    del inputs
    B, S, D = word_embeddings.shape
    if P.shape[0] != S:
        P = P[:S]
    k = _make_sc_kernel(B, S, D, word_embeddings.dtype)
    return k(word_embeddings, P)

# --- scband reference (transcript-rebuilt; emitter-appended) ---
"""Pipeline reference for scband-positional-encoding-21741124452768 (READ-ONLY COPY).

The authoritative reference and input builder live on the scoring server;
editing this copy changes nothing except your own understanding.
"""

import jax, jax.numpy as jnp
import numpy as np

MAX_INPUT_SIZE = 8192
D_MODEL = 768
VOCAB = 100000
BATCH = 4
SEQ = 8192


def _pos_encoding(seq_len, d, n=10000):
    k = np.arange(seq_len)[:, None].astype(np.float64)
    i = np.arange(d // 2)[None, :].astype(np.float64)
    denom = np.power(float(n), 2.0 * i / d)
    P = np.zeros((seq_len, d), dtype=np.float64)
    P[:, 0::2] = np.sin(k / denom)
    P[:, 1::2] = np.cos(k / denom)
    return P.astype(np.float32)


def setup_inputs(seed: int = 0) -> dict:
    key = jax.random.key(seed)
    k1, k2 = jax.random.split(key)
    inputs = jax.random.randint(k1, (BATCH, SEQ), 0, VOCAB, dtype=jnp.int32)
    word_embeddings = jax.random.normal(k2, (BATCH, SEQ, D_MODEL), dtype=jnp.float32)
    P = jnp.asarray(_pos_encoding(MAX_INPUT_SIZE, D_MODEL))
    return {"inputs": inputs, "word_embeddings": word_embeddings, "P": P}


def reference(inputs, word_embeddings, P):
    seq_length = inputs.shape[1]
    position_indices = jnp.arange(seq_length)
    embedded_indices = jnp.take(P, position_indices, axis=0)
    return word_embeddings + embedded_indices[None, :, :]

if __name__ == "__main__":
    import jax
    _d = setup_inputs()
    print(jax.jit(kernel)(*tuple(_d.values())))

</pallas_src>

<mosaic_0001>
#map = affine_map<(d0, d1) -> (0, 0, 0)>
#map1 = affine_map<(d0, d1) -> (0, 0)>
module attributes {stable_mosaic.version = 14 : i64} {
  func.func @k(%arg0: i32, %arg1: i32, %arg2: memref<4x8192x768xf32, #tpu.memory_space<hbm>>, %arg3: memref<8192x768xf32, #tpu.memory_space<hbm>>, %arg4: memref<4x8192x768xf32, #tpu.memory_space<hbm>>, %arg5: memref<4x16x768xf32, #tpu.memory_space<vmem>>, %arg6: memref<4x16x768xf32, #tpu.memory_space<vmem>>, %arg7: memref<16x768xf32, #tpu.memory_space<vmem>>, %arg8: memref<16x768xf32, #tpu.memory_space<vmem>>, %arg9: memref<!tpu.dma_semaphore, #tpu.memory_space<semaphore_mem>>, %arg10: memref<!tpu.dma_semaphore, #tpu.memory_space<semaphore_mem>>, %arg11: memref<!tpu.dma_semaphore, #tpu.memory_space<semaphore_mem>>, %arg12: memref<!tpu.dma_semaphore, #tpu.memory_space<semaphore_mem>>, %arg13: memref<!tpu.dma_semaphore, #tpu.memory_space<semaphore_mem>>, %arg14: memref<!tpu.dma_semaphore, #tpu.memory_space<semaphore_mem>>) attributes {dimension_semantics = [#tpu.dimension_semantics<core_parallel>, #tpu.dimension_semantics<subcore_parallel>], iteration_bounds = array<i64: 2, 16>, scalar_prefetch = 0 : i64, scratch_operands = 10 : i64, tpu.core_type = #tpu.core_type<sc_vector_subcore>, window_params = [{transform_indices = #map}, {transform_indices = #map1}, {transform_indices = #map}]} {
    %mul3A = arith.constant 2 : i32
    %mul3A_0 = arith.muli %arg1, %mul3A : i32
    %add3A = arith.addi %mul3A_0, %arg0 : i32
    %mul3A_1 = arith.constant 256 : i32
    %mul3A_2 = arith.muli %add3A, %mul3A_1 : i32
    %add3A_3 = arith.constant 0 : i32
    %add3A_4 = arith.addi %mul3A_2, %add3A_3 : i32
    %dma_start3A = arith.constant 0 : i32
    %dma_start3A_5 = arith.constant 0 : i32
    %dma_start3A_6 = tpu.memref_slice %arg2[%dma_start3A, %add3A_4, %dma_start3A_5] : memref<4x8192x768xf32, #tpu.memory_space<hbm>> -> memref<4x16x768xf32, #tpu.memory_space<hbm>>
    %dma_start3A_7 = arith.constant 0 : i32
    %dma_start3A_8 = arith.constant 0 : i32
    %dma_start3A_9 = tpu.memref_slice %arg2[%dma_start3A_7, %add3A_4, %dma_start3A_8] : memref<4x8192x768xf32, #tpu.memory_space<hbm>> -> memref<4x16x768xf32, #tpu.memory_space<hbm>>
    tpu.enqueue_dma source(%dma_start3A_9 : memref<4x16x768xf32, #tpu.memory_space<hbm>>) target(%arg5 : memref<4x16x768xf32, #tpu.memory_space<vmem>>) target_semaphore(%arg9 : memref<!tpu.dma_semaphore, #tpu.memory_space<semaphore_mem>>)
    %dma_start3A_10 = arith.constant 0 : i32
    %dma_start3A_11 = tpu.memref_slice %arg3[%add3A_4, %dma_start3A_10] : memref<8192x768xf32, #tpu.memory_space<hbm>> -> memref<16x768xf32, #tpu.memory_space<hbm>>
    %dma_start3A_12 = arith.constant 0 : i32
    %dma_start3A_13 = tpu.memref_slice %arg3[%add3A_4, %dma_start3A_12] : memref<8192x768xf32, #tpu.memory_space<hbm>> -> memref<16x768xf32, #tpu.memory_space<hbm>>
    tpu.enqueue_dma source(%dma_start3A_13 : memref<16x768xf32, #tpu.memory_space<hbm>>) target(%arg7 : memref<16x768xf32, #tpu.memory_space<vmem>>) target_semaphore(%arg11 : memref<!tpu.dma_semaphore, #tpu.memory_space<semaphore_mem>>)
    %scan3A = arith.constant 0 : i32
    %scan3A_14 = arith.constant 0 : i32
    %scan3A_15 = arith.constant 8 : i32
    %scan3A_16 = arith.addi %scan3A_14, %scan3A_15 : i32
    %scan3A_17 = arith.constant 1 : i32
    %scan3A_18 = scf.for %scan3A_27 = %scan3A_14 to %scan3A_16 step %scan3A_17 iter_args(%scan3A_28 = %scan3A) -> (i32)  : i32 {
      %mul3A_29 = arith.constant 2 : i32
      %mul3A_30 = arith.muli %mul3A_29, %scan3A_27 : i32
      %ge3A = arith.constant 1 : i32
      %ge3A_31 = arith.cmpi sge, %mul3A_30, %ge3A : i32
      %convert_element_type3A = arith.extui %ge3A_31 : i1 to i32
      %cond3A = arith.constant 0 : i32
      %cond3A_32 = arith.cmpi ne, %convert_element_type3A, %cond3A : i32
      scf.if %cond3A_32 {
        %sub3A = arith.constant 1 : i32
        %sub3A_114 = arith.subi %mul3A_30, %sub3A : i32
        %mul3A_115 = arith.constant 16 : i32
        %mul3A_116 = arith.muli %sub3A_114, %mul3A_115 : i32
        %add3A_117 = arith.addi %mul3A_2, %mul3A_116 : i32
        %dma_wait3A_118 = arith.constant 0 : i32
        %dma_wait3A_119 = arith.constant 0 : i32
        %dma_wait3A_120 = tpu.memref_slice %arg4[%dma_wait3A_118, %add3A_117, %dma_wait3A_119] : memref<4x8192x768xf32, #tpu.memory_space<hbm>> -> memref<4x16x768xf32, #tpu.memory_space<hbm>>
        %dma_wait3A_121 = arith.constant 0 : i32
        %dma_wait3A_122 = arith.constant 0 : i32
        %dma_wait3A_123 = tpu.memref_slice %arg4[%dma_wait3A_121, %add3A_117, %dma_wait3A_122] : memref<4x8192x768xf32, #tpu.memory_space<hbm>> -> memref<4x16x768xf32, #tpu.memory_space<hbm>>
        tpu.wait_dma2 semaphore(%arg14 : memref<!tpu.dma_semaphore, #tpu.memory_space<semaphore_mem>>) src(%arg6 : memref<4x16x768xf32, #tpu.memory_space<vmem>>) dst(%dma_wait3A_123 : memref<4x16x768xf32, #tpu.memory_space<hbm>>)
      } else {
      }
      %add3A_33 = arith.constant 1 : i32
      %add3A_34 = arith.addi %mul3A_30, %add3A_33 : i32
      %lt3A = arith.constant 16 : i32
      %lt3A_35 = arith.cmpi slt, %add3A_34, %lt3A : i32
      %convert_element_type3A_36 = arith.extui %lt3A_35 : i1 to i32
      %cond3A_37 = arith.constant 0 : i32
      %cond3A_38 = arith.cmpi ne, %convert_element_type3A_36, %cond3A_37 : i32
      scf.if %cond3A_38 {
        %add3A_114 = arith.constant 1 : i32
        %add3A_115 = arith.addi %mul3A_30, %add3A_114 : i32
        %mul3A_116 = arith.constant 16 : i32
        %mul3A_117 = arith.muli %add3A_115, %mul3A_116 : i32
        %add3A_118 = arith.addi %mul3A_2, %mul3A_117 : i32
        %dma_start3A_119 = arith.constant 0 : i32
        %dma_start3A_120 = arith.constant 0 : i32
        %dma_start3A_121 = tpu.memref_slice %arg2[%dma_start3A_119, %add3A_118, %dma_start3A_120] : memref<4x8192x768xf32, #tpu.memory_space<hbm>> -> memref<4x16x768xf32, #tpu.memory_space<hbm>>
        %dma_start3A_122 = arith.constant 0 : i32
        %dma_start3A_123 = arith.constant 0 : i32
        %dma_start3A_124 = tpu.memref_slice %arg2[%dma_start3A_122, %add3A_118, %dma_start3A_123] : memref<4x8192x768xf32, #tpu.memory_space<hbm>> -> memref<4x16x768xf32, #tpu.memory_space<hbm>>
        tpu.enqueue_dma source(%dma_start3A_124 : memref<4x16x768xf32, #tpu.memory_space<hbm>>) target(%arg6 : memref<4x16x768xf32, #tpu.memory_space<vmem>>) target_semaphore(%arg10 : memref<!tpu.dma_semaphore, #tpu.memory_space<semaphore_mem>>)
        %dma_start3A_125 = arith.constant 0 : i32
        %dma_start3A_126 = tpu.memref_slice %arg3[%add3A_118, %dma_start3A_125] : memref<8192x768xf32, #tpu.memory_space<hbm>> -> memref<16x768xf32, #tpu.memory_space<hbm>>
        %dma_start3A_127 = arith.constant 0 : i32
        %dma_start3A_128 = tpu.memref_slice %arg3[%add3A_118, %dma_start3A_127] : memref<8192x768xf32, #tpu.memory_space<hbm>> -> memref<16x768xf32, #tpu.memory_space<hbm>>
        tpu.enqueue_dma source(%dma_start3A_128 : memref<16x768xf32, #tpu.memory_space<hbm>>) target(%arg8 : memref<16x768xf32, #tpu.memory_space<vmem>>) target_semaphore(%arg12 : memref<!tpu.dma_semaphore, #tpu.memory_space<semaphore_mem>>)
      } else {
      }
      %mul3A_39 = arith.constant 16 : i32
      %mul3A_40 = arith.muli %mul3A_30, %mul3A_39 : i32
      %add3A_41 = arith.addi %mul3A_2, %mul3A_40 : i32
      %dma_wait3A_42 = arith.constant 0 : i32
      %dma_wait3A_43 = arith.constant 0 : i32
      %dma_wait3A_44 = tpu.memref_slice %arg2[%dma_wait3A_42, %add3A_41, %dma_wait3A_43] : memref<4x8192x768xf32, #tpu.memory_space<hbm>> -> memref<4x16x768xf32, #tpu.memory_space<hbm>>
      %dma_wait3A_45 = arith.constant 0 : i32
      %dma_wait3A_46 = arith.constant 0 : i32
      %dma_wait3A_47 = tpu.memref_slice %arg2[%dma_wait3A_45, %add3A_41, %dma_wait3A_46] : memref<4x8192x768xf32, #tpu.memory_space<hbm>> -> memref<4x16x768xf32, #tpu.memory_space<hbm>>
      tpu.wait_dma2 semaphore(%arg9 : memref<!tpu.dma_semaphore, #tpu.memory_space<semaphore_mem>>) src(%dma_wait3A_47 : memref<4x16x768xf32, #tpu.memory_space<hbm>>) dst(%arg5 : memref<4x16x768xf32, #tpu.memory_space<vmem>>)
      %dma_wait3A_48 = arith.constant 0 : i32
      %dma_wait3A_49 = tpu.memref_slice %arg3[%add3A_41, %dma_wait3A_48] : memref<8192x768xf32, #tpu.memory_space<hbm>> -> memref<16x768xf32, #tpu.memory_space<hbm>>
      %dma_wait3A_50 = arith.constant 0 : i32
      %dma_wait3A_51 = tpu.memref_slice %arg3[%add3A_41, %dma_wait3A_50] : memref<8192x768xf32, #tpu.memory_space<hbm>> -> memref<16x768xf32, #tpu.memory_space<hbm>>
      tpu.wait_dma2 semaphore(%arg11 : memref<!tpu.dma_semaphore, #tpu.memory_space<semaphore_mem>>) src(%dma_wait3A_51 : memref<16x768xf32, #tpu.memory_space<hbm>>) dst(%arg7 : memref<16x768xf32, #tpu.memory_space<vmem>>)
      %scan3A_52 = arith.constant 0 : i32
      %scan3A_53 = arith.constant 0 : i32
      %scan3A_54 = arith.constant 16 : i32
      %scan3A_55 = arith.addi %scan3A_53, %scan3A_54 : i32
      %scan3A_56 = arith.constant 1 : i32
      %scan3A_57 = scf.for %scan3A_114 = %scan3A_53 to %scan3A_55 step %scan3A_56 iter_args(%scan3A_115 = %scan3A_52) -> (i32)  : i32 {
        %get3A = arith.index_cast %scan3A_114 : i32 to index
        %get3A_116 = arith.constant 0 : index
        %get3A_117 = tpu.vector_load %arg7[%get3A, %get3A_116] {strides = array<i32>} : memref<16x768xf32, #tpu.memory_space<vmem>>, vector<1x16xf32>,
        %get3A_118 = vector.shape_cast %get3A_117 : vector<1x16xf32> to vector<16xf32>
        %swap3A = arith.constant 0 : i32
        %swap3A_119 = arith.index_cast %swap3A : i32 to index
        %swap3A_120 = arith.index_cast %scan3A_114 : i32 to index
        %swap3A_121 = arith.constant 0 : index
        %swap3A_122 = tpu.vector_load %arg5[%swap3A_119, %swap3A_120, %swap3A_121] {strides = array<i32>} : memref<4x16x768xf32, #tpu.memory_space<vmem>>, vector<1x1x16xf32>,
        %swap3A_123 = vector.shape_cast %swap3A_122 : vector<1x1x16xf32> to vector<16xf32>
        %swap3A_124 = vector.shape_cast %get3A_118 : vector<16xf32> to vector<1x1x16xf32>
        tpu.vector_store %arg5[%swap3A_119, %swap3A_120, %swap3A_121], %swap3A_124 {add = true, strides = array<i32>} : memref<4x16x768xf32, #tpu.memory_space<vmem>>, vector<1x1x16xf32>,
        %swap3A_125 = arith.constant 1 : i32
        %swap3A_126 = arith.index_cast %swap3A_125 : i32 to index
        %swap3A_127 = arith.index_cast %scan3A_114 : i32 to index
        %swap3A_128 = arith.constant 0 : index
        %swap3A_129 = tpu.vector_load %arg5[%swap3A_126, %swap3A_127, %swap3A_128] {strides = array<i32>} : memref<4x16x768xf32, #tpu.memory_space<vmem>>, vector<1x1x16xf32>,
        %swap3A_130 = vector.shape_cast %swap3A_129 : vector<1x1x16xf32> to vector<16xf32>
        %swap3A_131 = vector.shape_cast %get3A_118 : vector<16xf32> to vector<1x1x16xf32>
        tpu.vector_store %arg5[%swap3A_126, %swap3A_127, %swap3A_128], %swap3A_131 {add = true, strides = array<i32>} : memref<4x16x768xf32, #tpu.memory_space<vmem>>, vector<1x1x16xf32>,
        %swap3A_132 = arith.constant 2 : i32
        %swap3A_133 = arith.index_cast %swap3A_132 : i32 to index
        %swap3A_134 = arith.index_cast %scan3A_114 : i32 to index
        %swap3A_135 = arith.constant 0 : index
        %swap3A_136 = tpu.vector_load %arg5[%swap3A_133, %swap3A_134, %swap3A_135] {strides = array<i32>} : memref<4x16x768xf32, #tpu.memory_space<vmem>>, vector<1x1x16xf32>,
        %swap3A_137 = vector.shape_cast %swap3A_136 : vector<1x1x16xf32> to vector<16xf32>
        %swap3A_138 = vector.shape_cast %get3A_118 : vector<16xf32> to vector<1x1x16xf32>
        tpu.vector_store %arg5[%swap3A_133, %swap3A_134, %swap3A_135], %swap3A_138 {add = true, strides = array<i32>} : memref<4x16x768xf32, #tpu.memory_space<vmem>>, vector<1x1x16xf32>,
        %swap3A_139 = arith.constant 3 : i32
        %swap3A_140 = arith.index_cast %swap3A_139 : i32 to index
        %swap3A_141 = arith.index_cast %scan3A_114 : i32 to index
        %swap3A_142 = arith.constant 0 : index
        %swap3A_143 = tpu.vector_load %arg5[%swap3A_140, %swap3A_141, %swap3A_142] {strides = array<i32>} : memref<4x16x768xf32, #tpu.memory_space<vmem>>, vector<1x1x16xf32>,
        %swap3A_144 = vector.shape_cast %swap3A_143 : vector<1x1x16xf32> to vector<16xf32>
        %swap3A_145 = vector.shape_cast %get3A_118 : vector<16xf32> to vector<1x1x16xf32>
        tpu.vector_store %arg5[%swap3A_140, %swap3A_141, %swap3A_142], %swap3A_145 {add = true, strides = array<i32>} : memref<4x16x768xf32, #tpu.memory_space<vmem>>, vector<1x1x16xf32>,
        %get3A_146 = arith.index_cast %scan3A_114 : i32 to index
        %get3A_147 = arith.constant 16 : index
        %get3A_148 = tpu.vector_load %arg7[%get3A_146, %get3A_147] {strides = array<i32>} : memref<16x768xf32, #tpu.memory_space<vmem>>, vector<1x16xf32>,
        %get3A_149 = vector.shape_cast %get3A_148 : vector<1x16xf32> to vector<16xf32>
        %swap3A_150 = arith.constant 0 : i32
        %swap3A_151 = arith.index_cast %swap3A_150 : i32 to index
        %swap3A_152 = arith.index_cast %scan3A_114 : i32 to index
        %swap3A_153 = arith.constant 16 : index
        %swap3A_154 = tpu.vector_load %arg5[%swap3A_151, %swap3A_152, %swap3A_153] {strides = array<i32>} : memref<4x16x768xf32, #tpu.memory_space<vmem>>, vector<1x1x16xf32>,
        %swap3A_155 = vector.shape_cast %swap3A_154 : vector<1x1x16xf32> to vector<16xf32>
        %swap3A_156 = vector.shape_cast %get3A_149 : vector<16xf32> to vector<1x1x16xf32>
        tpu.vector_store %arg5[%swap3A_151, %swap3A_152, %swap3A_153], %swap3A_156 {add = true, strides = array<i32>} : memref<4x16x768xf32, #tpu.memory_space<vmem>>, vector<1x1x16xf32>,
        %swap3A_157 = arith.constant 1 : i32
        %swap3A_158 = arith.index_cast %swap3A_157 : i32 to index
        %swap3A_159 = arith.index_cast %scan3A_114 : i32 to index
        %swap3A_160 = arith.constant 16 : index
        %swap3A_161 = tpu.vector_load %arg5[%swap3A_158, %swap3A_159, %swap3A_160] {strides = array<i32>} : memref<4x16x768xf32, #tpu.memory_space<vmem>>, vector<1x1x16xf32>,
        %swap3A_162 = vector.shape_cast %swap3A_161 : vector<1x1x16xf32> to vector<16xf32>
        %swap3A_163 = vector.shape_cast %get3A_149 : vector<16xf32> to vector<1x1x16xf32>
        tpu.vector_store %arg5[%swap3A_158, %swap3A_159, %swap3A_160], %swap3A_163 {add = true, strides = array<i32>} : memref<4x16x768xf32, #tpu.memory_space<vmem>>, vector<1x1x16xf32>,
        %swap3A_164 = arith.constant 2 : i32
        %swap3A_165 = arith.index_cast %swap3A_164 : i32 to index
        %swap3A_166 = arith.index_cast %scan3A_114 : i32 to index
        %swap3A_167 = arith.constant 16 : index
        %swap3A_168 = tpu.vector_load %arg5[%swap3A_165, %swap3A_166, %swap3A_167] {strides = array<i32>} : memref<4x16x768xf32, #tpu.memory_space<vmem>>, vector<1x1x16xf32>,
        %swap3A_169 = vector.shape_cast %swap3A_168 : vector<1x1x16xf32> to vector<16xf32>
        %swap3A_170 = vector.shape_cast %get3A_149 : vector<16xf32> to vector<1x1x16xf32>
        tpu.vector_store %arg5[%swap3A_165, %swap3A_166, %swap3A_167], %swap3A_170 {add = true, strides = array<i32>} : memref<4x16x768xf32, #tpu.memory_space<vmem>>, vector<1x1x16xf32>,
        %swap3A_171 = arith.constant 3 : i32
        %swap3A_172 = arith.index_cast %swap3A_171 : i32 to index
        %swap3A_173 = arith.index_cast %scan3A_114 : i32 to index
        %swap3A_174 = arith.constant 16 : index
        %swap3A_175 = tpu.vector_load %arg5[%swap3A_172, %swap3A_173, %swap3A_174] {strides = array<i32>} : memref<4x16x768xf32, #tpu.memory_space<vmem>>, vector<1x1x16xf32>,
        %swap3A_176 = vector.shape_cast %swap3A_175 : vector<1x1x16xf32> to vector<16xf32>
        %swap3A_177 = vector.shape_cast %get3A_149 : vector<16xf32> to vector<1x1x16xf32>
        tpu.vector_store %arg5[%swap3A_172, %swap3A_173, %swap3A_174], %swap3A_177 {add = true, strides = array<i32>} : memref<4x16x768xf32, #tpu.memory_space<vmem>>, vector<1x1x16xf32>,
        %get3A_178 = arith.index_cast %scan3A_114 : i32 to index
        %get3A_179 = arith.constant 32 : index
        %get3A_180 = tpu.vector_load %arg7[%get3A_178, %get3A_179] {strides = array<i32>} : memref<16x768xf32, #tpu.memory_space<vmem>>, vector<1x16xf32>,
        %get3A_181 = vector.shape_cast %get3A_180 : vector<1x16xf32> to vector<16xf32>
        %swap3A_182 = arith.constant 0 : i32
        %swap3A_183 = arith.index_cast %swap3A_182 : i32 to index
        %swap3A_184 = arith.index_cast %scan3A_114 : i32 to index
        %swap3A_185 = arith.constant 32 : index
        %swap3A_186 = tpu.vector_load %arg5[%swap3A_183, %swap3A_184, %swap3A_185] {strides = array<i32>} : memref<4x16x768xf32, #tpu.memory_space<vmem>>, vector<1x1x16xf32>,
        %swap3A_187 = vector.shape_cast %swap3A_186 : vector<1x1x16xf32> to vector<16xf32>
        %swap3A_188 = vector.shape_cast %get3A_181 : vector<16xf32> to vector<1x1x16xf32>
        tpu.vector_store %arg5[%swap3A_183, %swap3A_184, %swap3A_185], %swap3A_188 {add = true, strides = array<i32>} : memref<4x16x768xf32, #tpu.memory_space<vmem>>, vector<1x1x16xf32>,
        %swap3A_189 = arith.constant 1 : i32
        %swap3A_190 = arith.index_cast %swap3A_189 : i32 to index
        %swap3A_191 = arith.index_cast %scan3A_114 : i32 to index
        %swap3A_192 = arith.constant 32 : index
        %swap3A_193 = tpu.vector_load %arg5[%swap3A_190, %swap3A_191, %swap3A_192] {strides = array<i32>} : memref<4x16x768xf32, #tpu.memory_space<vmem>>, vector<1x1x16xf32>,
        %swap3A_194 = vector.shape_cast %swap3A_193 : vector<1x1x16xf32> to vector<16xf32>
        %swap3A_195 = vector.shape_cast %get3A_181 : vector<16xf32> to vector<1x1x16xf32>
        tpu.vector_store %arg5[%swap3A_190, %swap3A_191, %swap3A_192], %swap3A_195 {add = true, strides = array<i32>} : memref<4x16x768xf32, #tpu.memory_space<vmem>>, vector<1x1x16xf32>,
        %swap3A_196 = arith.constant 2 : i32
        %swap3A_197 = arith.index_cast %swap3A_196 : i32 to index
        %swap3A_198 = arith.index_cast %scan3A_114 : i32 to index
        %swap3A_199 = arith.constant 32 : index
        %swap3A_200 = tpu.vector_load %arg5[%swap3A_197, %swap3A_198, %swap3A_199] {strides = array<i32>} : memref<4x16x768xf32, #tpu.memory_space<vmem>>, vector<1x1x16xf32>,
        %swap3A_201 = vector.shape_cast %swap3A_200 : vector<1x1x16xf32> to vector<16xf32>
        %swap3A_202 = vector.shape_cast %get3A_181 : vector<16xf32> to vector<1x1x16xf32>
        tpu.vector_store %arg5[%swap3A_197, %swap3A_198, %swap3A_199], %swap3A_202 {add = true, strides = array<i32>} : memref<4x16x768xf32, #tpu.memory_space<vmem>>, vector<1x1x16xf32>,
        %swap3A_203 = arith.constant 3 : i32
        %swap3A_204 = arith.index_cast %swap3A_203 : i32 to index
        %swap3A_205 = arith.index_cast %scan3A_114 : i32 to index
        %swap3A_206 = arith.constant 32 : index
        %swap3A_207 = tpu.vector_load %arg5[%swap3A_204, %swap3A_205, %swap3A_206] {strides = array<i32>} : memref<4x16x768xf32, #tpu.memory_space<vmem>>, vector<1x1x16xf32>,
        %swap3A_208 = vector.shape_cast %swap3A_207 : vector<1x1x16xf32> to vector<16xf32>
        %swap3A_209 = vector.shape_cast %get3A_181 : vector<16xf32> to vector<1x1x16xf32>
        tpu.vector_store %arg5[%swap3A_204, %swap3A_205, %swap3A_206], %swap3A_209 {add = true, strides = array<i32>} : memref<4x16x768xf32, #tpu.memory_space<vmem>>, vector<1x1x16xf32>,
        %get3A_210 = arith.index_cast %scan3A_114 : i32 to index
        %get3A_211 = arith.constant 48 : index
        %get3A_212 = tpu.vector_load %arg7[%get3A_210, %get3A_211] {strides = array<i32>} : memref<16x768xf32, #tpu.memory_space<vmem>>, vector<1x16xf32>,
        %get3A_213 = vector.shape_cast %get3A_212 : vector<1x16xf32> to vector<16xf32>
        %swap3A_214 = arith.constant 0 : i32
        %swap3A_215 = arith.index_cast %swap3A_214 : i32 to index
        %swap3A_216 = arith.index_cast %scan3A_114 : i32 to index
        %swap3A_217 = arith.constant 48 : index
        %swap3A_218 = tpu.vector_load %arg5[%swap3A_215, %swap3A_216, %swap3A_217] {strides = array<i32>} : memref<4x16x768xf32, #tpu.memory_space<vmem>>, vector<1x1x16xf32>,
        %swap3A_219 = vector.shape_cast %swap3A_218 : vector<1x1x16xf32> to vector<16xf32>
        %swap3A_220 = vector.shape_cast %get3A_213 : vector<16xf32> to vector<1x1x16xf32>
        tpu.vector_store %arg5[%swap3A_215, %swap3A_216, %swap3A_217], %swap3A_220 {add = true, strides = array<i32>} : memref<4x16x768xf32, #tpu.memory_space<vmem>>, vector<1x1x16xf32>,
        %swap3A_221 = arith.constant 1 : i32
        %swap3A_222 = arith.index_cast %swap3A_221 : i32 to index
        %swap3A_223 = arith.index_cast %scan3A_114 : i32 to index
        %swap3A_224 = arith.constant 48 : index
        %swap3A_225 = tpu.vector_load %arg5[%swap3A_222, %swap3A_223, %swap3A_224] {strides = array<i32>} : memref<4x16x768xf32, #tpu.memory_space<vmem>>, vector<1x1x16xf32>,
        %swap3A_226 = vector.shape_cast %swap3A_225 : vector<1x1x16xf32> to vector<16xf32>
        %swap3A_227 = vector.shape_cast %get3A_213 : vector<16xf32> to vector<1x1x16xf32>
        tpu.vector_store %arg5[%swap3A_222, %swap3A_223, %swap3A_224], %swap3A_227 {add = true, strides = array<i32>} : memref<4x16x768xf32, #tpu.memory_space<vmem>>, vector<1x1x16xf32>,
        %swap3A_228 = arith.constant 2 : i32
        %swap3A_229 = arith.index_cast %swap3A_228 : i32 to index
        %swap3A_230 = arith.index_cast %scan3A_114 : i32 to index
        %swap3A_231 = arith.constant 48 : index
        %swap3A_232 = tpu.vector_load %arg5[%swap3A_229, %swap3A_230, %swap3A_231] {strides = array<i32>} : memref<4x16x768xf32, #tpu.memory_space<vmem>>, vector<1x1x16xf32>,
        %swap3A_233 = vector.shape_cast %swap3A_232 : vector<1x1x16xf32> to vector<16xf32>
        %swap3A_234 = vector.shape_cast %get3A_213 : vector<16xf32> to vector<1x1x16xf32>
        tpu.vector_store %arg5[%swap3A_229, %swap3A_230, %swap3A_231], %swap3A_234 {add = true, strides = array<i32>} : memref<4x16x768xf32, #tpu.memory_space<vmem>>, vector<1x1x16xf32>,
        %swap3A_235 = arith.constant 3 : i32
        %swap3A_236 = arith.index_cast %swap3A_235 : i32 to index
        %swap3A_237 = arith.index_cast %scan3A_114 : i32 to index
        %swap3A_238 = arith.constant 48 : index
        %swap3A_239 = tpu.vector_load %arg5[%swap3A_236, %swap3A_237, %swap3A_238] {strides = array<i32>} : memref<4x16x768xf32, #tpu.memory_space<vmem>>, vector<1x1x16xf32>,
        %swap3A_240 = vector.shape_cast %swap3A_239 : vector<1x1x16xf32> to vector<16xf32>
        %swap3A_241 = vector.shape_cast %get3A_213 : vector<16xf32> to vector<1x1x16xf32>
        tpu.vector_store %arg5[%swap3A_236, %swap3A_237, %swap3A_238], %swap3A_241 {add = true, strides = array<i32>} : memref<4x16x768xf32, #tpu.memory_space<vmem>>, vector<1x1x16xf32>,
        %get3A_242 = arith.index_cast %scan3A_114 : i32 to index
        %get3A_243 = arith.constant 64 : index
        %get3A_244 = tpu.vector_load %arg7[%get3A_242, %get3A_243] {strides = array<i32>} : memref<16x768xf32, #tpu.memory_space<vmem>>, vector<1x16xf32>,
        %get3A_245 = vector.shape_cast %get3A_244 : vector<1x16xf32> to vector<16xf32>
        %swap3A_246 = arith.constant 0 : i32
        %swap3A_247 = arith.index_cast %swap3A_246 : i32 to index
        %swap3A_248 = arith.index_cast %scan3A_114 : i32 to index
        %swap3A_249 = arith.constant 64 : index
        %swap3A_250 = tpu.vector_load %arg5[%swap3A_247, %swap3A_248, %swap3A_249] {strides = array<i32>} : memref<4x16x768xf32, #tpu.memory_space<vmem>>, vector<1x1x16xf32>,
        %swap3A_251 = vector.shape_cast %swap3A_250 : vector<1x1x16xf32> to vector<16xf32>
        %swap3A_252 = vector.shape_cast %get3A_245 : vector<16xf32> to vector<1x1x16xf32>
        tpu.vector_store %arg5[%swap3A_247, %swap3A_248, %swap3A_249], %swap3A_252 {add = true, strides = array<i32>} : memref<4x16x768xf32, #tpu.memory_space<vmem>>, vector<1x1x16xf32>,
        %swap3A_253 = arith.constant 1 : i32
        %swap3A_254 = arith.index_cast %swap3A_253 : i32 to index
        %swap3A_255 = arith.index_cast %scan3A_114 : i32 to index
        %swap3A_256 = arith.constant 64 : index
        %swap3A_257 = tpu.vector_load %arg5[%swap3A_254, %swap3A_255, %swap3A_256] {strides = array<i32>} : memref<4x16x768xf32, #tpu.memory_space<vmem>>, vector<1x1x16xf32>,
        %swap3A_258 = vector.shape_cast %swap3A_257 : vector<1x1x16xf32> to vector<16xf32>
        %swap3A_259 = vector.shape_cast %get3A_245 : vector<16xf32> to vector<1x1x16xf32>
        tpu.vector_store %arg5[%swap3A_254, %swap3A_255, %swap3A_256], %swap3A_259 {add = true, strides = array<i32>} : memref<4x16x768xf32, #tpu.memory_space<vmem>>, vector<1x1x16xf32>,
        %swap3A_260 = arith.constant 2 : i32
        %swap3A_261 = arith.index_cast %swap3A_260 : i32 to index
        %swap3A_262 = arith.index_cast %scan3A_114 : i32 to index
        %swap3A_263 = arith.constant 64 : index
        %swap3A_264 = tpu.vector_load %arg5[%swap3A_261, %swap3A_262, %swap3A_263] {strides = array<i32>} : memref<4x16x768xf32, #tpu.memory_space<vmem>>, vector<1x1x16xf32>,
        %swap3A_265 = vector.shape_cast %swap3A_264 : vector<1x1x16xf32> to vector<16xf32>
        %swap3A_266 = vector.shape_cast %get3A_245 : vector<16xf32> to vector<1x1x16xf32>
        tpu.vector_store %arg5[%swap3A_261, %swap3A_262, %swap3A_263], %swap3A_266 {add = true, strides = array<i32>} : memref<4x16x768xf32, #tpu.memory_space<vmem>>, vector<1x1x16xf32>,
        %swap3A_267 = arith.constant 3 : i32
        %swap3A_268 = arith.index_cast %swap3A_267 : i32 to index
        %swap3A_269 = arith.index_cast %scan3A_114 : i32 to index
        %swap3A_270 = arith.constant 64 : index
        %swap3A_271 = tpu.vector_load %arg5[%swap3A_268, %swap3A_269, %swap3A_270] {strides = array<i32>} : memref<4x16x768xf32, #tpu.memory_space<vmem>>, vector<1x1x16xf32>,
        %swap3A_272 = vector.shape_cast %swap3A_271 : vector<1x1x16xf32> to vector<16xf32>
        %swap3A_273 = vector.shape_cast %get3A_245 : vector<16xf32> to vector<1x1x16xf32>
        tpu.vector_store %arg5[%swap3A_268, %swap3A_269, %swap3A_270], %swap3A_273 {add = true, strides = array<i32>} : memref<4x16x768xf32, #tpu.memory_space<vmem>>, vector<1x1x16xf32>,
        %get3A_274 = arith.index_cast %scan3A_114 : i32 to index
        %get3A_275 = arith.constant 80 : index
        %get3A_276 = tpu.vector_load %arg7[%get3A_274, %get3A_275] {strides = array<i32>} : memref<16x768xf32, #tpu.memory_space<vmem>>, vector<1x16xf32>,
        %get3A_277 = vector.shape_cast %get3A_276 : vector<1x16xf32> to vector<16xf32>
        %swap3A_278 = arith.constant 0 : i32
        %swap3A_279 = arith.index_cast %swap3A_278 : i32 to index
        %swap3A_280 = arith.index_cast %scan3A_114 : i32 to index
        %swap3A_281 = arith.constant 80 : index
        %swap3A_282 = tpu.vector_load %arg5[%swap3A_279, %swap3A_280, %swap3A_281] {strides = array<i32>} : memref<4x16x768xf32, #tpu.memory_space<vmem>>, vector<1x1x16xf32>,
        %swap3A_283 = vector.shape_cast %swap3A_282 : vector<1x1x16xf32> to vector<16xf32>
        %swap3A_284 = vector.shape_cast %get3A_277 : vector<16xf32> to vector<1x1x16xf32>
        tpu.vector_store %arg5[%swap3A_279, %swap3A_280, %swap3A_281], %swap3A_284 {add = true, strides = array<i32>} : memref<4x16x768xf32, #tpu.memory_space<vmem>>, vector<1x1x16xf32>,
        %swap3A_285 = arith.constant 1 : i32
        %swap3A_286 = arith.index_cast %swap3A_285 : i32 to index
        %swap3A_287 = arith.index_cast %scan3A_114 : i32 to index
        %swap3A_288 = arith.constant 80 : index
        %swap3A_289 = tpu.vector_load %arg5[%swap3A_286, %swap3A_287, %swap3A_288] {strides = array<i32>} : memref<4x16x768xf32, #tpu.memory_space<vmem>>, vector<1x1x16xf32>,
        %swap3A_290 = vector.shape_cast %swap3A_289 : vector<1x1x16xf32> to vector<16xf32>
        %swap3A_291 = vector.shape_cast %get3A_277 : vector<16xf32> to vector<1x1x16xf32>
        tpu.vector_store %arg5[%swap3A_286, %swap3A_287, %swap3A_288], %swap3A_291 {add = true, strides = array<i32>} : memref<4x16x768xf32, #tpu.memory_space<vmem>>, vector<1x1x16xf32>,
        %swap3A_292 = arith.constant 2 : i32
        %swap3A_293 = arith.index_cast %swap3A_292 : i32 to index
        %swap3A_294 = arith.index_cast %scan3A_114 : i32 to index
        %swap3A_295 = arith.constant 80 : index
        %swap3A_296 = tpu.vector_load %arg5[%swap3A_293, %swap3A_294, %swap3A_295] {strides = array<i32>} : memref<4x16x768xf32, #tpu.memory_space<vmem>>, vector<1x1x16xf32>,
        %swap3A_297 = vector.shape_cast %swap3A_296 : vector<1x1x16xf32> to vector<16xf32>
        %swap3A_298 = vector.shape_cast %get3A_277 : vector<16xf32> to vector<1x1x16xf32>
        tpu.vector_store %arg5[%swap3A_293, %swap3A_294, %swap3A_295], %swap3A_298 {add = true, strides = array<i32>} : memref<4x16x768xf32, #tpu.memory_space<vmem>>, vector<1x1x16xf32>,
        %swap3A_299 = arith.constant 3 : i32
        %swap3A_300 = arith.index_cast %swap3A_299 : i32 to index
        %swap3A_301 = arith.index_cast %scan3A_114 : i32 to index
        %swap3A_302 = arith.constant 80 : index
        %swap3A_303 = tpu.vector_load %arg5[%swap3A_300, %swap3A_301, %swap3A_302] {strides = array<i32>} : memref<4x16x768xf32, #tpu.memory_space<vmem>>, vector<1x1x16xf32>,
        %swap3A_304 = vector.shape_cast %swap3A_303 : vector<1x1x16xf32> to vector<16xf32>
        %swap3A_305 = vector.shape_cast %get3A_277 : vector<16xf32> to vector<1x1x16xf32>
        tpu.vector_store %arg5[%swap3A_300, %swap3A_301, %swap3A_302], %swap3A_305 {add = true, strides = array<i32>} : memref<4x16x768xf32, #tpu.memory_space<vmem>>, vector<1x1x16xf32>,
        %get3A_306 = arith.index_cast %scan3A_114 : i32 to index
        %get3A_307 = arith.constant 96 : index
        %get3A_308 = tpu.vector_load %arg7[%get3A_306, %get3A_307] {strides = array<i32>} : memref<16x768xf32, #tpu.memory_space<vmem>>, vector<1x16xf32>,
        %get3A_309 = vector.shape_cast %get3A_308 : vector<1x16xf32> to vector<16xf32>
        %swap3A_310 = arith.constant 0 : i32
        %swap3A_311 = arith.index_cast %swap3A_310 : i32 to index
        %swap3A_312 = arith.index_cast %scan3A_114 : i32 to index
        %swap3A_313 = arith.constant 96 : index
        %swap3A_314 = tpu.vector_load %arg5[%swap3A_311, %swap3A_312, %swap3A_313] {strides = array<i32>} : memref<4x16x768xf32, #tpu.memory_space<vmem>>, vector<1x1x16xf32>,
        %swap3A_315 = vector.shape_cast %swap3A_314 : vector<1x1x16xf32> to vector<16xf32>
        %swap3A_316 = vector.shape_cast %get3A_309 : vector<16xf32> to vector<1x1x16xf32>
        tpu.vector_store %arg5[%swap3A_311, %swap3A_312, %swap3A_313], %swap3A_316 {add = true, strides = array<i32>} : memref<4x16x768xf32, #tpu.memory_space<vmem>>, vector<1x1x16xf32>,
        %swap3A_317 = arith.constant 1 : i32
        %swap3A_318 = arith.index_cast %swap3A_317 : i32 to index
        %swap3A_319 = arith.index_cast %scan3A_114 : i32 to index
        %swap3A_320 = arith.constant 96 : index
        %swap3A_321 = tpu.vector_load %arg5[%swap3A_318, %swap3A_319, %swap3A_320] {strides = array<i32>} : memref<4x16x768xf32, #tpu.memory_space<vmem>>, vector<1x1x16xf32>,
        %swap3A_322 = vector.shape_cast %swap3A_321 : vector<1x1x16xf32> to vector<16xf32>
        %swap3A_323 = vector.shape_cast %get3A_309 : vector<16xf32> to vector<1x1x16xf32>
        tpu.vector_store %arg5[%swap3A_318, %swap3A_319, %swap3A_320], %swap3A_323 {add = true, strides = array<i32>} : memref<4x16x768xf32, #tpu.memory_space<vmem>>, vector<1x1x16xf32>,
        %swap3A_324 = arith.constant 2 : i32
        %swap3A_325 = arith.index_cast %swap3A_324 : i32 to index
        %swap3A_326 = arith.index_cast %scan3A_114 : i32 to index
        %swap3A_327 = arith.constant 96 : index
        %swap3A_328 = tpu.vector_load %arg5[%swap3A_325, %swap3A_326, %swap3A_327] {strides = array<i32>} : memref<4x16x768xf32, #tpu.memory_space<vmem>>, vector<1x1x16xf32>,
        %swap3A_329 = vector.shape_cast %swap3A_328 : vector<1x1x16xf32> to vector<16xf32>
        %swap3A_330 = vector.shape_cast %get3A_309 : vector<16xf32> to vector<1x1x16xf32>
        tpu.vector_store %arg5[%swap3A_325, %swap3A_326, %swap3A_327], %swap3A_330 {add = true, strides = array<i32>} : memref<4x16x768xf32, #tpu.memory_space<vmem>>, vector<1x1x16xf32>,
        %swap3A_331 = arith.constant 3 : i32
        %swap3A_332 = arith.index_cast %swap3A_331 : i32 to index
        %swap3A_333 = arith.index_cast %scan3A_114 : i32 to index
        %swap3A_334 = arith.constant 96 : index
        %swap3A_335 = tpu.vector_load %arg5[%swap3A_332, %swap3A_333, %swap3A_334] {strides = array<i32>} : memref<4x16x768xf32, #tpu.memory_space<vmem>>, vector<1x1x16xf32>,
        %swap3A_336 = vector.shape_cast %swap3A_335 : vector<1x1x16xf32> to vector<16xf32>
        %swap3A_337 = vector.shape_cast %get3A_309 : vector<16xf32> to vector<1x1x16xf32>
        tpu.vector_store %arg5[%swap3A_332, %swap3A_333, %swap3A_334], %swap3A_337 {add = true, strides = array<i32>} : memref<4x16x768xf32, #tpu.memory_space<vmem>>, vector<1x1x16xf32>,
        %get3A_338 = arith.index_cast %scan3A_114 : i32 to index
        %get3A_339 = arith.constant 112 : index
        %get3A_340 = tpu.vector_load %arg7[%get3A_338, %get3A_339] {strides = array<i32>} : memref<16x768xf32, #tpu.memory_space<vmem>>, vector<1x16xf32>,
        %get3A_341 = vector.shape_cast %get3A_340 : vector<1x16xf32> to vector<16xf32>
        %swap3A_342 = arith.constant 0 : i32
        %swap3A_343 = arith.index_cast %swap3A_342 : i32 to index
        %swap3A_344 = arith.index_cast %scan3A_114 : i32 to index
        %swap3A_345 = arith.constant 112 : index
        %swap3A_346 = tpu.vector_load %arg5[%swap3A_343, %swap3A_344, %swap3A_345] {strides = array<i32>} : memref<4x16x768xf32, #tpu.memory_space<vmem>>, vector<1x1x16xf32>,
        %swap3A_347 = vector.shape_cast %swap3A_346 : vector<1x1x16xf32> to vector<16xf32>
        %swap3A_348 = vector.shape_cast %get3A_341 : vector<16xf32> to vector<1x1x16xf32>
        tpu.vector_store %arg5[%swap3A_343, %swap3A_344, %swap3A_345], %swap3A_348 {add = true, strides = array<i32>} : memref<4x16x768xf32, #tpu.memory_space<vmem>>, vector<1x1x16xf32>,
        %swap3A_349 = arith.constant 1 : i32
        %swap3A_350 = arith.index_cast %swap3A_349 : i32 to index
        %swap3A_351 = arith.index_cast %scan3A_114 : i32 to index
        %swap3A_352 = arith.constant 112 : index
        %swap3A_353 = tpu.vector_load %arg5[%swap3A_350, %swap3A_351, %swap3A_352] {strides = array<i32>} : memref<4x16x768xf32, #tpu.memory_space<vmem>>, vector<1x1x16xf32>,
        %swap3A_354 = vector.shape_cast %swap3A_353 : vector<1x1x16xf32> to vector<16xf32>
        %swap3A_355 = vector.shape_cast %get3A_341 : vector<16xf32> to vector<1x1x16xf32>
        tpu.vector_store %arg5[%swap3A_350, %swap3A_351, %swap3A_352], %swap3A_355 {add = true, strides = array<i32>} : memref<4x16x768xf32, #tpu.memory_space<vmem>>, vector<1x1x16xf32>,
        %swap3A_356 = arith.constant 2 : i32
        %swap3A_357 = arith.index_cast %swap3A_356 : i32 to index
        %swap3A_358 = arith.index_cast %scan3A_114 : i32 to index
        %swap3A_359 = arith.constant 112 : index
        %swap3A_360 = tpu.vector_load %arg5[%swap3A_357, %swap3A_358, %swap3A_359] {strides = array<i32>} : memref<4x16x768xf32, #tpu.memory_space<vmem>>, vector<1x1x16xf32>,
        %swap3A_361 = vector.shape_cast %swap3A_360 : vector<1x1x16xf32> to vector<16xf32>
        %swap3A_362 = vector.shape_cast %get3A_341 : vector<16xf32> to vector<1x1x16xf32>
        tpu.vector_store %arg5[%swap3A_357, %swap3A_358, %swap3A_359], %swap3A_362 {add = true, strides = array<i32>} : memref<4x16x768xf32, #tpu.memory_space<vmem>>, vector<1x1x16xf32>,
        %swap3A_363 = arith.constant 3 : i32
        %swap3A_364 = arith.index_cast %swap3A_363 : i32 to index
        %swap3A_365 = arith.index_cast %scan3A_114 : i32 to index
        %swap3A_366 = arith.constant 112 : index
        %swap3A_367 = tpu.vector_load %arg5[%swap3A_364, %swap3A_365, %swap3A_366] {strides = array<i32>} : memref<4x16x768xf32, #tpu.memory_space<vmem>>, vector<1x1x16xf32>,
        %swap3A_368 = vector.shape_cast %swap3A_367 : vector<1x1x16xf32> to vector<16xf32>
        %swap3A_369 = vector.shape_cast %get3A_341 : vector<16xf32> to vector<1x1x16xf32>
        tpu.vector_store %arg5[%swap3A_364, %swap3A_365, %swap3A_366], %swap3A_369 {add = true, strides = array<i32>} : memref<4x16x768xf32, #tpu.memory_space<vmem>>, vector<1x1x16xf32>,
        %get3A_370 = arith.index_cast %scan3A_114 : i32 to index
        %get3A_371 = arith.constant 128 : index
        %get3A_372 = tpu.vector_load %arg7[%get3A_370, %get3A_371] {strides = array<i32>} : memref<16x768xf32, #tpu.memory_space<vmem>>, vector<1x16xf32>,
        %get3A_373 = vector.shape_cast %get3A_372 : vector<1x16xf32> to vector<16xf32>
        %swap3A_374 = arith.constant 0 : i32
        %swap3A_375 = arith.index_cast %swap3A_374 : i32 to index
        %swap3A_376 = arith.index_cast %scan3A_114 : i32 to index
        %swap3A_377 = arith.constant 128 : index
        %swap3A_378 = tpu.vector_load %arg5[%swap3A_375, %swap3A_376, %swap3A_377] {strides = array<i32>} : memref<4x16x768xf32, #tpu.memory_space<vmem>>, vector<1x1x16xf32>,
        %swap3A_379 = vector.shape_cast %swap3A_378 : vector<1x1x16xf32> to vector<16xf32>
        %swap3A_380 = vector.shape_cast %get3A_373 : vector<16xf32> to vector<1x1x16xf32>
        tpu.vector_store %arg5[%swap3A_375, %swap3A_376, %swap3A_377], %swap3A_380 {add = true, strides = array<i32>} : memref<4x16x768xf32, #tpu.memory_space<vmem>>, vector<1x1x16xf32>,
        %swap3A_381 = arith.constant 1 : i32
        %swap3A_382 = arith.index_cast %swap3A_381 : i32 to index
        %swap3A_383 = arith.index_cast %scan3A_114 : i32 to index
        %swap3A_384 = arith.constant 128 : index
        %swap3A_385 = tpu.vector_load %arg5[%swap3A_382, %swap3A_383, %swap3A_384] {strides = array<i32>} : memref<4x16x768xf32, #tpu.memory_space<vmem>>, vector<1x1x16xf32>,
        %swap3A_386 = vector.shape_cast %swap3A_385 : vector<1x1x16xf32> to vector<16xf32>
        %swap3A_387 = vector.shape_cast %get3A_373 : vector<16xf32> to vector<1x1x16xf32>
        tpu.vector_store %arg5[%swap3A_382, %swap3A_383, %swap3A_384], %swap3A_387 {add = true, strides = array<i32>} : memref<4x16x768xf32, #tpu.memory_space<vmem>>, vector<1x1x16xf32>,
        %swap3A_388 = arith.constant 2 : i32
        %swap3A_389 = arith.index_cast %swap3A_388 : i32 to index
        %swap3A_390 = arith.index_cast %scan3A_114 : i32 to index
        %swap3A_391 = arith.constant 128 : index
        %swap3A_392 = tpu.vector_load %arg5[%swap3A_389, %swap3A_390, %swap3A_391] {strides = array<i32>} : memref<4x16x768xf32, #tpu.memory_space<vmem>>, vector<1x1x16xf32>,
        %swap3A_393 = vector.shape_cast %swap3A_392 : vector<1x1x16xf32> to vector<16xf32>
        %swap3A_394 = vector.shape_cast %get3A_373 : vector<16xf32> to vector<1x1x16xf32>
        tpu.vector_store %arg5[%swap3A_389, %swap3A_390, %swap3A_391], %swap3A_394 {add = true, strides = array<i32>} : memref<4x16x768xf32, #tpu.memory_space<vmem>>, vector<1x1x16xf32>,
        %swap3A_395 = arith.constant 3 : i32
        %swap3A_396 = arith.index_cast %swap3A_395 : i32 to index
        %swap3A_397 = arith.index_cast %scan3A_114 : i32 to index
        %swap3A_398 = arith.constant 128 : index
        %swap3A_399 = tpu.vector_load %arg5[%swap3A_396, %swap3A_397, %swap3A_398] {strides = array<i32>} : memref<4x16x768xf32, #tpu.memory_space<vmem>>, vector<1x1x16xf32>,
        %swap3A_400 = vector.shape_cast %swap3A_399 : vector<1x1x16xf32> to vector<16xf32>
        %swap3A_401 = vector.shape_cast %get3A_373 : vector<16xf32> to vector<1x1x16xf32>
        tpu.vector_store %arg5[%swap3A_396, %swap3A_397, %swap3A_398], %swap3A_401 {add = true, strides = array<i32>} : memref<4x16x768xf32, #tpu.memory_space<vmem>>, vector<1x1x16xf32>,
        %get3A_402 = arith.index_cast %scan3A_114 : i32 to index
        %get3A_403 = arith.constant 144 : index
        %get3A_404 = tpu.vector_load %arg7[%get3A_402, %get3A_403] {strides = array<i32>} : memref<16x768xf32, #tpu.memory_space<vmem>>, vector<1x16xf32>,
        %get3A_405 = vector.shape_cast %get3A_404 : vector<1x16xf32> to vector<16xf32>
        %swap3A_406 = arith.constant 0 : i32
        %swap3A_407 = arith.index_cast %swap3A_406 : i32 to index
        %swap3A_408 = arith.index_cast %scan3A_114 : i32 to index
        %swap3A_409 = arith.constant 144 : index
        %swap3A_410 = tpu.vector_load %arg5[%swap3A_407, %swap3A_408, %swap3A_409] {strides = array<i32>} : memref<4x16x768xf32, #tpu.memory_space<vmem>>, vector<1x1x16xf32>,
        %swap3A_411 = vector.shape_cast %swap3A_410 : vector<1x1x16xf32> to vector<16xf32>
        %swap3A_412 = vector.shape_cast %get3A_405 : vector<16xf32> to vector<1x1x16xf32>
        tpu.vector_store %arg5[%swap3A_407, %swap3A_408, %swap3A_409], %swap3A_412 {add = true, strides = array<i32>} : memref<4x16x768xf32, #tpu.memory_space<vmem>>, vector<1x1x16xf32>,
        %swap3A_413 = arith.constant 1 : i32
        %swap3A_414 = arith.index_cast %swap3A_413 : i32 to index
        %swap3A_415 = arith.index_cast %scan3A_114 : i32 to index
        %swap3A_416 = arith.constant 144 : index
        %swap3A_417 = tpu.vector_load %arg5[%swap3A_414, %swap3A_415, %swap3A_416] {strides = array<i32>} : memref<4x16x768xf32, #tpu.memory_space<vmem>>, vector<1x1x16xf32>,
        %swap3A_418 = vector.shape_cast %swap3A_417 : vector<1x1x16xf32> to vector<16xf32>
        %swap3A_419 = vector.shape_cast %get3A_405 : vector<16xf32> to vector<1x1x16xf32>
        tpu.vector_store %arg5[%swap3A_414, %swap3A_415, %swap3A_416], %swap3A_419 {add = true, strides = array<i32>} : memref<4x16x768xf32, #tpu.memory_space<vmem>>, vector<1x1x16xf32>,
        %swap3A_420 = arith.constant 2 : i32
        %swap3A_421 = arith.index_cast %swap3A_420 : i32 to index
        %swap3A_422 = arith.index_cast %scan3A_114 : i32 to index
        %swap3A_423 = arith.constant 144 : index
        %swap3A_424 = tpu.vector_load %arg5[%swap3A_421, %swap3A_422, %swap3A_423] {strides = array<i32>} : memref<4x16x768xf32, #tpu.memory_space<vmem>>, vector<1x1x16xf32>,
        %swap3A_425 = vector.shape_cast %swap3A_424 : vector<1x1x16xf32> to vector<16xf32>
        %swap3A_426 = vector.shape_cast %get3A_405 : vector<16xf32> to vector<1x1x16xf32>
        tpu.vector_store %arg5[%swap3A_421, %swap3A_422, %swap3A_423], %swap3A_426 {add = true, strides = array<i32>} : memref<4x16x768xf32, #tpu.memory_space<vmem>>, vector<1x1x16xf32>,
        %swap3A_427 = arith.constant 3 : i32
        %swap3A_428 = arith.index_cast %swap3A_427 : i32 to index
        %swap3A_429 = arith.index_cast %scan3A_114 : i32 to index
        %swap3A_430 = arith.constant 144 : index
        %swap3A_431 = tpu.vector_load %arg5[%swap3A_428, %swap3A_429, %swap3A_430] {strides = array<i32>} : memref<4x16x768xf32, #tpu.memory_space<vmem>>, vector<1x1x16xf32>,
        %swap3A_432 = vector.shape_cast %swap3A_431 : vector<1x1x16xf32> to vector<16xf32>
        %swap3A_433 = vector.shape_cast %get3A_405 : vector<16xf32> to vector<1x1x16xf32>
        tpu.vector_store %arg5[%swap3A_428, %swap3A_429, %swap3A_430], %swap3A_433 {add = true, strides = array<i32>} : memref<4x16x768xf32, #tpu.memory_space<vmem>>, vector<1x1x16xf32>,
        %get3A_434 = arith.index_cast %scan3A_114 : i32 to index
        %get3A_435 = arith.constant 160 : index
        %get3A_436 = tpu.vector_load %arg7[%get3A_434, %get3A_435] {strides = array<i32>} : memref<16x768xf32, #tpu.memory_space<vmem>>, vector<1x16xf32>,
        %get3A_437 = vector.shape_cast %get3A_436 : vector<1x16xf32> to vector<16xf32>
        %swap3A_438 = arith.constant 0 : i32
        %swap3A_439 = arith.index_cast %swap3A_438 : i32 to index
        %swap3A_440 = arith.index_cast %scan3A_114 : i32 to index
        %swap3A_441 = arith.constant 160 : index
        %swap3A_442 = tpu.vector_load %arg5[%swap3A_439, %swap3A_440, %swap3A_441] {strides = array<i32>} : memref<4x16x768xf32, #tpu.memory_space<vmem>>, vector<1x1x16xf32>,
        %swap3A_443 = vector.shape_cast %swap3A_442 : vector<1x1x16xf32> to vector<16xf32>
        %swap3A_444 = vector.shape_cast %get3A_437 : vector<16xf32> to vector<1x1x16xf32>
        tpu.vector_store %arg5[%swap3A_439, %swap3A_440, %swap3A_441], %swap3A_444 {add = true, strides = array<i32>} : memref<4x16x768xf32, #tpu.memory_space<vmem>>, vector<1x1x16xf32>,
        %swap3A_445 = arith.constant 1 : i32
        %swap3A_446 = arith.index_cast %swap3A_445 : i32 to index
        %swap3A_447 = arith.index_cast %scan3A_114 : i32 to index
        %swap3A_448 = arith.constant 160 : index
        %swap3A_449 = tpu.vector_load %arg5[%swap3A_446, %swap3A_447, %swap3A_448] {strides = array<i32>} : memref<4x16x768xf32, #tpu.memory_space<vmem>>, vector<1x1x16xf32>,
        %swap3A_450 = vector.shape_cast %swap3A_449 : vector<1x1x16xf32> to vector<16xf32>
        %swap3A_451 = vector.shape_cast %get3A_437 : vector<16xf32> to vector<1x1x16xf32>
        tpu.vector_store %arg5[%swap3A_446, %swap3A_447, %swap3A_448], %swap3A_451 {add = true, strides = array<i32>} : memref<4x16x768xf32, #tpu.memory_space<vmem>>, vector<1x1x16xf32>,
        %swap3A_452 = arith.constant 2 : i32
        %swap3A_453 = arith.index_cast %swap3A_452 : i32 to index
        %swap3A_454 = arith.index_cast %scan3A_114 : i32 to index
        %swap3A_455 = arith.constant 160 : index
        %swap3A_456 = tpu.vector_load %arg5[%swap3A_453, %swap3A_454, %swap3A_455] {strides = array<i32>} : memref<4x16x768xf32, #tpu.memory_space<vmem>>, vector<1x1x16xf32>,
        %swap3A_457 = vector.shape_cast %swap3A_456 : vector<1x1x16xf32> to vector<16xf32>
        %swap3A_458 = vector.shape_cast %get3A_437 : vector<16xf32> to vector<1x1x16xf32>
        tpu.vector_store %arg5[%swap3A_453, %swap3A_454, %swap3A_455], %swap3A_458 {add = true, strides = array<i32>} : memref<4x16x768xf32, #tpu.memory_space<vmem>>, vector<1x1x16xf32>,
        %swap3A_459 = arith.constant 3 : i32
        %swap3A_460 = arith.index_cast %swap3A_459 : i32 to index
        %swap3A_461 = arith.index_cast %scan3A_114 : i32 to index
        %swap3A_462 = arith.constant 160 : index
        %swap3A_463 = tpu.vector_load %arg5[%swap3A_460, %swap3A_461, %swap3A_462] {strides = array<i32>} : memref<4x16x768xf32, #tpu.memory_space<vmem>>, vector<1x1x16xf32>,
        %swap3A_464 = vector.shape_cast %swap3A_463 : vector<1x1x16xf32> to vector<16xf32>
        %swap3A_465 = vector.shape_cast %get3A_437 : vector<16xf32> to vector<1x1x16xf32>
        tpu.vector_store %arg5[%swap3A_460, %swap3A_461, %swap3A_462], %swap3A_465 {add = true, strides = array<i32>} : memref<4x16x768xf32, #tpu.memory_space<vmem>>, vector<1x1x16xf32>,
        %get3A_466 = arith.index_cast %scan3A_114 : i32 to index
        %get3A_467 = arith.constant 176 : index
        %get3A_468 = tpu.vector_load %arg7[%get3A_466, %get3A_467] {strides = array<i32>} : memref<16x768xf32, #tpu.memory_space<vmem>>, vector<1x16xf32>,
        %get3A_469 = vector.shape_cast %get3A_468 : vector<1x16xf32> to vector<16xf32>
        %swap3A_470 = arith.constant 0 : i32
        %swap3A_471 = arith.index_cast %swap3A_470 : i32 to index
        %swap3A_472 = arith.index_cast %scan3A_114 : i32 to index
        %swap3A_473 = arith.constant 176 : index
        %swap3A_474 = tpu.vector_load %arg5[%swap3A_471, %swap3A_472, %swap3A_473] {strides = array<i32>} : memref<4x16x768xf32, #tpu.memory_space<vmem>>, vector<1x1x16xf32>,
        %swap3A_475 = vector.shape_cast %swap3A_474 : vector<1x1x16xf32> to vector<16xf32>
        %swap3A_476 = vector.shape_cast %get3A_469 : vector<16xf32> to vector<1x1x16xf32>
        tpu.vector_store %arg5[%swap3A_471, %swap3A_472, %swap3A_473], %swap3A_476 {add = true, strides = array<i32>} : memref<4x16x768xf32, #tpu.memory_space<vmem>>, vector<1x1x16xf32>,
        %swap3A_477 = arith.constant 1 : i32
        %swap3A_478 = arith.index_cast %swap3A_477 : i32 to index
        %swap3A_479 = arith.index_cast %scan3A_114 : i32 to index
        %swap3A_480 = arith.constant 176 : index
        %swap3A_481 = tpu.vector_load %arg5[%swap3A_478, %swap3A_479, %swap3A_480] {strides = array<i32>} : memref<4x16x768xf32, #tpu.memory_space<vmem>>, vector<1x1x16xf32>,
        %swap3A_482 = vector.shape_cast %swap3A_481 : vector<1x1x16xf32> to vector<16xf32>
        %swap3A_483 = vector.shape_cast %get3A_469 : vector<16xf32> to vector<1x1x16xf32>
        tpu.vector_store %arg5[%swap3A_478, %swap3A_479, %swap3A_480], %swap3A_483 {add = true, strides = array<i32>} : memref<4x16x768xf32, #tpu.memory_space<vmem>>, vector<1x1x16xf32>,
        %swap3A_484 = arith.constant 2 : i32
        %swap3A_485 = arith.index_cast %swap3A_484 : i32 to index
        %swap3A_486 = arith.index_cast %scan3A_114 : i32 to index
        %swap3A_487 = arith.constant 176 : index
        %swap3A_488 = tpu.vector_load %arg5[%swap3A_485, %swap3A_486, %swap3A_487] {strides = array<i32>} : memref<4x16x768xf32, #tpu.memory_space<vmem>>, vector<1x1x16xf32>,
        %swap3A_489 = vector.shape_cast %swap3A_488 : vector<1x1x16xf32> to vector<16xf32>
        %swap3A_490 = vector.shape_cast %get3A_469 : vector<16xf32> to vector<1x1x16xf32>
        tpu.vector_store %arg5[%swap3A_485, %swap3A_486, %swap3A_487], %swap3A_490 {add = true, strides = array<i32>} : memref<4x16x768xf32, #tpu.memory_space<vmem>>, vector<1x1x16xf32>,
        %swap3A_491 = arith.constant 3 : i32
        %swap3A_492 = arith.index_cast %swap3A_491 : i32 to index
        %swap3A_493 = arith.index_cast %scan3A_114 : i32 to index
        %swap3A_494 = arith.constant 176 : index
        %swap3A_495 = tpu.vector_load %arg5[%swap3A_492, %swap3A_493, %swap3A_494] {strides = array<i32>} : memref<4x16x768xf32, #tpu.memory_space<vmem>>, vector<1x1x16xf32>,
        %swap3A_496 = vector.shape_cast %swap3A_495 : vector<1x1x16xf32> to vector<16xf32>
        %swap3A_497 = vector.shape_cast %get3A_469 : vector<16xf32> to vector<1x1x16xf32>
        tpu.vector_store %arg5[%swap3A_492, %swap3A_493, %swap3A_494], %swap3A_497 {add = true, strides = array<i32>} : memref<4x16x768xf32, #tpu.memory_space<vmem>>, vector<1x1x16xf32>,
        %get3A_498 = arith.index_cast %scan3A_114 : i32 to index
        %get3A_499 = arith.constant 192 : index
        %get3A_500 = tpu.vector_load %arg7[%get3A_498, %get3A_499] {strides = array<i32>} : memref<16x768xf32, #tpu.memory_space<vmem>>, vector<1x16xf32>,
        %get3A_501 = vector.shape_cast %get3A_500 : vector<1x16xf32> to vector<16xf32>
        %swap3A_502 = arith.constant 0 : i32
        %swap3A_503 = arith.index_cast %swap3A_502 : i32 to index
        %swap3A_504 = arith.index_cast %scan3A_114 : i32 to index
        %swap3A_505 = arith.constant 192 : index
        %swap3A_506 = tpu.vector_load %arg5[%swap3A_503, %swap3A_504, %swap3A_505] {strides = array<i32>} : memref<4x16x768xf32, #tpu.memory_space<vmem>>, vector<1x1x16xf32>,
        %swap3A_507 = vector.shape_cast %swap3A_506 : vector<1x1x16xf32> to vector<16xf32>
        %swap3A_508 = vector.shape_cast %get3A_501 : vector<16xf32> to vector<1x1x16xf32>
        tpu.vector_store %arg5[%swap3A_503, %swap3A_504, %swap3A_505], %swap3A_508 {add = true, strides = array<i32>} : memref<4x16x768xf32, #tpu.memory_space<vmem>>, vector<1x1x16xf32>,
        %swap3A_509 = arith.constant 1 : i32
        %swap3A_510 = arith.index_cast %swap3A_509 : i32 to index
        %swap3A_511 = arith.index_cast %scan3A_114 : i32 to index
        %swap3A_512 = arith.constant 192 : index
        %swap3A_513 = tpu.vector_load %arg5[%swap3A_510, %swap3A_511, %swap3A_512] {strides = array<i32>} : memref<4x16x768xf32, #tpu.memory_space<vmem>>, vector<1x1x16xf32>,
        %swap3A_514 = vector.shape_cast %swap3A_513 : vector<1x1x16xf32> to vector<16xf32>
        %swap3A_515 = vector.shape_cast %get3A_501 : vector<16xf32> to vector<1x1x16xf32>
        tpu.vector_store %arg5[%swap3A_510, %swap3A_511, %swap3A_512], %swap3A_515 {add = true, strides = array<i32>} : memref<4x16x768xf32, #tpu.memory_space<vmem>>, vector<1x1x16xf32>,
        %swap3A_516 = arith.constant 2 : i32
        %swap3A_517 = arith.index_cast %swap3A_516 : i32 to index
        %swap3A_518 = arith.index_cast %scan3A_114 : i32 to index
        %swap3A_519 = arith.constant 192 : index
        %swap3A_520 = tpu.vector_load %arg5[%swap3A_517, %swap3A_518, %swap3A_519] {strides = array<i32>} : memref<4x16x768xf32, #tpu.memory_space<vmem>>, vector<1x1x16xf32>,
        %swap3A_521 = vector.shape_cast %swap3A_520 : vector<1x1x16xf32> to vector<16xf32>
        %swap3A_522 = vector.shape_cast %get3A_501 : vector<16xf32> to vector<1x1x16xf32>
        tpu.vector_store %arg5[%swap3A_517, %swap3A_518, %swap3A_519], %swap3A_522 {add = true, strides = array<i32>} : memref<4x16x768xf32, #tpu.memory_space<vmem>>, vector<1x1x16xf32>,
        %swap3A_523 = arith.constant 3 : i32
        %swap3A_524 = arith.index_cast %swap3A_523 : i32 to index
        %swap3A_525 = arith.index_cast %scan3A_114 : i32 to index
        %swap3A_526 = arith.constant 192 : index
        %swap3A_527 = tpu.vector_load %arg5[%swap3A_524, %swap3A_525, %swap3A_526] {strides = array<i32>} : memref<4x16x768xf32, #tpu.memory_space<vmem>>, vector<1x1x16xf32>,
        %swap3A_528 = vector.shape_cast %swap3A_527 : vector<1x1x16xf32> to vector<16xf32>
        %swap3A_529 = vector.shape_cast %get3A_501 : vector<16xf32> to vector<1x1x16xf32>
        tpu.vector_store %arg5[%swap3A_524, %swap3A_525, %swap3A_526], %swap3A_529 {add = true, strides = array<i32>} : memref<4x16x768xf32, #tpu.memory_space<vmem>>, vector<1x1x16xf32>,
        %get3A_530 = arith.index_cast %scan3A_114 : i32 to index
        %get3A_531 = arith.constant 208 : index
        %get3A_532 = tpu.vector_load %arg7[%get3A_530, %get3A_531] {strides = array<i32>} : memref<16x768xf32, #tpu.memory_space<vmem>>, vector<1x16xf32>,
        %get3A_533 = vector.shape_cast %get3A_532 : vector<1x16xf32> to vector<16xf32>
        %swap3A_534 = arith.constant 0 : i32
        %swap3A_535 = arith.index_cast %swap3A_534 : i32 to index
        %swap3A_536 = arith.index_cast %scan3A_114 : i32 to index
        %swap3A_537 = arith.constant 208 : index
        %swap3A_538 = tpu.vector_load %arg5[%swap3A_535, %swap3A_536, %swap3A_537] {strides = array<i32>} : memref<4x16x768xf32, #tpu.memory_space<vmem>>, vector<1x1x16xf32>,
        %swap3A_539 = vector.shape_cast %swap3A_538 : vector<1x1x16xf32> to vector<16xf32>
        %swap3A_540 = vector.shape_cast %get3A_533 : vector<16xf32> to vector<1x1x16xf32>
        tpu.vector_store %arg5[%swap3A_535, %swap3A_536, %swap3A_537], %swap3A_540 {add = true, strides = array<i32>} : memref<4x16x768xf32, #tpu.memory_space<vmem>>, vector<1x1x16xf32>,
        %swap3A_541 = arith.constant 1 : i32
        %swap3A_542 = arith.index_cast %swap3A_541 : i32 to index
        %swap3A_543 = arith.index_cast %scan3A_114 : i32 to index
        %swap3A_544 = arith.constant 208 : index
        %swap3A_545 = tpu.vector_load %arg5[%swap3A_542, %swap3A_543, %swap3A_544] {strides = array<i32>} : memref<4x16x768xf32, #tpu.memory_space<vmem>>, vector<1x1x16xf32>,
        %swap3A_546 = vector.shape_cast %swap3A_545 : vector<1x1x16xf32> to vector<16xf32>
        %swap3A_547 = vector.shape_cast %get3A_533 : vector<16xf32> to vector<1x1x16xf32>
        tpu.vector_store %arg5[%swap3A_542, %swap3A_543, %swap3A_544], %swap3A_547 {add = true, strides = array<i32>} : memref<4x16x768xf32, #tpu.memory_space<vmem>>, vector<1x1x16xf32>,
        %swap3A_548 = arith.constant 2 : i32
        %swap3A_549 = arith.index_cast %swap3A_548 : i32 to index
        %swap3A_550 = arith.index_cast %scan3A_114 : i32 to index
        %swap3A_551 = arith.constant 208 : index
        %swap3A_552 = tpu.vector_load %arg5[%swap3A_549, %swap3A_550, %swap3A_551] {strides = array<i32>} : memref<4x16x768xf32, #tpu.memory_space<vmem>>, vector<1x1x16xf32>,
        %swap3A_553 = vector.shape_cast %swap3A_552 : vector<1x1x16xf32> to vector<16xf32>
        %swap3A_554 = vector.shape_cast %get3A_533 : vector<16xf32> to vector<1x1x16xf32>
        tpu.vector_store %arg5[%swap3A_549, %swap3A_550, %swap3A_551], %swap3A_554 {add = true, strides = array<i32>} : memref<4x16x768xf32, #tpu.memory_space<vmem>>, vector<1x1x16xf32>,
        %swap3A_555 = arith.constant 3 : i32
        %swap3A_556 = arith.index_cast %swap3A_555 : i32 to index
        %swap3A_557 = arith.index_cast %scan3A_114 : i32 to index
        %swap3A_558 = arith.constant 208 : index
        %swap3A_559 = tpu.vector_load %arg5[%swap3A_556, %swap3A_557, %swap3A_558] {strides = array<i32>} : memref<4x16x768xf32, #tpu.memory_space<vmem>>, vector<1x1x16xf32>,
        %swap3A_560 = vector.shape_cast %swap3A_559 : vector<1x1x16xf32> to vector<16xf32>
        %swap3A_561 = vector.shape_cast %get3A_533 : vector<16xf32> to vector<1x1x16xf32>
        tpu.vector_store %arg5[%swap3A_556, %swap3A_557, %swap3A_558], %swap3A_561 {add = true, strides = array<i32>} : memref<4x16x768xf32, #tpu.memory_space<vmem>>, vector<1x1x16xf32>,
        %get3A_562 = arith.index_cast %scan3A_114 : i32 to index
        %get3A_563 = arith.constant 224 : index
        %get3A_564 = tpu.vector_load %arg7[%get3A_562, %get3A_563] {strides = array<i32>} : memref<16x768xf32, #tpu.memory_space<vmem>>, vector<1x16xf32>,
        %get3A_565 = vector.shape_cast %get3A_564 : vector<1x16xf32> to vector<16xf32>
        %swap3A_566 = arith.constant 0 : i32
        %swap3A_567 = arith.index_cast %swap3A_566 : i32 to index
        %swap3A_568 = arith.index_cast %scan3A_114 : i32 to index
        %swap3A_569 = arith.constant 224 : index
        %swap3A_570 = tpu.vector_load %arg5[%swap3A_567, %swap3A_568, %swap3A_569] {strides = array<i32>} : memref<4x16x768xf32, #tpu.memory_space<vmem>>, vector<1x1x16xf32>,
        %swap3A_571 = vector.shape_cast %swap3A_570 : vector<1x1x16xf32> to vector<16xf32>
        %swap3A_572 = vector.shape_cast %get3A_565 : vector<16xf32> to vector<1x1x16xf32>
        tpu.vector_store %arg5[%swap3A_567, %swap3A_568, %swap3A_569], %swap3A_572 {add = true, strides = array<i32>} : memref<4x16x768xf32, #tpu.memory_space<vmem>>, vector<1x1x16xf32>,
        %swap3A_573 = arith.constant 1 : i32
        %swap3A_574 = arith.index_cast %swap3A_573 : i32 to index
        %swap3A_575 = arith.index_cast %scan3A_114 : i32 to index
        %swap3A_576 = arith.constant 224 : index
        %swap3A_577 = tpu.vector_load %arg5[%swap3A_574, %swap3A_575, %swap3A_576] {strides = array<i32>} : memref<4x16x768xf32, #tpu.memory_space<vmem>>, vector<1x1x16xf32>,
        %swap3A_578 = vector.shape_cast %swap3A_577 : vector<1x1x16xf32> to vector<16xf32>
        %swap3A_579 = vector.shape_cast %get3A_565 : vector<16xf32> to vector<1x1x16xf32>
        tpu.vector_store %arg5[%swap3A_574, %swap3A_575, %swap3A_576], %swap3A_579 {add = true, strides = array<i32>} : memref<4x16x768xf32, #tpu.memory_space<vmem>>, vector<1x1x16xf32>,
        %swap3A_580 = arith.constant 2 : i32
        %swap3A_581 = arith.index_cast %swap3A_580 : i32 to index
        %swap3A_582 = arith.index_cast %scan3A_114 : i32 to index
        %swap3A_583 = arith.constant 224 : index
        %swap3A_584 = tpu.vector_load %arg5[%swap3A_581, %swap3A_582, %swap3A_583] {strides = array<i32>} : memref<4x16x768xf32, #tpu.memory_space<vmem>>, vector<1x1x16xf32>,
        %swap3A_585 = vector.shape_cast %swap3A_584 : vector<1x1x16xf32> to vector<16xf32>
        %swap3A_586 = vector.shape_cast %get3A_565 : vector<16xf32> to vector<1x1x16xf32>
        tpu.vector_store %arg5[%swap3A_581, %swap3A_582, %swap3A_583], %swap3A_586 {add = true, strides = array<i32>} : memref<4x16x768xf32, #tpu.memory_space<vmem>>, vector<1x1x16xf32>,
        %swap3A_587 = arith.constant 3 : i32
        %swap3A_588 = arith.index_cast %swap3A_587 : i32 to index
        %swap3A_589 = arith.index_cast %scan3A_114 : i32 to index
        %swap3A_590 = arith.constant 224 : index
        %swap3A_591 = tpu.vector_load %arg5[%swap3A_588, %swap3A_589, %swap3A_590] {strides = array<i32>} : memref<4x16x768xf32, #tpu.memory_space<vmem>>, vector<1x1x16xf32>,
        %swap3A_592 = vector.shape_cast %swap3A_591 : vector<1x1x16xf32> to vector<16xf32>
        %swap3A_593 = vector.shape_cast %get3A_565 : vector<16xf32> to vector<1x1x16xf32>
        tpu.vector_store %arg5[%swap3A_588, %swap3A_589, %swap3A_590], %swap3A_593 {add = true, strides = array<i32>} : memref<4x16x768xf32, #tpu.memory_space<vmem>>, vector<1x1x16xf32>,
        %get3A_594 = arith.index_cast %scan3A_114 : i32 to index
        %get3A_595 = arith.constant 240 : index
        %get3A_596 = tpu.vector_load %arg7[%get3A_594, %get3A_595] {strides = array<i32>} : memref<16x768xf32, #tpu.memory_space<vmem>>, vector<1x16xf32>,
        %get3A_597 = vector.shape_cast %get3A_596 : vector<1x16xf32> to vector<16xf32>
        %swap3A_598 = arith.constant 0 : i32
        %swap3A_599 = arith.index_cast %swap3A_598 : i32 to index
        %swap3A_600 = arith.index_cast %scan3A_114 : i32 to index
        %swap3A_601 = arith.constant 240 : index
        %swap3A_602 = tpu.vector_load %arg5[%swap3A_599, %swap3A_600, %swap3A_601] {strides = array<i32>} : memref<4x16x768xf32, #tpu.memory_space<vmem>>, vector<1x1x16xf32>,
        %swap3A_603 = vector.shape_cast %swap3A_602 : vector<1x1x16xf32> to vector<16xf32>
        %swap3A_604 = vector.shape_cast %get3A_597 : vector<16xf32> to vector<1x1x16xf32>
        tpu.vector_store %arg5[%swap3A_599, %swap3A_600, %swap3A_601], %swap3A_604 {add = true, strides = array<i32>} : memref<4x16x768xf32, #tpu.memory_space<vmem>>, vector<1x1x16xf32>,
        %swap3A_605 = arith.constant 1 : i32
        %swap3A_606 = arith.index_cast %swap3A_605 : i32 to index
        %swap3A_607 = arith.index_cast %scan3A_114 : i32 to index
        %swap3A_608 = arith.constant 240 : index
        %swap3A_609 = tpu.vector_load %arg5[%swap3A_606, %swap3A_607, %swap3A_608] {strides = array<i32>} : memref<4x16x768xf32, #tpu.memory_space<vmem>>, vector<1x1x16xf32>,
        %swap3A_610 = vector.shape_cast %swap3A_609 : vector<1x1x16xf32> to vector<16xf32>
        %swap3A_611 = vector.shape_cast %get3A_597 : vector<16xf32> to vector<1x1x16xf32>
        tpu.vector_store %arg5[%swap3A_606, %swap3A_607, %swap3A_608], %swap3A_611 {add = true, strides = array<i32>} : memref<4x16x768xf32, #tpu.memory_space<vmem>>, vector<1x1x16xf32>,
        %swap3A_612 = arith.constant 2 : i32
        %swap3A_613 = arith.index_cast %swap3A_612 : i32 to index
        %swap3A_614 = arith.index_cast %scan3A_114 : i32 to index
        %swap3A_615 = arith.constant 240 : index
        %swap3A_616 = tpu.vector_load %arg5[%swap3A_613, %swap3A_614, %swap3A_615] {strides = array<i32>} : memref<4x16x768xf32, #tpu.memory_space<vmem>>, vector<1x1x16xf32>,
        %swap3A_617 = vector.shape_cast %swap3A_616 : vector<1x1x16xf32> to vector<16xf32>
        %swap3A_618 = vector.shape_cast %get3A_597 : vector<16xf32> to vector<1x1x16xf32>
        tpu.vector_store %arg5[%swap3A_613, %swap3A_614, %swap3A_615], %swap3A_618 {add = true, strides = array<i32>} : memref<4x16x768xf32, #tpu.memory_space<vmem>>, vector<1x1x16xf32>,
        %swap3A_619 = arith.constant 3 : i32
        %swap3A_620 = arith.index_cast %swap3A_619 : i32 to index
        %swap3A_621 = arith.index_cast %scan3A_114 : i32 to index
        %swap3A_622 = arith.constant 240 : index
        %swap3A_623 = tpu.vector_load %arg5[%swap3A_620, %swap3A_621, %swap3A_622] {strides = array<i32>} : memref<4x16x768xf32, #tpu.memory_space<vmem>>, vector<1x1x16xf32>,
        %swap3A_624 = vector.shape_cast %swap3A_623 : vector<1x1x16xf32> to vector<16xf32>
        %swap3A_625 = vector.shape_cast %get3A_597 : vector<16xf32> to vector<1x1x16xf32>
        tpu.vector_store %arg5[%swap3A_620, %swap3A_621, %swap3A_622], %swap3A_625 {add = true, strides = array<i32>} : memref<4x16x768xf32, #tpu.memory_space<vmem>>, vector<1x1x16xf32>,
        %get3A_626 = arith.index_cast %scan3A_114 : i32 to index
        %get3A_627 = arith.constant 256 : index
        %get3A_628 = tpu.vector_load %arg7[%get3A_626, %get3A_627] {strides = array<i32>} : memref<16x768xf32, #tpu.memory_space<vmem>>, vector<1x16xf32>,
        %get3A_629 = vector.shape_cast %get3A_628 : vector<1x16xf32> to vector<16xf32>
        %swap3A_630 = arith.constant 0 : i32
        %swap3A_631 = arith.index_cast %swap3A_630 : i32 to index
        %swap3A_632 = arith.index_cast %scan3A_114 : i32 to index
        %swap3A_633 = arith.constant 256 : index
        %swap3A_634 = tpu.vector_load %arg5[%swap3A_631, %swap3A_632, %swap3A_633] {strides = array<i32>} : memref<4x16x768xf32, #tpu.memory_space<vmem>>, vector<1x1x16xf32>,
        %swap3A_635 = vector.shape_cast %swap3A_634 : vector<1x1x16xf32> to vector<16xf32>
        %swap3A_636 = vector.shape_cast %get3A_629 : vector<16xf32> to vector<1x1x16xf32>
        tpu.vector_store %arg5[%swap3A_631, %swap3A_632, %swap3A_633], %swap3A_636 {add = true, strides = array<i32>} : memref<4x16x768xf32, #tpu.memory_space<vmem>>, vector<1x1x16xf32>,
        %swap3A_637 = arith.constant 1 : i32
        %swap3A_638 = arith.index_cast %swap3A_637 : i32 to index
        %swap3A_639 = arith.index_cast %scan3A_114 : i32 to index
        %swap3A_640 = arith.constant 256 : index
        %swap3A_641 = tpu.vector_load %arg5[%swap3A_638, %swap3A_639, %swap3A_640] {strides = array<i32>} : memref<4x16x768xf32, #tpu.memory_space<vmem>>, vector<1x1x16xf32>,
        %swap3A_642 = vector.shape_cast %swap3A_641 : vector<1x1x16xf32> to vector<16xf32>
        %swap3A_643 = vector.shape_cast %get3A_629 : vector<16xf32> to vector<1x1x16xf32>
        tpu.vector_store %arg5[%swap3A_638, %swap3A_639, %swap3A_640], %swap3A_643 {add = true, strides = array<i32>} : memref<4x16x768xf32, #tpu.memory_space<vmem>>, vector<1x1x16xf32>,
        %swap3A_644 = arith.constant 2 : i32
        %swap3A_645 = arith.index_cast %swap3A_644 : i32 to index
        %swap3A_646 = arith.index_cast %scan3A_114 : i32 to index
        %swap3A_647 = arith.constant 256 : index
        %swap3A_648 = tpu.vector_load %arg5[%swap3A_645, %swap3A_646, %swap3A_647] {strides = array<i32>} : memref<4x16x768xf32, #tpu.memory_space<vmem>>, vector<1x1x16xf32>,
        %swap3A_649 = vector.shape_cast %swap3A_648 : vector<1x1x16xf32> to vector<16xf32>
        %swap3A_650 = vector.shape_cast %get3A_629 : vector<16xf32> to vector<1x1x16xf32>
        tpu.vector_store %arg5[%swap3A_645, %swap3A_646, %swap3A_647], %swap3A_650 {add = true, strides = array<i32>} : memref<4x16x768xf32, #tpu.memory_space<vmem>>, vector<1x1x16xf32>,
        %swap3A_651 = arith.constant 3 : i32
        %swap3A_652 = arith.index_cast %swap3A_651 : i32 to index
        %swap3A_653 = arith.index_cast %scan3A_114 : i32 to index
        %swap3A_654 = arith.constant 256 : index
        %swap3A_655 = tpu.vector_load %arg5[%swap3A_652, %swap3A_653, %swap3A_654] {strides = array<i32>} : memref<4x16x768xf32, #tpu.memory_space<vmem>>, vector<1x1x16xf32>,
        %swap3A_656 = vector.shape_cast %swap3A_655 : vector<1x1x16xf32> to vector<16xf32>
        %swap3A_657 = vector.shape_cast %get3A_629 : vector<16xf32> to vector<1x1x16xf32>
        tpu.vector_store %arg5[%swap3A_652, %swap3A_653, %swap3A_654], %swap3A_657 {add = true, strides = array<i32>} : memref<4x16x768xf32, #tpu.memory_space<vmem>>, vector<1x1x16xf32>,
        %get3A_658 = arith.index_cast %scan3A_114 : i32 to index
        %get3A_659 = arith.constant 272 : index
        %get3A_660 = tpu.vector_load %arg7[%get3A_658, %get3A_659] {strides = array<i32>} : memref<16x768xf32, #tpu.memory_space<vmem>>, vector<1x16xf32>,
        %get3A_661 = vector.shape_cast %get3A_660 : vector<1x16xf32> to vector<16xf32>
        %swap3A_662 = arith.constant 0 : i32
        %swap3A_663 = arith.index_cast %swap3A_662 : i32 to index
        %swap3A_664 = arith.index_cast %scan3A_114 : i32 to index
        %swap3A_665 = arith.constant 272 : index
        %swap3A_666 = tpu.vector_load %arg5[%swap3A_663, %swap3A_664, %swap3A_665] {strides = array<i32>} : memref<4x16x768xf32, #tpu.memory_space<vmem>>, vector<1x1x16xf32>,
        %swap3A_667 = vector.shape_cast %swap3A_666 : vector<1x1x16xf32> to vector<16xf32>
        %swap3A_668 = vector.shape_cast %get3A_661 : vector<16xf32> to vector<1x1x16xf32>
        tpu.vector_store %arg5[%swap3A_663, %swap3A_664, %swap3A_665], %swap3A_668 {add = true, strides = array<i32>} : memref<4x16x768xf32, #tpu.memory_space<vmem>>, vector<1x1x16xf32>,
        %swap3A_669 = arith.constant 1 : i32
        %swap3A_670 = arith.index_cast %swap3A_669 : i32 to index
        %swap3A_671 = arith.index_cast %scan3A_114 : i32 to index
        %swap3A_672 = arith.constant 272 : index
        %swap3A_673 = tpu.vector_load %arg5[%swap3A_670, %swap3A_671, %swap3A_672] {strides = array<i32>} : memref<4x16x768xf32, #tpu.memory_space<vmem>>, vector<1x1x16xf32>,
        %swap3A_674 = vector.shape_cast %swap3A_673 : vector<1x1x16xf32> to vector<16xf32>
        %swap3A_675 = vector.shape_cast %get3A_661 : vector<16xf32> to vector<1x1x16xf32>
        tpu.vector_store %arg5[%swap3A_670, %swap3A_671, %swap3A_672], %swap3A_675 {add = true, strides = array<i32>} : memref<4x16x768xf32, #tpu.memory_space<vmem>>, vector<1x1x16xf32>,
        %swap3A_676 = arith.constant 2 : i32
        %swap3A_677 = arith.index_cast %swap3A_676 : i32 to index
        %swap3A_678 = arith.index_cast %scan3A_114 : i32 to index
        %swap3A_679 = arith.constant 272 : index
        %swap3A_680 = tpu.vector_load %arg5[%swap3A_677, %swap3A_678, %swap3A_679] {strides = array<i32>} : memref<4x16x768xf32, #tpu.memory_space<vmem>>, vector<1x1x16xf32>,
        %swap3A_681 = vector.shape_cast %swap3A_680 : vector<1x1x16xf32> to vector<16xf32>
        %swap3A_682 = vector.shape_cast %get3A_661 : vector<16xf32> to vector<1x1x16xf32>
        tpu.vector_store %arg5[%swap3A_677, %swap3A_678, %swap3A_679], %swap3A_682 {add = true, strides = array<i32>} : memref<4x16x768xf32, #tpu.memory_space<vmem>>, vector<1x1x16xf32>,
        %swap3A_683 = arith.constant 3 : i32
        %swap3A_684 = arith.index_cast %swap3A_683 : i32 to index
        %swap3A_685 = arith.index_cast %scan3A_114 : i32 to index
        %swap3A_686 = arith.constant 272 : index
        %swap3A_687 = tpu.vector_load %arg5[%swap3A_684, %swap3A_685, %swap3A_686] {strides = array<i32>} : memref<4x16x768xf32, #tpu.memory_space<vmem>>, vector<1x1x16xf32>,
        %swap3A_688 = vector.shape_cast %swap3A_687 : vector<1x1x16xf32> to vector<16xf32>
        %swap3A_689 = vector.shape_cast %get3A_661 : vector<16xf32> to vector<1x1x16xf32>
        tpu.vector_store %arg5[%swap3A_684, %swap3A_685, %swap3A_686], %swap3A_689 {add = true, strides = array<i32>} : memref<4x16x768xf32, #tpu.memory_space<vmem>>, vector<1x1x16xf32>,
        %get3A_690 = arith.index_cast %scan3A_114 : i32 to index
        %get3A_691 = arith.constant 288 : index
        %get3A_692 = tpu.vector_load %arg7[%get3A_690, %get3A_691] {strides = array<i32>} : memref<16x768xf32, #tpu.memory_space<vmem>>, vector<1x16xf32>,
        %get3A_693 = vector.shape_cast %get3A_692 : vector<1x16xf32> to vector<16xf32>
        %swap3A_694 = arith.constant 0 : i32
        %swap3A_695 = arith.index_cast %swap3A_694 : i32 to index
        %swap3A_696 = arith.index_cast %scan3A_114 : i32 to index
        %swap3A_697 = arith.constant 288 : index
        %swap3A_698 = tpu.vector_load %arg5[%swap3A_695, %swap3A_696, %swap3A_697] {strides = array<i32>} : memref<4x16x768xf32, #tpu.memory_space<vmem>>, vector<1x1x16xf32>,
        %swap3A_699 = vector.shape_cast %swap3A_698 : vector<1x1x16xf32> to vector<16xf32>
        %swap3A_700 = vector.shape_cast %get3A_693 : vector<16xf32> to vector<1x1x16xf32>
        tpu.vector_store %arg5[%swap3A_695, %swap3A_696, %swap3A_697], %swap3A_700 {add = true, strides = array<i32>} : memref<4x16x768xf32, #tpu.memory_space<vmem>>, vector<1x1x16xf32>,
        %swap3A_701 = arith.constant 1 : i32
        %swap3A_702 = arith.index_cast %swap3A_701 : i32 to index
        %swap3A_703 = arith.index_cast %scan3A_114 : i32 to index
        %swap3A_704 = arith.constant 288 : index
        %swap3A_705 = tpu.vector_load %arg5[%swap3A_702, %swap3A_703, %swap3A_704] {strides = array<i32>} : memref<4x16x768xf32, #tpu.memory_space<vmem>>, vector<1x1x16xf32>,
        %swap3A_706 = vector.shape_cast %swap3A_705 : vector<1x1x16xf32> to vector<16xf32>
        %swap3A_707 = vector.shape_cast %get3A_693 : vector<16xf32> to vector<1x1x16xf32>
        tpu.vector_store %arg5[%swap3A_702, %swap3A_703, %swap3A_704], %swap3A_707 {add = true, strides = array<i32>} : memref<4x16x768xf32, #tpu.memory_space<vmem>>, vector<1x1x16xf32>,
        %swap3A_708 = arith.constant 2 : i32
        %swap3A_709 = arith.index_cast %swap3A_708 : i32 to index
        %swap3A_710 = arith.index_cast %scan3A_114 : i32 to index
        %swap3A_711 = arith.constant 288 : index
        %swap3A_712 = tpu.vector_load %arg5[%swap3A_709, %swap3A_710, %swap3A_711] {strides = array<i32>} : memref<4x16x768xf32, #tpu.memory_space<vmem>>, vector<1x1x16xf32>,
        %swap3A_713 = vector.shape_cast %swap3A_712 : vector<1x1x16xf32> to vector<16xf32>
        %swap3A_714 = vector.shape_cast %get3A_693 : vector<16xf32> to vector<1x1x16xf32>
        tpu.vector_store %arg5[%swap3A_709, %swap3A_710, %swap3A_711], %swap3A_714 {add = true, strides = array<i32>} : memref<4x16x768xf32, #tpu.memory_space<vmem>>, vector<1x1x16xf32>,
        %swap3A_715 = arith.constant 3 : i32
        %swap3A_716 = arith.index_cast %swap3A_715 : i32 to index
        %swap3A_717 = arith.index_cast %scan3A_114 : i32 to index
        %swap3A_718 = arith.constant 288 : index
        %swap3A_719 = tpu.vector_load %arg5[%swap3A_716, %swap3A_717, %swap3A_718] {strides = array<i32>} : memref<4x16x768xf32, #tpu.memory_space<vmem>>, vector<1x1x16xf32>,
        %swap3A_720 = vector.shape_cast %swap3A_719 : vector<1x1x16xf32> to vector<16xf32>
        %swap3A_721 = vector.shape_cast %get3A_693 : vector<16xf32> to vector<1x1x16xf32>
        tpu.vector_store %arg5[%swap3A_716, %swap3A_717, %swap3A_718], %swap3A_721 {add = true, strides = array<i32>} : memref<4x16x768xf32, #tpu.memory_space<vmem>>, vector<1x1x16xf32>,
        %get3A_722 = arith.index_cast %scan3A_114 : i32 to index
        %get3A_723 = arith.constant 304 : index
        %get3A_724 = tpu.vector_load %arg7[%get3A_722, %get3A_723] {strides = array<i32>} : memref<16x768xf32, #tpu.memory_space<vmem>>, vector<1x16xf32>,
        %get3A_725 = vector.shape_cast %get3A_724 : vector<1x16xf32> to vector<16xf32>
        %swap3A_726 = arith.constant 0 : i32
        %swap3A_727 = arith.index_cast %swap3A_726 : i32 to index
        %swap3A_728 = arith.index_cast %scan3A_114 : i32 to index
        %swap3A_729 = arith.constant 304 : index
        %swap3A_730 = tpu.vector_load %arg5[%swap3A_727, %swap3A_728, %swap3A_729] {strides = array<i32>} : memref<4x16x768xf32, #tpu.memory_space<vmem>>, vector<1x1x16xf32>,
        %swap3A_731 = vector.shape_cast %swap3A_730 : vector<1x1x16xf32> to vector<16xf32>
        %swap3A_732 = vector.shape_cast %get3A_725 : vector<16xf32> to vector<1x1x16xf32>
        tpu.vector_store %arg5[%swap3A_727, %swap3A_728, %swap3A_729], %swap3A_732 {add = true, strides = array<i32>} : memref<4x16x768xf32, #tpu.memory_space<vmem>>, vector<1x1x16xf32>,
        %swap3A_733 = arith.constant 1 : i32
        %swap3A_734 = arith.index_cast %swap3A_733 : i32 to index
        %swap3A_735 = arith.index_cast %scan3A_114 : i32 to index
        %swap3A_736 = arith.constant 304 : index
        %swap3A_737 = tpu.vector_load %arg5[%swap3A_734, %swap3A_735, %swap3A_736] {strides = array<i32>} : memref<4x16x768xf32, #tpu.memory_space<vmem>>, vector<1x1x16xf32>,
        %swap3A_738 = vector.shape_cast %swap3A_737 : vector<1x1x16xf32> to vector<16xf32>
        %swap3A_739 = vector.shape_cast %get3A_725 : vector<16xf32> to vector<1x1x16xf32>
        tpu.vector_store %arg5[%swap3A_734, %swap3A_735, %swap3A_736], %swap3A_739 {add = true, strides = array<i32>} : memref<4x16x768xf32, #tpu.memory_space<vmem>>, vector<1x1x16xf32>,
        %swap3A_740 = arith.constant 2 : i32
        %swap3A_741 = arith.index_cast %swap3A_740 : i32 to index
        %swap3A_742 = arith.index_cast %scan3A_114 : i32 to index
        %swap3A_743 = arith.constant 304 : index
        %swap3A_744 = tpu.vector_load %arg5[%swap3A_741, %swap3A_742, %swap3A_743] {strides = array<i32>} : memref<4x16x768xf32, #tpu.memory_space<vmem>>, vector<1x1x16xf32>,
        %swap3A_745 = vector.shape_cast %swap3A_744 : vector<1x1x16xf32> to vector<16xf32>
        %swap3A_746 = vector.shape_cast %get3A_725 : vector<16xf32> to vector<1x1x16xf32>
        tpu.vector_store %arg5[%swap3A_741, %swap3A_742, %swap3A_743], %swap3A_746 {add = true, strides = array<i32>} : memref<4x16x768xf32, #tpu.memory_space<vmem>>, vector<1x1x16xf32>,
        %swap3A_747 = arith.constant 3 : i32
        %swap3A_748 = arith.index_cast %swap3A_747 : i32 to index
        %swap3A_749 = arith.index_cast %scan3A_114 : i32 to index
        %swap3A_750 = arith.constant 304 : index
        %swap3A_751 = tpu.vector_load %arg5[%swap3A_748, %swap3A_749, %swap3A_750] {strides = array<i32>} : memref<4x16x768xf32, #tpu.memory_space<vmem>>, vector<1x1x16xf32>,
        %swap3A_752 = vector.shape_cast %swap3A_751 : vector<1x1x16xf32> to vector<16xf32>
        %swap3A_753 = vector.shape_cast %get3A_725 : vector<16xf32> to vector<1x1x16xf32>
        tpu.vector_store %arg5[%swap3A_748, %swap3A_749, %swap3A_750], %swap3A_753 {add = true, strides = array<i32>} : memref<4x16x768xf32, #tpu.memory_space<vmem>>, vector<1x1x16xf32>,
        %get3A_754 = arith.index_cast %scan3A_114 : i32 to index
        %get3A_755 = arith.constant 320 : index
        %get3A_756 = tpu.vector_load %arg7[%get3A_754, %get3A_755] {strides = array<i32>} : memref<16x768xf32, #tpu.memory_space<vmem>>, vector<1x16xf32>,
        %get3A_757 = vector.shape_cast %get3A_756 : vector<1x16xf32> to vector<16xf32>
        %swap3A_758 = arith.constant 0 : i32
        %swap3A_759 = arith.index_cast %swap3A_758 : i32 to index
        %swap3A_760 = arith.index_cast %scan3A_114 : i32 to index
        %swap3A_761 = arith.constant 320 : index
        %swap3A_762 = tpu.vector_load %arg5[%swap3A_759, %swap3A_760, %swap3A_761] {strides = array<i32>} : memref<4x16x768xf32, #tpu.memory_space<vmem>>, vector<1x1x16xf32>,
        %swap3A_763 = vector.shape_cast %swap3A_762 : vector<1x1x16xf32> to vector<16xf32>
        %swap3A_764 = vector.shape_cast %get3A_757 : vector<16xf32> to vector<1x1x16xf32>
        tpu.vector_store %arg5[%swap3A_759, %swap3A_760, %swap3A_761], %swap3A_764 {add = true, strides = array<i32>} : memref<4x16x768xf32, #tpu.memory_space<vmem>>, vector<1x1x16xf32>,
        %swap3A_765 = arith.constant 1 : i32
        %swap3A_766 = arith.index_cast %swap3A_765 : i32 to index
        %swap3A_767 = arith.index_cast %scan3A_114 : i32 to index
        %swap3A_768 = arith.constant 320 : index
        %swap3A_769 = tpu.vector_load %arg5[%swap3A_766, %swap3A_767, %swap3A_768] {strides = array<i32>} : memref<4x16x768xf32, #tpu.memory_space<vmem>>, vector<1x1x16xf32>,
        %swap3A_770 = vector.shape_cast %swap3A_769 : vector<1x1x16xf32> to vector<16xf32>
        %swap3A_771 = vector.shape_cast %get3A_757 : vector<16xf32> to vector<1x1x16xf32>
        tpu.vector_store %arg5[%swap3A_766, %swap3A_767, %swap3A_768], %swap3A_771 {add = true, strides = array<i32>} : memref<4x16x768xf32, #tpu.memory_space<vmem>>, vector<1x1x16xf32>,
        %swap3A_772 = arith.constant 2 : i32
        %swap3A_773 = arith.index_cast %swap3A_772 : i32 to index
        %swap3A_774 = arith.index_cast %scan3A_114 : i32 to index
        %swap3A_775 = arith.constant 320 : index
        %swap3A_776 = tpu.vector_load %arg5[%swap3A_773, %swap3A_774, %swap3A_775] {strides = array<i32>} : memref<4x16x768xf32, #tpu.memory_space<vmem>>, vector<1x1x16xf32>,
        %swap3A_777 = vector.shape_cast %swap3A_776 : vector<1x1x16xf32> to vector<16xf32>
        %swap3A_778 = vector.shape_cast %get3A_757 : vector<16xf32> to vector<1x1x16xf32>
        tpu.vector_store %arg5[%swap3A_773, %swap3A_774, %swap3A_775], %swap3A_778 {add = true, strides = array<i32>} : memref<4x16x768xf32, #tpu.memory_space<vmem>>, vector<1x1x16xf32>,
        %swap3A_779 = arith.constant 3 : i32
        %swap3A_780 = arith.index_cast %swap3A_779 : i32 to index
        %swap3A_781 = arith.index_cast %scan3A_114 : i32 to index
        %swap3A_782 = arith.constant 320 : index
        %swap3A_783 = tpu.vector_load %arg5[%swap3A_780, %swap3A_781, %swap3A_782] {strides = array<i32>} : memref<4x16x768xf32, #tpu.memory_space<vmem>>, vector<1x1x16xf32>,
        %swap3A_784 = vector.shape_cast %swap3A_783 : vector<1x1x16xf32> to vector<16xf32>
        %swap3A_785 = vector.shape_cast %get3A_757 : vector<16xf32> to vector<1x1x16xf32>
        tpu.vector_store %arg5[%swap3A_780, %swap3A_781, %swap3A_782], %swap3A_785 {add = true, strides = array<i32>} : memref<4x16x768xf32, #tpu.memory_space<vmem>>, vector<1x1x16xf32>,
        %get3A_786 = arith.index_cast %scan3A_114 : i32 to index
        %get3A_787 = arith.constant 336 : index
        %get3A_788 = tpu.vector_load %arg7[%get3A_786, %get3A_787] {strides = array<i32>} : memref<16x768xf32, #tpu.memory_space<vmem>>, vector<1x16xf32>,
        %get3A_789 = vector.shape_cast %get3A_788 : vector<1x16xf32> to vector<16xf32>
        %swap3A_790 = arith.constant 0 : i32
        %swap3A_791 = arith.index_cast %swap3A_790 : i32 to index
        %swap3A_792 = arith.index_cast %scan3A_114 : i32 to index
        %swap3A_793 = arith.constant 336 : index
        %swap3A_794 = tpu.vector_load %arg5[%swap3A_791, %swap3A_792, %swap3A_793] {strides = array<i32>} : memref<4x16x768xf32, #tpu.memory_space<vmem>>, vector<1x1x16xf32>,
        %swap3A_795 = vector.shape_cast %swap3A_794 : vector<1x1x16xf32> to vector<16xf32>
        %swap3A_796 = vector.shape_cast %get3A_789 : vector<16xf32> to vector<1x1x16xf32>
        tpu.vector_store %arg5[%swap3A_791, %swap3A_792, %swap3A_793], %swap3A_796 {add = true, strides = array<i32>} : memref<4x16x768xf32, #tpu.memory_space<vmem>>, vector<1x1x16xf32>,
        %swap3A_797 = arith.constant 1 : i32
        %swap3A_798 = arith.index_cast %swap3A_797 : i32 to index
        %swap3A_799 = arith.index_cast %scan3A_114 : i32 to index
        %swap3A_800 = arith.constant 336 : index
        %swap3A_801 = tpu.vector_load %arg5[%swap3A_798, %swap3A_799, %swap3A_800] {strides = array<i32>} : memref<4x16x768xf32, #tpu.memory_space<vmem>>, vector<1x1x16xf32>,
        %swap3A_802 = vector.shape_cast %swap3A_801 : vector<1x1x16xf32> to vector<16xf32>
        %swap3A_803 = vector.shape_cast %get3A_789 : vector<16xf32> to vector<1x1x16xf32>
        tpu.vector_store %arg5[%swap3A_798, %swap3A_799, %swap3A_800], %swap3A_803 {add = true, strides = array<i32>} : memref<4x16x768xf32, #tpu.memory_space<vmem>>, vector<1x1x16xf32>,
        %swap3A_804 = arith.constant 2 : i32
        %swap3A_805 = arith.index_cast %swap3A_804 : i32 to index
        %swap3A_806 = arith.index_cast %scan3A_114 : i32 to index
        %swap3A_807 = arith.constant 336 : index
        %swap3A_808 = tpu.vector_load %arg5[%swap3A_805, %swap3A_806, %swap3A_807] {strides = array<i32>} : memref<4x16x768xf32, #tpu.memory_space<vmem>>, vector<1x1x16xf32>,
        %swap3A_809 = vector.shape_cast %swap3A_808 : vector<1x1x16xf32> to vector<16xf32>
        %swap3A_810 = vector.shape_cast %get3A_789 : vector<16xf32> to vector<1x1x16xf32>
        tpu.vector_store %arg5[%swap3A_805, %swap3A_806, %swap3A_807], %swap3A_810 {add = true, strides = array<i32>} : memref<4x16x768xf32, #tpu.memory_space<vmem>>, vector<1x1x16xf32>,
        %swap3A_811 = arith.constant 3 : i32
        %swap3A_812 = arith.index_cast %swap3A_811 : i32 to index
        %swap3A_813 = arith.index_cast %scan3A_114 : i32 to index
        %swap3A_814 = arith.constant 336 : index
        %swap3A_815 = tpu.vector_load %arg5[%swap3A_812, %swap3A_813, %swap3A_814] {strides = array<i32>} : memref<4x16x768xf32, #tpu.memory_space<vmem>>, vector<1x1x16xf32>,
        %swap3A_816 = vector.shape_cast %swap3A_815 : vector<1x1x16xf32> to vector<16xf32>
        %swap3A_817 = vector.shape_cast %get3A_789 : vector<16xf32> to vector<1x1x16xf32>
        tpu.vector_store %arg5[%swap3A_812, %swap3A_813, %swap3A_814], %swap3A_817 {add = true, strides = array<i32>} : memref<4x16x768xf32, #tpu.memory_space<vmem>>, vector<1x1x16xf32>,
        %get3A_818 = arith.index_cast %scan3A_114 : i32 to index
        %get3A_819 = arith.constant 352 : index
        %get3A_820 = tpu.vector_load %arg7[%get3A_818, %get3A_819] {strides = array<i32>} : memref<16x768xf32, #tpu.memory_space<vmem>>, vector<1x16xf32>,
        %get3A_821 = vector.shape_cast %get3A_820 : vector<1x16xf32> to vector<16xf32>
        %swap3A_822 = arith.constant 0 : i32
        %swap3A_823 = arith.index_cast %swap3A_822 : i32 to index
        %swap3A_824 = arith.index_cast %scan3A_114 : i32 to index
        %swap3A_825 = arith.constant 352 : index
        %swap3A_826 = tpu.vector_load %arg5[%swap3A_823, %swap3A_824, %swap3A_825] {strides = array<i32>} : memref<4x16x768xf32, #tpu.memory_space<vmem>>, vector<1x1x16xf32>,
        %swap3A_827 = vector.shape_cast %swap3A_826 : vector<1x1x16xf32> to vector<16xf32>
        %swap3A_828 = vector.shape_cast %get3A_821 : vector<16xf32> to vector<1x1x16xf32>
        tpu.vector_store %arg5[%swap3A_823, %swap3A_824, %swap3A_825], %swap3A_828 {add = true, strides = array<i32>} : memref<4x16x768xf32, #tpu.memory_space<vmem>>, vector<1x1x16xf32>,
        %swap3A_829 = arith.constant 1 : i32
        %swap3A_830 = arith.index_cast %swap3A_829 : i32 to index
        %swap3A_831 = arith.index_cast %scan3A_114 : i32 to index
        %swap3A_832 = arith.constant 352 : index
        %swap3A_833 = tpu.vector_load %arg5[%swap3A_830, %swap3A_831, %swap3A_832] {strides = array<i32>} : memref<4x16x768xf32, #tpu.memory_space<vmem>>, vector<1x1x16xf32>,
        %swap3A_834 = vector.shape_cast %swap3A_833 : vector<1x1x16xf32> to vector<16xf32>
        %swap3A_835 = vector.shape_cast %get3A_821 : vector<16xf32> to vector<1x1x16xf32>
        tpu.vector_store %arg5[%swap3A_830, %swap3A_831, %swap3A_832], %swap3A_835 {add = true, strides = array<i32>} : memref<4x16x768xf32, #tpu.memory_space<vmem>>, vector<1x1x16xf32>,
        %swap3A_836 = arith.constant 2 : i32
        %swap3A_837 = arith.index_cast %swap3A_836 : i32 to index
        %swap3A_838 = arith.index_cast %scan3A_114 : i32 to index
        %swap3A_839 = arith.constant 352 : index
        %swap3A_840 = tpu.vector_load %arg5[%swap3A_837, %swap3A_838, %swap3A_839] {strides = array<i32>} : memref<4x16x768xf32, #tpu.memory_space<vmem>>, vector<1x1x16xf32>,
        %swap3A_841 = vector.shape_cast %swap3A_840 : vector<1x1x16xf32> to vector<16xf32>
        %swap3A_842 = vector.shape_cast %get3A_821 : vector<16xf32> to vector<1x1x16xf32>
        tpu.vector_store %arg5[%swap3A_837, %swap3A_838, %swap3A_839], %swap3A_842 {add = true, strides = array<i32>} : memref<4x16x768xf32, #tpu.memory_space<vmem>>, vector<1x1x16xf32>,
        %swap3A_843 = arith.constant 3 : i32
        %swap3A_844 = arith.index_cast %swap3A_843 : i32 to index
        %swap3A_845 = arith.index_cast %scan3A_114 : i32 to index
        %swap3A_846 = arith.constant 352 : index
        %swap3A_847 = tpu.vector_load %arg5[%swap3A_844, %swap3A_845, %swap3A_846] {strides = array<i32>} : memref<4x16x768xf32, #tpu.memory_space<vmem>>, vector<1x1x16xf32>,
        %swap3A_848 = vector.shape_cast %swap3A_847 : vector<1x1x16xf32> to vector<16xf32>
        %swap3A_849 = vector.shape_cast %get3A_821 : vector<16xf32> to vector<1x1x16xf32>
        tpu.vector_store %arg5[%swap3A_844, %swap3A_845, %swap3A_846], %swap3A_849 {add = true, strides = array<i32>} : memref<4x16x768xf32, #tpu.memory_space<vmem>>, vector<1x1x16xf32>,
        %get3A_850 = arith.index_cast %scan3A_114 : i32 to index
        %get3A_851 = arith.constant 368 : index
        %get3A_852 = tpu.vector_load %arg7[%get3A_850, %get3A_851] {strides = array<i32>} : memref<16x768xf32, #tpu.memory_space<vmem>>, vector<1x16xf32>,
        %get3A_853 = vector.shape_cast %get3A_852 : vector<1x16xf32> to vector<16xf32>
        %swap3A_854 = arith.constant 0 : i32
        %swap3A_855 = arith.index_cast %swap3A_854 : i32 to index
        %swap3A_856 = arith.index_cast %scan3A_114 : i32 to index
        %swap3A_857 = arith.constant 368 : index
        %swap3A_858 = tpu.vector_load %arg5[%swap3A_855, %swap3A_856, %swap3A_857] {strides = array<i32>} : memref<4x16x768xf32, #tpu.memory_space<vmem>>, vector<1x1x16xf32>,
        %swap3A_859 = vector.shape_cast %swap3A_858 : vector<1x1x16xf32> to vector<16xf32>
        %swap3A_860 = vector.shape_cast %get3A_853 : vector<16xf32> to vector<1x1x16xf32>
        tpu.vector_store %arg5[%swap3A_855, %swap3A_856, %swap3A_857], %swap3A_860 {add = true, strides = array<i32>} : memref<4x16x768xf32, #tpu.memory_space<vmem>>, vector<1x1x16xf32>,
        %swap3A_861 = arith.constant 1 : i32
        %swap3A_862 = arith.index_cast %swap3A_861 : i32 to index
        %swap3A_863 = arith.index_cast %scan3A_114 : i32 to index
        %swap3A_864 = arith.constant 368 : index
        %swap3A_865 = tpu.vector_load %arg5[%swap3A_862, %swap3A_863, %swap3A_864] {strides = array<i32>} : memref<4x16x768xf32, #tpu.memory_space<vmem>>, vector<1x1x16xf32>,
        %swap3A_866 = vector.shape_cast %swap3A_865 : vector<1x1x16xf32> to vector<16xf32>
        %swap3A_867 = vector.shape_cast %get3A_853 : vector<16xf32> to vector<1x1x16xf32>
        tpu.vector_store %arg5[%swap3A_862, %swap3A_863, %swap3A_864], %swap3A_867 {add = true, strides = array<i32>} : memref<4x16x768xf32, #tpu.memory_space<vmem>>, vector<1x1x16xf32>,
        %swap3A_868 = arith.constant 2 : i32
        %swap3A_869 = arith.index_cast %swap3A_868 : i32 to index
        %swap3A_870 = arith.index_cast %scan3A_114 : i32 to index
        %swap3A_871 = arith.constant 368 : index
        %swap3A_872 = tpu.vector_load %arg5[%swap3A_869, %swap3A_870, %swap3A_871] {strides = array<i32>} : memref<4x16x768xf32, #tpu.memory_space<vmem>>, vector<1x1x16xf32>,
        %swap3A_873 = vector.shape_cast %swap3A_872 : vector<1x1x16xf32> to vector<16xf32>
        %swap3A_874 = vector.shape_cast %get3A_853 : vector<16xf32> to vector<1x1x16xf32>
        tpu.vector_store %arg5[%swap3A_869, %swap3A_870, %swap3A_871], %swap3A_874 {add = true, strides = array<i32>} : memref<4x16x768xf32, #tpu.memory_space<vmem>>, vector<1x1x16xf32>,
        %swap3A_875 = arith.constant 3 : i32
        %swap3A_876 = arith.index_cast %swap3A_875 : i32 to index
        %swap3A_877 = arith.index_cast %scan3A_114 : i32 to index
        %swap3A_878 = arith.constant 368 : index
        %swap3A_879 = tpu.vector_load %arg5[%swap3A_876, %swap3A_877, %swap3A_878] {strides = array<i32>} : memref<4x16x768xf32, #tpu.memory_space<vmem>>, vector<1x1x16xf32>,
        %swap3A_880 = vector.shape_cast %swap3A_879 : vector<1x1x16xf32> to vector<16xf32>
        %swap3A_881 = vector.shape_cast %get3A_853 : vector<16xf32> to vector<1x1x16xf32>
        tpu.vector_store %arg5[%swap3A_876, %swap3A_877, %swap3A_878], %swap3A_881 {add = true, strides = array<i32>} : memref<4x16x768xf32, #tpu.memory_space<vmem>>, vector<1x1x16xf32>,
        %get3A_882 = arith.index_cast %scan3A_114 : i32 to index
        %get3A_883 = arith.constant 384 : index
        %get3A_884 = tpu.vector_load %arg7[%get3A_882, %get3A_883] {strides = array<i32>} : memref<16x768xf32, #tpu.memory_space<vmem>>, vector<1x16xf32>,
        %get3A_885 = vector.shape_cast %get3A_884 : vector<1x16xf32> to vector<16xf32>
        %swap3A_886 = arith.constant 0 : i32
        %swap3A_887 = arith.index_cast %swap3A_886 : i32 to index
        %swap3A_888 = arith.index_cast %scan3A_114 : i32 to index
        %swap3A_889 = arith.constant 384 : index
        %swap3A_890 = tpu.vector_load %arg5[%swap3A_887, %swap3A_888, %swap3A_889] {strides = array<i32>} : memref<4x16x768xf32, #tpu.memory_space<vmem>>, vector<1x1x16xf32>,
        %swap3A_891 = vector.shape_cast %swap3A_890 : vector<1x1x16xf32> to vector<16xf32>
        %swap3A_892 = vector.shape_cast %get3A_885 : vector<16xf32> to vector<1x1x16xf32>
        tpu.vector_store %arg5[%swap3A_887, %swap3A_888, %swap3A_889], %swap3A_892 {add = true, strides = array<i32>} : memref<4x16x768xf32, #tpu.memory_space<vmem>>, vector<1x1x16xf32>,
        %swap3A_893 = arith.constant 1 : i32
        %swap3A_894 = arith.index_cast %swap3A_893 : i32 to index
        %swap3A_895 = arith.index_cast %scan3A_114 : i32 to index
        %swap3A_896 = arith.constant 384 : index
        %swap3A_897 = tpu.vector_load %arg5[%swap3A_894, %swap3A_895, %swap3A_896] {strides = array<i32>} : memref<4x16x768xf32, #tpu.memory_space<vmem>>, vector<1x1x16xf32>,
        %swap3A_898 = vector.shape_cast %swap3A_897 : vector<1x1x16xf32> to vector<16xf32>
        %swap3A_899 = vector.shape_cast %get3A_885 : vector<16xf32> to vector<1x1x16xf32>
        tpu.vector_store %arg5[%swap3A_894, %swap3A_895, %swap3A_896], %swap3A_899 {add = true, strides = array<i32>} : memref<4x16x768xf32, #tpu.memory_space<vmem>>, vector<1x1x16xf32>,
        %swap3A_900 = arith.constant 2 : i32
        %swap3A_901 = arith.index_cast %swap3A_900 : i32 to index
        %swap3A_902 = arith.index_cast %scan3A_114 : i32 to index
        %swap3A_903 = arith.constant 384 : index
        %swap3A_904 = tpu.vector_load %arg5[%swap3A_901, %swap3A_902, %swap3A_903] {strides = array<i32>} : memref<4x16x768xf32, #tpu.memory_space<vmem>>, vector<1x1x16xf32>,
        %swap3A_905 = vector.shape_cast %swap3A_904 : vector<1x1x16xf32> to vector<16xf32>
        %swap3A_906 = vector.shape_cast %get3A_885 : vector<16xf32> to vector<1x1x16xf32>
        tpu.vector_store %arg5[%swap3A_901, %swap3A_902, %swap3A_903], %swap3A_906 {add = true, strides = array<i32>} : memref<4x16x768xf32, #tpu.memory_space<vmem>>, vector<1x1x16xf32>,
        %swap3A_907 = arith.constant 3 : i32
        %swap3A_908 = arith.index_cast %swap3A_907 : i32 to index
        %swap3A_909 = arith.index_cast %scan3A_114 : i32 to index
        %swap3A_910 = arith.constant 384 : index
        %swap3A_911 = tpu.vector_load %arg5[%swap3A_908, %swap3A_909, %swap3A_910] {strides = array<i32>} : memref<4x16x768xf32, #tpu.memory_space<vmem>>, vector<1x1x16xf32>,
        %swap3A_912 = vector.shape_cast %swap3A_911 : vector<1x1x16xf32> to vector<16xf32>
        %swap3A_913 = vector.shape_cast %get3A_885 : vector<16xf32> to vector<1x1x16xf32>
        tpu.vector_store %arg5[%swap3A_908, %swap3A_909, %swap3A_910], %swap3A_913 {add = true, strides = array<i32>} : memref<4x16x768xf32, #tpu.memory_space<vmem>>, vector<1x1x16xf32>,
        %get3A_914 = arith.index_cast %scan3A_114 : i32 to index
        %get3A_915 = arith.constant 400 : index
        %get3A_916 = tpu.vector_load %arg7[%get3A_914, %get3A_915] {strides = array<i32>} : memref<16x768xf32, #tpu.memory_space<vmem>>, vector<1x16xf32>,
        %get3A_917 = vector.shape_cast %get3A_916 : vector<1x16xf32> to vector<16xf32>
        %swap3A_918 = arith.constant 0 : i32
        %swap3A_919 = arith.index_cast %swap3A_918 : i32 to index
        %swap3A_920 = arith.index_cast %scan3A_114 : i32 to index
        %swap3A_921 = arith.constant 400 : index
        %swap3A_922 = tpu.vector_load %arg5[%swap3A_919, %swap3A_920, %swap3A_921] {strides = array<i32>} : memref<4x16x768xf32, #tpu.memory_space<vmem>>, vector<1x1x16xf32>,
        %swap3A_923 = vector.shape_cast %swap3A_922 : vector<1x1x16xf32> to vector<16xf32>
        %swap3A_924 = vector.shape_cast %get3A_917 : vector<16xf32> to vector<1x1x16xf32>
        tpu.vector_store %arg5[%swap3A_919, %swap3A_920, %swap3A_921], %swap3A_924 {add = true, strides = array<i32>} : memref<4x16x768xf32, #tpu.memory_space<vmem>>, vector<1x1x16xf32>,
        %swap3A_925 = arith.constant 1 : i32
        %swap3A_926 = arith.index_cast %swap3A_925 : i32 to index
        %swap3A_927 = arith.index_cast %scan3A_114 : i32 to index
        %swap3A_928 = arith.constant 400 : index
        %swap3A_929 = tpu.vector_load %arg5[%swap3A_926, %swap3A_927, %swap3A_928] {strides = array<i32>} : memref<4x16x768xf32, #tpu.memory_space<vmem>>, vector<1x1x16xf32>,
        %swap3A_930 = vector.shape_cast %swap3A_929 : vector<1x1x16xf32> to vector<16xf32>
        %swap3A_931 = vector.shape_cast %get3A_917 : vector<16xf32> to vector<1x1x16xf32>
        tpu.vector_store %arg5[%swap3A_926, %swap3A_927, %swap3A_928], %swap3A_931 {add = true, strides = array<i32>} : memref<4x16x768xf32, #tpu.memory_space<vmem>>, vector<1x1x16xf32>,
        %swap3A_932 = arith.constant 2 : i32
        %swap3A_933 = arith.index_cast %swap3A_932 : i32 to index
        %swap3A_934 = arith.index_cast %scan3A_114 : i32 to index
        %swap3A_935 = arith.constant 400 : index
        %swap3A_936 = tpu.vector_load %arg5[%swap3A_933, %swap3A_934, %swap3A_935] {strides = array<i32>} : memref<4x16x768xf32, #tpu.memory_space<vmem>>, vector<1x1x16xf32>,
        %swap3A_937 = vector.shape_cast %swap3A_936 : vector<1x1x16xf32> to vector<16xf32>
        %swap3A_938 = vector.shape_cast %get3A_917 : vector<16xf32> to vector<1x1x16xf32>
        tpu.vector_store %arg5[%swap3A_933, %swap3A_934, %swap3A_935], %swap3A_938 {add = true, strides = array<i32>} : memref<4x16x768xf32, #tpu.memory_space<vmem>>, vector<1x1x16xf32>,
        %swap3A_939 = arith.constant 3 : i32
        %swap3A_940 = arith.index_cast %swap3A_939 : i32 to index
        %swap3A_941 = arith.index_cast %scan3A_114 : i32 to index
        %swap3A_942 = arith.constant 400 : index
        %swap3A_943 = tpu.vector_load %arg5[%swap3A_940, %swap3A_941, %swap3A_942] {strides = array<i32>} : memref<4x16x768xf32, #tpu.memory_space<vmem>>, vector<1x1x16xf32>,
        %swap3A_944 = vector.shape_cast %swap3A_943 : vector<1x1x16xf32> to vector<16xf32>
        %swap3A_945 = vector.shape_cast %get3A_917 : vector<16xf32> to vector<1x1x16xf32>
        tpu.vector_store %arg5[%swap3A_940, %swap3A_941, %swap3A_942], %swap3A_945 {add = true, strides = array<i32>} : memref<4x16x768xf32, #tpu.memory_space<vmem>>, vector<1x1x16xf32>,
        %get3A_946 = arith.index_cast %scan3A_114 : i32 to index
        %get3A_947 = arith.constant 416 : index
        %get3A_948 = tpu.vector_load %arg7[%get3A_946, %get3A_947] {strides = array<i32>} : memref<16x768xf32, #tpu.memory_space<vmem>>, vector<1x16xf32>,
        %get3A_949 = vector.shape_cast %get3A_948 : vector<1x16xf32> to vector<16xf32>
        %swap3A_950 = arith.constant 0 : i32
        %swap3A_951 = arith.index_cast %swap3A_950 : i32 to index
        %swap3A_952 = arith.index_cast %scan3A_114 : i32 to index
        %swap3A_953 = arith.constant 416 : index
        %swap3A_954 = tpu.vector_load %arg5[%swap3A_951, %swap3A_952, %swap3A_953] {strides = array<i32>} : memref<4x16x768xf32, #tpu.memory_space<vmem>>, vector<1x1x16xf32>,
        %swap3A_955 = vector.shape_cast %swap3A_954 : vector<1x1x16xf32> to vector<16xf32>
        %swap3A_956 = vector.shape_cast %get3A_949 : vector<16xf32> to vector<1x1x16xf32>
        tpu.vector_store %arg5[%swap3A_951, %swap3A_952, %swap3A_953], %swap3A_956 {add = true, strides = array<i32>} : memref<4x16x768xf32, #tpu.memory_space<vmem>>, vector<1x1x16xf32>,
        %swap3A_957 = arith.constant 1 : i32
        %swap3A_958 = arith.index_cast %swap3A_957 : i32 to index
        %swap3A_959 = arith.index_cast %scan3A_114 : i32 to index
        %swap3A_960 = arith.constant 416 : index
        %swap3A_961 = tpu.vector_load %arg5[%swap3A_958, %swap3A_959, %swap3A_960] {strides = array<i32>} : memref<4x16x768xf32, #tpu.memory_space<vmem>>, vector<1x1x16xf32>,
        %swap3A_962 = vector.shape_cast %swap3A_961 : vector<1x1x16xf32> to vector<16xf32>
        %swap3A_963 = vector.shape_cast %get3A_949 : vector<16xf32> to vector<1x1x16xf32>
        tpu.vector_store %arg5[%swap3A_958, %swap3A_959, %swap3A_960], %swap3A_963 {add = true, strides = array<i32>} : memref<4x16x768xf32, #tpu.memory_space<vmem>>, vector<1x1x16xf32>,
        %swap3A_964 = arith.constant 2 : i32
        %swap3A_965 = arith.index_cast %swap3A_964 : i32 to index
        %swap3A_966 = arith.index_cast %scan3A_114 : i32 to index
        %swap3A_967 = arith.constant 416 : index
        %swap3A_968 = tpu.vector_load %arg5[%swap3A_965, %swap3A_966, %swap3A_967] {strides = array<i32>} : memref<4x16x768xf32, #tpu.memory_space<vmem>>, vector<1x1x16xf32>,
        %swap3A_969 = vector.shape_cast %swap3A_968 : vector<1x1x16xf32> to vector<16xf32>
        %swap3A_970 = vector.shape_cast %get3A_949 : vector<16xf32> to vector<1x1x16xf32>
        tpu.vector_store %arg5[%swap3A_965, %swap3A_966, %swap3A_967], %swap3A_970 {add = true, strides = array<i32>} : memref<4x16x768xf32, #tpu.memory_space<vmem>>, vector<1x1x16xf32>,
        %swap3A_971 = arith.constant 3 : i32
        %swap3A_972 = arith.index_cast %swap3A_971 : i32 to index
        %swap3A_973 = arith.index_cast %scan3A_114 : i32 to index
        %swap3A_974 = arith.constant 416 : index
        %swap3A_975 = tpu.vector_load %arg5[%swap3A_972, %swap3A_973, %swap3A_974] {strides = array<i32>} : memref<4x16x768xf32, #tpu.memory_space<vmem>>, vector<1x1x16xf32>,
        %swap3A_976 = vector.shape_cast %swap3A_975 : vector<1x1x16xf32> to vector<16xf32>
        %swap3A_977 = vector.shape_cast %get3A_949 : vector<16xf32> to vector<1x1x16xf32>
        tpu.vector_store %arg5[%swap3A_972, %swap3A_973, %swap3A_974], %swap3A_977 {add = true, strides = array<i32>} : memref<4x16x768xf32, #tpu.memory_space<vmem>>, vector<1x1x16xf32>,
        %get3A_978 = arith.index_cast %scan3A_114 : i32 to index
        %get3A_979 = arith.constant 432 : index
        %get3A_980 = tpu.vector_load %arg7[%get3A_978, %get3A_979] {strides = array<i32>} : memref<16x768xf32, #tpu.memory_space<vmem>>, vector<1x16xf32>,
        %get3A_981 = vector.shape_cast %get3A_980 : vector<1x16xf32> to vector<16xf32>
        %swap3A_982 = arith.constant 0 : i32
        %swap3A_983 = arith.index_cast %swap3A_982 : i32 to index
        %swap3A_984 = arith.index_cast %scan3A_114 : i32 to index
        %swap3A_985 = arith.constant 432 : index
        %swap3A_986 = tpu.vector_load %arg5[%swap3A_983, %swap3A_984, %swap3A_985] {strides = array<i32>} : memref<4x16x768xf32, #tpu.memory_space<vmem>>, vector<1x1x16xf32>,
        %swap3A_987 = vector.shape_cast %swap3A_986 : vector<1x1x16xf32> to vector<16xf32>
        %swap3A_988 = vector.shape_cast %get3A_981 : vector<16xf32> to vector<1x1x16xf32>
        tpu.vector_store %arg5[%swap3A_983, %swap3A_984, %swap3A_985], %swap3A_988 {add = true, strides = array<i32>} : memref<4x16x768xf32, #tpu.memory_space<vmem>>, vector<1x1x16xf32>,
        %swap3A_989 = arith.constant 1 : i32
        %swap3A_990 = arith.index_cast %swap3A_989 : i32 to index
        %swap3A_991 = arith.index_cast %scan3A_114 : i32 to index
        %swap3A_992 = arith.constant 432 : index
        %swap3A_993 = tpu.vector_load %arg5[%swap3A_990, %swap3A_991, %swap3A_992] {strides = array<i32>} : memref<4x16x768xf32, #tpu.memory_space<vmem>>, vector<1x1x16xf32>,
        %swap3A_994 = vector.shape_cast %swap3A_993 : vector<1x1x16xf32> to vector<16xf32>
        %swap3A_995 = vector.shape_cast %get3A_981 : vector<16xf32> to vector<1x1x16xf32>
        tpu.vector_store %arg5[%swap3A_990, %swap3A_991, %swap3A_992], %swap3A_995 {add = true, strides = array<i32>} : memref<4x16x768xf32, #tpu.memory_space<vmem>>, vector<1x1x16xf32>,
        %swap3A_996 = arith.constant 2 : i32
        %swap3A_997 = arith.index_cast %swap3A_996 : i32 to index
        %swap3A_998 = arith.index_cast %scan3A_114 : i32 to index
        %swap3A_999 = arith.constant 432 : index
        %swap3A_1000 = tpu.vector_load %arg5[%swap3A_997, %swap3A_998, %swap3A_999] {strides = array<i32>} : memref<4x16x768xf32, #tpu.memory_space<vmem>>, vector<1x1x16xf32>,
        %swap3A_1001 = vector.shape_cast %swap3A_1000 : vector<1x1x16xf32> to vector<16xf32>
        %swap3A_1002 = vector.shape_cast %get3A_981 : vector<16xf32> to vector<1x1x16xf32>
        tpu.vector_store %arg5[%swap3A_997, %swap3A_998, %swap3A_999], %swap3A_1002 {add = true, strides = array<i32>} : memref<4x16x768xf32, #tpu.memory_space<vmem>>, vector<1x1x16xf32>,
        %swap3A_1003 = arith.constant 3 : i32
        %swap3A_1004 = arith.index_cast %swap3A_1003 : i32 to index
        %swap3A_1005 = arith.index_cast %scan3A_114 : i32 to index
        %swap3A_1006 = arith.constant 432 : index
        %swap3A_1007 = tpu.vector_load %arg5[%swap3A_1004, %swap3A_1005, %swap3A_1006] {strides = array<i32>} : memref<4x16x768xf32, #tpu.memory_space<vmem>>, vector<1x1x16xf32>,
        %swap3A_1008 = vector.shape_cast %swap3A_1007 : vector<1x1x16xf32> to vector<16xf32>
        %swap3A_1009 = vector.shape_cast %get3A_981 : vector<16xf32> to vector<1x1x16xf32>
        tpu.vector_store %arg5[%swap3A_1004, %swap3A_1005, %swap3A_1006], %swap3A_1009 {add = true, strides = array<i32>} : memref<4x16x768xf32, #tpu.memory_space<vmem>>, vector<1x1x16xf32>,
        %get3A_1010 = arith.index_cast %scan3A_114 : i32 to index
        %get3A_1011 = arith.constant 448 : index
        %get3A_1012 = tpu.vector_load %arg7[%get3A_1010, %get3A_1011] {strides = array<i32>} : memref<16x768xf32, #tpu.memory_space<vmem>>, vector<1x16xf32>,
        %get3A_1013 = vector.shape_cast %get3A_1012 : vector<1x16xf32> to vector<16xf32>
        %swap3A_1014 = arith.constant 0 : i32
        %swap3A_1015 = arith.index_cast %swap3A_1014 : i32 to index
        %swap3A_1016 = arith.index_cast %scan3A_114 : i32 to index
        %swap3A_1017 = arith.constant 448 : index
        %swap3A_1018 = tpu.vector_load %arg5[%swap3A_1015, %swap3A_1016, %swap3A_1017] {strides = array<i32>} : memref<4x16x768xf32, #tpu.memory_space<vmem>>, vector<1x1x16xf32>,
        %swap3A_1019 = vector.shape_cast %swap3A_1018 : vector<1x1x16xf32> to vector<16xf32>
        %swap3A_1020 = vector.shape_cast %get3A_1013 : vector<16xf32> to vector<1x1x16xf32>
        tpu.vector_store %arg5[%swap3A_1015, %swap3A_1016, %swap3A_1017], %swap3A_1020 {add = true, strides = array<i32>} : memref<4x16x768xf32, #tpu.memory_space<vmem>>, vector<1x1x16xf32>,
        %swap3A_1021 = arith.constant 1 : i32
        %swap3A_1022 = arith.index_cast %swap3A_1021 : i32 to index
        %swap3A_1023 = arith.index_cast %scan3A_114 : i32 to index
        %swap3A_1024 = arith.constant 448 : index
        %swap3A_1025 = tpu.vector_load %arg5[%swap3A_1022, %swap3A_1023, %swap3A_1024] {strides = array<i32>} : memref<4x16x768xf32, #tpu.memory_space<vmem>>, vector<1x1x16xf32>,
        %swap3A_1026 = vector.shape_cast %swap3A_1025 : vector<1x1x16xf32> to vector<16xf32>
        %swap3A_1027 = vector.shape_cast %get3A_1013 : vector<16xf32> to vector<1x1x16xf32>
        tpu.vector_store %arg5[%swap3A_1022, %swap3A_1023, %swap3A_1024], %swap3A_1027 {add = true, strides = array<i32>} : memref<4x16x768xf32, #tpu.memory_space<vmem>>, vector<1x1x16xf32>,
        %swap3A_1028 = arith.constant 2 : i32
        %swap3A_1029 = arith.index_cast %swap3A_1028 : i32 to index
        %swap3A_1030 = arith.index_cast %scan3A_114 : i32 to index
        %swap3A_1031 = arith.constant 448 : index
        %swap3A_1032 = tpu.vector_load %arg5[%swap3A_1029, %swap3A_1030, %swap3A_1031] {strides = array<i32>} : memref<4x16x768xf32, #tpu.memory_space<vmem>>, vector<1x1x16xf32>,
        %swap3A_1033 = vector.shape_cast %swap3A_1032 : vector<1x1x16xf32> to vector<16xf32>
        %swap3A_1034 = vector.shape_cast %get3A_1013 : vector<16xf32> to vector<1x1x16xf32>
        tpu.vector_store %arg5[%swap3A_1029, %swap3A_1030, %swap3A_1031], %swap3A_1034 {add = true, strides = array<i32>} : memref<4x16x768xf32, #tpu.memory_space<vmem>>, vector<1x1x16xf32>,
        %swap3A_1035 = arith.constant 3 : i32
        %swap3A_1036 = arith.index_cast %swap3A_1035 : i32 to index
        %swap3A_1037 = arith.index_cast %scan3A_114 : i32 to index
        %swap3A_1038 = arith.constant 448 : index
        %swap3A_1039 = tpu.vector_load %arg5[%swap3A_1036, %swap3A_1037, %swap3A_1038] {strides = array<i32>} : memref<4x16x768xf32, #tpu.memory_space<vmem>>, vector<1x1x16xf32>,
        %swap3A_1040 = vector.shape_cast %swap3A_1039 : vector<1x1x16xf32> to vector<16xf32>
        %swap3A_1041 = vector.shape_cast %get3A_1013 : vector<16xf32> to vector<1x1x16xf32>
        tpu.vector_store %arg5[%swap3A_1036, %swap3A_1037, %swap3A_1038], %swap3A_1041 {add = true, strides = array<i32>} : memref<4x16x768xf32, #tpu.memory_space<vmem>>, vector<1x1x16xf32>,
        %get3A_1042 = arith.index_cast %scan3A_114 : i32 to index
        %get3A_1043 = arith.constant 464 : index
        %get3A_1044 = tpu.vector_load %arg7[%get3A_1042, %get3A_1043] {strides = array<i32>} : memref<16x768xf32, #tpu.memory_space<vmem>>, vector<1x16xf32>,
        %get3A_1045 = vector.shape_cast %get3A_1044 : vector<1x16xf32> to vector<16xf32>
        %swap3A_1046 = arith.constant 0 : i32
        %swap3A_1047 = arith.index_cast %swap3A_1046 : i32 to index
        %swap3A_1048 = arith.index_cast %scan3A_114 : i32 to index
        %swap3A_1049 = arith.constant 464 : index
        %swap3A_1050 = tpu.vector_load %arg5[%swap3A_1047, %swap3A_1048, %swap3A_1049] {strides = array<i32>} : memref<4x16x768xf32, #tpu.memory_space<vmem>>, vector<1x1x16xf32>,
        %swap3A_1051 = vector.shape_cast %swap3A_1050 : vector<1x1x16xf32> to vector<16xf32>
        %swap3A_1052 = vector.shape_cast %get3A_1045 : vector<16xf32> to vector<1x1x16xf32>
        tpu.vector_store %arg5[%swap3A_1047, %swap3A_1048, %swap3A_1049], %swap3A_1052 {add = true, strides = array<i32>} : memref<4x16x768xf32, #tpu.memory_space<vmem>>, vector<1x1x16xf32>,
        %swap3A_1053 = arith.constant 1 : i32
        %swap3A_1054 = arith.index_cast %swap3A_1053 : i32 to index
        %swap3A_1055 = arith.index_cast %scan3A_114 : i32 to index
        %swap3A_1056 = arith.constant 464 : index
        %swap3A_1057 = tpu.vector_load %arg5[%swap3A_1054, %swap3A_1055, %swap3A_1056] {strides = array<i32>} : memref<4x16x768xf32, #tpu.memory_space<vmem>>, vector<1x1x16xf32>,
        %swap3A_1058 = vector.shape_cast %swap3A_1057 : vector<1x1x16xf32> to vector<16xf32>
        %swap3A_1059 = vector.shape_cast %get3A_1045 : vector<16xf32> to vector<1x1x16xf32>
        tpu.vector_store %arg5[%swap3A_1054, %swap3A_1055, %swap3A_1056], %swap3A_1059 {add = true, strides = array<i32>} : memref<4x16x768xf32, #tpu.memory_space<vmem>>, vector<1x1x16xf32>,
        %swap3A_1060 = arith.constant 2 : i32
        %swap3A_1061 = arith.index_cast %swap3A_1060 : i32 to index
        %swap3A_1062 = arith.index_cast %scan3A_114 : i32 to index
        %swap3A_1063 = arith.constant 464 : index
        %swap3A_1064 = tpu.vector_load %arg5[%swap3A_1061, %swap3A_1062, %swap3A_1063] {strides = array<i32>} : memref<4x16x768xf32, #tpu.memory_space<vmem>>, vector<1x1x16xf32>,
        %swap3A_1065 = vector.shape_cast %swap3A_1064 : vector<1x1x16xf32> to vector<16xf32>
        %swap3A_1066 = vector.shape_cast %get3A_1045 : vector<16xf32> to vector<1x1x16xf32>
        tpu.vector_store %arg5[%swap3A_1061, %swap3A_1062, %swap3A_1063], %swap3A_1066 {add = true, strides = array<i32>} : memref<4x16x768xf32, #tpu.memory_space<vmem>>, vector<1x1x16xf32>,
        %swap3A_1067 = arith.constant 3 : i32
        %swap3A_1068 = arith.index_cast %swap3A_1067 : i32 to index
        %swap3A_1069 = arith.index_cast %scan3A_114 : i32 to index
        %swap3A_1070 = arith.constant 464 : index
        %swap3A_1071 = tpu.vector_load %arg5[%swap3A_1068, %swap3A_1069, %swap3A_1070] {strides = array<i32>} : memref<4x16x768xf32, #tpu.memory_space<vmem>>, vector<1x1x16xf32>,
        %swap3A_1072 = vector.shape_cast %swap3A_1071 : vector<1x1x16xf32> to vector<16xf32>
        %swap3A_1073 = vector.shape_cast %get3A_1045 : vector<16xf32> to vector<1x1x16xf32>
        tpu.vector_store %arg5[%swap3A_1068, %swap3A_1069, %swap3A_1070], %swap3A_1073 {add = true, strides = array<i32>} : memref<4x16x768xf32, #tpu.memory_space<vmem>>, vector<1x1x16xf32>,
        %get3A_1074 = arith.index_cast %scan3A_114 : i32 to index
        %get3A_1075 = arith.constant 480 : index
        %get3A_1076 = tpu.vector_load %arg7[%get3A_1074, %get3A_1075] {strides = array<i32>} : memref<16x768xf32, #tpu.memory_space<vmem>>, vector<1x16xf32>,
        %get3A_1077 = vector.shape_cast %get3A_1076 : vector<1x16xf32> to vector<16xf32>
        %swap3A_1078 = arith.constant 0 : i32
        %swap3A_1079 = arith.index_cast %swap3A_1078 : i32 to index
        %swap3A_1080 = arith.index_cast %scan3A_114 : i32 to index
        %swap3A_1081 = arith.constant 480 : index
        %swap3A_1082 = tpu.vector_load %arg5[%swap3A_1079, %swap3A_1080, %swap3A_1081] {strides = array<i32>} : memref<4x16x768xf32, #tpu.memory_space<vmem>>, vector<1x1x16xf32>,
        %swap3A_1083 = vector.shape_cast %swap3A_1082 : vector<1x1x16xf32> to vector<16xf32>
        %swap3A_1084 = vector.shape_cast %get3A_1077 : vector<16xf32> to vector<1x1x16xf32>
        tpu.vector_store %arg5[%swap3A_1079, %swap3A_1080, %swap3A_1081], %swap3A_1084 {add = true, strides = array<i32>} : memref<4x16x768xf32, #tpu.memory_space<vmem>>, vector<1x1x16xf32>,
        %swap3A_1085 = arith.constant 1 : i32
        %swap3A_1086 = arith.index_cast %swap3A_1085 : i32 to index
        %swap3A_1087 = arith.index_cast %scan3A_114 : i32 to index
        %swap3A_1088 = arith.constant 480 : index
        %swap3A_1089 = tpu.vector_load %arg5[%swap3A_1086, %swap3A_1087, %swap3A_1088] {strides = array<i32>} : memref<4x16x768xf32, #tpu.memory_space<vmem>>, vector<1x1x16xf32>,
        %swap3A_1090 = vector.shape_cast %swap3A_1089 : vector<1x1x16xf32> to vector<16xf32>
        %swap3A_1091 = vector.shape_cast %get3A_1077 : vector<16xf32> to vector<1x1x16xf32>
        tpu.vector_store %arg5[%swap3A_1086, %swap3A_1087, %swap3A_1088], %swap3A_1091 {add = true, strides = array<i32>} : memref<4x16x768xf32, #tpu.memory_space<vmem>>, vector<1x1x16xf32>,
        %swap3A_1092 = arith.constant 2 : i32
        %swap3A_1093 = arith.index_cast %swap3A_1092 : i32 to index
        %swap3A_1094 = arith.index_cast %scan3A_114 : i32 to index
        %swap3A_1095 = arith.constant 480 : index
        %swap3A_1096 = tpu.vector_load %arg5[%swap3A_1093, %swap3A_1094, %swap3A_1095] {strides = array<i32>} : memref<4x16x768xf32, #tpu.memory_space<vmem>>, vector<1x1x16xf32>,
        %swap3A_1097 = vector.shape_cast %swap3A_1096 : vector<1x1x16xf32> to vector<16xf32>
        %swap3A_1098 = vector.shape_cast %get3A_1077 : vector<16xf32> to vector<1x1x16xf32>
        tpu.vector_store %arg5[%swap3A_1093, %swap3A_1094, %swap3A_1095], %swap3A_1098 {add = true, strides = array<i32>} : memref<4x16x768xf32, #tpu.memory_space<vmem>>, vector<1x1x16xf32>,
        %swap3A_1099 = arith.constant 3 : i32
        %swap3A_1100 = arith.index_cast %swap3A_1099 : i32 to index
        %swap3A_1101 = arith.index_cast %scan3A_114 : i32 to index
        %swap3A_1102 = arith.constant 480 : index
        %swap3A_1103 = tpu.vector_load %arg5[%swap3A_1100, %swap3A_1101, %swap3A_1102] {strides = array<i32>} : memref<4x16x768xf32, #tpu.memory_space<vmem>>, vector<1x1x16xf32>,
        %swap3A_1104 = vector.shape_cast %swap3A_1103 : vector<1x1x16xf32> to vector<16xf32>
        %swap3A_1105 = vector.shape_cast %get3A_1077 : vector<16xf32> to vector<1x1x16xf32>
        tpu.vector_store %arg5[%swap3A_1100, %swap3A_1101, %swap3A_1102], %swap3A_1105 {add = true, strides = array<i32>} : memref<4x16x768xf32, #tpu.memory_space<vmem>>, vector<1x1x16xf32>,
        %get3A_1106 = arith.index_cast %scan3A_114 : i32 to index
        %get3A_1107 = arith.constant 496 : index
        %get3A_1108 = tpu.vector_load %arg7[%get3A_1106, %get3A_1107] {strides = array<i32>} : memref<16x768xf32, #tpu.memory_space<vmem>>, vector<1x16xf32>,
        %get3A_1109 = vector.shape_cast %get3A_1108 : vector<1x16xf32> to vector<16xf32>
        %swap3A_1110 = arith.constant 0 : i32
        %swap3A_1111 = arith.index_cast %swap3A_1110 : i32 to index
        %swap3A_1112 = arith.index_cast %scan3A_114 : i32 to index
        %swap3A_1113 = arith.constant 496 : index
        %swap3A_1114 = tpu.vector_load %arg5[%swap3A_1111, %swap3A_1112, %swap3A_1113] {strides = array<i32>} : memref<4x16x768xf32, #tpu.memory_space<vmem>>, vector<1x1x16xf32>,
        %swap3A_1115 = vector.shape_cast %swap3A_1114 : vector<1x1x16xf32> to vector<16xf32>
        %swap3A_1116 = vector.shape_cast %get3A_1109 : vector<16xf32> to vector<1x1x16xf32>
        tpu.vector_store %arg5[%swap3A_1111, %swap3A_1112, %swap3A_1113], %swap3A_1116 {add = true, strides = array<i32>} : memref<4x16x768xf32, #tpu.memory_space<vmem>>, vector<1x1x16xf32>,
        %swap3A_1117 = arith.constant 1 : i32
        %swap3A_1118 = arith.index_cast %swap3A_1117 : i32 to index
        %swap3A_1119 = arith.index_cast %scan3A_114 : i32 to index
        %swap3A_1120 = arith.constant 496 : index
        %swap3A_1121 = tpu.vector_load %arg5[%swap3A_1118, %swap3A_1119, %swap3A_1120] {strides = array<i32>} : memref<4x16x768xf32, #tpu.memory_space<vmem>>, vector<1x1x16xf32>,
        %swap3A_1122 = vector.shape_cast %swap3A_1121 : vector<1x1x16xf32> to vector<16xf32>
        %swap3A_1123 = vector.shape_cast %get3A_1109 : vector<16xf32> to vector<1x1x16xf32>
        tpu.vector_store %arg5[%swap3A_1118, %swap3A_1119, %swap3A_1120], %swap3A_1123 {add = true, strides = array<i32>} : memref<4x16x768xf32, #tpu.memory_space<vmem>>, vector<1x1x16xf32>,
        %swap3A_1124 = arith.constant 2 : i32
        %swap3A_1125 = arith.index_cast %swap3A_1124 : i32 to index
        %swap3A_1126 = arith.index_cast %scan3A_114 : i32 to index
        %swap3A_1127 = arith.constant 496 : index
        %swap3A_1128 = tpu.vector_load %arg5[%swap3A_1125, %swap3A_1126, %swap3A_1127] {strides = array<i32>} : memref<4x16x768xf32, #tpu.memory_space<vmem>>, vector<1x1x16xf32>,
        %swap3A_1129 = vector.shape_cast %swap3A_1128 : vector<1x1x16xf32> to vector<16xf32>
        %swap3A_1130 = vector.shape_cast %get3A_1109 : vector<16xf32> to vector<1x1x16xf32>
        tpu.vector_store %arg5[%swap3A_1125, %swap3A_1126, %swap3A_1127], %swap3A_1130 {add = true, strides = array<i32>} : memref<4x16x768xf32, #tpu.memory_space<vmem>>, vector<1x1x16xf32>,
        %swap3A_1131 = arith.constant 3 : i32
        %swap3A_1132 = arith.index_cast %swap3A_1131 : i32 to index
        %swap3A_1133 = arith.index_cast %scan3A_114 : i32 to index
        %swap3A_1134 = arith.constant 496 : index
        %swap3A_1135 = tpu.vector_load %arg5[%swap3A_1132, %swap3A_1133, %swap3A_1134] {strides = array<i32>} : memref<4x16x768xf32, #tpu.memory_space<vmem>>, vector<1x1x16xf32>,
        %swap3A_1136 = vector.shape_cast %swap3A_1135 : vector<1x1x16xf32> to vector<16xf32>
        %swap3A_1137 = vector.shape_cast %get3A_1109 : vector<16xf32> to vector<1x1x16xf32>
        tpu.vector_store %arg5[%swap3A_1132, %swap3A_1133, %swap3A_1134], %swap3A_1137 {add = true, strides = array<i32>} : memref<4x16x768xf32, #tpu.memory_space<vmem>>, vector<1x1x16xf32>,
        %get3A_1138 = arith.index_cast %scan3A_114 : i32 to index
        %get3A_1139 = arith.constant 512 : index
        %get3A_1140 = tpu.vector_load %arg7[%get3A_1138, %get3A_1139] {strides = array<i32>} : memref<16x768xf32, #tpu.memory_space<vmem>>, vector<1x16xf32>,
        %get3A_1141 = vector.shape_cast %get3A_1140 : vector<1x16xf32> to vector<16xf32>
        %swap3A_1142 = arith.constant 0 : i32
        %swap3A_1143 = arith.index_cast %swap3A_1142 : i32 to index
        %swap3A_1144 = arith.index_cast %scan3A_114 : i32 to index
        %swap3A_1145 = arith.constant 512 : index
        %swap3A_1146 = tpu.vector_load %arg5[%swap3A_1143, %swap3A_1144, %swap3A_1145] {strides = array<i32>} : memref<4x16x768xf32, #tpu.memory_space<vmem>>, vector<1x1x16xf32>,
        %swap3A_1147 = vector.shape_cast %swap3A_1146 : vector<1x1x16xf32> to vector<16xf32>
        %swap3A_1148 = vector.shape_cast %get3A_1141 : vector<16xf32> to vector<1x1x16xf32>
        tpu.vector_store %arg5[%swap3A_1143, %swap3A_1144, %swap3A_1145], %swap3A_1148 {add = true, strides = array<i32>} : memref<4x16x768xf32, #tpu.memory_space<vmem>>, vector<1x1x16xf32>,
        %swap3A_1149 = arith.constant 1 : i32
        %swap3A_1150 = arith.index_cast %swap3A_1149 : i32 to index
        %swap3A_1151 = arith.index_cast %scan3A_114 : i32 to index
        %swap3A_1152 = arith.constant 512 : index
        %swap3A_1153 = tpu.vector_load %arg5[%swap3A_1150, %swap3A_1151, %swap3A_1152] {strides = array<i32>} : memref<4x16x768xf32, #tpu.memory_space<vmem>>, vector<1x1x16xf32>,
        %swap3A_1154 = vector.shape_cast %swap3A_1153 : vector<1x1x16xf32> to vector<16xf32>
        %swap3A_1155 = vector.shape_cast %get3A_1141 : vector<16xf32> to vector<1x1x16xf32>
        tpu.vector_store %arg5[%swap3A_1150, %swap3A_1151, %swap3A_1152], %swap3A_1155 {add = true, strides = array<i32>} : memref<4x16x768xf32, #tpu.memory_space<vmem>>, vector<1x1x16xf32>,
        %swap3A_1156 = arith.constant 2 : i32
        %swap3A_1157 = arith.index_cast %swap3A_1156 : i32 to index
        %swap3A_1158 = arith.index_cast %scan3A_114 : i32 to index
        %swap3A_1159 = arith.constant 512 : index
        %swap3A_1160 = tpu.vector_load %arg5[%swap3A_1157, %swap3A_1158, %swap3A_1159] {strides = array<i32>} : memref<4x16x768xf32, #tpu.memory_space<vmem>>, vector<1x1x16xf32>,
        %swap3A_1161 = vector.shape_cast %swap3A_1160 : vector<1x1x16xf32> to vector<16xf32>
        %swap3A_1162 = vector.shape_cast %get3A_1141 : vector<16xf32> to vector<1x1x16xf32>
        tpu.vector_store %arg5[%swap3A_1157, %swap3A_1158, %swap3A_1159], %swap3A_1162 {add = true, strides = array<i32>} : memref<4x16x768xf32, #tpu.memory_space<vmem>>, vector<1x1x16xf32>,
        %swap3A_1163 = arith.constant 3 : i32
        %swap3A_1164 = arith.index_cast %swap3A_1163 : i32 to index
        %swap3A_1165 = arith.index_cast %scan3A_114 : i32 to index
        %swap3A_1166 = arith.constant 512 : index
        %swap3A_1167 = tpu.vector_load %arg5[%swap3A_1164, %swap3A_1165, %swap3A_1166] {strides = array<i32>} : memref<4x16x768xf32, #tpu.memory_space<vmem>>, vector<1x1x16xf32>,
        %swap3A_1168 = vector.shape_cast %swap3A_1167 : vector<1x1x16xf32> to vector<16xf32>
        %swap3A_1169 = vector.shape_cast %get3A_1141 : vector<16xf32> to vector<1x1x16xf32>
        tpu.vector_store %arg5[%swap3A_1164, %swap3A_1165, %swap3A_1166], %swap3A_1169 {add = true, strides = array<i32>} : memref<4x16x768xf32, #tpu.memory_space<vmem>>, vector<1x1x16xf32>,
        %get3A_1170 = arith.index_cast %scan3A_114 : i32 to index
        %get3A_1171 = arith.constant 528 : index
        %get3A_1172 = tpu.vector_load %arg7[%get3A_1170, %get3A_1171] {strides = array<i32>} : memref<16x768xf32, #tpu.memory_space<vmem>>, vector<1x16xf32>,
        %get3A_1173 = vector.shape_cast %get3A_1172 : vector<1x16xf32> to vector<16xf32>
        %swap3A_1174 = arith.constant 0 : i32
        %swap3A_1175 = arith.index_cast %swap3A_1174 : i32 to index
        %swap3A_1176 = arith.index_cast %scan3A_114 : i32 to index
        %swap3A_1177 = arith.constant 528 : index
        %swap3A_1178 = tpu.vector_load %arg5[%swap3A_1175, %swap3A_1176, %swap3A_1177] {strides = array<i32>} : memref<4x16x768xf32, #tpu.memory_space<vmem>>, vector<1x1x16xf32>,
        %swap3A_1179 = vector.shape_cast %swap3A_1178 : vector<1x1x16xf32> to vector<16xf32>
        %swap3A_1180 = vector.shape_cast %get3A_1173 : vector<16xf32> to vector<1x1x16xf32>
        tpu.vector_store %arg5[%swap3A_1175, %swap3A_1176, %swap3A_1177], %swap3A_1180 {add = true, strides = array<i32>} : memref<4x16x768xf32, #tpu.memory_space<vmem>>, vector<1x1x16xf32>,
        %swap3A_1181 = arith.constant 1 : i32
        %swap3A_1182 = arith.index_cast %swap3A_1181 : i32 to index
        %swap3A_1183 = arith.index_cast %scan3A_114 : i32 to index
        %swap3A_1184 = arith.constant 528 : index
        %swap3A_1185 = tpu.vector_load %arg5[%swap3A_1182, %swap3A_1183, %swap3A_1184] {strides = array<i32>} : memref<4x16x768xf32, #tpu.memory_space<vmem>>, vector<1x1x16xf32>,
        %swap3A_1186 = vector.shape_cast %swap3A_1185 : vector<1x1x16xf32> to vector<16xf32>
        %swap3A_1187 = vector.shape_cast %get3A_1173 : vector<16xf32> to vector<1x1x16xf32>
        tpu.vector_store %arg5[%swap3A_1182, %swap3A_1183, %swap3A_1184], %swap3A_1187 {add = true, strides = array<i32>} : memref<4x16x768xf32, #tpu.memory_space<vmem>>, vector<1x1x16xf32>,
        %swap3A_1188 = arith.constant 2 : i32
        %swap3A_1189 = arith.index_cast %swap3A_1188 : i32 to index
        %swap3A_1190 = arith.index_cast %scan3A_114 : i32 to index
        %swap3A_1191 = arith.constant 528 : index
        %swap3A_1192 = tpu.vector_load %arg5[%swap3A_1189, %swap3A_1190, %swap3A_1191] {strides = array<i32>} : memref<4x16x768xf32, #tpu.memory_space<vmem>>, vector<1x1x16xf32>,
        %swap3A_1193 = vector.shape_cast %swap3A_1192 : vector<1x1x16xf32> to vector<16xf32>
        %swap3A_1194 = vector.shape_cast %get3A_1173 : vector<16xf32> to vector<1x1x16xf32>
        tpu.vector_store %arg5[%swap3A_1189, %swap3A_1190, %swap3A_1191], %swap3A_1194 {add = true, strides = array<i32>} : memref<4x16x768xf32, #tpu.memory_space<vmem>>, vector<1x1x16xf32>,
        %swap3A_1195 = arith.constant 3 : i32
        %swap3A_1196 = arith.index_cast %swap3A_1195 : i32 to index
        %swap3A_1197 = arith.index_cast %scan3A_114 : i32 to index
        %swap3A_1198 = arith.constant 528 : index
        %swap3A_1199 = tpu.vector_load %arg5[%swap3A_1196, %swap3A_1197, %swap3A_1198] {strides = array<i32>} : memref<4x16x768xf32, #tpu.memory_space<vmem>>, vector<1x1x16xf32>,
        %swap3A_1200 = vector.shape_cast %swap3A_1199 : vector<1x1x16xf32> to vector<16xf32>
        %swap3A_1201 = vector.shape_cast %get3A_1173 : vector<16xf32> to vector<1x1x16xf32>
        tpu.vector_store %arg5[%swap3A_1196, %swap3A_1197, %swap3A_1198], %swap3A_1201 {add = true, strides = array<i32>} : memref<4x16x768xf32, #tpu.memory_space<vmem>>, vector<1x1x16xf32>,
        %get3A_1202 = arith.index_cast %scan3A_114 : i32 to index
        %get3A_1203 = arith.constant 544 : index
        %get3A_1204 = tpu.vector_load %arg7[%get3A_1202, %get3A_1203] {strides = array<i32>} : memref<16x768xf32, #tpu.memory_space<vmem>>, vector<1x16xf32>,
        %get3A_1205 = vector.shape_cast %get3A_1204 : vector<1x16xf32> to vector<16xf32>
        %swap3A_1206 = arith.constant 0 : i32
        %swap3A_1207 = arith.index_cast %swap3A_1206 : i32 to index
        %swap3A_1208 = arith.index_cast %scan3A_114 : i32 to index
        %swap3A_1209 = arith.constant 544 : index
        %swap3A_1210 = tpu.vector_load %arg5[%swap3A_1207, %swap3A_1208, %swap3A_1209] {strides = array<i32>} : memref<4x16x768xf32, #tpu.memory_space<vmem>>, vector<1x1x16xf32>,
        %swap3A_1211 = vector.shape_cast %swap3A_1210 : vector<1x1x16xf32> to vector<16xf32>
        %swap3A_1212 = vector.shape_cast %get3A_1205 : vector<16xf32> to vector<1x1x16xf32>
        tpu.vector_store %arg5[%swap3A_1207, %swap3A_1208, %swap3A_1209], %swap3A_1212 {add = true, strides = array<i32>} : memref<4x16x768xf32, #tpu.memory_space<vmem>>, vector<1x1x16xf32>,
        %swap3A_1213 = arith.constant 1 : i32
        %swap3A_1214 = arith.index_cast %swap3A_1213 : i32 to index
        %swap3A_1215 = arith.index_cast %scan3A_114 : i32 to index
        %swap3A_1216 = arith.constant 544 : index
        %swap3A_1217 = tpu.vector_load %arg5[%swap3A_1214, %swap3A_1215, %swap3A_1216] {strides = array<i32>} : memref<4x16x768xf32, #tpu.memory_space<vmem>>, vector<1x1x16xf32>,
        %swap3A_1218 = vector.shape_cast %swap3A_1217 : vector<1x1x16xf32> to vector<16xf32>
        %swap3A_1219 = vector.shape_cast %get3A_1205 : vector<16xf32> to vector<1x1x16xf32>
        tpu.vector_store %arg5[%swap3A_1214, %swap3A_1215, %swap3A_1216], %swap3A_1219 {add = true, strides = array<i32>} : memref<4x16x768xf32, #tpu.memory_space<vmem>>, vector<1x1x16xf32>,
        %swap3A_1220 = arith.constant 2 : i32
        %swap3A_1221 = arith.index_cast %swap3A_1220 : i32 to index
        %swap3A_1222 = arith.index_cast %scan3A_114 : i32 to index
        %swap3A_1223 = arith.constant 544 : index
        %swap3A_1224 = tpu.vector_load %arg5[%swap3A_1221, %swap3A_1222, %swap3A_1223] {strides = array<i32>} : memref<4x16x768xf32, #tpu.memory_space<vmem>>, vector<1x1x16xf32>,
        %swap3A_1225 = vector.shape_cast %swap3A_1224 : vector<1x1x16xf32> to vector<16xf32>
        %swap3A_1226 = vector.shape_cast %get3A_1205 : vector<16xf32> to vector<1x1x16xf32>
        tpu.vector_store %arg5[%swap3A_1221, %swap3A_1222, %swap3A_1223], %swap3A_1226 {add = true, strides = array<i32>} : memref<4x16x768xf32, #tpu.memory_space<vmem>>, vector<1x1x16xf32>,
        %swap3A_1227 = arith.constant 3 : i32
        %swap3A_1228 = arith.index_cast %swap3A_1227 : i32 to index
        %swap3A_1229 = arith.index_cast %scan3A_114 : i32 to index
        %swap3A_1230 = arith.constant 544 : index
        %swap3A_1231 = tpu.vector_load %arg5[%swap3A_1228, %swap3A_1229, %swap3A_1230] {strides = array<i32>} : memref<4x16x768xf32, #tpu.memory_space<vmem>>, vector<1x1x16xf32>,
        %swap3A_1232 = vector.shape_cast %swap3A_1231 : vector<1x1x16xf32> to vector<16xf32>
        %swap3A_1233 = vector.shape_cast %get3A_1205 : vector<16xf32> to vector<1x1x16xf32>
        tpu.vector_store %arg5[%swap3A_1228, %swap3A_1229, %swap3A_1230], %swap3A_1233 {add = true, strides = array<i32>} : memref<4x16x768xf32, #tpu.memory_space<vmem>>, vector<1x1x16xf32>,
        %get3A_1234 = arith.index_cast %scan3A_114 : i32 to index
        %get3A_1235 = arith.constant 560 : index
        %get3A_1236 = tpu.vector_load %arg7[%get3A_1234, %get3A_1235] {strides = array<i32>} : memref<16x768xf32, #tpu.memory_space<vmem>>, vector<1x16xf32>,
        %get3A_1237 = vector.shape_cast %get3A_1236 : vector<1x16xf32> to vector<16xf32>
        %swap3A_1238 = arith.constant 0 : i32
        %swap3A_1239 = arith.index_cast %swap3A_1238 : i32 to index
        %swap3A_1240 = arith.index_cast %scan3A_114 : i32 to index
        %swap3A_1241 = arith.constant 560 : index
        %swap3A_1242 = tpu.vector_load %arg5[%swap3A_1239, %swap3A_1240, %swap3A_1241] {strides = array<i32>} : memref<4x16x768xf32, #tpu.memory_space<vmem>>, vector<1x1x16xf32>,
        %swap3A_1243 = vector.shape_cast %swap3A_1242 : vector<1x1x16xf32> to vector<16xf32>
        %swap3A_1244 = vector.shape_cast %get3A_1237 : vector<16xf32> to vector<1x1x16xf32>
        tpu.vector_store %arg5[%swap3A_1239, %swap3A_1240, %swap3A_1241], %swap3A_1244 {add = true, strides = array<i32>} : memref<4x16x768xf32, #tpu.memory_space<vmem>>, vector<1x1x16xf32>,
        %swap3A_1245 = arith.constant 1 : i32
        %swap3A_1246 = arith.index_cast %swap3A_1245 : i32 to index
        %swap3A_1247 = arith.index_cast %scan3A_114 : i32 to index
        %swap3A_1248 = arith.constant 560 : index
        %swap3A_1249 = tpu.vector_load %arg5[%swap3A_1246, %swap3A_1247, %swap3A_1248] {strides = array<i32>} : memref<4x16x768xf32, #tpu.memory_space<vmem>>, vector<1x1x16xf32>,
        %swap3A_1250 = vector.shape_cast %swap3A_1249 : vector<1x1x16xf32> to vector<16xf32>
        %swap3A_1251 = vector.shape_cast %get3A_1237 : vector<16xf32> to vector<1x1x16xf32>
        tpu.vector_store %arg5[%swap3A_1246, %swap3A_1247, %swap3A_1248], %swap3A_1251 {add = true, strides = array<i32>} : memref<4x16x768xf32, #tpu.memory_space<vmem>>, vector<1x1x16xf32>,
        %swap3A_1252 = arith.constant 2 : i32
        %swap3A_1253 = arith.index_cast %swap3A_1252 : i32 to index
        %swap3A_1254 = arith.index_cast %scan3A_114 : i32 to index
        %swap3A_1255 = arith.constant 560 : index
        %swap3A_1256 = tpu.vector_load %arg5[%swap3A_1253, %swap3A_1254, %swap3A_1255] {strides = array<i32>} : memref<4x16x768xf32, #tpu.memory_space<vmem>>, vector<1x1x16xf32>,
        %swap3A_1257 = vector.shape_cast %swap3A_1256 : vector<1x1x16xf32> to vector<16xf32>
        %swap3A_1258 = vector.shape_cast %get3A_1237 : vector<16xf32> to vector<1x1x16xf32>
        tpu.vector_store %arg5[%swap3A_1253, %swap3A_1254, %swap3A_1255], %swap3A_1258 {add = true, strides = array<i32>} : memref<4x16x768xf32, #tpu.memory_space<vmem>>, vector<1x1x16xf32>,
        %swap3A_1259 = arith.constant 3 : i32
        %swap3A_1260 = arith.index_cast %swap3A_1259 : i32 to index
        %swap3A_1261 = arith.index_cast %scan3A_114 : i32 to index
        %swap3A_1262 = arith.constant 560 : index
        %swap3A_1263 = tpu.vector_load %arg5[%swap3A_1260, %swap3A_1261, %swap3A_1262] {strides = array<i32>} : memref<4x16x768xf32, #tpu.memory_space<vmem>>, vector<1x1x16xf32>,
        %swap3A_1264 = vector.shape_cast %swap3A_1263 : vector<1x1x16xf32> to vector<16xf32>
        %swap3A_1265 = vector.shape_cast %get3A_1237 : vector<16xf32> to vector<1x1x16xf32>
        tpu.vector_store %arg5[%swap3A_1260, %swap3A_1261, %swap3A_1262], %swap3A_1265 {add = true, strides = array<i32>} : memref<4x16x768xf32, #tpu.memory_space<vmem>>, vector<1x1x16xf32>,
        %get3A_1266 = arith.index_cast %scan3A_114 : i32 to index
        %get3A_1267 = arith.constant 576 : index
        %get3A_1268 = tpu.vector_load %arg7[%get3A_1266, %get3A_1267] {strides = array<i32>} : memref<16x768xf32, #tpu.memory_space<vmem>>, vector<1x16xf32>,
        %get3A_1269 = vector.shape_cast %get3A_1268 : vector<1x16xf32> to vector<16xf32>
        %swap3A_1270 = arith.constant 0 : i32
        %swap3A_1271 = arith.index_cast %swap3A_1270 : i32 to index
        %swap3A_1272 = arith.index_cast %scan3A_114 : i32 to index
        %swap3A_1273 = arith.constant 576 : index
        %swap3A_1274 = tpu.vector_load %arg5[%swap3A_1271, %swap3A_1272, %swap3A_1273] {strides = array<i32>} : memref<4x16x768xf32, #tpu.memory_space<vmem>>, vector<1x1x16xf32>,
        %swap3A_1275 = vector.shape_cast %swap3A_1274 : vector<1x1x16xf32> to vector<16xf32>
        %swap3A_1276 = vector.shape_cast %get3A_1269 : vector<16xf32> to vector<1x1x16xf32>
        tpu.vector_store %arg5[%swap3A_1271, %swap3A_1272, %swap3A_1273], %swap3A_1276 {add = true, strides = array<i32>} : memref<4x16x768xf32, #tpu.memory_space<vmem>>, vector<1x1x16xf32>,
        %swap3A_1277 = arith.constant 1 : i32
        %swap3A_1278 = arith.index_cast %swap3A_1277 : i32 to index
        %swap3A_1279 = arith.index_cast %scan3A_114 : i32 to index
        %swap3A_1280 = arith.constant 576 : index
        %swap3A_1281 = tpu.vector_load %arg5[%swap3A_1278, %swap3A_1279, %swap3A_1280] {strides = array<i32>} : memref<4x16x768xf32, #tpu.memory_space<vmem>>, vector<1x1x16xf32>,
        %swap3A_1282 = vector.shape_cast %swap3A_1281 : vector<1x1x16xf32> to vector<16xf32>
        %swap3A_1283 = vector.shape_cast %get3A_1269 : vector<16xf32> to vector<1x1x16xf32>
        tpu.vector_store %arg5[%swap3A_1278, %swap3A_1279, %swap3A_1280], %swap3A_1283 {add = true, strides = array<i32>} : memref<4x16x768xf32, #tpu.memory_space<vmem>>, vector<1x1x16xf32>,
        %swap3A_1284 = arith.constant 2 : i32
        %swap3A_1285 = arith.index_cast %swap3A_1284 : i32 to index
        %swap3A_1286 = arith.index_cast %scan3A_114 : i32 to index
        %swap3A_1287 = arith.constant 576 : index
        %swap3A_1288 = tpu.vector_load %arg5[%swap3A_1285, %swap3A_1286, %swap3A_1287] {strides = array<i32>} : memref<4x16x768xf32, #tpu.memory_space<vmem>>, vector<1x1x16xf32>,
        %swap3A_1289 = vector.shape_cast %swap3A_1288 : vector<1x1x16xf32> to vector<16xf32>
        %swap3A_1290 = vector.shape_cast %get3A_1269 : vector<16xf32> to vector<1x1x16xf32>
        tpu.vector_store %arg5[%swap3A_1285, %swap3A_1286, %swap3A_1287], %swap3A_1290 {add = true, strides = array<i32>} : memref<4x16x768xf32, #tpu.memory_space<vmem>>, vector<1x1x16xf32>,
        %swap3A_1291 = arith.constant 3 : i32
        %swap3A_1292 = arith.index_cast %swap3A_1291 : i32 to index
        %swap3A_1293 = arith.index_cast %scan3A_114 : i32 to index
        %swap3A_1294 = arith.constant 576 : index
        %swap3A_1295 = tpu.vector_load %arg5[%swap3A_1292, %swap3A_1293, %swap3A_1294] {strides = array<i32>} : memref<4x16x768xf32, #tpu.memory_space<vmem>>, vector<1x1x16xf32>,
        %swap3A_1296 = vector.shape_cast %swap3A_1295 : vector<1x1x16xf32> to vector<16xf32>
        %swap3A_1297 = vector.shape_cast %get3A_1269 : vector<16xf32> to vector<1x1x16xf32>
        tpu.vector_store %arg5[%swap3A_1292, %swap3A_1293, %swap3A_1294], %swap3A_1297 {add = true, strides = array<i32>} : memref<4x16x768xf32, #tpu.memory_space<vmem>>, vector<1x1x16xf32>,
        %get3A_1298 = arith.index_cast %scan3A_114 : i32 to index
        %get3A_1299 = arith.constant 592 : index
        %get3A_1300 = tpu.vector_load %arg7[%get3A_1298, %get3A_1299] {strides = array<i32>} : memref<16x768xf32, #tpu.memory_space<vmem>>, vector<1x16xf32>,
        %get3A_1301 = vector.shape_cast %get3A_1300 : vector<1x16xf32> to vector<16xf32>
        %swap3A_1302 = arith.constant 0 : i32
        %swap3A_1303 = arith.index_cast %swap3A_1302 : i32 to index
        %swap3A_1304 = arith.index_cast %scan3A_114 : i32 to index
        %swap3A_1305 = arith.constant 592 : index
        %swap3A_1306 = tpu.vector_load %arg5[%swap3A_1303, %swap3A_1304, %swap3A_1305] {strides = array<i32>} : memref<4x16x768xf32, #tpu.memory_space<vmem>>, vector<1x1x16xf32>,
        %swap3A_1307 = vector.shape_cast %swap3A_1306 : vector<1x1x16xf32> to vector<16xf32>
        %swap3A_1308 = vector.shape_cast %get3A_1301 : vector<16xf32> to vector<1x1x16xf32>
        tpu.vector_store %arg5[%swap3A_1303, %swap3A_1304, %swap3A_1305], %swap3A_1308 {add = true, strides = array<i32>} : memref<4x16x768xf32, #tpu.memory_space<vmem>>, vector<1x1x16xf32>,
        %swap3A_1309 = arith.constant 1 : i32
        %swap3A_1310 = arith.index_cast %swap3A_1309 : i32 to index
        %swap3A_1311 = arith.index_cast %scan3A_114 : i32 to index
        %swap3A_1312 = arith.constant 592 : index
        %swap3A_1313 = tpu.vector_load %arg5[%swap3A_1310, %swap3A_1311, %swap3A_1312] {strides = array<i32>} : memref<4x16x768xf32, #tpu.memory_space<vmem>>, vector<1x1x16xf32>,
        %swap3A_1314 = vector.shape_cast %swap3A_1313 : vector<1x1x16xf32> to vector<16xf32>
        %swap3A_1315 = vector.shape_cast %get3A_1301 : vector<16xf32> to vector<1x1x16xf32>
        tpu.vector_store %arg5[%swap3A_1310, %swap3A_1311, %swap3A_1312], %swap3A_1315 {add = true, strides = array<i32>} : memref<4x16x768xf32, #tpu.memory_space<vmem>>, vector<1x1x16xf32>,
        %swap3A_1316 = arith.constant 2 : i32
        %swap3A_1317 = arith.index_cast %swap3A_1316 : i32 to index
        %swap3A_1318 = arith.index_cast %scan3A_114 : i32 to index
        %swap3A_1319 = arith.constant 592 : index
        %swap3A_1320 = tpu.vector_load %arg5[%swap3A_1317, %swap3A_1318, %swap3A_1319] {strides = array<i32>} : memref<4x16x768xf32, #tpu.memory_space<vmem>>, vector<1x1x16xf32>,
        %swap3A_1321 = vector.shape_cast %swap3A_1320 : vector<1x1x16xf32> to vector<16xf32>
        %swap3A_1322 = vector.shape_cast %get3A_1301 : vector<16xf32> to vector<1x1x16xf32>
        tpu.vector_store %arg5[%swap3A_1317, %swap3A_1318, %swap3A_1319], %swap3A_1322 {add = true, strides = array<i32>} : memref<4x16x768xf32, #tpu.memory_space<vmem>>, vector<1x1x16xf32>,
        %swap3A_1323 = arith.constant 3 : i32
        %swap3A_1324 = arith.index_cast %swap3A_1323 : i32 to index
        %swap3A_1325 = arith.index_cast %scan3A_114 : i32 to index
        %swap3A_1326 = arith.constant 592 : index
        %swap3A_1327 = tpu.vector_load %arg5[%swap3A_1324, %swap3A_1325, %swap3A_1326] {strides = array<i32>} : memref<4x16x768xf32, #tpu.memory_space<vmem>>, vector<1x1x16xf32>,
        %swap3A_1328 = vector.shape_cast %swap3A_1327 : vector<1x1x16xf32> to vector<16xf32>
        %swap3A_1329 = vector.shape_cast %get3A_1301 : vector<16xf32> to vector<1x1x16xf32>
        tpu.vector_store %arg5[%swap3A_1324, %swap3A_1325, %swap3A_1326], %swap3A_1329 {add = true, strides = array<i32>} : memref<4x16x768xf32, #tpu.memory_space<vmem>>, vector<1x1x16xf32>,
        %get3A_1330 = arith.index_cast %scan3A_114 : i32 to index
        %get3A_1331 = arith.constant 608 : index
        %get3A_1332 = tpu.vector_load %arg7[%get3A_1330, %get3A_1331] {strides = array<i32>} : memref<16x768xf32, #tpu.memory_space<vmem>>, vector<1x16xf32>,
        %get3A_1333 = vector.shape_cast %get3A_1332 : vector<1x16xf32> to vector<16xf32>
        %swap3A_1334 = arith.constant 0 : i32
        %swap3A_1335 = arith.index_cast %swap3A_1334 : i32 to index
        %swap3A_1336 = arith.index_cast %scan3A_114 : i32 to index
        %swap3A_1337 = arith.constant 608 : index
        %swap3A_1338 = tpu.vector_load %arg5[%swap3A_1335, %swap3A_1336, %swap3A_1337] {strides = array<i32>} : memref<4x16x768xf32, #tpu.memory_space<vmem>>, vector<1x1x16xf32>,
        %swap3A_1339 = vector.shape_cast %swap3A_1338 : vector<1x1x16xf32> to vector<16xf32>
        %swap3A_1340 = vector.shape_cast %get3A_1333 : vector<16xf32> to vector<1x1x16xf32>
        tpu.vector_store %arg5[%swap3A_1335, %swap3A_1336, %swap3A_1337], %swap3A_1340 {add = true, strides = array<i32>} : memref<4x16x768xf32, #tpu.memory_space<vmem>>, vector<1x1x16xf32>,
        %swap3A_1341 = arith.constant 1 : i32
        %swap3A_1342 = arith.index_cast %swap3A_1341 : i32 to index
        %swap3A_1343 = arith.index_cast %scan3A_114 : i32 to index
        %swap3A_1344 = arith.constant 608 : index
        %swap3A_1345 = tpu.vector_load %arg5[%swap3A_1342, %swap3A_1343, %swap3A_1344] {strides = array<i32>} : memref<4x16x768xf32, #tpu.memory_space<vmem>>, vector<1x1x16xf32>,
        %swap3A_1346 = vector.shape_cast %swap3A_1345 : vector<1x1x16xf32> to vector<16xf32>
        %swap3A_1347 = vector.shape_cast %get3A_1333 : vector<16xf32> to vector<1x1x16xf32>
        tpu.vector_store %arg5[%swap3A_1342, %swap3A_1343, %swap3A_1344], %swap3A_1347 {add = true, strides = array<i32>} : memref<4x16x768xf32, #tpu.memory_space<vmem>>, vector<1x1x16xf32>,
        %swap3A_1348 = arith.constant 2 : i32
        %swap3A_1349 = arith.index_cast %swap3A_1348 : i32 to index
        %swap3A_1350 = arith.index_cast %scan3A_114 : i32 to index
        %swap3A_1351 = arith.constant 608 : index
        %swap3A_1352 = tpu.vector_load %arg5[%swap3A_1349, %swap3A_1350, %swap3A_1351] {strides = array<i32>} : memref<4x16x768xf32, #tpu.memory_space<vmem>>, vector<1x1x16xf32>,
        %swap3A_1353 = vector.shape_cast %swap3A_1352 : vector<1x1x16xf32> to vector<16xf32>
        %swap3A_1354 = vector.shape_cast %get3A_1333 : vector<16xf32> to vector<1x1x16xf32>
        tpu.vector_store %arg5[%swap3A_1349, %swap3A_1350, %swap3A_1351], %swap3A_1354 {add = true, strides = array<i32>} : memref<4x16x768xf32, #tpu.memory_space<vmem>>, vector<1x1x16xf32>,
        %swap3A_1355 = arith.constant 3 : i32
        %swap3A_1356 = arith.index_cast %swap3A_1355 : i32 to index
        %swap3A_1357 = arith.index_cast %scan3A_114 : i32 to index
        %swap3A_1358 = arith.constant 608 : index
        %swap3A_1359 = tpu.vector_load %arg5[%swap3A_1356, %swap3A_1357, %swap3A_1358] {strides = array<i32>} : memref<4x16x768xf32, #tpu.memory_space<vmem>>, vector<1x1x16xf32>,
        %swap3A_1360 = vector.shape_cast %swap3A_1359 : vector<1x1x16xf32> to vector<16xf32>
        %swap3A_1361 = vector.shape_cast %get3A_1333 : vector<16xf32> to vector<1x1x16xf32>
        tpu.vector_store %arg5[%swap3A_1356, %swap3A_1357, %swap3A_1358], %swap3A_1361 {add = true, strides = array<i32>} : memref<4x16x768xf32, #tpu.memory_space<vmem>>, vector<1x1x16xf32>,
        %get3A_1362 = arith.index_cast %scan3A_114 : i32 to index
        %get3A_1363 = arith.constant 624 : index
        %get3A_1364 = tpu.vector_load %arg7[%get3A_1362, %get3A_1363] {strides = array<i32>} : memref<16x768xf32, #tpu.memory_space<vmem>>, vector<1x16xf32>,
        %get3A_1365 = vector.shape_cast %get3A_1364 : vector<1x16xf32> to vector<16xf32>
        %swap3A_1366 = arith.constant 0 : i32
        %swap3A_1367 = arith.index_cast %swap3A_1366 : i32 to index
        %swap3A_1368 = arith.index_cast %scan3A_114 : i32 to index
        %swap3A_1369 = arith.constant 624 : index
        %swap3A_1370 = tpu.vector_load %arg5[%swap3A_1367, %swap3A_1368, %swap3A_1369] {strides = array<i32>} : memref<4x16x768xf32, #tpu.memory_space<vmem>>, vector<1x1x16xf32>,
        %swap3A_1371 = vector.shape_cast %swap3A_1370 : vector<1x1x16xf32> to vector<16xf32>
        %swap3A_1372 = vector.shape_cast %get3A_1365 : vector<16xf32> to vector<1x1x16xf32>
        tpu.vector_store %arg5[%swap3A_1367, %swap3A_1368, %swap3A_1369], %swap3A_1372 {add = true, strides = array<i32>} : memref<4x16x768xf32, #tpu.memory_space<vmem>>, vector<1x1x16xf32>,
        %swap3A_1373 = arith.constant 1 : i32
        %swap3A_1374 = arith.index_cast %swap3A_1373 : i32 to index
        %swap3A_1375 = arith.index_cast %scan3A_114 : i32 to index
        %swap3A_1376 = arith.constant 624 : index
        %swap3A_1377 = tpu.vector_load %arg5[%swap3A_1374, %swap3A_1375, %swap3A_1376] {strides = array<i32>} : memref<4x16x768xf32, #tpu.memory_space<vmem>>, vector<1x1x16xf32>,
        %swap3A_1378 = vector.shape_cast %swap3A_1377 : vector<1x1x16xf32> to vector<16xf32>
        %swap3A_1379 = vector.shape_cast %get3A_1365 : vector<16xf32> to vector<1x1x16xf32>
        tpu.vector_store %arg5[%swap3A_1374, %swap3A_1375, %swap3A_1376], %swap3A_1379 {add = true, strides = array<i32>} : memref<4x16x768xf32, #tpu.memory_space<vmem>>, vector<1x1x16xf32>,
        %swap3A_1380 = arith.constant 2 : i32
        %swap3A_1381 = arith.index_cast %swap3A_1380 : i32 to index
        %swap3A_1382 = arith.index_cast %scan3A_114 : i32 to index
        %swap3A_1383 = arith.constant 624 : index
        %swap3A_1384 = tpu.vector_load %arg5[%swap3A_1381, %swap3A_1382, %swap3A_1383] {strides = array<i32>} : memref<4x16x768xf32, #tpu.memory_space<vmem>>, vector<1x1x16xf32>,
        %swap3A_1385 = vector.shape_cast %swap3A_1384 : vector<1x1x16xf32> to vector<16xf32>
        %swap3A_1386 = vector.shape_cast %get3A_1365 : vector<16xf32> to vector<1x1x16xf32>
        tpu.vector_store %arg5[%swap3A_1381, %swap3A_1382, %swap3A_1383], %swap3A_1386 {add = true, strides = array<i32>} : memref<4x16x768xf32, #tpu.memory_space<vmem>>, vector<1x1x16xf32>,
        %swap3A_1387 = arith.constant 3 : i32
        %swap3A_1388 = arith.index_cast %swap3A_1387 : i32 to index
        %swap3A_1389 = arith.index_cast %scan3A_114 : i32 to index
        %swap3A_1390 = arith.constant 624 : index
        %swap3A_1391 = tpu.vector_load %arg5[%swap3A_1388, %swap3A_1389, %swap3A_1390] {strides = array<i32>} : memref<4x16x768xf32, #tpu.memory_space<vmem>>, vector<1x1x16xf32>,
        %swap3A_1392 = vector.shape_cast %swap3A_1391 : vector<1x1x16xf32> to vector<16xf32>
        %swap3A_1393 = vector.shape_cast %get3A_1365 : vector<16xf32> to vector<1x1x16xf32>
        tpu.vector_store %arg5[%swap3A_1388, %swap3A_1389, %swap3A_1390], %swap3A_1393 {add = true, strides = array<i32>} : memref<4x16x768xf32, #tpu.memory_space<vmem>>, vector<1x1x16xf32>,
        %get3A_1394 = arith.index_cast %scan3A_114 : i32 to index
        %get3A_1395 = arith.constant 640 : index
        %get3A_1396 = tpu.vector_load %arg7[%get3A_1394, %get3A_1395] {strides = array<i32>} : memref<16x768xf32, #tpu.memory_space<vmem>>, vector<1x16xf32>,
        %get3A_1397 = vector.shape_cast %get3A_1396 : vector<1x16xf32> to vector<16xf32>
        %swap3A_1398 = arith.constant 0 : i32
        %swap3A_1399 = arith.index_cast %swap3A_1398 : i32 to index
        %swap3A_1400 = arith.index_cast %scan3A_114 : i32 to index
        %swap3A_1401 = arith.constant 640 : index
        %swap3A_1402 = tpu.vector_load %arg5[%swap3A_1399, %swap3A_1400, %swap3A_1401] {strides = array<i32>} : memref<4x16x768xf32, #tpu.memory_space<vmem>>, vector<1x1x16xf32>,
        %swap3A_1403 = vector.shape_cast %swap3A_1402 : vector<1x1x16xf32> to vector<16xf32>
        %swap3A_1404 = vector.shape_cast %get3A_1397 : vector<16xf32> to vector<1x1x16xf32>
        tpu.vector_store %arg5[%swap3A_1399, %swap3A_1400, %swap3A_1401], %swap3A_1404 {add = true, strides = array<i32>} : memref<4x16x768xf32, #tpu.memory_space<vmem>>, vector<1x1x16xf32>,
        %swap3A_1405 = arith.constant 1 : i32
        %swap3A_1406 = arith.index_cast %swap3A_1405 : i32 to index
        %swap3A_1407 = arith.index_cast %scan3A_114 : i32 to index
        %swap3A_1408 = arith.constant 640 : index
        %swap3A_1409 = tpu.vector_load %arg5[%swap3A_1406, %swap3A_1407, %swap3A_1408] {strides = array<i32>} : memref<4x16x768xf32, #tpu.memory_space<vmem>>, vector<1x1x16xf32>,
        %swap3A_1410 = vector.shape_cast %swap3A_1409 : vector<1x1x16xf32> to vector<16xf32>
        %swap3A_1411 = vector.shape_cast %get3A_1397 : vector<16xf32> to vector<1x1x16xf32>
        tpu.vector_store %arg5[%swap3A_1406, %swap3A_1407, %swap3A_1408], %swap3A_1411 {add = true, strides = array<i32>} : memref<4x16x768xf32, #tpu.memory_space<vmem>>, vector<1x1x16xf32>,
        %swap3A_1412 = arith.constant 2 : i32
        %swap3A_1413 = arith.index_cast %swap3A_1412 : i32 to index
        %swap3A_1414 = arith.index_cast %scan3A_114 : i32 to index
        %swap3A_1415 = arith.constant 640 : index
        %swap3A_1416 = tpu.vector_load %arg5[%swap3A_1413, %swap3A_1414, %swap3A_1415] {strides = array<i32>} : memref<4x16x768xf32, #tpu.memory_space<vmem>>, vector<1x1x16xf32>,
        %swap3A_1417 = vector.shape_cast %swap3A_1416 : vector<1x1x16xf32> to vector<16xf32>
        %swap3A_1418 = vector.shape_cast %get3A_1397 : vector<16xf32> to vector<1x1x16xf32>
        tpu.vector_store %arg5[%swap3A_1413, %swap3A_1414, %swap3A_1415], %swap3A_1418 {add = true, strides = array<i32>} : memref<4x16x768xf32, #tpu.memory_space<vmem>>, vector<1x1x16xf32>,
        %swap3A_1419 = arith.constant 3 : i32
        %swap3A_1420 = arith.index_cast %swap3A_1419 : i32 to index
        %swap3A_1421 = arith.index_cast %scan3A_114 : i32 to index
        %swap3A_1422 = arith.constant 640 : index
        %swap3A_1423 = tpu.vector_load %arg5[%swap3A_1420, %swap3A_1421, %swap3A_1422] {strides = array<i32>} : memref<4x16x768xf32, #tpu.memory_space<vmem>>, vector<1x1x16xf32>,
        %swap3A_1424 = vector.shape_cast %swap3A_1423 : vector<1x1x16xf32> to vector<16xf32>
        %swap3A_1425 = vector.shape_cast %get3A_1397 : vector<16xf32> to vector<1x1x16xf32>
        tpu.vector_store %arg5[%swap3A_1420, %swap3A_1421, %swap3A_1422], %swap3A_1425 {add = true, strides = array<i32>} : memref<4x16x768xf32, #tpu.memory_space<vmem>>, vector<1x1x16xf32>,
        %get3A_1426 = arith.index_cast %scan3A_114 : i32 to index
        %get3A_1427 = arith.constant 656 : index
        %get3A_1428 = tpu.vector_load %arg7[%get3A_1426, %get3A_1427] {strides = array<i32>} : memref<16x768xf32, #tpu.memory_space<vmem>>, vector<1x16xf32>,
        %get3A_1429 = vector.shape_cast %get3A_1428 : vector<1x16xf32> to vector<16xf32>
        %swap3A_1430 = arith.constant 0 : i32
        %swap3A_1431 = arith.index_cast %swap3A_1430 : i32 to index
        %swap3A_1432 = arith.index_cast %scan3A_114 : i32 to index
        %swap3A_1433 = arith.constant 656 : index
        %swap3A_1434 = tpu.vector_load %arg5[%swap3A_1431, %swap3A_1432, %swap3A_1433] {strides = array<i32>} : memref<4x16x768xf32, #tpu.memory_space<vmem>>, vector<1x1x16xf32>,
        %swap3A_1435 = vector.shape_cast %swap3A_1434 : vector<1x1x16xf32> to vector<16xf32>
        %swap3A_1436 = vector.shape_cast %get3A_1429 : vector<16xf32> to vector<1x1x16xf32>
        tpu.vector_store %arg5[%swap3A_1431, %swap3A_1432, %swap3A_1433], %swap3A_1436 {add = true, strides = array<i32>} : memref<4x16x768xf32, #tpu.memory_space<vmem>>, vector<1x1x16xf32>,
        %swap3A_1437 = arith.constant 1 : i32
        %swap3A_1438 = arith.index_cast %swap3A_1437 : i32 to index
        %swap3A_1439 = arith.index_cast %scan3A_114 : i32 to index
        %swap3A_1440 = arith.constant 656 : index
        %swap3A_1441 = tpu.vector_load %arg5[%swap3A_1438, %swap3A_1439, %swap3A_1440] {strides = array<i32>} : memref<4x16x768xf32, #tpu.memory_space<vmem>>, vector<1x1x16xf32>,
        %swap3A_1442 = vector.shape_cast %swap3A_1441 : vector<1x1x16xf32> to vector<16xf32>
        %swap3A_1443 = vector.shape_cast %get3A_1429 : vector<16xf32> to vector<1x1x16xf32>
        tpu.vector_store %arg5[%swap3A_1438, %swap3A_1439, %swap3A_1440], %swap3A_1443 {add = true, strides = array<i32>} : memref<4x16x768xf32, #tpu.memory_space<vmem>>, vector<1x1x16xf32>,
        %swap3A_1444 = arith.constant 2 : i32
        %swap3A_1445 = arith.index_cast %swap3A_1444 : i32 to index
        %swap3A_1446 = arith.index_cast %scan3A_114 : i32 to index
        %swap3A_1447 = arith.constant 656 : index
        %swap3A_1448 = tpu.vector_load %arg5[%swap3A_1445, %swap3A_1446, %swap3A_1447] {strides = array<i32>} : memref<4x16x768xf32, #tpu.memory_space<vmem>>, vector<1x1x16xf32>,
        %swap3A_1449 = vector.shape_cast %swap3A_1448 : vector<1x1x16xf32> to vector<16xf32>
        %swap3A_1450 = vector.shape_cast %get3A_1429 : vector<16xf32> to vector<1x1x16xf32>
        tpu.vector_store %arg5[%swap3A_1445, %swap3A_1446, %swap3A_1447], %swap3A_1450 {add = true, strides = array<i32>} : memref<4x16x768xf32, #tpu.memory_space<vmem>>, vector<1x1x16xf32>,
        %swap3A_1451 = arith.constant 3 : i32
        %swap3A_1452 = arith.index_cast %swap3A_1451 : i32 to index
        %swap3A_1453 = arith.index_cast %scan3A_114 : i32 to index
        %swap3A_1454 = arith.constant 656 : index
        %swap3A_1455 = tpu.vector_load %arg5[%swap3A_1452, %swap3A_1453, %swap3A_1454] {strides = array<i32>} : memref<4x16x768xf32, #tpu.memory_space<vmem>>, vector<1x1x16xf32>,
        %swap3A_1456 = vector.shape_cast %swap3A_1455 : vector<1x1x16xf32> to vector<16xf32>
        %swap3A_1457 = vector.shape_cast %get3A_1429 : vector<16xf32> to vector<1x1x16xf32>
        tpu.vector_store %arg5[%swap3A_1452, %swap3A_1453, %swap3A_1454], %swap3A_1457 {add = true, strides = array<i32>} : memref<4x16x768xf32, #tpu.memory_space<vmem>>, vector<1x1x16xf32>,
        %get3A_1458 = arith.index_cast %scan3A_114 : i32 to index
        %get3A_1459 = arith.constant 672 : index
        %get3A_1460 = tpu.vector_load %arg7[%get3A_1458, %get3A_1459] {strides = array<i32>} : memref<16x768xf32, #tpu.memory_space<vmem>>, vector<1x16xf32>,
        %get3A_1461 = vector.shape_cast %get3A_1460 : vector<1x16xf32> to vector<16xf32>
        %swap3A_1462 = arith.constant 0 : i32
        %swap3A_1463 = arith.index_cast %swap3A_1462 : i32 to index
        %swap3A_1464 = arith.index_cast %scan3A_114 : i32 to index
        %swap3A_1465 = arith.constant 672 : index
        %swap3A_1466 = tpu.vector_load %arg5[%swap3A_1463, %swap3A_1464, %swap3A_1465] {strides = array<i32>} : memref<4x16x768xf32, #tpu.memory_space<vmem>>, vector<1x1x16xf32>,
        %swap3A_1467 = vector.shape_cast %swap3A_1466 : vector<1x1x16xf32> to vector<16xf32>
        %swap3A_1468 = vector.shape_cast %get3A_1461 : vector<16xf32> to vector<1x1x16xf32>
        tpu.vector_store %arg5[%swap3A_1463, %swap3A_1464, %swap3A_1465], %swap3A_1468 {add = true, strides = array<i32>} : memref<4x16x768xf32, #tpu.memory_space<vmem>>, vector<1x1x16xf32>,
        %swap3A_1469 = arith.constant 1 : i32
        %swap3A_1470 = arith.index_cast %swap3A_1469 : i32 to index
        %swap3A_1471 = arith.index_cast %scan3A_114 : i32 to index
        %swap3A_1472 = arith.constant 672 : index
        %swap3A_1473 = tpu.vector_load %arg5[%swap3A_1470, %swap3A_1471, %swap3A_1472] {strides = array<i32>} : memref<4x16x768xf32, #tpu.memory_space<vmem>>, vector<1x1x16xf32>,
        %swap3A_1474 = vector.shape_cast %swap3A_1473 : vector<1x1x16xf32> to vector<16xf32>
        %swap3A_1475 = vector.shape_cast %get3A_1461 : vector<16xf32> to vector<1x1x16xf32>
        tpu.vector_store %arg5[%swap3A_1470, %swap3A_1471, %swap3A_1472], %swap3A_1475 {add = true, strides = array<i32>} : memref<4x16x768xf32, #tpu.memory_space<vmem>>, vector<1x1x16xf32>,
        %swap3A_1476 = arith.constant 2 : i32
        %swap3A_1477 = arith.index_cast %swap3A_1476 : i32 to index
        %swap3A_1478 = arith.index_cast %scan3A_114 : i32 to index
        %swap3A_1479 = arith.constant 672 : index
        %swap3A_1480 = tpu.vector_load %arg5[%swap3A_1477, %swap3A_1478, %swap3A_1479] {strides = array<i32>} : memref<4x16x768xf32, #tpu.memory_space<vmem>>, vector<1x1x16xf32>,
        %swap3A_1481 = vector.shape_cast %swap3A_1480 : vector<1x1x16xf32> to vector<16xf32>
        %swap3A_1482 = vector.shape_cast %get3A_1461 : vector<16xf32> to vector<1x1x16xf32>
        tpu.vector_store %arg5[%swap3A_1477, %swap3A_1478, %swap3A_1479], %swap3A_1482 {add = true, strides = array<i32>} : memref<4x16x768xf32, #tpu.memory_space<vmem>>, vector<1x1x16xf32>,
        %swap3A_1483 = arith.constant 3 : i32
        %swap3A_1484 = arith.index_cast %swap3A_1483 : i32 to index
        %swap3A_1485 = arith.index_cast %scan3A_114 : i32 to index
        %swap3A_1486 = arith.constant 672 : index
        %swap3A_1487 = tpu.vector_load %arg5[%swap3A_1484, %swap3A_1485, %swap3A_1486] {strides = array<i32>} : memref<4x16x768xf32, #tpu.memory_space<vmem>>, vector<1x1x16xf32>,
        %swap3A_1488 = vector.shape_cast %swap3A_1487 : vector<1x1x16xf32> to vector<16xf32>
        %swap3A_1489 = vector.shape_cast %get3A_1461 : vector<16xf32> to vector<1x1x16xf32>
        tpu.vector_store %arg5[%swap3A_1484, %swap3A_1485, %swap3A_1486], %swap3A_1489 {add = true, strides = array<i32>} : memref<4x16x768xf32, #tpu.memory_space<vmem>>, vector<1x1x16xf32>,
        %get3A_1490 = arith.index_cast %scan3A_114 : i32 to index
        %get3A_1491 = arith.constant 688 : index
        %get3A_1492 = tpu.vector_load %arg7[%get3A_1490, %get3A_1491] {strides = array<i32>} : memref<16x768xf32, #tpu.memory_space<vmem>>, vector<1x16xf32>,
        %get3A_1493 = vector.shape_cast %get3A_1492 : vector<1x16xf32> to vector<16xf32>
        %swap3A_1494 = arith.constant 0 : i32
        %swap3A_1495 = arith.index_cast %swap3A_1494 : i32 to index
        %swap3A_1496 = arith.index_cast %scan3A_114 : i32 to index
        %swap3A_1497 = arith.constant 688 : index
        %swap3A_1498 = tpu.vector_load %arg5[%swap3A_1495, %swap3A_1496, %swap3A_1497] {strides = array<i32>} : memref<4x16x768xf32, #tpu.memory_space<vmem>>, vector<1x1x16xf32>,
        %swap3A_1499 = vector.shape_cast %swap3A_1498 : vector<1x1x16xf32> to vector<16xf32>
        %swap3A_1500 = vector.shape_cast %get3A_1493 : vector<16xf32> to vector<1x1x16xf32>
        tpu.vector_store %arg5[%swap3A_1495, %swap3A_1496, %swap3A_1497], %swap3A_1500 {add = true, strides = array<i32>} : memref<4x16x768xf32, #tpu.memory_space<vmem>>, vector<1x1x16xf32>,
        %swap3A_1501 = arith.constant 1 : i32
        %swap3A_1502 = arith.index_cast %swap3A_1501 : i32 to index
        %swap3A_1503 = arith.index_cast %scan3A_114 : i32 to index
        %swap3A_1504 = arith.constant 688 : index
        %swap3A_1505 = tpu.vector_load %arg5[%swap3A_1502, %swap3A_1503, %swap3A_1504] {strides = array<i32>} : memref<4x16x768xf32, #tpu.memory_space<vmem>>, vector<1x1x16xf32>,
        %swap3A_1506 = vector.shape_cast %swap3A_1505 : vector<1x1x16xf32> to vector<16xf32>
        %swap3A_1507 = vector.shape_cast %get3A_1493 : vector<16xf32> to vector<1x1x16xf32>
        tpu.vector_store %arg5[%swap3A_1502, %swap3A_1503, %swap3A_1504], %swap3A_1507 {add = true, strides = array<i32>} : memref<4x16x768xf32, #tpu.memory_space<vmem>>, vector<1x1x16xf32>,
        %swap3A_1508 = arith.constant 2 : i32
        %swap3A_1509 = arith.index_cast %swap3A_1508 : i32 to index
        %swap3A_1510 = arith.index_cast %scan3A_114 : i32 to index
        %swap3A_1511 = arith.constant 688 : index
        %swap3A_1512 = tpu.vector_load %arg5[%swap3A_1509, %swap3A_1510, %swap3A_1511] {strides = array<i32>} : memref<4x16x768xf32, #tpu.memory_space<vmem>>, vector<1x1x16xf32>,
        %swap3A_1513 = vector.shape_cast %swap3A_1512 : vector<1x1x16xf32> to vector<16xf32>
        %swap3A_1514 = vector.shape_cast %get3A_1493 : vector<16xf32> to vector<1x1x16xf32>
        tpu.vector_store %arg5[%swap3A_1509, %swap3A_1510, %swap3A_1511], %swap3A_1514 {add = true, strides = array<i32>} : memref<4x16x768xf32, #tpu.memory_space<vmem>>, vector<1x1x16xf32>,
        %swap3A_1515 = arith.constant 3 : i32
        %swap3A_1516 = arith.index_cast %swap3A_1515 : i32 to index
        %swap3A_1517 = arith.index_cast %scan3A_114 : i32 to index
        %swap3A_1518 = arith.constant 688 : index
        %swap3A_1519 = tpu.vector_load %arg5[%swap3A_1516, %swap3A_1517, %swap3A_1518] {strides = array<i32>} : memref<4x16x768xf32, #tpu.memory_space<vmem>>, vector<1x1x16xf32>,
        %swap3A_1520 = vector.shape_cast %swap3A_1519 : vector<1x1x16xf32> to vector<16xf32>
        %swap3A_1521 = vector.shape_cast %get3A_1493 : vector<16xf32> to vector<1x1x16xf32>
        tpu.vector_store %arg5[%swap3A_1516, %swap3A_1517, %swap3A_1518], %swap3A_1521 {add = true, strides = array<i32>} : memref<4x16x768xf32, #tpu.memory_space<vmem>>, vector<1x1x16xf32>,
        %get3A_1522 = arith.index_cast %scan3A_114 : i32 to index
        %get3A_1523 = arith.constant 704 : index
        %get3A_1524 = tpu.vector_load %arg7[%get3A_1522, %get3A_1523] {strides = array<i32>} : memref<16x768xf32, #tpu.memory_space<vmem>>, vector<1x16xf32>,
        %get3A_1525 = vector.shape_cast %get3A_1524 : vector<1x16xf32> to vector<16xf32>
        %swap3A_1526 = arith.constant 0 : i32
        %swap3A_1527 = arith.index_cast %swap3A_1526 : i32 to index
        %swap3A_1528 = arith.index_cast %scan3A_114 : i32 to index
        %swap3A_1529 = arith.constant 704 : index
        %swap3A_1530 = tpu.vector_load %arg5[%swap3A_1527, %swap3A_1528, %swap3A_1529] {strides = array<i32>} : memref<4x16x768xf32, #tpu.memory_space<vmem>>, vector<1x1x16xf32>,
        %swap3A_1531 = vector.shape_cast %swap3A_1530 : vector<1x1x16xf32> to vector<16xf32>
        %swap3A_1532 = vector.shape_cast %get3A_1525 : vector<16xf32> to vector<1x1x16xf32>
        tpu.vector_store %arg5[%swap3A_1527, %swap3A_1528, %swap3A_1529], %swap3A_1532 {add = true, strides = array<i32>} : memref<4x16x768xf32, #tpu.memory_space<vmem>>, vector<1x1x16xf32>,
        %swap3A_1533 = arith.constant 1 : i32
        %swap3A_1534 = arith.index_cast %swap3A_1533 : i32 to index
        %swap3A_1535 = arith.index_cast %scan3A_114 : i32 to index
        %swap3A_1536 = arith.constant 704 : index
        %swap3A_1537 = tpu.vector_load %arg5[%swap3A_1534, %swap3A_1535, %swap3A_1536] {strides = array<i32>} : memref<4x16x768xf32, #tpu.memory_space<vmem>>, vector<1x1x16xf32>,
        %swap3A_1538 = vector.shape_cast %swap3A_1537 : vector<1x1x16xf32> to vector<16xf32>
        %swap3A_1539 = vector.shape_cast %get3A_1525 : vector<16xf32> to vector<1x1x16xf32>
        tpu.vector_store %arg5[%swap3A_1534, %swap3A_1535, %swap3A_1536], %swap3A_1539 {add = true, strides = array<i32>} : memref<4x16x768xf32, #tpu.memory_space<vmem>>, vector<1x1x16xf32>,
        %swap3A_1540 = arith.constant 2 : i32
        %swap3A_1541 = arith.index_cast %swap3A_1540 : i32 to index
        %swap3A_1542 = arith.index_cast %scan3A_114 : i32 to index
        %swap3A_1543 = arith.constant 704 : index
        %swap3A_1544 = tpu.vector_load %arg5[%swap3A_1541, %swap3A_1542, %swap3A_1543] {strides = array<i32>} : memref<4x16x768xf32, #tpu.memory_space<vmem>>, vector<1x1x16xf32>,
        %swap3A_1545 = vector.shape_cast %swap3A_1544 : vector<1x1x16xf32> to vector<16xf32>
        %swap3A_1546 = vector.shape_cast %get3A_1525 : vector<16xf32> to vector<1x1x16xf32>
        tpu.vector_store %arg5[%swap3A_1541, %swap3A_1542, %swap3A_1543], %swap3A_1546 {add = true, strides = array<i32>} : memref<4x16x768xf32, #tpu.memory_space<vmem>>, vector<1x1x16xf32>,
        %swap3A_1547 = arith.constant 3 : i32
        %swap3A_1548 = arith.index_cast %swap3A_1547 : i32 to index
        %swap3A_1549 = arith.index_cast %scan3A_114 : i32 to index
        %swap3A_1550 = arith.constant 704 : index
        %swap3A_1551 = tpu.vector_load %arg5[%swap3A_1548, %swap3A_1549, %swap3A_1550] {strides = array<i32>} : memref<4x16x768xf32, #tpu.memory_space<vmem>>, vector<1x1x16xf32>,
        %swap3A_1552 = vector.shape_cast %swap3A_1551 : vector<1x1x16xf32> to vector<16xf32>
        %swap3A_1553 = vector.shape_cast %get3A_1525 : vector<16xf32> to vector<1x1x16xf32>
        tpu.vector_store %arg5[%swap3A_1548, %swap3A_1549, %swap3A_1550], %swap3A_1553 {add = true, strides = array<i32>} : memref<4x16x768xf32, #tpu.memory_space<vmem>>, vector<1x1x16xf32>,
        %get3A_1554 = arith.index_cast %scan3A_114 : i32 to index
        %get3A_1555 = arith.constant 720 : index
        %get3A_1556 = tpu.vector_load %arg7[%get3A_1554, %get3A_1555] {strides = array<i32>} : memref<16x768xf32, #tpu.memory_space<vmem>>, vector<1x16xf32>,
        %get3A_1557 = vector.shape_cast %get3A_1556 : vector<1x16xf32> to vector<16xf32>
        %swap3A_1558 = arith.constant 0 : i32
        %swap3A_1559 = arith.index_cast %swap3A_1558 : i32 to index
        %swap3A_1560 = arith.index_cast %scan3A_114 : i32 to index
        %swap3A_1561 = arith.constant 720 : index
        %swap3A_1562 = tpu.vector_load %arg5[%swap3A_1559, %swap3A_1560, %swap3A_1561] {strides = array<i32>} : memref<4x16x768xf32, #tpu.memory_space<vmem>>, vector<1x1x16xf32>,
        %swap3A_1563 = vector.shape_cast %swap3A_1562 : vector<1x1x16xf32> to vector<16xf32>
        %swap3A_1564 = vector.shape_cast %get3A_1557 : vector<16xf32> to vector<1x1x16xf32>
        tpu.vector_store %arg5[%swap3A_1559, %swap3A_1560, %swap3A_1561], %swap3A_1564 {add = true, strides = array<i32>} : memref<4x16x768xf32, #tpu.memory_space<vmem>>, vector<1x1x16xf32>,
        %swap3A_1565 = arith.constant 1 : i32
        %swap3A_1566 = arith.index_cast %swap3A_1565 : i32 to index
        %swap3A_1567 = arith.index_cast %scan3A_114 : i32 to index
        %swap3A_1568 = arith.constant 720 : index
        %swap3A_1569 = tpu.vector_load %arg5[%swap3A_1566, %swap3A_1567, %swap3A_1568] {strides = array<i32>} : memref<4x16x768xf32, #tpu.memory_space<vmem>>, vector<1x1x16xf32>,
        %swap3A_1570 = vector.shape_cast %swap3A_1569 : vector<1x1x16xf32> to vector<16xf32>
        %swap3A_1571 = vector.shape_cast %get3A_1557 : vector<16xf32> to vector<1x1x16xf32>
        tpu.vector_store %arg5[%swap3A_1566, %swap3A_1567, %swap3A_1568], %swap3A_1571 {add = true, strides = array<i32>} : memref<4x16x768xf32, #tpu.memory_space<vmem>>, vector<1x1x16xf32>,
        %swap3A_1572 = arith.constant 2 : i32
        %swap3A_1573 = arith.index_cast %swap3A_1572 : i32 to index
        %swap3A_1574 = arith.index_cast %scan3A_114 : i32 to index
        %swap3A_1575 = arith.constant 720 : index
        %swap3A_1576 = tpu.vector_load %arg5[%swap3A_1573, %swap3A_1574, %swap3A_1575] {strides = array<i32>} : memref<4x16x768xf32, #tpu.memory_space<vmem>>, vector<1x1x16xf32>,
        %swap3A_1577 = vector.shape_cast %swap3A_1576 : vector<1x1x16xf32> to vector<16xf32>
        %swap3A_1578 = vector.shape_cast %get3A_1557 : vector<16xf32> to vector<1x1x16xf32>
        tpu.vector_store %arg5[%swap3A_1573, %swap3A_1574, %swap3A_1575], %swap3A_1578 {add = true, strides = array<i32>} : memref<4x16x768xf32, #tpu.memory_space<vmem>>, vector<1x1x16xf32>,
        %swap3A_1579 = arith.constant 3 : i32
        %swap3A_1580 = arith.index_cast %swap3A_1579 : i32 to index
        %swap3A_1581 = arith.index_cast %scan3A_114 : i32 to index
        %swap3A_1582 = arith.constant 720 : index
        %swap3A_1583 = tpu.vector_load %arg5[%swap3A_1580, %swap3A_1581, %swap3A_1582] {strides = array<i32>} : memref<4x16x768xf32, #tpu.memory_space<vmem>>, vector<1x1x16xf32>,
        %swap3A_1584 = vector.shape_cast %swap3A_1583 : vector<1x1x16xf32> to vector<16xf32>
        %swap3A_1585 = vector.shape_cast %get3A_1557 : vector<16xf32> to vector<1x1x16xf32>
        tpu.vector_store %arg5[%swap3A_1580, %swap3A_1581, %swap3A_1582], %swap3A_1585 {add = true, strides = array<i32>} : memref<4x16x768xf32, #tpu.memory_space<vmem>>, vector<1x1x16xf32>,
        %get3A_1586 = arith.index_cast %scan3A_114 : i32 to index
        %get3A_1587 = arith.constant 736 : index
        %get3A_1588 = tpu.vector_load %arg7[%get3A_1586, %get3A_1587] {strides = array<i32>} : memref<16x768xf32, #tpu.memory_space<vmem>>, vector<1x16xf32>,
        %get3A_1589 = vector.shape_cast %get3A_1588 : vector<1x16xf32> to vector<16xf32>
        %swap3A_1590 = arith.constant 0 : i32
        %swap3A_1591 = arith.index_cast %swap3A_1590 : i32 to index
        %swap3A_1592 = arith.index_cast %scan3A_114 : i32 to index
        %swap3A_1593 = arith.constant 736 : index
        %swap3A_1594 = tpu.vector_load %arg5[%swap3A_1591, %swap3A_1592, %swap3A_1593] {strides = array<i32>} : memref<4x16x768xf32, #tpu.memory_space<vmem>>, vector<1x1x16xf32>,
        %swap3A_1595 = vector.shape_cast %swap3A_1594 : vector<1x1x16xf32> to vector<16xf32>
        %swap3A_1596 = vector.shape_cast %get3A_1589 : vector<16xf32> to vector<1x1x16xf32>
        tpu.vector_store %arg5[%swap3A_1591, %swap3A_1592, %swap3A_1593], %swap3A_1596 {add = true, strides = array<i32>} : memref<4x16x768xf32, #tpu.memory_space<vmem>>, vector<1x1x16xf32>,
        %swap3A_1597 = arith.constant 1 : i32
        %swap3A_1598 = arith.index_cast %swap3A_1597 : i32 to index
        %swap3A_1599 = arith.index_cast %scan3A_114 : i32 to index
        %swap3A_1600 = arith.constant 736 : index
        %swap3A_1601 = tpu.vector_load %arg5[%swap3A_1598, %swap3A_1599, %swap3A_1600] {strides = array<i32>} : memref<4x16x768xf32, #tpu.memory_space<vmem>>, vector<1x1x16xf32>,
        %swap3A_1602 = vector.shape_cast %swap3A_1601 : vector<1x1x16xf32> to vector<16xf32>
        %swap3A_1603 = vector.shape_cast %get3A_1589 : vector<16xf32> to vector<1x1x16xf32>
        tpu.vector_store %arg5[%swap3A_1598, %swap3A_1599, %swap3A_1600], %swap3A_1603 {add = true, strides = array<i32>} : memref<4x16x768xf32, #tpu.memory_space<vmem>>, vector<1x1x16xf32>,
        %swap3A_1604 = arith.constant 2 : i32
        %swap3A_1605 = arith.index_cast %swap3A_1604 : i32 to index
        %swap3A_1606 = arith.index_cast %scan3A_114 : i32 to index
        %swap3A_1607 = arith.constant 736 : index
        %swap3A_1608 = tpu.vector_load %arg5[%swap3A_1605, %swap3A_1606, %swap3A_1607] {strides = array<i32>} : memref<4x16x768xf32, #tpu.memory_space<vmem>>, vector<1x1x16xf32>,
        %swap3A_1609 = vector.shape_cast %swap3A_1608 : vector<1x1x16xf32> to vector<16xf32>
        %swap3A_1610 = vector.shape_cast %get3A_1589 : vector<16xf32> to vector<1x1x16xf32>
        tpu.vector_store %arg5[%swap3A_1605, %swap3A_1606, %swap3A_1607], %swap3A_1610 {add = true, strides = array<i32>} : memref<4x16x768xf32, #tpu.memory_space<vmem>>, vector<1x1x16xf32>,
        %swap3A_1611 = arith.constant 3 : i32
        %swap3A_1612 = arith.index_cast %swap3A_1611 : i32 to index
        %swap3A_1613 = arith.index_cast %scan3A_114 : i32 to index
        %swap3A_1614 = arith.constant 736 : index
        %swap3A_1615 = tpu.vector_load %arg5[%swap3A_1612, %swap3A_1613, %swap3A_1614] {strides = array<i32>} : memref<4x16x768xf32, #tpu.memory_space<vmem>>, vector<1x1x16xf32>,
        %swap3A_1616 = vector.shape_cast %swap3A_1615 : vector<1x1x16xf32> to vector<16xf32>
        %swap3A_1617 = vector.shape_cast %get3A_1589 : vector<16xf32> to vector<1x1x16xf32>
        tpu.vector_store %arg5[%swap3A_1612, %swap3A_1613, %swap3A_1614], %swap3A_1617 {add = true, strides = array<i32>} : memref<4x16x768xf32, #tpu.memory_space<vmem>>, vector<1x1x16xf32>,
        %get3A_1618 = arith.index_cast %scan3A_114 : i32 to index
        %get3A_1619 = arith.constant 752 : index
        %get3A_1620 = tpu.vector_load %arg7[%get3A_1618, %get3A_1619] {strides = array<i32>} : memref<16x768xf32, #tpu.memory_space<vmem>>, vector<1x16xf32>,
        %get3A_1621 = vector.shape_cast %get3A_1620 : vector<1x16xf32> to vector<16xf32>
        %swap3A_1622 = arith.constant 0 : i32
        %swap3A_1623 = arith.index_cast %swap3A_1622 : i32 to index
        %swap3A_1624 = arith.index_cast %scan3A_114 : i32 to index
        %swap3A_1625 = arith.constant 752 : index
        %swap3A_1626 = tpu.vector_load %arg5[%swap3A_1623, %swap3A_1624, %swap3A_1625] {strides = array<i32>} : memref<4x16x768xf32, #tpu.memory_space<vmem>>, vector<1x1x16xf32>,
        %swap3A_1627 = vector.shape_cast %swap3A_1626 : vector<1x1x16xf32> to vector<16xf32>
        %swap3A_1628 = vector.shape_cast %get3A_1621 : vector<16xf32> to vector<1x1x16xf32>
        tpu.vector_store %arg5[%swap3A_1623, %swap3A_1624, %swap3A_1625], %swap3A_1628 {add = true, strides = array<i32>} : memref<4x16x768xf32, #tpu.memory_space<vmem>>, vector<1x1x16xf32>,
        %swap3A_1629 = arith.constant 1 : i32
        %swap3A_1630 = arith.index_cast %swap3A_1629 : i32 to index
        %swap3A_1631 = arith.index_cast %scan3A_114 : i32 to index
        %swap3A_1632 = arith.constant 752 : index
        %swap3A_1633 = tpu.vector_load %arg5[%swap3A_1630, %swap3A_1631, %swap3A_1632] {strides = array<i32>} : memref<4x16x768xf32, #tpu.memory_space<vmem>>, vector<1x1x16xf32>,
        %swap3A_1634 = vector.shape_cast %swap3A_1633 : vector<1x1x16xf32> to vector<16xf32>
        %swap3A_1635 = vector.shape_cast %get3A_1621 : vector<16xf32> to vector<1x1x16xf32>
        tpu.vector_store %arg5[%swap3A_1630, %swap3A_1631, %swap3A_1632], %swap3A_1635 {add = true, strides = array<i32>} : memref<4x16x768xf32, #tpu.memory_space<vmem>>, vector<1x1x16xf32>,
        %swap3A_1636 = arith.constant 2 : i32
        %swap3A_1637 = arith.index_cast %swap3A_1636 : i32 to index
        %swap3A_1638 = arith.index_cast %scan3A_114 : i32 to index
        %swap3A_1639 = arith.constant 752 : index
        %swap3A_1640 = tpu.vector_load %arg5[%swap3A_1637, %swap3A_1638, %swap3A_1639] {strides = array<i32>} : memref<4x16x768xf32, #tpu.memory_space<vmem>>, vector<1x1x16xf32>,
        %swap3A_1641 = vector.shape_cast %swap3A_1640 : vector<1x1x16xf32> to vector<16xf32>
        %swap3A_1642 = vector.shape_cast %get3A_1621 : vector<16xf32> to vector<1x1x16xf32>
        tpu.vector_store %arg5[%swap3A_1637, %swap3A_1638, %swap3A_1639], %swap3A_1642 {add = true, strides = array<i32>} : memref<4x16x768xf32, #tpu.memory_space<vmem>>, vector<1x1x16xf32>,
        %swap3A_1643 = arith.constant 3 : i32
        %swap3A_1644 = arith.index_cast %swap3A_1643 : i32 to index
        %swap3A_1645 = arith.index_cast %scan3A_114 : i32 to index
        %swap3A_1646 = arith.constant 752 : index
        %swap3A_1647 = tpu.vector_load %arg5[%swap3A_1644, %swap3A_1645, %swap3A_1646] {strides = array<i32>} : memref<4x16x768xf32, #tpu.memory_space<vmem>>, vector<1x1x16xf32>,
        %swap3A_1648 = vector.shape_cast %swap3A_1647 : vector<1x1x16xf32> to vector<16xf32>
        %swap3A_1649 = vector.shape_cast %get3A_1621 : vector<16xf32> to vector<1x1x16xf32>
        tpu.vector_store %arg5[%swap3A_1644, %swap3A_1645, %swap3A_1646], %swap3A_1649 {add = true, strides = array<i32>} : memref<4x16x768xf32, #tpu.memory_space<vmem>>, vector<1x1x16xf32>,
        %scan3A_1650 = arith.constant 0 : i32
        scf.yield %scan3A_1650 : i32
      }
      %scan3A_58 = arith.constant 16 : i32
      %mul3A_59 = arith.constant 16 : i32
      %mul3A_60 = arith.muli %mul3A_30, %mul3A_59 : i32
      %add3A_61 = arith.addi %mul3A_2, %mul3A_60 : i32
      %dma_start3A_62 = arith.constant 0 : i32
      %dma_start3A_63 = arith.constant 0 : i32
      %dma_start3A_64 = tpu.memref_slice %arg4[%dma_start3A_62, %add3A_61, %dma_start3A_63] : memref<4x8192x768xf32, #tpu.memory_space<hbm>> -> memref<4x16x768xf32, #tpu.memory_space<hbm>>
      %dma_start3A_65 = arith.constant 0 : i32
      %dma_start3A_66 = arith.constant 0 : i32
      %dma_start3A_67 = tpu.memref_slice %arg4[%dma_start3A_65, %add3A_61, %dma_start3A_66] : memref<4x8192x768xf32, #tpu.memory_space<hbm>> -> memref<4x16x768xf32, #tpu.memory_space<hbm>>
      tpu.enqueue_dma source(%arg5 : memref<4x16x768xf32, #tpu.memory_space<vmem>>) target(%dma_start3A_67 : memref<4x16x768xf32, #tpu.memory_space<hbm>>) target_semaphore(%arg13 : memref<!tpu.dma_semaphore, #tpu.memory_space<semaphore_mem>>)
      %mul3A_68 = arith.constant 2 : i32
      %mul3A_69 = arith.muli %mul3A_68, %scan3A_27 : i32
      %add3A_70 = arith.constant 1 : i32
      %add3A_71 = arith.addi %mul3A_69, %add3A_70 : i32
      %ge3A_72 = arith.constant 1 : i32
      %ge3A_73 = arith.cmpi sge, %add3A_71, %ge3A_72 : i32
      %convert_element_type3A_74 = arith.extui %ge3A_73 : i1 to i32
      %cond3A_75 = arith.constant 0 : i32
      %cond3A_76 = arith.cmpi ne, %convert_element_type3A_74, %cond3A_75 : i32
      scf.if %cond3A_76 {
        %sub3A = arith.constant 1 : i32
        %sub3A_114 = arith.subi %add3A_71, %sub3A : i32
        %mul3A_115 = arith.constant 16 : i32
        %mul3A_116 = arith.muli %sub3A_114, %mul3A_115 : i32
        %add3A_117 = arith.addi %mul3A_2, %mul3A_116 : i32
        %dma_wait3A_118 = arith.constant 0 : i32
        %dma_wait3A_119 = arith.constant 0 : i32
        %dma_wait3A_120 = tpu.memref_slice %arg4[%dma_wait3A_118, %add3A_117, %dma_wait3A_119] : memref<4x8192x768xf32, #tpu.memory_space<hbm>> -> memref<4x16x768xf32, #tpu.memory_space<hbm>>
        %dma_wait3A_121 = arith.constant 0 : i32
        %dma_wait3A_122 = arith.constant 0 : i32
        %dma_wait3A_123 = tpu.memref_slice %arg4[%dma_wait3A_121, %add3A_117, %dma_wait3A_122] : memref<4x8192x768xf32, #tpu.memory_space<hbm>> -> memref<4x16x768xf32, #tpu.memory_space<hbm>>
        tpu.wait_dma2 semaphore(%arg13 : memref<!tpu.dma_semaphore, #tpu.memory_space<semaphore_mem>>) src(%arg5 : memref<4x16x768xf32, #tpu.memory_space<vmem>>) dst(%dma_wait3A_123 : memref<4x16x768xf32, #tpu.memory_space<hbm>>)
      } else {
      }
      %add3A_77 = arith.constant 1 : i32
      %add3A_78 = arith.addi %add3A_71, %add3A_77 : i32
      %lt3A_79 = arith.constant 16 : i32
      %lt3A_80 = arith.cmpi slt, %add3A_78, %lt3A_79 : i32
      %convert_element_type3A_81 = arith.extui %lt3A_80 : i1 to i32
      %cond3A_82 = arith.constant 0 : i32
      %cond3A_83 = arith.cmpi ne, %convert_element_type3A_81, %cond3A_82 : i32
      scf.if %cond3A_83 {
        %add3A_114 = arith.constant 1 : i32
        %add3A_115 = arith.addi %add3A_71, %add3A_114 : i32
        %mul3A_116 = arith.constant 16 : i32
        %mul3A_117 = arith.muli %add3A_115, %mul3A_116 : i32
        %add3A_118 = arith.addi %mul3A_2, %mul3A_117 : i32
        %dma_start3A_119 = arith.constant 0 : i32
        %dma_start3A_120 = arith.constant 0 : i32
        %dma_start3A_121 = tpu.memref_slice %arg2[%dma_start3A_119, %add3A_118, %dma_start3A_120] : memref<4x8192x768xf32, #tpu.memory_space<hbm>> -> memref<4x16x768xf32, #tpu.memory_space<hbm>>
        %dma_start3A_122 = arith.constant 0 : i32
        %dma_start3A_123 = arith.constant 0 : i32
        %dma_start3A_124 = tpu.memref_slice %arg2[%dma_start3A_122, %add3A_118, %dma_start3A_123] : memref<4x8192x768xf32, #tpu.memory_space<hbm>> -> memref<4x16x768xf32, #tpu.memory_space<hbm>>
        tpu.enqueue_dma source(%dma_start3A_124 : memref<4x16x768xf32, #tpu.memory_space<hbm>>) target(%arg5 : memref<4x16x768xf32, #tpu.memory_space<vmem>>) target_semaphore(%arg9 : memref<!tpu.dma_semaphore, #tpu.memory_space<semaphore_mem>>)
        %dma_start3A_125 = arith.constant 0 : i32
        %dma_start3A_126 = tpu.memref_slice %arg3[%add3A_118, %dma_start3A_125] : memref<8192x768xf32, #tpu.memory_space<hbm>> -> memref<16x768xf32, #tpu.memory_space<hbm>>
        %dma_start3A_127 = arith.constant 0 : i32
        %dma_start3A_128 = tpu.memref_slice %arg3[%add3A_118, %dma_start3A_127] : memref<8192x768xf32, #tpu.memory_space<hbm>> -> memref<16x768xf32, #tpu.memory_space<hbm>>
        tpu.enqueue_dma source(%dma_start3A_128 : memref<16x768xf32, #tpu.memory_space<hbm>>) target(%arg7 : memref<16x768xf32, #tpu.memory_space<vmem>>) target_semaphore(%arg11 : memref<!tpu.dma_semaphore, #tpu.memory_space<semaphore_mem>>)
      } else {
      }
      %mul3A_84 = arith.constant 16 : i32
      %mul3A_85 = arith.muli %add3A_71, %mul3A_84 : i32
      %add3A_86 = arith.addi %mul3A_2, %mul3A_85 : i32
      %dma_wait3A_87 = arith.constant 0 : i32
      %dma_wait3A_88 = arith.constant 0 : i32
      %dma_wait3A_89 = tpu.memref_slice %arg2[%dma_wait3A_87, %add3A_86, %dma_wait3A_88] : memref<4x8192x768xf32, #tpu.memory_space<hbm>> -> memref<4x16x768xf32, #tpu.memory_space<hbm>>
      %dma_wait3A_90 = arith.constant 0 : i32
      %dma_wait3A_91 = arith.constant 0 : i32
      %dma_wait3A_92 = tpu.memref_slice %arg2[%dma_wait3A_90, %add3A_86, %dma_wait3A_91] : memref<4x8192x768xf32, #tpu.memory_space<hbm>> -> memref<4x16x768xf32, #tpu.memory_space<hbm>>
      tpu.wait_dma2 semaphore(%arg10 : memref<!tpu.dma_semaphore, #tpu.memory_space<semaphore_mem>>) src(%dma_wait3A_92 : memref<4x16x768xf32, #tpu.memory_space<hbm>>) dst(%arg6 : memref<4x16x768xf32, #tpu.memory_space<vmem>>)
      %dma_wait3A_93 = arith.constant 0 : i32
      %dma_wait3A_94 = tpu.memref_slice %arg3[%add3A_86, %dma_wait3A_93] : memref<8192x768xf32, #tpu.memory_space<hbm>> -> memref<16x768xf32, #tpu.memory_space<hbm>>
      %dma_wait3A_95 = arith.constant 0 : i32
      %dma_wait3A_96 = tpu.memref_slice %arg3[%add3A_86, %dma_wait3A_95] : memref<8192x768xf32, #tpu.memory_space<hbm>> -> memref<16x768xf32, #tpu.memory_space<hbm>>
      tpu.wait_dma2 semaphore(%arg12 : memref<!tpu.dma_semaphore, #tpu.memory_space<semaphore_mem>>) src(%dma_wait3A_96 : memref<16x768xf32, #tpu.memory_space<hbm>>) dst(%arg8 : memref<16x768xf32, #tpu.memory_space<vmem>>)
      %scan3A_97 = arith.constant 0 : i32
      %scan3A_98 = arith.constant 0 : i32
      %scan3A_99 = arith.constant 16 : i32
      %scan3A_100 = arith.addi %scan3A_98, %scan3A_99 : i32
      %scan3A_101 = arith.constant 1 : i32
      %scan3A_102 = scf.for %scan3A_114 = %scan3A_98 to %scan3A_100 step %scan3A_101 iter_args(%scan3A_115 = %scan3A_97) -> (i32)  : i32 {
        %get3A = arith.index_cast %scan3A_114 : i32 to index
        %get3A_116 = arith.constant 0 : index
        %get3A_117 = tpu.vector_load %arg8[%get3A, %get3A_116] {strides = array<i32>} : memref<16x768xf32, #tpu.memory_space<vmem>>, vector<1x16xf32>,
        %get3A_118 = vector.shape_cast %get3A_117 : vector<1x16xf32> to vector<16xf32>
        %swap3A = arith.constant 0 : i32
        %swap3A_119 = arith.index_cast %swap3A : i32 to index
        %swap3A_120 = arith.index_cast %scan3A_114 : i32 to index
        %swap3A_121 = arith.constant 0 : index
        %swap3A_122 = tpu.vector_load %arg6[%swap3A_119, %swap3A_120, %swap3A_121] {strides = array<i32>} : memref<4x16x768xf32, #tpu.memory_space<vmem>>, vector<1x1x16xf32>,
        %swap3A_123 = vector.shape_cast %swap3A_122 : vector<1x1x16xf32> to vector<16xf32>
        %swap3A_124 = vector.shape_cast %get3A_118 : vector<16xf32> to vector<1x1x16xf32>
        tpu.vector_store %arg6[%swap3A_119, %swap3A_120, %swap3A_121], %swap3A_124 {add = true, strides = array<i32>} : memref<4x16x768xf32, #tpu.memory_space<vmem>>, vector<1x1x16xf32>,
        %swap3A_125 = arith.constant 1 : i32
        %swap3A_126 = arith.index_cast %swap3A_125 : i32 to index
        %swap3A_127 = arith.index_cast %scan3A_114 : i32 to index
        %swap3A_128 = arith.constant 0 : index
        %swap3A_129 = tpu.vector_load %arg6[%swap3A_126, %swap3A_127, %swap3A_128] {strides = array<i32>} : memref<4x16x768xf32, #tpu.memory_space<vmem>>, vector<1x1x16xf32>,
        %swap3A_130 = vector.shape_cast %swap3A_129 : vector<1x1x16xf32> to vector<16xf32>
        %swap3A_131 = vector.shape_cast %get3A_118 : vector<16xf32> to vector<1x1x16xf32>
        tpu.vector_store %arg6[%swap3A_126, %swap3A_127, %swap3A_128], %swap3A_131 {add = true, strides = array<i32>} : memref<4x16x768xf32, #tpu.memory_space<vmem>>, vector<1x1x16xf32>,
        %swap3A_132 = arith.constant 2 : i32
        %swap3A_133 = arith.index_cast %swap3A_132 : i32 to index
        %swap3A_134 = arith.index_cast %scan3A_114 : i32 to index
        %swap3A_135 = arith.constant 0 : index
        %swap3A_136 = tpu.vector_load %arg6[%swap3A_133, %swap3A_134, %swap3A_135] {strides = array<i32>} : memref<4x16x768xf32, #tpu.memory_space<vmem>>, vector<1x1x16xf32>,
        %swap3A_137 = vector.shape_cast %swap3A_136 : vector<1x1x16xf32> to vector<16xf32>
        %swap3A_138 = vector.shape_cast %get3A_118 : vector<16xf32> to vector<1x1x16xf32>
        tpu.vector_store %arg6[%swap3A_133, %swap3A_134, %swap3A_135], %swap3A_138 {add = true, strides = array<i32>} : memref<4x16x768xf32, #tpu.memory_space<vmem>>, vector<1x1x16xf32>,
        %swap3A_139 = arith.constant 3 : i32
        %swap3A_140 = arith.index_cast %swap3A_139 : i32 to index
        %swap3A_141 = arith.index_cast %scan3A_114 : i32 to index
        %swap3A_142 = arith.constant 0 : index
        %swap3A_143 = tpu.vector_load %arg6[%swap3A_140, %swap3A_141, %swap3A_142] {strides = array<i32>} : memref<4x16x768xf32, #tpu.memory_space<vmem>>, vector<1x1x16xf32>,
        %swap3A_144 = vector.shape_cast %swap3A_143 : vector<1x1x16xf32> to vector<16xf32>
        %swap3A_145 = vector.shape_cast %get3A_118 : vector<16xf32> to vector<1x1x16xf32>
        tpu.vector_store %arg6[%swap3A_140, %swap3A_141, %swap3A_142], %swap3A_145 {add = true, strides = array<i32>} : memref<4x16x768xf32, #tpu.memory_space<vmem>>, vector<1x1x16xf32>,
        %get3A_146 = arith.index_cast %scan3A_114 : i32 to index
        %get3A_147 = arith.constant 16 : index
        %get3A_148 = tpu.vector_load %arg8[%get3A_146, %get3A_147] {strides = array<i32>} : memref<16x768xf32, #tpu.memory_space<vmem>>, vector<1x16xf32>,
        %get3A_149 = vector.shape_cast %get3A_148 : vector<1x16xf32> to vector<16xf32>
        %swap3A_150 = arith.constant 0 : i32
        %swap3A_151 = arith.index_cast %swap3A_150 : i32 to index
        %swap3A_152 = arith.index_cast %scan3A_114 : i32 to index
        %swap3A_153 = arith.constant 16 : index
        %swap3A_154 = tpu.vector_load %arg6[%swap3A_151, %swap3A_152, %swap3A_153] {strides = array<i32>} : memref<4x16x768xf32, #tpu.memory_space<vmem>>, vector<1x1x16xf32>,
        %swap3A_155 = vector.shape_cast %swap3A_154 : vector<1x1x16xf32> to vector<16xf32>
        %swap3A_156 = vector.shape_cast %get3A_149 : vector<16xf32> to vector<1x1x16xf32>
        tpu.vector_store %arg6[%swap3A_151, %swap3A_152, %swap3A_153], %swap3A_156 {add = true, strides = array<i32>} : memref<4x16x768xf32, #tpu.memory_space<vmem>>, vector<1x1x16xf32>,
        %swap3A_157 = arith.constant 1 : i32
        %swap3A_158 = arith.index_cast %swap3A_157 : i32 to index
        %swap3A_159 = arith.index_cast %scan3A_114 : i32 to index
        %swap3A_160 = arith.constant 16 : index
        %swap3A_161 = tpu.vector_load %arg6[%swap3A_158, %swap3A_159, %swap3A_160] {strides = array<i32>} : memref<4x16x768xf32, #tpu.memory_space<vmem>>, vector<1x1x16xf32>,
        %swap3A_162 = vector.shape_cast %swap3A_161 : vector<1x1x16xf32> to vector<16xf32>
        %swap3A_163 = vector.shape_cast %get3A_149 : vector<16xf32> to vector<1x1x16xf32>
        tpu.vector_store %arg6[%swap3A_158, %swap3A_159, %swap3A_160], %swap3A_163 {add = true, strides = array<i32>} : memref<4x16x768xf32, #tpu.memory_space<vmem>>, vector<1x1x16xf32>,
        %swap3A_164 = arith.constant 2 : i32
        %swap3A_165 = arith.index_cast %swap3A_164 : i32 to index
        %swap3A_166 = arith.index_cast %scan3A_114 : i32 to index
        %swap3A_167 = arith.constant 16 : index
        %swap3A_168 = tpu.vector_load %arg6[%swap3A_165, %swap3A_166, %swap3A_167] {strides = array<i32>} : memref<4x16x768xf32, #tpu.memory_space<vmem>>, vector<1x1x16xf32>,
        %swap3A_169 = vector.shape_cast %swap3A_168 : vector<1x1x16xf32> to vector<16xf32>
        %swap3A_170 = vector.shape_cast %get3A_149 : vector<16xf32> to vector<1x1x16xf32>
        tpu.vector_store %arg6[%swap3A_165, %swap3A_166, %swap3A_167], %swap3A_170 {add = true, strides = array<i32>} : memref<4x16x768xf32, #tpu.memory_space<vmem>>, vector<1x1x16xf32>,
        %swap3A_171 = arith.constant 3 : i32
        %swap3A_172 = arith.index_cast %swap3A_171 : i32 to index
        %swap3A_173 = arith.index_cast %scan3A_114 : i32 to index
        %swap3A_174 = arith.constant 16 : index
        %swap3A_175 = tpu.vector_load %arg6[%swap3A_172, %swap3A_173, %swap3A_174] {strides = array<i32>} : memref<4x16x768xf32, #tpu.memory_space<vmem>>, vector<1x1x16xf32>,
        %swap3A_176 = vector.shape_cast %swap3A_175 : vector<1x1x16xf32> to vector<16xf32>
        %swap3A_177 = vector.shape_cast %get3A_149 : vector<16xf32> to vector<1x1x16xf32>
        tpu.vector_store %arg6[%swap3A_172, %swap3A_173, %swap3A_174], %swap3A_177 {add = true, strides = array<i32>} : memref<4x16x768xf32, #tpu.memory_space<vmem>>, vector<1x1x16xf32>,
        %get3A_178 = arith.index_cast %scan3A_114 : i32 to index
        %get3A_179 = arith.constant 32 : index
        %get3A_180 = tpu.vector_load %arg8[%get3A_178, %get3A_179] {strides = array<i32>} : memref<16x768xf32, #tpu.memory_space<vmem>>, vector<1x16xf32>,
        %get3A_181 = vector.shape_cast %get3A_180 : vector<1x16xf32> to vector<16xf32>
        %swap3A_182 = arith.constant 0 : i32
        %swap3A_183 = arith.index_cast %swap3A_182 : i32 to index
        %swap3A_184 = arith.index_cast %scan3A_114 : i32 to index
        %swap3A_185 = arith.constant 32 : index
        %swap3A_186 = tpu.vector_load %arg6[%swap3A_183, %swap3A_184, %swap3A_185] {strides = array<i32>} : memref<4x16x768xf32, #tpu.memory_space<vmem>>, vector<1x1x16xf32>,
        %swap3A_187 = vector.shape_cast %swap3A_186 : vector<1x1x16xf32> to vector<16xf32>
        %swap3A_188 = vector.shape_cast %get3A_181 : vector<16xf32> to vector<1x1x16xf32>
        tpu.vector_store %arg6[%swap3A_183, %swap3A_184, %swap3A_185], %swap3A_188 {add = true, strides = array<i32>} : memref<4x16x768xf32, #tpu.memory_space<vmem>>, vector<1x1x16xf32>,
        %swap3A_189 = arith.constant 1 : i32
        %swap3A_190 = arith.index_cast %swap3A_189 : i32 to index
        %swap3A_191 = arith.index_cast %scan3A_114 : i32 to index
        %swap3A_192 = arith.constant 32 : index
        %swap3A_193 = tpu.vector_load %arg6[%swap3A_190, %swap3A_191, %swap3A_192] {strides = array<i32>} : memref<4x16x768xf32, #tpu.memory_space<vmem>>, vector<1x1x16xf32>,
        %swap3A_194 = vector.shape_cast %swap3A_193 : vector<1x1x16xf32> to vector<16xf32>
        %swap3A_195 = vector.shape_cast %get3A_181 : vector<16xf32> to vector<1x1x16xf32>
        tpu.vector_store %arg6[%swap3A_190, %swap3A_191, %swap3A_192], %swap3A_195 {add = true, strides = array<i32>} : memref<4x16x768xf32, #tpu.memory_space<vmem>>, vector<1x1x16xf32>,
        %swap3A_196 = arith.constant 2 : i32
        %swap3A_197 = arith.index_cast %swap3A_196 : i32 to index
        %swap3A_198 = arith.index_cast %scan3A_114 : i32 to index
        %swap3A_199 = arith.constant 32 : index
        %swap3A_200 = tpu.vector_load %arg6[%swap3A_197, %swap3A_198, %swap3A_199] {strides = array<i32>} : memref<4x16x768xf32, #tpu.memory_space<vmem>>, vector<1x1x16xf32>,
        %swap3A_201 = vector.shape_cast %swap3A_200 : vector<1x1x16xf32> to vector<16xf32>
        %swap3A_202 = vector.shape_cast %get3A_181 : vector<16xf32> to vector<1x1x16xf32>
        tpu.vector_store %arg6[%swap3A_197, %swap3A_198, %swap3A_199], %swap3A_202 {add = true, strides = array<i32>} : memref<4x16x768xf32, #tpu.memory_space<vmem>>, vector<1x1x16xf32>,
        %swap3A_203 = arith.constant 3 : i32
        %swap3A_204 = arith.index_cast %swap3A_203 : i32 to index
        %swap3A_205 = arith.index_cast %scan3A_114 : i32 to index
        %swap3A_206 = arith.constant 32 : index
        %swap3A_207 = tpu.vector_load %arg6[%swap3A_204, %swap3A_205, %swap3A_206] {strides = array<i32>} : memref<4x16x768xf32, #tpu.memory_space<vmem>>, vector<1x1x16xf32>,
        %swap3A_208 = vector.shape_cast %swap3A_207 : vector<1x1x16xf32> to vector<16xf32>
        %swap3A_209 = vector.shape_cast %get3A_181 : vector<16xf32> to vector<1x1x16xf32>
        tpu.vector_store %arg6[%swap3A_204, %swap3A_205, %swap3A_206], %swap3A_209 {add = true, strides = array<i32>} : memref<4x16x768xf32, #tpu.memory_space<vmem>>, vector<1x1x16xf32>,
        %get3A_210 = arith.index_cast %scan3A_114 : i32 to index
        %get3A_211 = arith.constant 48 : index
        %get3A_212 = tpu.vector_load %arg8[%get3A_210, %get3A_211] {strides = array<i32>} : memref<16x768xf32, #tpu.memory_space<vmem>>, vector<1x16xf32>,
        %get3A_213 = vector.shape_cast %get3A_212 : vector<1x16xf32> to vector<16xf32>
        %swap3A_214 = arith.constant 0 : i32
        %swap3A_215 = arith.index_cast %swap3A_214 : i32 to index
        %swap3A_216 = arith.index_cast %scan3A_114 : i32 to index
        %swap3A_217 = arith.constant 48 : index
        %swap3A_218 = tpu.vector_load %arg6[%swap3A_215, %swap3A_216, %swap3A_217] {strides = array<i32>} : memref<4x16x768xf32, #tpu.memory_space<vmem>>, vector<1x1x16xf32>,
        %swap3A_219 = vector.shape_cast %swap3A_218 : vector<1x1x16xf32> to vector<16xf32>
        %swap3A_220 = vector.shape_cast %get3A_213 : vector<16xf32> to vector<1x1x16xf32>
        tpu.vector_store %arg6[%swap3A_215, %swap3A_216, %swap3A_217], %swap3A_220 {add = true, strides = array<i32>} : memref<4x16x768xf32, #tpu.memory_space<vmem>>, vector<1x1x16xf32>,
        %swap3A_221 = arith.constant 1 : i32
        %swap3A_222 = arith.index_cast %swap3A_221 : i32 to index
        %swap3A_223 = arith.index_cast %scan3A_114 : i32 to index
        %swap3A_224 = arith.constant 48 : index
        %swap3A_225 = tpu.vector_load %arg6[%swap3A_222, %swap3A_223, %swap3A_224] {strides = array<i32>} : memref<4x16x768xf32, #tpu.memory_space<vmem>>, vector<1x1x16xf32>,
        %swap3A_226 = vector.shape_cast %swap3A_225 : vector<1x1x16xf32> to vector<16xf32>
        %swap3A_227 = vector.shape_cast %get3A_213 : vector<16xf32> to vector<1x1x16xf32>
        tpu.vector_store %arg6[%swap3A_222, %swap3A_223, %swap3A_224], %swap3A_227 {add = true, strides = array<i32>} : memref<4x16x768xf32, #tpu.memory_space<vmem>>, vector<1x1x16xf32>,
        %swap3A_228 = arith.constant 2 : i32
        %swap3A_229 = arith.index_cast %swap3A_228 : i32 to index
        %swap3A_230 = arith.index_cast %scan3A_114 : i32 to index
        %swap3A_231 = arith.constant 48 : index
        %swap3A_232 = tpu.vector_load %arg6[%swap3A_229, %swap3A_230, %swap3A_231] {strides = array<i32>} : memref<4x16x768xf32, #tpu.memory_space<vmem>>, vector<1x1x16xf32>,
        %swap3A_233 = vector.shape_cast %swap3A_232 : vector<1x1x16xf32> to vector<16xf32>
        %swap3A_234 = vector.shape_cast %get3A_213 : vector<16xf32> to vector<1x1x16xf32>
        tpu.vector_store %arg6[%swap3A_229, %swap3A_230, %swap3A_231], %swap3A_234 {add = true, strides = array<i32>} : memref<4x16x768xf32, #tpu.memory_space<vmem>>, vector<1x1x16xf32>,
        %swap3A_235 = arith.constant 3 : i32
        %swap3A_236 = arith.index_cast %swap3A_235 : i32 to index
        %swap3A_237 = arith.index_cast %scan3A_114 : i32 to index
        %swap3A_238 = arith.constant 48 : index
        %swap3A_239 = tpu.vector_load %arg6[%swap3A_236, %swap3A_237, %swap3A_238] {strides = array<i32>} : memref<4x16x768xf32, #tpu.memory_space<vmem>>, vector<1x1x16xf32>,
        %swap3A_240 = vector.shape_cast %swap3A_239 : vector<1x1x16xf32> to vector<16xf32>
        %swap3A_241 = vector.shape_cast %get3A_213 : vector<16xf32> to vector<1x1x16xf32>
        tpu.vector_store %arg6[%swap3A_236, %swap3A_237, %swap3A_238], %swap3A_241 {add = true, strides = array<i32>} : memref<4x16x768xf32, #tpu.memory_space<vmem>>, vector<1x1x16xf32>,
        %get3A_242 = arith.index_cast %scan3A_114 : i32 to index
        %get3A_243 = arith.constant 64 : index
        %get3A_244 = tpu.vector_load %arg8[%get3A_242, %get3A_243] {strides = array<i32>} : memref<16x768xf32, #tpu.memory_space<vmem>>, vector<1x16xf32>,
        %get3A_245 = vector.shape_cast %get3A_244 : vector<1x16xf32> to vector<16xf32>
        %swap3A_246 = arith.constant 0 : i32
        %swap3A_247 = arith.index_cast %swap3A_246 : i32 to index
        %swap3A_248 = arith.index_cast %scan3A_114 : i32 to index
        %swap3A_249 = arith.constant 64 : index
        %swap3A_250 = tpu.vector_load %arg6[%swap3A_247, %swap3A_248, %swap3A_249] {strides = array<i32>} : memref<4x16x768xf32, #tpu.memory_space<vmem>>, vector<1x1x16xf32>,
        %swap3A_251 = vector.shape_cast %swap3A_250 : vector<1x1x16xf32> to vector<16xf32>
        %swap3A_252 = vector.shape_cast %get3A_245 : vector<16xf32> to vector<1x1x16xf32>
        tpu.vector_store %arg6[%swap3A_247, %swap3A_248, %swap3A_249], %swap3A_252 {add = true, strides = array<i32>} : memref<4x16x768xf32, #tpu.memory_space<vmem>>, vector<1x1x16xf32>,
        %swap3A_253 = arith.constant 1 : i32
        %swap3A_254 = arith.index_cast %swap3A_253 : i32 to index
        %swap3A_255 = arith.index_cast %scan3A_114 : i32 to index
        %swap3A_256 = arith.constant 64 : index
        %swap3A_257 = tpu.vector_load %arg6[%swap3A_254, %swap3A_255, %swap3A_256] {strides = array<i32>} : memref<4x16x768xf32, #tpu.memory_space<vmem>>, vector<1x1x16xf32>,
        %swap3A_258 = vector.shape_cast %swap3A_257 : vector<1x1x16xf32> to vector<16xf32>
        %swap3A_259 = vector.shape_cast %get3A_245 : vector<16xf32> to vector<1x1x16xf32>
        tpu.vector_store %arg6[%swap3A_254, %swap3A_255, %swap3A_256], %swap3A_259 {add = true, strides = array<i32>} : memref<4x16x768xf32, #tpu.memory_space<vmem>>, vector<1x1x16xf32>,
        %swap3A_260 = arith.constant 2 : i32
        %swap3A_261 = arith.index_cast %swap3A_260 : i32 to index
        %swap3A_262 = arith.index_cast %scan3A_114 : i32 to index
        %swap3A_263 = arith.constant 64 : index
        %swap3A_264 = tpu.vector_load %arg6[%swap3A_261, %swap3A_262, %swap3A_263] {strides = array<i32>} : memref<4x16x768xf32, #tpu.memory_space<vmem>>, vector<1x1x16xf32>,
        %swap3A_265 = vector.shape_cast %swap3A_264 : vector<1x1x16xf32> to vector<16xf32>
        %swap3A_266 = vector.shape_cast %get3A_245 : vector<16xf32> to vector<1x1x16xf32>
        tpu.vector_store %arg6[%swap3A_261, %swap3A_262, %swap3A_263], %swap3A_266 {add = true, strides = array<i32>} : memref<4x16x768xf32, #tpu.memory_space<vmem>>, vector<1x1x16xf32>,
        %swap3A_267 = arith.constant 3 : i32
        %swap3A_268 = arith.index_cast %swap3A_267 : i32 to index
        %swap3A_269 = arith.index_cast %scan3A_114 : i32 to index
        %swap3A_270 = arith.constant 64 : index
        %swap3A_271 = tpu.vector_load %arg6[%swap3A_268, %swap3A_269, %swap3A_270] {strides = array<i32>} : memref<4x16x768xf32, #tpu.memory_space<vmem>>, vector<1x1x16xf32>,
        %swap3A_272 = vector.shape_cast %swap3A_271 : vector<1x1x16xf32> to vector<16xf32>
        %swap3A_273 = vector.shape_cast %get3A_245 : vector<16xf32> to vector<1x1x16xf32>
        tpu.vector_store %arg6[%swap3A_268, %swap3A_269, %swap3A_270], %swap3A_273 {add = true, strides = array<i32>} : memref<4x16x768xf32, #tpu.memory_space<vmem>>, vector<1x1x16xf32>,
        %get3A_274 = arith.index_cast %scan3A_114 : i32 to index
        %get3A_275 = arith.constant 80 : index
        %get3A_276 = tpu.vector_load %arg8[%get3A_274, %get3A_275] {strides = array<i32>} : memref<16x768xf32, #tpu.memory_space<vmem>>, vector<1x16xf32>,
        %get3A_277 = vector.shape_cast %get3A_276 : vector<1x16xf32> to vector<16xf32>
        %swap3A_278 = arith.constant 0 : i32
        %swap3A_279 = arith.index_cast %swap3A_278 : i32 to index
        %swap3A_280 = arith.index_cast %scan3A_114 : i32 to index
        %swap3A_281 = arith.constant 80 : index
        %swap3A_282 = tpu.vector_load %arg6[%swap3A_279, %swap3A_280, %swap3A_281] {strides = array<i32>} : memref<4x16x768xf32, #tpu.memory_space<vmem>>, vector<1x1x16xf32>,
        %swap3A_283 = vector.shape_cast %swap3A_282 : vector<1x1x16xf32> to vector<16xf32>
        %swap3A_284 = vector.shape_cast %get3A_277 : vector<16xf32> to vector<1x1x16xf32>
        tpu.vector_store %arg6[%swap3A_279, %swap3A_280, %swap3A_281], %swap3A_284 {add = true, strides = array<i32>} : memref<4x16x768xf32, #tpu.memory_space<vmem>>, vector<1x1x16xf32>,
        %swap3A_285 = arith.constant 1 : i32
        %swap3A_286 = arith.index_cast %swap3A_285 : i32 to index
        %swap3A_287 = arith.index_cast %scan3A_114 : i32 to index
        %swap3A_288 = arith.constant 80 : index
        %swap3A_289 = tpu.vector_load %arg6[%swap3A_286, %swap3A_287, %swap3A_288] {strides = array<i32>} : memref<4x16x768xf32, #tpu.memory_space<vmem>>, vector<1x1x16xf32>,
        %swap3A_290 = vector.shape_cast %swap3A_289 : vector<1x1x16xf32> to vector<16xf32>
        %swap3A_291 = vector.shape_cast %get3A_277 : vector<16xf32> to vector<1x1x16xf32>
        tpu.vector_store %arg6[%swap3A_286, %swap3A_287, %swap3A_288], %swap3A_291 {add = true, strides = array<i32>} : memref<4x16x768xf32, #tpu.memory_space<vmem>>, vector<1x1x16xf32>,
        %swap3A_292 = arith.constant 2 : i32
        %swap3A_293 = arith.index_cast %swap3A_292 : i32 to index
        %swap3A_294 = arith.index_cast %scan3A_114 : i32 to index
        %swap3A_295 = arith.constant 80 : index
        %swap3A_296 = tpu.vector_load %arg6[%swap3A_293, %swap3A_294, %swap3A_295] {strides = array<i32>} : memref<4x16x768xf32, #tpu.memory_space<vmem>>, vector<1x1x16xf32>,
        %swap3A_297 = vector.shape_cast %swap3A_296 : vector<1x1x16xf32> to vector<16xf32>
        %swap3A_298 = vector.shape_cast %get3A_277 : vector<16xf32> to vector<1x1x16xf32>
        tpu.vector_store %arg6[%swap3A_293, %swap3A_294, %swap3A_295], %swap3A_298 {add = true, strides = array<i32>} : memref<4x16x768xf32, #tpu.memory_space<vmem>>, vector<1x1x16xf32>,
        %swap3A_299 = arith.constant 3 : i32
        %swap3A_300 = arith.index_cast %swap3A_299 : i32 to index
        %swap3A_301 = arith.index_cast %scan3A_114 : i32 to index
        %swap3A_302 = arith.constant 80 : index
        %swap3A_303 = tpu.vector_load %arg6[%swap3A_300, %swap3A_301, %swap3A_302] {strides = array<i32>} : memref<4x16x768xf32, #tpu.memory_space<vmem>>, vector<1x1x16xf32>,
        %swap3A_304 = vector.shape_cast %swap3A_303 : vector<1x1x16xf32> to vector<16xf32>
        %swap3A_305 = vector.shape_cast %get3A_277 : vector<16xf32> to vector<1x1x16xf32>
        tpu.vector_store %arg6[%swap3A_300, %swap3A_301, %swap3A_302], %swap3A_305 {add = true, strides = array<i32>} : memref<4x16x768xf32, #tpu.memory_space<vmem>>, vector<1x1x16xf32>,
        %get3A_306 = arith.index_cast %scan3A_114 : i32 to index
        %get3A_307 = arith.constant 96 : index
        %get3A_308 = tpu.vector_load %arg8[%get3A_306, %get3A_307] {strides = array<i32>} : memref<16x768xf32, #tpu.memory_space<vmem>>, vector<1x16xf32>,
        %get3A_309 = vector.shape_cast %get3A_308 : vector<1x16xf32> to vector<16xf32>
        %swap3A_310 = arith.constant 0 : i32
        %swap3A_311 = arith.index_cast %swap3A_310 : i32 to index
        %swap3A_312 = arith.index_cast %scan3A_114 : i32 to index
        %swap3A_313 = arith.constant 96 : index
        %swap3A_314 = tpu.vector_load %arg6[%swap3A_311, %swap3A_312, %swap3A_313] {strides = array<i32>} : memref<4x16x768xf32, #tpu.memory_space<vmem>>, vector<1x1x16xf32>,
        %swap3A_315 = vector.shape_cast %swap3A_314 : vector<1x1x16xf32> to vector<16xf32>
        %swap3A_316 = vector.shape_cast %get3A_309 : vector<16xf32> to vector<1x1x16xf32>
        tpu.vector_store %arg6[%swap3A_311, %swap3A_312, %swap3A_313], %swap3A_316 {add = true, strides = array<i32>} : memref<4x16x768xf32, #tpu.memory_space<vmem>>, vector<1x1x16xf32>,
        %swap3A_317 = arith.constant 1 : i32
        %swap3A_318 = arith.index_cast %swap3A_317 : i32 to index
        %swap3A_319 = arith.index_cast %scan3A_114 : i32 to index
        %swap3A_320 = arith.constant 96 : index
        %swap3A_321 = tpu.vector_load %arg6[%swap3A_318, %swap3A_319, %swap3A_320] {strides = array<i32>} : memref<4x16x768xf32, #tpu.memory_space<vmem>>, vector<1x1x16xf32>,
        %swap3A_322 = vector.shape_cast %swap3A_321 : vector<1x1x16xf32> to vector<16xf32>
        %swap3A_323 = vector.shape_cast %get3A_309 : vector<16xf32> to vector<1x1x16xf32>
        tpu.vector_store %arg6[%swap3A_318, %swap3A_319, %swap3A_320], %swap3A_323 {add = true, strides = array<i32>} : memref<4x16x768xf32, #tpu.memory_space<vmem>>, vector<1x1x16xf32>,
        %swap3A_324 = arith.constant 2 : i32
        %swap3A_325 = arith.index_cast %swap3A_324 : i32 to index
        %swap3A_326 = arith.index_cast %scan3A_114 : i32 to index
        %swap3A_327 = arith.constant 96 : index
        %swap3A_328 = tpu.vector_load %arg6[%swap3A_325, %swap3A_326, %swap3A_327] {strides = array<i32>} : memref<4x16x768xf32, #tpu.memory_space<vmem>>, vector<1x1x16xf32>,
        %swap3A_329 = vector.shape_cast %swap3A_328 : vector<1x1x16xf32> to vector<16xf32>
        %swap3A_330 = vector.shape_cast %get3A_309 : vector<16xf32> to vector<1x1x16xf32>
        tpu.vector_store %arg6[%swap3A_325, %swap3A_326, %swap3A_327], %swap3A_330 {add = true, strides = array<i32>} : memref<4x16x768xf32, #tpu.memory_space<vmem>>, vector<1x1x16xf32>,
        %swap3A_331 = arith.constant 3 : i32
        %swap3A_332 = arith.index_cast %swap3A_331 : i32 to index
        %swap3A_333 = arith.index_cast %scan3A_114 : i32 to index
        %swap3A_334 = arith.constant 96 : index
        %swap3A_335 = tpu.vector_load %arg6[%swap3A_332, %swap3A_333, %swap3A_334] {strides = array<i32>} : memref<4x16x768xf32, #tpu.memory_space<vmem>>, vector<1x1x16xf32>,
        %swap3A_336 = vector.shape_cast %swap3A_335 : vector<1x1x16xf32> to vector<16xf32>
        %swap3A_337 = vector.shape_cast %get3A_309 : vector<16xf32> to vector<1x1x16xf32>
        tpu.vector_store %arg6[%swap3A_332, %swap3A_333, %swap3A_334], %swap3A_337 {add = true, strides = array<i32>} : memref<4x16x768xf32, #tpu.memory_space<vmem>>, vector<1x1x16xf32>,
        %get3A_338 = arith.index_cast %scan3A_114 : i32 to index
        %get3A_339 = arith.constant 112 : index
        %get3A_340 = tpu.vector_load %arg8[%get3A_338, %get3A_339] {strides = array<i32>} : memref<16x768xf32, #tpu.memory_space<vmem>>, vector<1x16xf32>,
        %get3A_341 = vector.shape_cast %get3A_340 : vector<1x16xf32> to vector<16xf32>
        %swap3A_342 = arith.constant 0 : i32
        %swap3A_343 = arith.index_cast %swap3A_342 : i32 to index
        %swap3A_344 = arith.index_cast %scan3A_114 : i32 to index
        %swap3A_345 = arith.constant 112 : index
        %swap3A_346 = tpu.vector_load %arg6[%swap3A_343, %swap3A_344, %swap3A_345] {strides = array<i32>} : memref<4x16x768xf32, #tpu.memory_space<vmem>>, vector<1x1x16xf32>,
        %swap3A_347 = vector.shape_cast %swap3A_346 : vector<1x1x16xf32> to vector<16xf32>
        %swap3A_348 = vector.shape_cast %get3A_341 : vector<16xf32> to vector<1x1x16xf32>
        tpu.vector_store %arg6[%swap3A_343, %swap3A_344, %swap3A_345], %swap3A_348 {add = true, strides = array<i32>} : memref<4x16x768xf32, #tpu.memory_space<vmem>>, vector<1x1x16xf32>,
        %swap3A_349 = arith.constant 1 : i32
        %swap3A_350 = arith.index_cast %swap3A_349 : i32 to index
        %swap3A_351 = arith.index_cast %scan3A_114 : i32 to index
        %swap3A_352 = arith.constant 112 : index
        %swap3A_353 = tpu.vector_load %arg6[%swap3A_350, %swap3A_351, %swap3A_352] {strides = array<i32>} : memref<4x16x768xf32, #tpu.memory_space<vmem>>, vector<1x1x16xf32>,
        %swap3A_354 = vector.shape_cast %swap3A_353 : vector<1x1x16xf32> to vector<16xf32>
        %swap3A_355 = vector.shape_cast %get3A_341 : vector<16xf32> to vector<1x1x16xf32>
        tpu.vector_store %arg6[%swap3A_350, %swap3A_351, %swap3A_352], %swap3A_355 {add = true, strides = array<i32>} : memref<4x16x768xf32, #tpu.memory_space<vmem>>, vector<1x1x16xf32>,
        %swap3A_356 = arith.constant 2 : i32
        %swap3A_357 = arith.index_cast %swap3A_356 : i32 to index
        %swap3A_358 = arith.index_cast %scan3A_114 : i32 to index
        %swap3A_359 = arith.constant 112 : index
        %swap3A_360 = tpu.vector_load %arg6[%swap3A_357, %swap3A_358, %swap3A_359] {strides = array<i32>} : memref<4x16x768xf32, #tpu.memory_space<vmem>>, vector<1x1x16xf32>,
        %swap3A_361 = vector.shape_cast %swap3A_360 : vector<1x1x16xf32> to vector<16xf32>
        %swap3A_362 = vector.shape_cast %get3A_341 : vector<16xf32> to vector<1x1x16xf32>
        tpu.vector_store %arg6[%swap3A_357, %swap3A_358, %swap3A_359], %swap3A_362 {add = true, strides = array<i32>} : memref<4x16x768xf32, #tpu.memory_space<vmem>>, vector<1x1x16xf32>,
        %swap3A_363 = arith.constant 3 : i32
        %swap3A_364 = arith.index_cast %swap3A_363 : i32 to index
        %swap3A_365 = arith.index_cast %scan3A_114 : i32 to index
        %swap3A_366 = arith.constant 112 : index
        %swap3A_367 = tpu.vector_load %arg6[%swap3A_364, %swap3A_365, %swap3A_366] {strides = array<i32>} : memref<4x16x768xf32, #tpu.memory_space<vmem>>, vector<1x1x16xf32>,
        %swap3A_368 = vector.shape_cast %swap3A_367 : vector<1x1x16xf32> to vector<16xf32>
        %swap3A_369 = vector.shape_cast %get3A_341 : vector<16xf32> to vector<1x1x16xf32>
        tpu.vector_store %arg6[%swap3A_364, %swap3A_365, %swap3A_366], %swap3A_369 {add = true, strides = array<i32>} : memref<4x16x768xf32, #tpu.memory_space<vmem>>, vector<1x1x16xf32>,
        %get3A_370 = arith.index_cast %scan3A_114 : i32 to index
        %get3A_371 = arith.constant 128 : index
        %get3A_372 = tpu.vector_load %arg8[%get3A_370, %get3A_371] {strides = array<i32>} : memref<16x768xf32, #tpu.memory_space<vmem>>, vector<1x16xf32>,
        %get3A_373 = vector.shape_cast %get3A_372 : vector<1x16xf32> to vector<16xf32>
        %swap3A_374 = arith.constant 0 : i32
        %swap3A_375 = arith.index_cast %swap3A_374 : i32 to index
        %swap3A_376 = arith.index_cast %scan3A_114 : i32 to index
        %swap3A_377 = arith.constant 128 : index
        %swap3A_378 = tpu.vector_load %arg6[%swap3A_375, %swap3A_376, %swap3A_377] {strides = array<i32>} : memref<4x16x768xf32, #tpu.memory_space<vmem>>, vector<1x1x16xf32>,
        %swap3A_379 = vector.shape_cast %swap3A_378 : vector<1x1x16xf32> to vector<16xf32>
        %swap3A_380 = vector.shape_cast %get3A_373 : vector<16xf32> to vector<1x1x16xf32>
        tpu.vector_store %arg6[%swap3A_375, %swap3A_376, %swap3A_377], %swap3A_380 {add = true, strides = array<i32>} : memref<4x16x768xf32, #tpu.memory_space<vmem>>, vector<1x1x16xf32>,
        %swap3A_381 = arith.constant 1 : i32
        %swap3A_382 = arith.index_cast %swap3A_381 : i32 to index
        %swap3A_383 = arith.index_cast %scan3A_114 : i32 to index
        %swap3A_384 = arith.constant 128 : index
        %swap3A_385 = tpu.vector_load %arg6[%swap3A_382, %swap3A_383, %swap3A_384] {strides = array<i32>} : memref<4x16x768xf32, #tpu.memory_space<vmem>>, vector<1x1x16xf32>,
        %swap3A_386 = vector.shape_cast %swap3A_385 : vector<1x1x16xf32> to vector<16xf32>
        %swap3A_387 = vector.shape_cast %get3A_373 : vector<16xf32> to vector<1x1x16xf32>
        tpu.vector_store %arg6[%swap3A_382, %swap3A_383, %swap3A_384], %swap3A_387 {add = true, strides = array<i32>} : memref<4x16x768xf32, #tpu.memory_space<vmem>>, vector<1x1x16xf32>,
        %swap3A_388 = arith.constant 2 : i32
        %swap3A_389 = arith.index_cast %swap3A_388 : i32 to index
        %swap3A_390 = arith.index_cast %scan3A_114 : i32 to index
        %swap3A_391 = arith.constant 128 : index
        %swap3A_392 = tpu.vector_load %arg6[%swap3A_389, %swap3A_390, %swap3A_391] {strides = array<i32>} : memref<4x16x768xf32, #tpu.memory_space<vmem>>, vector<1x1x16xf32>,
        %swap3A_393 = vector.shape_cast %swap3A_392 : vector<1x1x16xf32> to vector<16xf32>
        %swap3A_394 = vector.shape_cast %get3A_373 : vector<16xf32> to vector<1x1x16xf32>
        tpu.vector_store %arg6[%swap3A_389, %swap3A_390, %swap3A_391], %swap3A_394 {add = true, strides = array<i32>} : memref<4x16x768xf32, #tpu.memory_space<vmem>>, vector<1x1x16xf32>,
        %swap3A_395 = arith.constant 3 : i32
        %swap3A_396 = arith.index_cast %swap3A_395 : i32 to index
        %swap3A_397 = arith.index_cast %scan3A_114 : i32 to index
        %swap3A_398 = arith.constant 128 : index
        %swap3A_399 = tpu.vector_load %arg6[%swap3A_396, %swap3A_397, %swap3A_398] {strides = array<i32>} : memref<4x16x768xf32, #tpu.memory_space<vmem>>, vector<1x1x16xf32>,
        %swap3A_400 = vector.shape_cast %swap3A_399 : vector<1x1x16xf32> to vector<16xf32>
        %swap3A_401 = vector.shape_cast %get3A_373 : vector<16xf32> to vector<1x1x16xf32>
        tpu.vector_store %arg6[%swap3A_396, %swap3A_397, %swap3A_398], %swap3A_401 {add = true, strides = array<i32>} : memref<4x16x768xf32, #tpu.memory_space<vmem>>, vector<1x1x16xf32>,
        %get3A_402 = arith.index_cast %scan3A_114 : i32 to index
        %get3A_403 = arith.constant 144 : index
        %get3A_404 = tpu.vector_load %arg8[%get3A_402, %get3A_403] {strides = array<i32>} : memref<16x768xf32, #tpu.memory_space<vmem>>, vector<1x16xf32>,
        %get3A_405 = vector.shape_cast %get3A_404 : vector<1x16xf32> to vector<16xf32>
        %swap3A_406 = arith.constant 0 : i32
        %swap3A_407 = arith.index_cast %swap3A_406 : i32 to index
        %swap3A_408 = arith.index_cast %scan3A_114 : i32 to index
        %swap3A_409 = arith.constant 144 : index
        %swap3A_410 = tpu.vector_load %arg6[%swap3A_407, %swap3A_408, %swap3A_409] {strides = array<i32>} : memref<4x16x768xf32, #tpu.memory_space<vmem>>, vector<1x1x16xf32>,
        %swap3A_411 = vector.shape_cast %swap3A_410 : vector<1x1x16xf32> to vector<16xf32>
        %swap3A_412 = vector.shape_cast %get3A_405 : vector<16xf32> to vector<1x1x16xf32>
        tpu.vector_store %arg6[%swap3A_407, %swap3A_408, %swap3A_409], %swap3A_412 {add = true, strides = array<i32>} : memref<4x16x768xf32, #tpu.memory_space<vmem>>, vector<1x1x16xf32>,
        %swap3A_413 = arith.constant 1 : i32
        %swap3A_414 = arith.index_cast %swap3A_413 : i32 to index
        %swap3A_415 = arith.index_cast %scan3A_114 : i32 to index
        %swap3A_416 = arith.constant 144 : index
        %swap3A_417 = tpu.vector_load %arg6[%swap3A_414, %swap3A_415, %swap3A_416] {strides = array<i32>} : memref<4x16x768xf32, #tpu.memory_space<vmem>>, vector<1x1x16xf32>,
        %swap3A_418 = vector.shape_cast %swap3A_417 : vector<1x1x16xf32> to vector<16xf32>
        %swap3A_419 = vector.shape_cast %get3A_405 : vector<16xf32> to vector<1x1x16xf32>
        tpu.vector_store %arg6[%swap3A_414, %swap3A_415, %swap3A_416], %swap3A_419 {add = true, strides = array<i32>} : memref<4x16x768xf32, #tpu.memory_space<vmem>>, vector<1x1x16xf32>,
        %swap3A_420 = arith.constant 2 : i32
        %swap3A_421 = arith.index_cast %swap3A_420 : i32 to index
        %swap3A_422 = arith.index_cast %scan3A_114 : i32 to index
        %swap3A_423 = arith.constant 144 : index
        %swap3A_424 = tpu.vector_load %arg6[%swap3A_421, %swap3A_422, %swap3A_423] {strides = array<i32>} : memref<4x16x768xf32, #tpu.memory_space<vmem>>, vector<1x1x16xf32>,
        %swap3A_425 = vector.shape_cast %swap3A_424 : vector<1x1x16xf32> to vector<16xf32>
        %swap3A_426 = vector.shape_cast %get3A_405 : vector<16xf32> to vector<1x1x16xf32>
        tpu.vector_store %arg6[%swap3A_421, %swap3A_422, %swap3A_423], %swap3A_426 {add = true, strides = array<i32>} : memref<4x16x768xf32, #tpu.memory_space<vmem>>, vector<1x1x16xf32>,
        %swap3A_427 = arith.constant 3 : i32
        %swap3A_428 = arith.index_cast %swap3A_427 : i32 to index
        %swap3A_429 = arith.index_cast %scan3A_114 : i32 to index
        %swap3A_430 = arith.constant 144 : index
        %swap3A_431 = tpu.vector_load %arg6[%swap3A_428, %swap3A_429, %swap3A_430] {strides = array<i32>} : memref<4x16x768xf32, #tpu.memory_space<vmem>>, vector<1x1x16xf32>,
        %swap3A_432 = vector.shape_cast %swap3A_431 : vector<1x1x16xf32> to vector<16xf32>
        %swap3A_433 = vector.shape_cast %get3A_405 : vector<16xf32> to vector<1x1x16xf32>
        tpu.vector_store %arg6[%swap3A_428, %swap3A_429, %swap3A_430], %swap3A_433 {add = true, strides = array<i32>} : memref<4x16x768xf32, #tpu.memory_space<vmem>>, vector<1x1x16xf32>,
        %get3A_434 = arith.index_cast %scan3A_114 : i32 to index
        %get3A_435 = arith.constant 160 : index
        %get3A_436 = tpu.vector_load %arg8[%get3A_434, %get3A_435] {strides = array<i32>} : memref<16x768xf32, #tpu.memory_space<vmem>>, vector<1x16xf32>,
        %get3A_437 = vector.shape_cast %get3A_436 : vector<1x16xf32> to vector<16xf32>
        %swap3A_438 = arith.constant 0 : i32
        %swap3A_439 = arith.index_cast %swap3A_438 : i32 to index
        %swap3A_440 = arith.index_cast %scan3A_114 : i32 to index
        %swap3A_441 = arith.constant 160 : index
        %swap3A_442 = tpu.vector_load %arg6[%swap3A_439, %swap3A_440, %swap3A_441] {strides = array<i32>} : memref<4x16x768xf32, #tpu.memory_space<vmem>>, vector<1x1x16xf32>,
        %swap3A_443 = vector.shape_cast %swap3A_442 : vector<1x1x16xf32> to vector<16xf32>
        %swap3A_444 = vector.shape_cast %get3A_437 : vector<16xf32> to vector<1x1x16xf32>
        tpu.vector_store %arg6[%swap3A_439, %swap3A_440, %swap3A_441], %swap3A_444 {add = true, strides = array<i32>} : memref<4x16x768xf32, #tpu.memory_space<vmem>>, vector<1x1x16xf32>,
        %swap3A_445 = arith.constant 1 : i32
        %swap3A_446 = arith.index_cast %swap3A_445 : i32 to index
        %swap3A_447 = arith.index_cast %scan3A_114 : i32 to index
        %swap3A_448 = arith.constant 160 : index
        %swap3A_449 = tpu.vector_load %arg6[%swap3A_446, %swap3A_447, %swap3A_448] {strides = array<i32>} : memref<4x16x768xf32, #tpu.memory_space<vmem>>, vector<1x1x16xf32>,
        %swap3A_450 = vector.shape_cast %swap3A_449 : vector<1x1x16xf32> to vector<16xf32>
        %swap3A_451 = vector.shape_cast %get3A_437 : vector<16xf32> to vector<1x1x16xf32>
        tpu.vector_store %arg6[%swap3A_446, %swap3A_447, %swap3A_448], %swap3A_451 {add = true, strides = array<i32>} : memref<4x16x768xf32, #tpu.memory_space<vmem>>, vector<1x1x16xf32>,
        %swap3A_452 = arith.constant 2 : i32
        %swap3A_453 = arith.index_cast %swap3A_452 : i32 to index
        %swap3A_454 = arith.index_cast %scan3A_114 : i32 to index
        %swap3A_455 = arith.constant 160 : index
        %swap3A_456 = tpu.vector_load %arg6[%swap3A_453, %swap3A_454, %swap3A_455] {strides = array<i32>} : memref<4x16x768xf32, #tpu.memory_space<vmem>>, vector<1x1x16xf32>,
        %swap3A_457 = vector.shape_cast %swap3A_456 : vector<1x1x16xf32> to vector<16xf32>
        %swap3A_458 = vector.shape_cast %get3A_437 : vector<16xf32> to vector<1x1x16xf32>
        tpu.vector_store %arg6[%swap3A_453, %swap3A_454, %swap3A_455], %swap3A_458 {add = true, strides = array<i32>} : memref<4x16x768xf32, #tpu.memory_space<vmem>>, vector<1x1x16xf32>,
        %swap3A_459 = arith.constant 3 : i32
        %swap3A_460 = arith.index_cast %swap3A_459 : i32 to index
        %swap3A_461 = arith.index_cast %scan3A_114 : i32 to index
        %swap3A_462 = arith.constant 160 : index
        %swap3A_463 = tpu.vector_load %arg6[%swap3A_460, %swap3A_461, %swap3A_462] {strides = array<i32>} : memref<4x16x768xf32, #tpu.memory_space<vmem>>, vector<1x1x16xf32>,
        %swap3A_464 = vector.shape_cast %swap3A_463 : vector<1x1x16xf32> to vector<16xf32>
        %swap3A_465 = vector.shape_cast %get3A_437 : vector<16xf32> to vector<1x1x16xf32>
        tpu.vector_store %arg6[%swap3A_460, %swap3A_461, %swap3A_462], %swap3A_465 {add = true, strides = array<i32>} : memref<4x16x768xf32, #tpu.memory_space<vmem>>, vector<1x1x16xf32>,
        %get3A_466 = arith.index_cast %scan3A_114 : i32 to index
        %get3A_467 = arith.constant 176 : index
        %get3A_468 = tpu.vector_load %arg8[%get3A_466, %get3A_467] {strides = array<i32>} : memref<16x768xf32, #tpu.memory_space<vmem>>, vector<1x16xf32>,
        %get3A_469 = vector.shape_cast %get3A_468 : vector<1x16xf32> to vector<16xf32>
        %swap3A_470 = arith.constant 0 : i32
        %swap3A_471 = arith.index_cast %swap3A_470 : i32 to index
        %swap3A_472 = arith.index_cast %scan3A_114 : i32 to index
        %swap3A_473 = arith.constant 176 : index
        %swap3A_474 = tpu.vector_load %arg6[%swap3A_471, %swap3A_472, %swap3A_473] {strides = array<i32>} : memref<4x16x768xf32, #tpu.memory_space<vmem>>, vector<1x1x16xf32>,
        %swap3A_475 = vector.shape_cast %swap3A_474 : vector<1x1x16xf32> to vector<16xf32>
        %swap3A_476 = vector.shape_cast %get3A_469 : vector<16xf32> to vector<1x1x16xf32>
        tpu.vector_store %arg6[%swap3A_471, %swap3A_472, %swap3A_473], %swap3A_476 {add = true, strides = array<i32>} : memref<4x16x768xf32, #tpu.memory_space<vmem>>, vector<1x1x16xf32>,
        %swap3A_477 = arith.constant 1 : i32
        %swap3A_478 = arith.index_cast %swap3A_477 : i32 to index
        %swap3A_479 = arith.index_cast %scan3A_114 : i32 to index
        %swap3A_480 = arith.constant 176 : index
        %swap3A_481 = tpu.vector_load %arg6[%swap3A_478, %swap3A_479, %swap3A_480] {strides = array<i32>} : memref<4x16x768xf32, #tpu.memory_space<vmem>>, vector<1x1x16xf32>,
        %swap3A_482 = vector.shape_cast %swap3A_481 : vector<1x1x16xf32> to vector<16xf32>
        %swap3A_483 = vector.shape_cast %get3A_469 : vector<16xf32> to vector<1x1x16xf32>
        tpu.vector_store %arg6[%swap3A_478, %swap3A_479, %swap3A_480], %swap3A_483 {add = true, strides = array<i32>} : memref<4x16x768xf32, #tpu.memory_space<vmem>>, vector<1x1x16xf32>,
        %swap3A_484 = arith.constant 2 : i32
        %swap3A_485 = arith.index_cast %swap3A_484 : i32 to index
        %swap3A_486 = arith.index_cast %scan3A_114 : i32 to index
        %swap3A_487 = arith.constant 176 : index
        %swap3A_488 = tpu.vector_load %arg6[%swap3A_485, %swap3A_486, %swap3A_487] {strides = array<i32>} : memref<4x16x768xf32, #tpu.memory_space<vmem>>, vector<1x1x16xf32>,
        %swap3A_489 = vector.shape_cast %swap3A_488 : vector<1x1x16xf32> to vector<16xf32>
        %swap3A_490 = vector.shape_cast %get3A_469 : vector<16xf32> to vector<1x1x16xf32>
        tpu.vector_store %arg6[%swap3A_485, %swap3A_486, %swap3A_487], %swap3A_490 {add = true, strides = array<i32>} : memref<4x16x768xf32, #tpu.memory_space<vmem>>, vector<1x1x16xf32>,
        %swap3A_491 = arith.constant 3 : i32
        %swap3A_492 = arith.index_cast %swap3A_491 : i32 to index
        %swap3A_493 = arith.index_cast %scan3A_114 : i32 to index
        %swap3A_494 = arith.constant 176 : index
        %swap3A_495 = tpu.vector_load %arg6[%swap3A_492, %swap3A_493, %swap3A_494] {strides = array<i32>} : memref<4x16x768xf32, #tpu.memory_space<vmem>>, vector<1x1x16xf32>,
        %swap3A_496 = vector.shape_cast %swap3A_495 : vector<1x1x16xf32> to vector<16xf32>
        %swap3A_497 = vector.shape_cast %get3A_469 : vector<16xf32> to vector<1x1x16xf32>
        tpu.vector_store %arg6[%swap3A_492, %swap3A_493, %swap3A_494], %swap3A_497 {add = true, strides = array<i32>} : memref<4x16x768xf32, #tpu.memory_space<vmem>>, vector<1x1x16xf32>,
        %get3A_498 = arith.index_cast %scan3A_114 : i32 to index
        %get3A_499 = arith.constant 192 : index
        %get3A_500 = tpu.vector_load %arg8[%get3A_498, %get3A_499] {strides = array<i32>} : memref<16x768xf32, #tpu.memory_space<vmem>>, vector<1x16xf32>,
        %get3A_501 = vector.shape_cast %get3A_500 : vector<1x16xf32> to vector<16xf32>
        %swap3A_502 = arith.constant 0 : i32
        %swap3A_503 = arith.index_cast %swap3A_502 : i32 to index
        %swap3A_504 = arith.index_cast %scan3A_114 : i32 to index
        %swap3A_505 = arith.constant 192 : index
        %swap3A_506 = tpu.vector_load %arg6[%swap3A_503, %swap3A_504, %swap3A_505] {strides = array<i32>} : memref<4x16x768xf32, #tpu.memory_space<vmem>>, vector<1x1x16xf32>,
        %swap3A_507 = vector.shape_cast %swap3A_506 : vector<1x1x16xf32> to vector<16xf32>
        %swap3A_508 = vector.shape_cast %get3A_501 : vector<16xf32> to vector<1x1x16xf32>
        tpu.vector_store %arg6[%swap3A_503, %swap3A_504, %swap3A_505], %swap3A_508 {add = true, strides = array<i32>} : memref<4x16x768xf32, #tpu.memory_space<vmem>>, vector<1x1x16xf32>,
        %swap3A_509 = arith.constant 1 : i32
        %swap3A_510 = arith.index_cast %swap3A_509 : i32 to index
        %swap3A_511 = arith.index_cast %scan3A_114 : i32 to index
        %swap3A_512 = arith.constant 192 : index
        %swap3A_513 = tpu.vector_load %arg6[%swap3A_510, %swap3A_511, %swap3A_512] {strides = array<i32>} : memref<4x16x768xf32, #tpu.memory_space<vmem>>, vector<1x1x16xf32>,
        %swap3A_514 = vector.shape_cast %swap3A_513 : vector<1x1x16xf32> to vector<16xf32>
        %swap3A_515 = vector.shape_cast %get3A_501 : vector<16xf32> to vector<1x1x16xf32>
        tpu.vector_store %arg6[%swap3A_510, %swap3A_511, %swap3A_512], %swap3A_515 {add = true, strides = array<i32>} : memref<4x16x768xf32, #tpu.memory_space<vmem>>, vector<1x1x16xf32>,
        %swap3A_516 = arith.constant 2 : i32
        %swap3A_517 = arith.index_cast %swap3A_516 : i32 to index
        %swap3A_518 = arith.index_cast %scan3A_114 : i32 to index
        %swap3A_519 = arith.constant 192 : index
        %swap3A_520 = tpu.vector_load %arg6[%swap3A_517, %swap3A_518, %swap3A_519] {strides = array<i32>} : memref<4x16x768xf32, #tpu.memory_space<vmem>>, vector<1x1x16xf32>,
        %swap3A_521 = vector.shape_cast %swap3A_520 : vector<1x1x16xf32> to vector<16xf32>
        %swap3A_522 = vector.shape_cast %get3A_501 : vector<16xf32> to vector<1x1x16xf32>
        tpu.vector_store %arg6[%swap3A_517, %swap3A_518, %swap3A_519], %swap3A_522 {add = true, strides = array<i32>} : memref<4x16x768xf32, #tpu.memory_space<vmem>>, vector<1x1x16xf32>,
        %swap3A_523 = arith.constant 3 : i32
        %swap3A_524 = arith.index_cast %swap3A_523 : i32 to index
        %swap3A_525 = arith.index_cast %scan3A_114 : i32 to index
        %swap3A_526 = arith.constant 192 : index
        %swap3A_527 = tpu.vector_load %arg6[%swap3A_524, %swap3A_525, %swap3A_526] {strides = array<i32>} : memref<4x16x768xf32, #tpu.memory_space<vmem>>, vector<1x1x16xf32>,
        %swap3A_528 = vector.shape_cast %swap3A_527 : vector<1x1x16xf32> to vector<16xf32>
        %swap3A_529 = vector.shape_cast %get3A_501 : vector<16xf32> to vector<1x1x16xf32>
        tpu.vector_store %arg6[%swap3A_524, %swap3A_525, %swap3A_526], %swap3A_529 {add = true, strides = array<i32>} : memref<4x16x768xf32, #tpu.memory_space<vmem>>, vector<1x1x16xf32>,
        %get3A_530 = arith.index_cast %scan3A_114 : i32 to index
        %get3A_531 = arith.constant 208 : index
        %get3A_532 = tpu.vector_load %arg8[%get3A_530, %get3A_531] {strides = array<i32>} : memref<16x768xf32, #tpu.memory_space<vmem>>, vector<1x16xf32>,
        %get3A_533 = vector.shape_cast %get3A_532 : vector<1x16xf32> to vector<16xf32>
        %swap3A_534 = arith.constant 0 : i32
        %swap3A_535 = arith.index_cast %swap3A_534 : i32 to index
        %swap3A_536 = arith.index_cast %scan3A_114 : i32 to index
        %swap3A_537 = arith.constant 208 : index
        %swap3A_538 = tpu.vector_load %arg6[%swap3A_535, %swap3A_536, %swap3A_537] {strides = array<i32>} : memref<4x16x768xf32, #tpu.memory_space<vmem>>, vector<1x1x16xf32>,
        %swap3A_539 = vector.shape_cast %swap3A_538 : vector<1x1x16xf32> to vector<16xf32>
        %swap3A_540 = vector.shape_cast %get3A_533 : vector<16xf32> to vector<1x1x16xf32>
        tpu.vector_store %arg6[%swap3A_535, %swap3A_536, %swap3A_537], %swap3A_540 {add = true, strides = array<i32>} : memref<4x16x768xf32, #tpu.memory_space<vmem>>, vector<1x1x16xf32>,
        %swap3A_541 = arith.constant 1 : i32
        %swap3A_542 = arith.index_cast %swap3A_541 : i32 to index
        %swap3A_543 = arith.index_cast %scan3A_114 : i32 to index
        %swap3A_544 = arith.constant 208 : index
        %swap3A_545 = tpu.vector_load %arg6[%swap3A_542, %swap3A_543, %swap3A_544] {strides = array<i32>} : memref<4x16x768xf32, #tpu.memory_space<vmem>>, vector<1x1x16xf32>,
        %swap3A_546 = vector.shape_cast %swap3A_545 : vector<1x1x16xf32> to vector<16xf32>
        %swap3A_547 = vector.shape_cast %get3A_533 : vector<16xf32> to vector<1x1x16xf32>
        tpu.vector_store %arg6[%swap3A_542, %swap3A_543, %swap3A_544], %swap3A_547 {add = true, strides = array<i32>} : memref<4x16x768xf32, #tpu.memory_space<vmem>>, vector<1x1x16xf32>,
        %swap3A_548 = arith.constant 2 : i32
        %swap3A_549 = arith.index_cast %swap3A_548 : i32 to index
        %swap3A_550 = arith.index_cast %scan3A_114 : i32 to index
        %swap3A_551 = arith.constant 208 : index
        %swap3A_552 = tpu.vector_load %arg6[%swap3A_549, %swap3A_550, %swap3A_551] {strides = array<i32>} : memref<4x16x768xf32, #tpu.memory_space<vmem>>, vector<1x1x16xf32>,
        %swap3A_553 = vector.shape_cast %swap3A_552 : vector<1x1x16xf32> to vector<16xf32>
        %swap3A_554 = vector.shape_cast %get3A_533 : vector<16xf32> to vector<1x1x16xf32>
        tpu.vector_store %arg6[%swap3A_549, %swap3A_550, %swap3A_551], %swap3A_554 {add = true, strides = array<i32>} : memref<4x16x768xf32, #tpu.memory_space<vmem>>, vector<1x1x16xf32>,
        %swap3A_555 = arith.constant 3 : i32
        %swap3A_556 = arith.index_cast %swap3A_555 : i32 to index
        %swap3A_557 = arith.index_cast %scan3A_114 : i32 to index
        %swap3A_558 = arith.constant 208 : index
        %swap3A_559 = tpu.vector_load %arg6[%swap3A_556, %swap3A_557, %swap3A_558] {strides = array<i32>} : memref<4x16x768xf32, #tpu.memory_space<vmem>>, vector<1x1x16xf32>,
        %swap3A_560 = vector.shape_cast %swap3A_559 : vector<1x1x16xf32> to vector<16xf32>
        %swap3A_561 = vector.shape_cast %get3A_533 : vector<16xf32> to vector<1x1x16xf32>
        tpu.vector_store %arg6[%swap3A_556, %swap3A_557, %swap3A_558], %swap3A_561 {add = true, strides = array<i32>} : memref<4x16x768xf32, #tpu.memory_space<vmem>>, vector<1x1x16xf32>,
        %get3A_562 = arith.index_cast %scan3A_114 : i32 to index
        %get3A_563 = arith.constant 224 : index
        %get3A_564 = tpu.vector_load %arg8[%get3A_562, %get3A_563] {strides = array<i32>} : memref<16x768xf32, #tpu.memory_space<vmem>>, vector<1x16xf32>,
        %get3A_565 = vector.shape_cast %get3A_564 : vector<1x16xf32> to vector<16xf32>
        %swap3A_566 = arith.constant 0 : i32
        %swap3A_567 = arith.index_cast %swap3A_566 : i32 to index
        %swap3A_568 = arith.index_cast %scan3A_114 : i32 to index
        %swap3A_569 = arith.constant 224 : index
        %swap3A_570 = tpu.vector_load %arg6[%swap3A_567, %swap3A_568, %swap3A_569] {strides = array<i32>} : memref<4x16x768xf32, #tpu.memory_space<vmem>>, vector<1x1x16xf32>,
        %swap3A_571 = vector.shape_cast %swap3A_570 : vector<1x1x16xf32> to vector<16xf32>
        %swap3A_572 = vector.shape_cast %get3A_565 : vector<16xf32> to vector<1x1x16xf32>
        tpu.vector_store %arg6[%swap3A_567, %swap3A_568, %swap3A_569], %swap3A_572 {add = true, strides = array<i32>} : memref<4x16x768xf32, #tpu.memory_space<vmem>>, vector<1x1x16xf32>,
        %swap3A_573 = arith.constant 1 : i32
        %swap3A_574 = arith.index_cast %swap3A_573 : i32 to index
        %swap3A_575 = arith.index_cast %scan3A_114 : i32 to index
        %swap3A_576 = arith.constant 224 : index
        %swap3A_577 = tpu.vector_load %arg6[%swap3A_574, %swap3A_575, %swap3A_576] {strides = array<i32>} : memref<4x16x768xf32, #tpu.memory_space<vmem>>, vector<1x1x16xf32>,
        %swap3A_578 = vector.shape_cast %swap3A_577 : vector<1x1x16xf32> to vector<16xf32>
        %swap3A_579 = vector.shape_cast %get3A_565 : vector<16xf32> to vector<1x1x16xf32>
        tpu.vector_store %arg6[%swap3A_574, %swap3A_575, %swap3A_576], %swap3A_579 {add = true, strides = array<i32>} : memref<4x16x768xf32, #tpu.memory_space<vmem>>, vector<1x1x16xf32>,
        %swap3A_580 = arith.constant 2 : i32
        %swap3A_581 = arith.index_cast %swap3A_580 : i32 to index
        %swap3A_582 = arith.index_cast %scan3A_114 : i32 to index
        %swap3A_583 = arith.constant 224 : index
        %swap3A_584 = tpu.vector_load %arg6[%swap3A_581, %swap3A_582, %swap3A_583] {strides = array<i32>} : memref<4x16x768xf32, #tpu.memory_space<vmem>>, vector<1x1x16xf32>,
        %swap3A_585 = vector.shape_cast %swap3A_584 : vector<1x1x16xf32> to vector<16xf32>
        %swap3A_586 = vector.shape_cast %get3A_565 : vector<16xf32> to vector<1x1x16xf32>
        tpu.vector_store %arg6[%swap3A_581, %swap3A_582, %swap3A_583], %swap3A_586 {add = true, strides = array<i32>} : memref<4x16x768xf32, #tpu.memory_space<vmem>>, vector<1x1x16xf32>,
        %swap3A_587 = arith.constant 3 : i32
        %swap3A_588 = arith.index_cast %swap3A_587 : i32 to index
        %swap3A_589 = arith.index_cast %scan3A_114 : i32 to index
        %swap3A_590 = arith.constant 224 : index
        %swap3A_591 = tpu.vector_load %arg6[%swap3A_588, %swap3A_589, %swap3A_590] {strides = array<i32>} : memref<4x16x768xf32, #tpu.memory_space<vmem>>, vector<1x1x16xf32>,
        %swap3A_592 = vector.shape_cast %swap3A_591 : vector<1x1x16xf32> to vector<16xf32>
        %swap3A_593 = vector.shape_cast %get3A_565 : vector<16xf32> to vector<1x1x16xf32>
        tpu.vector_store %arg6[%swap3A_588, %swap3A_589, %swap3A_590], %swap3A_593 {add = true, strides = array<i32>} : memref<4x16x768xf32, #tpu.memory_space<vmem>>, vector<1x1x16xf32>,
        %get3A_594 = arith.index_cast %scan3A_114 : i32 to index
        %get3A_595 = arith.constant 240 : index
        %get3A_596 = tpu.vector_load %arg8[%get3A_594, %get3A_595] {strides = array<i32>} : memref<16x768xf32, #tpu.memory_space<vmem>>, vector<1x16xf32>,
        %get3A_597 = vector.shape_cast %get3A_596 : vector<1x16xf32> to vector<16xf32>
        %swap3A_598 = arith.constant 0 : i32
        %swap3A_599 = arith.index_cast %swap3A_598 : i32 to index
        %swap3A_600 = arith.index_cast %scan3A_114 : i32 to index
        %swap3A_601 = arith.constant 240 : index
        %swap3A_602 = tpu.vector_load %arg6[%swap3A_599, %swap3A_600, %swap3A_601] {strides = array<i32>} : memref<4x16x768xf32, #tpu.memory_space<vmem>>, vector<1x1x16xf32>,
        %swap3A_603 = vector.shape_cast %swap3A_602 : vector<1x1x16xf32> to vector<16xf32>
        %swap3A_604 = vector.shape_cast %get3A_597 : vector<16xf32> to vector<1x1x16xf32>
        tpu.vector_store %arg6[%swap3A_599, %swap3A_600, %swap3A_601], %swap3A_604 {add = true, strides = array<i32>} : memref<4x16x768xf32, #tpu.memory_space<vmem>>, vector<1x1x16xf32>,
        %swap3A_605 = arith.constant 1 : i32
        %swap3A_606 = arith.index_cast %swap3A_605 : i32 to index
        %swap3A_607 = arith.index_cast %scan3A_114 : i32 to index
        %swap3A_608 = arith.constant 240 : index
        %swap3A_609 = tpu.vector_load %arg6[%swap3A_606, %swap3A_607, %swap3A_608] {strides = array<i32>} : memref<4x16x768xf32, #tpu.memory_space<vmem>>, vector<1x1x16xf32>,
        %swap3A_610 = vector.shape_cast %swap3A_609 : vector<1x1x16xf32> to vector<16xf32>
        %swap3A_611 = vector.shape_cast %get3A_597 : vector<16xf32> to vector<1x1x16xf32>
        tpu.vector_store %arg6[%swap3A_606, %swap3A_607, %swap3A_608], %swap3A_611 {add = true, strides = array<i32>} : memref<4x16x768xf32, #tpu.memory_space<vmem>>, vector<1x1x16xf32>,
        %swap3A_612 = arith.constant 2 : i32
        %swap3A_613 = arith.index_cast %swap3A_612 : i32 to index
        %swap3A_614 = arith.index_cast %scan3A_114 : i32 to index
        %swap3A_615 = arith.constant 240 : index
        %swap3A_616 = tpu.vector_load %arg6[%swap3A_613, %swap3A_614, %swap3A_615] {strides = array<i32>} : memref<4x16x768xf32, #tpu.memory_space<vmem>>, vector<1x1x16xf32>,
        %swap3A_617 = vector.shape_cast %swap3A_616 : vector<1x1x16xf32> to vector<16xf32>
        %swap3A_618 = vector.shape_cast %get3A_597 : vector<16xf32> to vector<1x1x16xf32>
        tpu.vector_store %arg6[%swap3A_613, %swap3A_614, %swap3A_615], %swap3A_618 {add = true, strides = array<i32>} : memref<4x16x768xf32, #tpu.memory_space<vmem>>, vector<1x1x16xf32>,
        %swap3A_619 = arith.constant 3 : i32
        %swap3A_620 = arith.index_cast %swap3A_619 : i32 to index
        %swap3A_621 = arith.index_cast %scan3A_114 : i32 to index
        %swap3A_622 = arith.constant 240 : index
        %swap3A_623 = tpu.vector_load %arg6[%swap3A_620, %swap3A_621, %swap3A_622] {strides = array<i32>} : memref<4x16x768xf32, #tpu.memory_space<vmem>>, vector<1x1x16xf32>,
        %swap3A_624 = vector.shape_cast %swap3A_623 : vector<1x1x16xf32> to vector<16xf32>
        %swap3A_625 = vector.shape_cast %get3A_597 : vector<16xf32> to vector<1x1x16xf32>
        tpu.vector_store %arg6[%swap3A_620, %swap3A_621, %swap3A_622], %swap3A_625 {add = true, strides = array<i32>} : memref<4x16x768xf32, #tpu.memory_space<vmem>>, vector<1x1x16xf32>,
        %get3A_626 = arith.index_cast %scan3A_114 : i32 to index
        %get3A_627 = arith.constant 256 : index
        %get3A_628 = tpu.vector_load %arg8[%get3A_626, %get3A_627] {strides = array<i32>} : memref<16x768xf32, #tpu.memory_space<vmem>>, vector<1x16xf32>,
        %get3A_629 = vector.shape_cast %get3A_628 : vector<1x16xf32> to vector<16xf32>
        %swap3A_630 = arith.constant 0 : i32
        %swap3A_631 = arith.index_cast %swap3A_630 : i32 to index
        %swap3A_632 = arith.index_cast %scan3A_114 : i32 to index
        %swap3A_633 = arith.constant 256 : index
        %swap3A_634 = tpu.vector_load %arg6[%swap3A_631, %swap3A_632, %swap3A_633] {strides = array<i32>} : memref<4x16x768xf32, #tpu.memory_space<vmem>>, vector<1x1x16xf32>,
        %swap3A_635 = vector.shape_cast %swap3A_634 : vector<1x1x16xf32> to vector<16xf32>
        %swap3A_636 = vector.shape_cast %get3A_629 : vector<16xf32> to vector<1x1x16xf32>
        tpu.vector_store %arg6[%swap3A_631, %swap3A_632, %swap3A_633], %swap3A_636 {add = true, strides = array<i32>} : memref<4x16x768xf32, #tpu.memory_space<vmem>>, vector<1x1x16xf32>,
        %swap3A_637 = arith.constant 1 : i32
        %swap3A_638 = arith.index_cast %swap3A_637 : i32 to index
        %swap3A_639 = arith.index_cast %scan3A_114 : i32 to index
        %swap3A_640 = arith.constant 256 : index
        %swap3A_641 = tpu.vector_load %arg6[%swap3A_638, %swap3A_639, %swap3A_640] {strides = array<i32>} : memref<4x16x768xf32, #tpu.memory_space<vmem>>, vector<1x1x16xf32>,
        %swap3A_642 = vector.shape_cast %swap3A_641 : vector<1x1x16xf32> to vector<16xf32>
        %swap3A_643 = vector.shape_cast %get3A_629 : vector<16xf32> to vector<1x1x16xf32>
        tpu.vector_store %arg6[%swap3A_638, %swap3A_639, %swap3A_640], %swap3A_643 {add = true, strides = array<i32>} : memref<4x16x768xf32, #tpu.memory_space<vmem>>, vector<1x1x16xf32>,
        %swap3A_644 = arith.constant 2 : i32
        %swap3A_645 = arith.index_cast %swap3A_644 : i32 to index
        %swap3A_646 = arith.index_cast %scan3A_114 : i32 to index
        %swap3A_647 = arith.constant 256 : index
        %swap3A_648 = tpu.vector_load %arg6[%swap3A_645, %swap3A_646, %swap3A_647] {strides = array<i32>} : memref<4x16x768xf32, #tpu.memory_space<vmem>>, vector<1x1x16xf32>,
        %swap3A_649 = vector.shape_cast %swap3A_648 : vector<1x1x16xf32> to vector<16xf32>
        %swap3A_650 = vector.shape_cast %get3A_629 : vector<16xf32> to vector<1x1x16xf32>
        tpu.vector_store %arg6[%swap3A_645, %swap3A_646, %swap3A_647], %swap3A_650 {add = true, strides = array<i32>} : memref<4x16x768xf32, #tpu.memory_space<vmem>>, vector<1x1x16xf32>,
        %swap3A_651 = arith.constant 3 : i32
        %swap3A_652 = arith.index_cast %swap3A_651 : i32 to index
        %swap3A_653 = arith.index_cast %scan3A_114 : i32 to index
        %swap3A_654 = arith.constant 256 : index
        %swap3A_655 = tpu.vector_load %arg6[%swap3A_652, %swap3A_653, %swap3A_654] {strides = array<i32>} : memref<4x16x768xf32, #tpu.memory_space<vmem>>, vector<1x1x16xf32>,
        %swap3A_656 = vector.shape_cast %swap3A_655 : vector<1x1x16xf32> to vector<16xf32>
        %swap3A_657 = vector.shape_cast %get3A_629 : vector<16xf32> to vector<1x1x16xf32>
        tpu.vector_store %arg6[%swap3A_652, %swap3A_653, %swap3A_654], %swap3A_657 {add = true, strides = array<i32>} : memref<4x16x768xf32, #tpu.memory_space<vmem>>, vector<1x1x16xf32>,
        %get3A_658 = arith.index_cast %scan3A_114 : i32 to index
        %get3A_659 = arith.constant 272 : index
        %get3A_660 = tpu.vector_load %arg8[%get3A_658, %get3A_659] {strides = array<i32>} : memref<16x768xf32, #tpu.memory_space<vmem>>, vector<1x16xf32>,
        %get3A_661 = vector.shape_cast %get3A_660 : vector<1x16xf32> to vector<16xf32>
        %swap3A_662 = arith.constant 0 : i32
        %swap3A_663 = arith.index_cast %swap3A_662 : i32 to index
        %swap3A_664 = arith.index_cast %scan3A_114 : i32 to index
        %swap3A_665 = arith.constant 272 : index
        %swap3A_666 = tpu.vector_load %arg6[%swap3A_663, %swap3A_664, %swap3A_665] {strides = array<i32>} : memref<4x16x768xf32, #tpu.memory_space<vmem>>, vector<1x1x16xf32>,
        %swap3A_667 = vector.shape_cast %swap3A_666 : vector<1x1x16xf32> to vector<16xf32>
        %swap3A_668 = vector.shape_cast %get3A_661 : vector<16xf32> to vector<1x1x16xf32>
        tpu.vector_store %arg6[%swap3A_663, %swap3A_664, %swap3A_665], %swap3A_668 {add = true, strides = array<i32>} : memref<4x16x768xf32, #tpu.memory_space<vmem>>, vector<1x1x16xf32>,
        %swap3A_669 = arith.constant 1 : i32
        %swap3A_670 = arith.index_cast %swap3A_669 : i32 to index
        %swap3A_671 = arith.index_cast %scan3A_114 : i32 to index
        %swap3A_672 = arith.constant 272 : index
        %swap3A_673 = tpu.vector_load %arg6[%swap3A_670, %swap3A_671, %swap3A_672] {strides = array<i32>} : memref<4x16x768xf32, #tpu.memory_space<vmem>>, vector<1x1x16xf32>,
        %swap3A_674 = vector.shape_cast %swap3A_673 : vector<1x1x16xf32> to vector<16xf32>
        %swap3A_675 = vector.shape_cast %get3A_661 : vector<16xf32> to vector<1x1x16xf32>
        tpu.vector_store %arg6[%swap3A_670, %swap3A_671, %swap3A_672], %swap3A_675 {add = true, strides = array<i32>} : memref<4x16x768xf32, #tpu.memory_space<vmem>>, vector<1x1x16xf32>,
        %swap3A_676 = arith.constant 2 : i32
        %swap3A_677 = arith.index_cast %swap3A_676 : i32 to index
        %swap3A_678 = arith.index_cast %scan3A_114 : i32 to index
        %swap3A_679 = arith.constant 272 : index
        %swap3A_680 = tpu.vector_load %arg6[%swap3A_677, %swap3A_678, %swap3A_679] {strides = array<i32>} : memref<4x16x768xf32, #tpu.memory_space<vmem>>, vector<1x1x16xf32>,
        %swap3A_681 = vector.shape_cast %swap3A_680 : vector<1x1x16xf32> to vector<16xf32>
        %swap3A_682 = vector.shape_cast %get3A_661 : vector<16xf32> to vector<1x1x16xf32>
        tpu.vector_store %arg6[%swap3A_677, %swap3A_678, %swap3A_679], %swap3A_682 {add = true, strides = array<i32>} : memref<4x16x768xf32, #tpu.memory_space<vmem>>, vector<1x1x16xf32>,
        %swap3A_683 = arith.constant 3 : i32
        %swap3A_684 = arith.index_cast %swap3A_683 : i32 to index
        %swap3A_685 = arith.index_cast %scan3A_114 : i32 to index
        %swap3A_686 = arith.constant 272 : index
        %swap3A_687 = tpu.vector_load %arg6[%swap3A_684, %swap3A_685, %swap3A_686] {strides = array<i32>} : memref<4x16x768xf32, #tpu.memory_space<vmem>>, vector<1x1x16xf32>,
        %swap3A_688 = vector.shape_cast %swap3A_687 : vector<1x1x16xf32> to vector<16xf32>
        %swap3A_689 = vector.shape_cast %get3A_661 : vector<16xf32> to vector<1x1x16xf32>
        tpu.vector_store %arg6[%swap3A_684, %swap3A_685, %swap3A_686], %swap3A_689 {add = true, strides = array<i32>} : memref<4x16x768xf32, #tpu.memory_space<vmem>>, vector<1x1x16xf32>,
        %get3A_690 = arith.index_cast %scan3A_114 : i32 to index
        %get3A_691 = arith.constant 288 : index
        %get3A_692 = tpu.vector_load %arg8[%get3A_690, %get3A_691] {strides = array<i32>} : memref<16x768xf32, #tpu.memory_space<vmem>>, vector<1x16xf32>,
        %get3A_693 = vector.shape_cast %get3A_692 : vector<1x16xf32> to vector<16xf32>
        %swap3A_694 = arith.constant 0 : i32
        %swap3A_695 = arith.index_cast %swap3A_694 : i32 to index
        %swap3A_696 = arith.index_cast %scan3A_114 : i32 to index
        %swap3A_697 = arith.constant 288 : index
        %swap3A_698 = tpu.vector_load %arg6[%swap3A_695, %swap3A_696, %swap3A_697] {strides = array<i32>} : memref<4x16x768xf32, #tpu.memory_space<vmem>>, vector<1x1x16xf32>,
        %swap3A_699 = vector.shape_cast %swap3A_698 : vector<1x1x16xf32> to vector<16xf32>
        %swap3A_700 = vector.shape_cast %get3A_693 : vector<16xf32> to vector<1x1x16xf32>
        tpu.vector_store %arg6[%swap3A_695, %swap3A_696, %swap3A_697], %swap3A_700 {add = true, strides = array<i32>} : memref<4x16x768xf32, #tpu.memory_space<vmem>>, vector<1x1x16xf32>,
        %swap3A_701 = arith.constant 1 : i32
        %swap3A_702 = arith.index_cast %swap3A_701 : i32 to index
        %swap3A_703 = arith.index_cast %scan3A_114 : i32 to index
        %swap3A_704 = arith.constant 288 : index
        %swap3A_705 = tpu.vector_load %arg6[%swap3A_702, %swap3A_703, %swap3A_704] {strides = array<i32>} : memref<4x16x768xf32, #tpu.memory_space<vmem>>, vector<1x1x16xf32>,
        %swap3A_706 = vector.shape_cast %swap3A_705 : vector<1x1x16xf32> to vector<16xf32>
        %swap3A_707 = vector.shape_cast %get3A_693 : vector<16xf32> to vector<1x1x16xf32>
        tpu.vector_store %arg6[%swap3A_702, %swap3A_703, %swap3A_704], %swap3A_707 {add = true, strides = array<i32>} : memref<4x16x768xf32, #tpu.memory_space<vmem>>, vector<1x1x16xf32>,
        %swap3A_708 = arith.constant 2 : i32
        %swap3A_709 = arith.index_cast %swap3A_708 : i32 to index
        %swap3A_710 = arith.index_cast %scan3A_114 : i32 to index
        %swap3A_711 = arith.constant 288 : index
        %swap3A_712 = tpu.vector_load %arg6[%swap3A_709, %swap3A_710, %swap3A_711] {strides = array<i32>} : memref<4x16x768xf32, #tpu.memory_space<vmem>>, vector<1x1x16xf32>,
        %swap3A_713 = vector.shape_cast %swap3A_712 : vector<1x1x16xf32> to vector<16xf32>
        %swap3A_714 = vector.shape_cast %get3A_693 : vector<16xf32> to vector<1x1x16xf32>
        tpu.vector_store %arg6[%swap3A_709, %swap3A_710, %swap3A_711], %swap3A_714 {add = true, strides = array<i32>} : memref<4x16x768xf32, #tpu.memory_space<vmem>>, vector<1x1x16xf32>,
        %swap3A_715 = arith.constant 3 : i32
        %swap3A_716 = arith.index_cast %swap3A_715 : i32 to index
        %swap3A_717 = arith.index_cast %scan3A_114 : i32 to index
        %swap3A_718 = arith.constant 288 : index
        %swap3A_719 = tpu.vector_load %arg6[%swap3A_716, %swap3A_717, %swap3A_718] {strides = array<i32>} : memref<4x16x768xf32, #tpu.memory_space<vmem>>, vector<1x1x16xf32>,
        %swap3A_720 = vector.shape_cast %swap3A_719 : vector<1x1x16xf32> to vector<16xf32>
        %swap3A_721 = vector.shape_cast %get3A_693 : vector<16xf32> to vector<1x1x16xf32>
        tpu.vector_store %arg6[%swap3A_716, %swap3A_717, %swap3A_718], %swap3A_721 {add = true, strides = array<i32>} : memref<4x16x768xf32, #tpu.memory_space<vmem>>, vector<1x1x16xf32>,
        %get3A_722 = arith.index_cast %scan3A_114 : i32 to index
        %get3A_723 = arith.constant 304 : index
        %get3A_724 = tpu.vector_load %arg8[%get3A_722, %get3A_723] {strides = array<i32>} : memref<16x768xf32, #tpu.memory_space<vmem>>, vector<1x16xf32>,
        %get3A_725 = vector.shape_cast %get3A_724 : vector<1x16xf32> to vector<16xf32>
        %swap3A_726 = arith.constant 0 : i32
        %swap3A_727 = arith.index_cast %swap3A_726 : i32 to index
        %swap3A_728 = arith.index_cast %scan3A_114 : i32 to index
        %swap3A_729 = arith.constant 304 : index
        %swap3A_730 = tpu.vector_load %arg6[%swap3A_727, %swap3A_728, %swap3A_729] {strides = array<i32>} : memref<4x16x768xf32, #tpu.memory_space<vmem>>, vector<1x1x16xf32>,
        %swap3A_731 = vector.shape_cast %swap3A_730 : vector<1x1x16xf32> to vector<16xf32>
        %swap3A_732 = vector.shape_cast %get3A_725 : vector<16xf32> to vector<1x1x16xf32>
        tpu.vector_store %arg6[%swap3A_727, %swap3A_728, %swap3A_729], %swap3A_732 {add = true, strides = array<i32>} : memref<4x16x768xf32, #tpu.memory_space<vmem>>, vector<1x1x16xf32>,
        %swap3A_733 = arith.constant 1 : i32
        %swap3A_734 = arith.index_cast %swap3A_733 : i32 to index
        %swap3A_735 = arith.index_cast %scan3A_114 : i32 to index
        %swap3A_736 = arith.constant 304 : index
        %swap3A_737 = tpu.vector_load %arg6[%swap3A_734, %swap3A_735, %swap3A_736] {strides = array<i32>} : memref<4x16x768xf32, #tpu.memory_space<vmem>>, vector<1x1x16xf32>,
        %swap3A_738 = vector.shape_cast %swap3A_737 : vector<1x1x16xf32> to vector<16xf32>
        %swap3A_739 = vector.shape_cast %get3A_725 : vector<16xf32> to vector<1x1x16xf32>
        tpu.vector_store %arg6[%swap3A_734, %swap3A_735, %swap3A_736], %swap3A_739 {add = true, strides = array<i32>} : memref<4x16x768xf32, #tpu.memory_space<vmem>>, vector<1x1x16xf32>,
        %swap3A_740 = arith.constant 2 : i32
        %swap3A_741 = arith.index_cast %swap3A_740 : i32 to index
        %swap3A_742 = arith.index_cast %scan3A_114 : i32 to index
        %swap3A_743 = arith.constant 304 : index
        %swap3A_744 = tpu.vector_load %arg6[%swap3A_741, %swap3A_742, %swap3A_743] {strides = array<i32>} : memref<4x16x768xf32, #tpu.memory_space<vmem>>, vector<1x1x16xf32>,
        %swap3A_745 = vector.shape_cast %swap3A_744 : vector<1x1x16xf32> to vector<16xf32>
        %swap3A_746 = vector.shape_cast %get3A_725 : vector<16xf32> to vector<1x1x16xf32>
        tpu.vector_store %arg6[%swap3A_741, %swap3A_742, %swap3A_743], %swap3A_746 {add = true, strides = array<i32>} : memref<4x16x768xf32, #tpu.memory_space<vmem>>, vector<1x1x16xf32>,
        %swap3A_747 = arith.constant 3 : i32
        %swap3A_748 = arith.index_cast %swap3A_747 : i32 to index
        %swap3A_749 = arith.index_cast %scan3A_114 : i32 to index
        %swap3A_750 = arith.constant 304 : index
        %swap3A_751 = tpu.vector_load %arg6[%swap3A_748, %swap3A_749, %swap3A_750] {strides = array<i32>} : memref<4x16x768xf32, #tpu.memory_space<vmem>>, vector<1x1x16xf32>,
        %swap3A_752 = vector.shape_cast %swap3A_751 : vector<1x1x16xf32> to vector<16xf32>
        %swap3A_753 = vector.shape_cast %get3A_725 : vector<16xf32> to vector<1x1x16xf32>
        tpu.vector_store %arg6[%swap3A_748, %swap3A_749, %swap3A_750], %swap3A_753 {add = true, strides = array<i32>} : memref<4x16x768xf32, #tpu.memory_space<vmem>>, vector<1x1x16xf32>,
        %get3A_754 = arith.index_cast %scan3A_114 : i32 to index
        %get3A_755 = arith.constant 320 : index
        %get3A_756 = tpu.vector_load %arg8[%get3A_754, %get3A_755] {strides = array<i32>} : memref<16x768xf32, #tpu.memory_space<vmem>>, vector<1x16xf32>,
        %get3A_757 = vector.shape_cast %get3A_756 : vector<1x16xf32> to vector<16xf32>
        %swap3A_758 = arith.constant 0 : i32
        %swap3A_759 = arith.index_cast %swap3A_758 : i32 to index
        %swap3A_760 = arith.index_cast %scan3A_114 : i32 to index
        %swap3A_761 = arith.constant 320 : index
        %swap3A_762 = tpu.vector_load %arg6[%swap3A_759, %swap3A_760, %swap3A_761] {strides = array<i32>} : memref<4x16x768xf32, #tpu.memory_space<vmem>>, vector<1x1x16xf32>,
        %swap3A_763 = vector.shape_cast %swap3A_762 : vector<1x1x16xf32> to vector<16xf32>
        %swap3A_764 = vector.shape_cast %get3A_757 : vector<16xf32> to vector<1x1x16xf32>
        tpu.vector_store %arg6[%swap3A_759, %swap3A_760, %swap3A_761], %swap3A_764 {add = true, strides = array<i32>} : memref<4x16x768xf32, #tpu.memory_space<vmem>>, vector<1x1x16xf32>,
        %swap3A_765 = arith.constant 1 : i32
        %swap3A_766 = arith.index_cast %swap3A_765 : i32 to index
        %swap3A_767 = arith.index_cast %scan3A_114 : i32 to index
        %swap3A_768 = arith.constant 320 : index
        %swap3A_769 = tpu.vector_load %arg6[%swap3A_766, %swap3A_767, %swap3A_768] {strides = array<i32>} : memref<4x16x768xf32, #tpu.memory_space<vmem>>, vector<1x1x16xf32>,
        %swap3A_770 = vector.shape_cast %swap3A_769 : vector<1x1x16xf32> to vector<16xf32>
        %swap3A_771 = vector.shape_cast %get3A_757 : vector<16xf32> to vector<1x1x16xf32>
        tpu.vector_store %arg6[%swap3A_766, %swap3A_767, %swap3A_768], %swap3A_771 {add = true, strides = array<i32>} : memref<4x16x768xf32, #tpu.memory_space<vmem>>, vector<1x1x16xf32>,
        %swap3A_772 = arith.constant 2 : i32
        %swap3A_773 = arith.index_cast %swap3A_772 : i32 to index
        %swap3A_774 = arith.index_cast %scan3A_114 : i32 to index
        %swap3A_775 = arith.constant 320 : index
        %swap3A_776 = tpu.vector_load %arg6[%swap3A_773, %swap3A_774, %swap3A_775] {strides = array<i32>} : memref<4x16x768xf32, #tpu.memory_space<vmem>>, vector<1x1x16xf32>,
        %swap3A_777 = vector.shape_cast %swap3A_776 : vector<1x1x16xf32> to vector<16xf32>
        %swap3A_778 = vector.shape_cast %get3A_757 : vector<16xf32> to vector<1x1x16xf32>
        tpu.vector_store %arg6[%swap3A_773, %swap3A_774, %swap3A_775], %swap3A_778 {add = true, strides = array<i32>} : memref<4x16x768xf32, #tpu.memory_space<vmem>>, vector<1x1x16xf32>,
        %swap3A_779 = arith.constant 3 : i32
        %swap3A_780 = arith.index_cast %swap3A_779 : i32 to index
        %swap3A_781 = arith.index_cast %scan3A_114 : i32 to index
        %swap3A_782 = arith.constant 320 : index
        %swap3A_783 = tpu.vector_load %arg6[%swap3A_780, %swap3A_781, %swap3A_782] {strides = array<i32>} : memref<4x16x768xf32, #tpu.memory_space<vmem>>, vector<1x1x16xf32>,
        %swap3A_784 = vector.shape_cast %swap3A_783 : vector<1x1x16xf32> to vector<16xf32>
        %swap3A_785 = vector.shape_cast %get3A_757 : vector<16xf32> to vector<1x1x16xf32>
        tpu.vector_store %arg6[%swap3A_780, %swap3A_781, %swap3A_782], %swap3A_785 {add = true, strides = array<i32>} : memref<4x16x768xf32, #tpu.memory_space<vmem>>, vector<1x1x16xf32>,
        %get3A_786 = arith.index_cast %scan3A_114 : i32 to index
        %get3A_787 = arith.constant 336 : index
        %get3A_788 = tpu.vector_load %arg8[%get3A_786, %get3A_787] {strides = array<i32>} : memref<16x768xf32, #tpu.memory_space<vmem>>, vector<1x16xf32>,
        %get3A_789 = vector.shape_cast %get3A_788 : vector<1x16xf32> to vector<16xf32>
        %swap3A_790 = arith.constant 0 : i32
        %swap3A_791 = arith.index_cast %swap3A_790 : i32 to index
        %swap3A_792 = arith.index_cast %scan3A_114 : i32 to index
        %swap3A_793 = arith.constant 336 : index
        %swap3A_794 = tpu.vector_load %arg6[%swap3A_791, %swap3A_792, %swap3A_793] {strides = array<i32>} : memref<4x16x768xf32, #tpu.memory_space<vmem>>, vector<1x1x16xf32>,
        %swap3A_795 = vector.shape_cast %swap3A_794 : vector<1x1x16xf32> to vector<16xf32>
        %swap3A_796 = vector.shape_cast %get3A_789 : vector<16xf32> to vector<1x1x16xf32>
        tpu.vector_store %arg6[%swap3A_791, %swap3A_792, %swap3A_793], %swap3A_796 {add = true, strides = array<i32>} : memref<4x16x768xf32, #tpu.memory_space<vmem>>, vector<1x1x16xf32>,
        %swap3A_797 = arith.constant 1 : i32
        %swap3A_798 = arith.index_cast %swap3A_797 : i32 to index
        %swap3A_799 = arith.index_cast %scan3A_114 : i32 to index
        %swap3A_800 = arith.constant 336 : index
        %swap3A_801 = tpu.vector_load %arg6[%swap3A_798, %swap3A_799, %swap3A_800] {strides = array<i32>} : memref<4x16x768xf32, #tpu.memory_space<vmem>>, vector<1x1x16xf32>,
        %swap3A_802 = vector.shape_cast %swap3A_801 : vector<1x1x16xf32> to vector<16xf32>
        %swap3A_803 = vector.shape_cast %get3A_789 : vector<16xf32> to vector<1x1x16xf32>
        tpu.vector_store %arg6[%swap3A_798, %swap3A_799, %swap3A_800], %swap3A_803 {add = true, strides = array<i32>} : memref<4x16x768xf32, #tpu.memory_space<vmem>>, vector<1x1x16xf32>,
        %swap3A_804 = arith.constant 2 : i32
        %swap3A_805 = arith.index_cast %swap3A_804 : i32 to index
        %swap3A_806 = arith.index_cast %scan3A_114 : i32 to index
        %swap3A_807 = arith.constant 336 : index
        %swap3A_808 = tpu.vector_load %arg6[%swap3A_805, %swap3A_806, %swap3A_807] {strides = array<i32>} : memref<4x16x768xf32, #tpu.memory_space<vmem>>, vector<1x1x16xf32>,
        %swap3A_809 = vector.shape_cast %swap3A_808 : vector<1x1x16xf32> to vector<16xf32>
        %swap3A_810 = vector.shape_cast %get3A_789 : vector<16xf32> to vector<1x1x16xf32>
        tpu.vector_store %arg6[%swap3A_805, %swap3A_806, %swap3A_807], %swap3A_810 {add = true, strides = array<i32>} : memref<4x16x768xf32, #tpu.memory_space<vmem>>, vector<1x1x16xf32>,
        %swap3A_811 = arith.constant 3 : i32
        %swap3A_812 = arith.index_cast %swap3A_811 : i32 to index
        %swap3A_813 = arith.index_cast %scan3A_114 : i32 to index
        %swap3A_814 = arith.constant 336 : index
        %swap3A_815 = tpu.vector_load %arg6[%swap3A_812, %swap3A_813, %swap3A_814] {strides = array<i32>} : memref<4x16x768xf32, #tpu.memory_space<vmem>>, vector<1x1x16xf32>,
        %swap3A_816 = vector.shape_cast %swap3A_815 : vector<1x1x16xf32> to vector<16xf32>
        %swap3A_817 = vector.shape_cast %get3A_789 : vector<16xf32> to vector<1x1x16xf32>
        tpu.vector_store %arg6[%swap3A_812, %swap3A_813, %swap3A_814], %swap3A_817 {add = true, strides = array<i32>} : memref<4x16x768xf32, #tpu.memory_space<vmem>>, vector<1x1x16xf32>,
        %get3A_818 = arith.index_cast %scan3A_114 : i32 to index
        %get3A_819 = arith.constant 352 : index
        %get3A_820 = tpu.vector_load %arg8[%get3A_818, %get3A_819] {strides = array<i32>} : memref<16x768xf32, #tpu.memory_space<vmem>>, vector<1x16xf32>,
        %get3A_821 = vector.shape_cast %get3A_820 : vector<1x16xf32> to vector<16xf32>
        %swap3A_822 = arith.constant 0 : i32
        %swap3A_823 = arith.index_cast %swap3A_822 : i32 to index
        %swap3A_824 = arith.index_cast %scan3A_114 : i32 to index
        %swap3A_825 = arith.constant 352 : index
        %swap3A_826 = tpu.vector_load %arg6[%swap3A_823, %swap3A_824, %swap3A_825] {strides = array<i32>} : memref<4x16x768xf32, #tpu.memory_space<vmem>>, vector<1x1x16xf32>,
        %swap3A_827 = vector.shape_cast %swap3A_826 : vector<1x1x16xf32> to vector<16xf32>
        %swap3A_828 = vector.shape_cast %get3A_821 : vector<16xf32> to vector<1x1x16xf32>
        tpu.vector_store %arg6[%swap3A_823, %swap3A_824, %swap3A_825], %swap3A_828 {add = true, strides = array<i32>} : memref<4x16x768xf32, #tpu.memory_space<vmem>>, vector<1x1x16xf32>,
        %swap3A_829 = arith.constant 1 : i32
        %swap3A_830 = arith.index_cast %swap3A_829 : i32 to index
        %swap3A_831 = arith.index_cast %scan3A_114 : i32 to index
        %swap3A_832 = arith.constant 352 : index
        %swap3A_833 = tpu.vector_load %arg6[%swap3A_830, %swap3A_831, %swap3A_832] {strides = array<i32>} : memref<4x16x768xf32, #tpu.memory_space<vmem>>, vector<1x1x16xf32>,
        %swap3A_834 = vector.shape_cast %swap3A_833 : vector<1x1x16xf32> to vector<16xf32>
        %swap3A_835 = vector.shape_cast %get3A_821 : vector<16xf32> to vector<1x1x16xf32>
        tpu.vector_store %arg6[%swap3A_830, %swap3A_831, %swap3A_832], %swap3A_835 {add = true, strides = array<i32>} : memref<4x16x768xf32, #tpu.memory_space<vmem>>, vector<1x1x16xf32>,
        %swap3A_836 = arith.constant 2 : i32
        %swap3A_837 = arith.index_cast %swap3A_836 : i32 to index
        %swap3A_838 = arith.index_cast %scan3A_114 : i32 to index
        %swap3A_839 = arith.constant 352 : index
        %swap3A_840 = tpu.vector_load %arg6[%swap3A_837, %swap3A_838, %swap3A_839] {strides = array<i32>} : memref<4x16x768xf32, #tpu.memory_space<vmem>>, vector<1x1x16xf32>,
        %swap3A_841 = vector.shape_cast %swap3A_840 : vector<1x1x16xf32> to vector<16xf32>
        %swap3A_842 = vector.shape_cast %get3A_821 : vector<16xf32> to vector<1x1x16xf32>
        tpu.vector_store %arg6[%swap3A_837, %swap3A_838, %swap3A_839], %swap3A_842 {add = true, strides = array<i32>} : memref<4x16x768xf32, #tpu.memory_space<vmem>>, vector<1x1x16xf32>,
        %swap3A_843 = arith.constant 3 : i32
        %swap3A_844 = arith.index_cast %swap3A_843 : i32 to index
        %swap3A_845 = arith.index_cast %scan3A_114 : i32 to index
        %swap3A_846 = arith.constant 352 : index
        %swap3A_847 = tpu.vector_load %arg6[%swap3A_844, %swap3A_845, %swap3A_846] {strides = array<i32>} : memref<4x16x768xf32, #tpu.memory_space<vmem>>, vector<1x1x16xf32>,
        %swap3A_848 = vector.shape_cast %swap3A_847 : vector<1x1x16xf32> to vector<16xf32>
        %swap3A_849 = vector.shape_cast %get3A_821 : vector<16xf32> to vector<1x1x16xf32>
        tpu.vector_store %arg6[%swap3A_844, %swap3A_845, %swap3A_846], %swap3A_849 {add = true, strides = array<i32>} : memref<4x16x768xf32, #tpu.memory_space<vmem>>, vector<1x1x16xf32>,
        %get3A_850 = arith.index_cast %scan3A_114 : i32 to index
        %get3A_851 = arith.constant 368 : index
        %get3A_852 = tpu.vector_load %arg8[%get3A_850, %get3A_851] {strides = array<i32>} : memref<16x768xf32, #tpu.memory_space<vmem>>, vector<1x16xf32>,
        %get3A_853 = vector.shape_cast %get3A_852 : vector<1x16xf32> to vector<16xf32>
        %swap3A_854 = arith.constant 0 : i32
        %swap3A_855 = arith.index_cast %swap3A_854 : i32 to index
        %swap3A_856 = arith.index_cast %scan3A_114 : i32 to index
        %swap3A_857 = arith.constant 368 : index
        %swap3A_858 = tpu.vector_load %arg6[%swap3A_855, %swap3A_856, %swap3A_857] {strides = array<i32>} : memref<4x16x768xf32, #tpu.memory_space<vmem>>, vector<1x1x16xf32>,
        %swap3A_859 = vector.shape_cast %swap3A_858 : vector<1x1x16xf32> to vector<16xf32>
        %swap3A_860 = vector.shape_cast %get3A_853 : vector<16xf32> to vector<1x1x16xf32>
        tpu.vector_store %arg6[%swap3A_855, %swap3A_856, %swap3A_857], %swap3A_860 {add = true, strides = array<i32>} : memref<4x16x768xf32, #tpu.memory_space<vmem>>, vector<1x1x16xf32>,
        %swap3A_861 = arith.constant 1 : i32
        %swap3A_862 = arith.index_cast %swap3A_861 : i32 to index
        %swap3A_863 = arith.index_cast %scan3A_114 : i32 to index
        %swap3A_864 = arith.constant 368 : index
        %swap3A_865 = tpu.vector_load %arg6[%swap3A_862, %swap3A_863, %swap3A_864] {strides = array<i32>} : memref<4x16x768xf32, #tpu.memory_space<vmem>>, vector<1x1x16xf32>,
        %swap3A_866 = vector.shape_cast %swap3A_865 : vector<1x1x16xf32> to vector<16xf32>
        %swap3A_867 = vector.shape_cast %get3A_853 : vector<16xf32> to vector<1x1x16xf32>
        tpu.vector_store %arg6[%swap3A_862, %swap3A_863, %swap3A_864], %swap3A_867 {add = true, strides = array<i32>} : memref<4x16x768xf32, #tpu.memory_space<vmem>>, vector<1x1x16xf32>,
        %swap3A_868 = arith.constant 2 : i32
        %swap3A_869 = arith.index_cast %swap3A_868 : i32 to index
        %swap3A_870 = arith.index_cast %scan3A_114 : i32 to index
        %swap3A_871 = arith.constant 368 : index
        %swap3A_872 = tpu.vector_load %arg6[%swap3A_869, %swap3A_870, %swap3A_871] {strides = array<i32>} : memref<4x16x768xf32, #tpu.memory_space<vmem>>, vector<1x1x16xf32>,
        %swap3A_873 = vector.shape_cast %swap3A_872 : vector<1x1x16xf32> to vector<16xf32>
        %swap3A_874 = vector.shape_cast %get3A_853 : vector<16xf32> to vector<1x1x16xf32>
        tpu.vector_store %arg6[%swap3A_869, %swap3A_870, %swap3A_871], %swap3A_874 {add = true, strides = array<i32>} : memref<4x16x768xf32, #tpu.memory_space<vmem>>, vector<1x1x16xf32>,
        %swap3A_875 = arith.constant 3 : i32
        %swap3A_876 = arith.index_cast %swap3A_875 : i32 to index
        %swap3A_877 = arith.index_cast %scan3A_114 : i32 to index
        %swap3A_878 = arith.constant 368 : index
        %swap3A_879 = tpu.vector_load %arg6[%swap3A_876, %swap3A_877, %swap3A_878] {strides = array<i32>} : memref<4x16x768xf32, #tpu.memory_space<vmem>>, vector<1x1x16xf32>,
        %swap3A_880 = vector.shape_cast %swap3A_879 : vector<1x1x16xf32> to vector<16xf32>
        %swap3A_881 = vector.shape_cast %get3A_853 : vector<16xf32> to vector<1x1x16xf32>
        tpu.vector_store %arg6[%swap3A_876, %swap3A_877, %swap3A_878], %swap3A_881 {add = true, strides = array<i32>} : memref<4x16x768xf32, #tpu.memory_space<vmem>>, vector<1x1x16xf32>,
        %get3A_882 = arith.index_cast %scan3A_114 : i32 to index
        %get3A_883 = arith.constant 384 : index
        %get3A_884 = tpu.vector_load %arg8[%get3A_882, %get3A_883] {strides = array<i32>} : memref<16x768xf32, #tpu.memory_space<vmem>>, vector<1x16xf32>,
        %get3A_885 = vector.shape_cast %get3A_884 : vector<1x16xf32> to vector<16xf32>
        %swap3A_886 = arith.constant 0 : i32
        %swap3A_887 = arith.index_cast %swap3A_886 : i32 to index
        %swap3A_888 = arith.index_cast %scan3A_114 : i32 to index
        %swap3A_889 = arith.constant 384 : index
        %swap3A_890 = tpu.vector_load %arg6[%swap3A_887, %swap3A_888, %swap3A_889] {strides = array<i32>} : memref<4x16x768xf32, #tpu.memory_space<vmem>>, vector<1x1x16xf32>,
        %swap3A_891 = vector.shape_cast %swap3A_890 : vector<1x1x16xf32> to vector<16xf32>
        %swap3A_892 = vector.shape_cast %get3A_885 : vector<16xf32> to vector<1x1x16xf32>
        tpu.vector_store %arg6[%swap3A_887, %swap3A_888, %swap3A_889], %swap3A_892 {add = true, strides = array<i32>} : memref<4x16x768xf32, #tpu.memory_space<vmem>>, vector<1x1x16xf32>,
        %swap3A_893 = arith.constant 1 : i32
        %swap3A_894 = arith.index_cast %swap3A_893 : i32 to index
        %swap3A_895 = arith.index_cast %scan3A_114 : i32 to index
        %swap3A_896 = arith.constant 384 : index
        %swap3A_897 = tpu.vector_load %arg6[%swap3A_894, %swap3A_895, %swap3A_896] {strides = array<i32>} : memref<4x16x768xf32, #tpu.memory_space<vmem>>, vector<1x1x16xf32>,
        %swap3A_898 = vector.shape_cast %swap3A_897 : vector<1x1x16xf32> to vector<16xf32>
        %swap3A_899 = vector.shape_cast %get3A_885 : vector<16xf32> to vector<1x1x16xf32>
        tpu.vector_store %arg6[%swap3A_894, %swap3A_895, %swap3A_896], %swap3A_899 {add = true, strides = array<i32>} : memref<4x16x768xf32, #tpu.memory_space<vmem>>, vector<1x1x16xf32>,
        %swap3A_900 = arith.constant 2 : i32
        %swap3A_901 = arith.index_cast %swap3A_900 : i32 to index
        %swap3A_902 = arith.index_cast %scan3A_114 : i32 to index
        %swap3A_903 = arith.constant 384 : index
        %swap3A_904 = tpu.vector_load %arg6[%swap3A_901, %swap3A_902, %swap3A_903] {strides = array<i32>} : memref<4x16x768xf32, #tpu.memory_space<vmem>>, vector<1x1x16xf32>,
        %swap3A_905 = vector.shape_cast %swap3A_904 : vector<1x1x16xf32> to vector<16xf32>
        %swap3A_906 = vector.shape_cast %get3A_885 : vector<16xf32> to vector<1x1x16xf32>
        tpu.vector_store %arg6[%swap3A_901, %swap3A_902, %swap3A_903], %swap3A_906 {add = true, strides = array<i32>} : memref<4x16x768xf32, #tpu.memory_space<vmem>>, vector<1x1x16xf32>,
        %swap3A_907 = arith.constant 3 : i32
        %swap3A_908 = arith.index_cast %swap3A_907 : i32 to index
        %swap3A_909 = arith.index_cast %scan3A_114 : i32 to index
        %swap3A_910 = arith.constant 384 : index
        %swap3A_911 = tpu.vector_load %arg6[%swap3A_908, %swap3A_909, %swap3A_910] {strides = array<i32>} : memref<4x16x768xf32, #tpu.memory_space<vmem>>, vector<1x1x16xf32>,
        %swap3A_912 = vector.shape_cast %swap3A_911 : vector<1x1x16xf32> to vector<16xf32>
        %swap3A_913 = vector.shape_cast %get3A_885 : vector<16xf32> to vector<1x1x16xf32>
        tpu.vector_store %arg6[%swap3A_908, %swap3A_909, %swap3A_910], %swap3A_913 {add = true, strides = array<i32>} : memref<4x16x768xf32, #tpu.memory_space<vmem>>, vector<1x1x16xf32>,
        %get3A_914 = arith.index_cast %scan3A_114 : i32 to index
        %get3A_915 = arith.constant 400 : index
        %get3A_916 = tpu.vector_load %arg8[%get3A_914, %get3A_915] {strides = array<i32>} : memref<16x768xf32, #tpu.memory_space<vmem>>, vector<1x16xf32>,
        %get3A_917 = vector.shape_cast %get3A_916 : vector<1x16xf32> to vector<16xf32>
        %swap3A_918 = arith.constant 0 : i32
        %swap3A_919 = arith.index_cast %swap3A_918 : i32 to index
        %swap3A_920 = arith.index_cast %scan3A_114 : i32 to index
        %swap3A_921 = arith.constant 400 : index
        %swap3A_922 = tpu.vector_load %arg6[%swap3A_919, %swap3A_920, %swap3A_921] {strides = array<i32>} : memref<4x16x768xf32, #tpu.memory_space<vmem>>, vector<1x1x16xf32>,
        %swap3A_923 = vector.shape_cast %swap3A_922 : vector<1x1x16xf32> to vector<16xf32>
        %swap3A_924 = vector.shape_cast %get3A_917 : vector<16xf32> to vector<1x1x16xf32>
        tpu.vector_store %arg6[%swap3A_919, %swap3A_920, %swap3A_921], %swap3A_924 {add = true, strides = array<i32>} : memref<4x16x768xf32, #tpu.memory_space<vmem>>, vector<1x1x16xf32>,
        %swap3A_925 = arith.constant 1 : i32
        %swap3A_926 = arith.index_cast %swap3A_925 : i32 to index
        %swap3A_927 = arith.index_cast %scan3A_114 : i32 to index
        %swap3A_928 = arith.constant 400 : index
        %swap3A_929 = tpu.vector_load %arg6[%swap3A_926, %swap3A_927, %swap3A_928] {strides = array<i32>} : memref<4x16x768xf32, #tpu.memory_space<vmem>>, vector<1x1x16xf32>,
        %swap3A_930 = vector.shape_cast %swap3A_929 : vector<1x1x16xf32> to vector<16xf32>
        %swap3A_931 = vector.shape_cast %get3A_917 : vector<16xf32> to vector<1x1x16xf32>
        tpu.vector_store %arg6[%swap3A_926, %swap3A_927, %swap3A_928], %swap3A_931 {add = true, strides = array<i32>} : memref<4x16x768xf32, #tpu.memory_space<vmem>>, vector<1x1x16xf32>,
        %swap3A_932 = arith.constant 2 : i32
        %swap3A_933 = arith.index_cast %swap3A_932 : i32 to index
        %swap3A_934 = arith.index_cast %scan3A_114 : i32 to index
        %swap3A_935 = arith.constant 400 : index
        %swap3A_936 = tpu.vector_load %arg6[%swap3A_933, %swap3A_934, %swap3A_935] {strides = array<i32>} : memref<4x16x768xf32, #tpu.memory_space<vmem>>, vector<1x1x16xf32>,
        %swap3A_937 = vector.shape_cast %swap3A_936 : vector<1x1x16xf32> to vector<16xf32>
        %swap3A_938 = vector.shape_cast %get3A_917 : vector<16xf32> to vector<1x1x16xf32>
        tpu.vector_store %arg6[%swap3A_933, %swap3A_934, %swap3A_935], %swap3A_938 {add = true, strides = array<i32>} : memref<4x16x768xf32, #tpu.memory_space<vmem>>, vector<1x1x16xf32>,
        %swap3A_939 = arith.constant 3 : i32
        %swap3A_940 = arith.index_cast %swap3A_939 : i32 to index
        %swap3A_941 = arith.index_cast %scan3A_114 : i32 to index
        %swap3A_942 = arith.constant 400 : index
        %swap3A_943 = tpu.vector_load %arg6[%swap3A_940, %swap3A_941, %swap3A_942] {strides = array<i32>} : memref<4x16x768xf32, #tpu.memory_space<vmem>>, vector<1x1x16xf32>,
        %swap3A_944 = vector.shape_cast %swap3A_943 : vector<1x1x16xf32> to vector<16xf32>
        %swap3A_945 = vector.shape_cast %get3A_917 : vector<16xf32> to vector<1x1x16xf32>
        tpu.vector_store %arg6[%swap3A_940, %swap3A_941, %swap3A_942], %swap3A_945 {add = true, strides = array<i32>} : memref<4x16x768xf32, #tpu.memory_space<vmem>>, vector<1x1x16xf32>,
        %get3A_946 = arith.index_cast %scan3A_114 : i32 to index
        %get3A_947 = arith.constant 416 : index
        %get3A_948 = tpu.vector_load %arg8[%get3A_946, %get3A_947] {strides = array<i32>} : memref<16x768xf32, #tpu.memory_space<vmem>>, vector<1x16xf32>,
        %get3A_949 = vector.shape_cast %get3A_948 : vector<1x16xf32> to vector<16xf32>
        %swap3A_950 = arith.constant 0 : i32
        %swap3A_951 = arith.index_cast %swap3A_950 : i32 to index
        %swap3A_952 = arith.index_cast %scan3A_114 : i32 to index
        %swap3A_953 = arith.constant 416 : index
        %swap3A_954 = tpu.vector_load %arg6[%swap3A_951, %swap3A_952, %swap3A_953] {strides = array<i32>} : memref<4x16x768xf32, #tpu.memory_space<vmem>>, vector<1x1x16xf32>,
        %swap3A_955 = vector.shape_cast %swap3A_954 : vector<1x1x16xf32> to vector<16xf32>
        %swap3A_956 = vector.shape_cast %get3A_949 : vector<16xf32> to vector<1x1x16xf32>
        tpu.vector_store %arg6[%swap3A_951, %swap3A_952, %swap3A_953], %swap3A_956 {add = true, strides = array<i32>} : memref<4x16x768xf32, #tpu.memory_space<vmem>>, vector<1x1x16xf32>,
        %swap3A_957 = arith.constant 1 : i32
        %swap3A_958 = arith.index_cast %swap3A_957 : i32 to index
        %swap3A_959 = arith.index_cast %scan3A_114 : i32 to index
        %swap3A_960 = arith.constant 416 : index
        %swap3A_961 = tpu.vector_load %arg6[%swap3A_958, %swap3A_959, %swap3A_960] {strides = array<i32>} : memref<4x16x768xf32, #tpu.memory_space<vmem>>, vector<1x1x16xf32>,
        %swap3A_962 = vector.shape_cast %swap3A_961 : vector<1x1x16xf32> to vector<16xf32>
        %swap3A_963 = vector.shape_cast %get3A_949 : vector<16xf32> to vector<1x1x16xf32>
        tpu.vector_store %arg6[%swap3A_958, %swap3A_959, %swap3A_960], %swap3A_963 {add = true, strides = array<i32>} : memref<4x16x768xf32, #tpu.memory_space<vmem>>, vector<1x1x16xf32>,
        %swap3A_964 = arith.constant 2 : i32
        %swap3A_965 = arith.index_cast %swap3A_964 : i32 to index
        %swap3A_966 = arith.index_cast %scan3A_114 : i32 to index
        %swap3A_967 = arith.constant 416 : index
        %swap3A_968 = tpu.vector_load %arg6[%swap3A_965, %swap3A_966, %swap3A_967] {strides = array<i32>} : memref<4x16x768xf32, #tpu.memory_space<vmem>>, vector<1x1x16xf32>,
        %swap3A_969 = vector.shape_cast %swap3A_968 : vector<1x1x16xf32> to vector<16xf32>
        %swap3A_970 = vector.shape_cast %get3A_949 : vector<16xf32> to vector<1x1x16xf32>
        tpu.vector_store %arg6[%swap3A_965, %swap3A_966, %swap3A_967], %swap3A_970 {add = true, strides = array<i32>} : memref<4x16x768xf32, #tpu.memory_space<vmem>>, vector<1x1x16xf32>,
        %swap3A_971 = arith.constant 3 : i32
        %swap3A_972 = arith.index_cast %swap3A_971 : i32 to index
        %swap3A_973 = arith.index_cast %scan3A_114 : i32 to index
        %swap3A_974 = arith.constant 416 : index
        %swap3A_975 = tpu.vector_load %arg6[%swap3A_972, %swap3A_973, %swap3A_974] {strides = array<i32>} : memref<4x16x768xf32, #tpu.memory_space<vmem>>, vector<1x1x16xf32>,
        %swap3A_976 = vector.shape_cast %swap3A_975 : vector<1x1x16xf32> to vector<16xf32>
        %swap3A_977 = vector.shape_cast %get3A_949 : vector<16xf32> to vector<1x1x16xf32>
        tpu.vector_store %arg6[%swap3A_972, %swap3A_973, %swap3A_974], %swap3A_977 {add = true, strides = array<i32>} : memref<4x16x768xf32, #tpu.memory_space<vmem>>, vector<1x1x16xf32>,
        %get3A_978 = arith.index_cast %scan3A_114 : i32 to index
        %get3A_979 = arith.constant 432 : index
        %get3A_980 = tpu.vector_load %arg8[%get3A_978, %get3A_979] {strides = array<i32>} : memref<16x768xf32, #tpu.memory_space<vmem>>, vector<1x16xf32>,
        %get3A_981 = vector.shape_cast %get3A_980 : vector<1x16xf32> to vector<16xf32>
        %swap3A_982 = arith.constant 0 : i32
        %swap3A_983 = arith.index_cast %swap3A_982 : i32 to index
        %swap3A_984 = arith.index_cast %scan3A_114 : i32 to index
        %swap3A_985 = arith.constant 432 : index
        %swap3A_986 = tpu.vector_load %arg6[%swap3A_983, %swap3A_984, %swap3A_985] {strides = array<i32>} : memref<4x16x768xf32, #tpu.memory_space<vmem>>, vector<1x1x16xf32>,
        %swap3A_987 = vector.shape_cast %swap3A_986 : vector<1x1x16xf32> to vector<16xf32>
        %swap3A_988 = vector.shape_cast %get3A_981 : vector<16xf32> to vector<1x1x16xf32>
        tpu.vector_store %arg6[%swap3A_983, %swap3A_984, %swap3A_985], %swap3A_988 {add = true, strides = array<i32>} : memref<4x16x768xf32, #tpu.memory_space<vmem>>, vector<1x1x16xf32>,
        %swap3A_989 = arith.constant 1 : i32
        %swap3A_990 = arith.index_cast %swap3A_989 : i32 to index
        %swap3A_991 = arith.index_cast %scan3A_114 : i32 to index
        %swap3A_992 = arith.constant 432 : index
        %swap3A_993 = tpu.vector_load %arg6[%swap3A_990, %swap3A_991, %swap3A_992] {strides = array<i32>} : memref<4x16x768xf32, #tpu.memory_space<vmem>>, vector<1x1x16xf32>,
        %swap3A_994 = vector.shape_cast %swap3A_993 : vector<1x1x16xf32> to vector<16xf32>
        %swap3A_995 = vector.shape_cast %get3A_981 : vector<16xf32> to vector<1x1x16xf32>
        tpu.vector_store %arg6[%swap3A_990, %swap3A_991, %swap3A_992], %swap3A_995 {add = true, strides = array<i32>} : memref<4x16x768xf32, #tpu.memory_space<vmem>>, vector<1x1x16xf32>,
        %swap3A_996 = arith.constant 2 : i32
        %swap3A_997 = arith.index_cast %swap3A_996 : i32 to index
        %swap3A_998 = arith.index_cast %scan3A_114 : i32 to index
        %swap3A_999 = arith.constant 432 : index
        %swap3A_1000 = tpu.vector_load %arg6[%swap3A_997, %swap3A_998, %swap3A_999] {strides = array<i32>} : memref<4x16x768xf32, #tpu.memory_space<vmem>>, vector<1x1x16xf32>,
        %swap3A_1001 = vector.shape_cast %swap3A_1000 : vector<1x1x16xf32> to vector<16xf32>
        %swap3A_1002 = vector.shape_cast %get3A_981 : vector<16xf32> to vector<1x1x16xf32>
        tpu.vector_store %arg6[%swap3A_997, %swap3A_998, %swap3A_999], %swap3A_1002 {add = true, strides = array<i32>} : memref<4x16x768xf32, #tpu.memory_space<vmem>>, vector<1x1x16xf32>,
        %swap3A_1003 = arith.constant 3 : i32
        %swap3A_1004 = arith.index_cast %swap3A_1003 : i32 to index
        %swap3A_1005 = arith.index_cast %scan3A_114 : i32 to index
        %swap3A_1006 = arith.constant 432 : index
        %swap3A_1007 = tpu.vector_load %arg6[%swap3A_1004, %swap3A_1005, %swap3A_1006] {strides = array<i32>} : memref<4x16x768xf32, #tpu.memory_space<vmem>>, vector<1x1x16xf32>,
        %swap3A_1008 = vector.shape_cast %swap3A_1007 : vector<1x1x16xf32> to vector<16xf32>
        %swap3A_1009 = vector.shape_cast %get3A_981 : vector<16xf32> to vector<1x1x16xf32>
        tpu.vector_store %arg6[%swap3A_1004, %swap3A_1005, %swap3A_1006], %swap3A_1009 {add = true, strides = array<i32>} : memref<4x16x768xf32, #tpu.memory_space<vmem>>, vector<1x1x16xf32>,
        %get3A_1010 = arith.index_cast %scan3A_114 : i32 to index
        %get3A_1011 = arith.constant 448 : index
        %get3A_1012 = tpu.vector_load %arg8[%get3A_1010, %get3A_1011] {strides = array<i32>} : memref<16x768xf32, #tpu.memory_space<vmem>>, vector<1x16xf32>,
        %get3A_1013 = vector.shape_cast %get3A_1012 : vector<1x16xf32> to vector<16xf32>
        %swap3A_1014 = arith.constant 0 : i32
        %swap3A_1015 = arith.index_cast %swap3A_1014 : i32 to index
        %swap3A_1016 = arith.index_cast %scan3A_114 : i32 to index
        %swap3A_1017 = arith.constant 448 : index
        %swap3A_1018 = tpu.vector_load %arg6[%swap3A_1015, %swap3A_1016, %swap3A_1017] {strides = array<i32>} : memref<4x16x768xf32, #tpu.memory_space<vmem>>, vector<1x1x16xf32>,
        %swap3A_1019 = vector.shape_cast %swap3A_1018 : vector<1x1x16xf32> to vector<16xf32>
        %swap3A_1020 = vector.shape_cast %get3A_1013 : vector<16xf32> to vector<1x1x16xf32>
        tpu.vector_store %arg6[%swap3A_1015, %swap3A_1016, %swap3A_1017], %swap3A_1020 {add = true, strides = array<i32>} : memref<4x16x768xf32, #tpu.memory_space<vmem>>, vector<1x1x16xf32>,
        %swap3A_1021 = arith.constant 1 : i32
        %swap3A_1022 = arith.index_cast %swap3A_1021 : i32 to index
        %swap3A_1023 = arith.index_cast %scan3A_114 : i32 to index
        %swap3A_1024 = arith.constant 448 : index
        %swap3A_1025 = tpu.vector_load %arg6[%swap3A_1022, %swap3A_1023, %swap3A_1024] {strides = array<i32>} : memref<4x16x768xf32, #tpu.memory_space<vmem>>, vector<1x1x16xf32>,
        %swap3A_1026 = vector.shape_cast %swap3A_1025 : vector<1x1x16xf32> to vector<16xf32>
        %swap3A_1027 = vector.shape_cast %get3A_1013 : vector<16xf32> to vector<1x1x16xf32>
        tpu.vector_store %arg6[%swap3A_1022, %swap3A_1023, %swap3A_1024], %swap3A_1027 {add = true, strides = array<i32>} : memref<4x16x768xf32, #tpu.memory_space<vmem>>, vector<1x1x16xf32>,
        %swap3A_1028 = arith.constant 2 : i32
        %swap3A_1029 = arith.index_cast %swap3A_1028 : i32 to index
        %swap3A_1030 = arith.index_cast %scan3A_114 : i32 to index
        %swap3A_1031 = arith.constant 448 : index
        %swap3A_1032 = tpu.vector_load %arg6[%swap3A_1029, %swap3A_1030, %swap3A_1031] {strides = array<i32>} : memref<4x16x768xf32, #tpu.memory_space<vmem>>, vector<1x1x16xf32>,
        %swap3A_1033 = vector.shape_cast %swap3A_1032 : vector<1x1x16xf32> to vector<16xf32>
        %swap3A_1034 = vector.shape_cast %get3A_1013 : vector<16xf32> to vector<1x1x16xf32>
        tpu.vector_store %arg6[%swap3A_1029, %swap3A_1030, %swap3A_1031], %swap3A_1034 {add = true, strides = array<i32>} : memref<4x16x768xf32, #tpu.memory_space<vmem>>, vector<1x1x16xf32>,
        %swap3A_1035 = arith.constant 3 : i32
        %swap3A_1036 = arith.index_cast %swap3A_1035 : i32 to index
        %swap3A_1037 = arith.index_cast %scan3A_114 : i32 to index
        %swap3A_1038 = arith.constant 448 : index
        %swap3A_1039 = tpu.vector_load %arg6[%swap3A_1036, %swap3A_1037, %swap3A_1038] {strides = array<i32>} : memref<4x16x768xf32, #tpu.memory_space<vmem>>, vector<1x1x16xf32>,
        %swap3A_1040 = vector.shape_cast %swap3A_1039 : vector<1x1x16xf32> to vector<16xf32>
        %swap3A_1041 = vector.shape_cast %get3A_1013 : vector<16xf32> to vector<1x1x16xf32>
        tpu.vector_store %arg6[%swap3A_1036, %swap3A_1037, %swap3A_1038], %swap3A_1041 {add = true, strides = array<i32>} : memref<4x16x768xf32, #tpu.memory_space<vmem>>, vector<1x1x16xf32>,
        %get3A_1042 = arith.index_cast %scan3A_114 : i32 to index
        %get3A_1043 = arith.constant 464 : index
        %get3A_1044 = tpu.vector_load %arg8[%get3A_1042, %get3A_1043] {strides = array<i32>} : memref<16x768xf32, #tpu.memory_space<vmem>>, vector<1x16xf32>,
        %get3A_1045 = vector.shape_cast %get3A_1044 : vector<1x16xf32> to vector<16xf32>
        %swap3A_1046 = arith.constant 0 : i32
        %swap3A_1047 = arith.index_cast %swap3A_1046 : i32 to index
        %swap3A_1048 = arith.index_cast %scan3A_114 : i32 to index
        %swap3A_1049 = arith.constant 464 : index
        %swap3A_1050 = tpu.vector_load %arg6[%swap3A_1047, %swap3A_1048, %swap3A_1049] {strides = array<i32>} : memref<4x16x768xf32, #tpu.memory_space<vmem>>, vector<1x1x16xf32>,
        %swap3A_1051 = vector.shape_cast %swap3A_1050 : vector<1x1x16xf32> to vector<16xf32>
        %swap3A_1052 = vector.shape_cast %get3A_1045 : vector<16xf32> to vector<1x1x16xf32>
        tpu.vector_store %arg6[%swap3A_1047, %swap3A_1048, %swap3A_1049], %swap3A_1052 {add = true, strides = array<i32>} : memref<4x16x768xf32, #tpu.memory_space<vmem>>, vector<1x1x16xf32>,
        %swap3A_1053 = arith.constant 1 : i32
        %swap3A_1054 = arith.index_cast %swap3A_1053 : i32 to index
        %swap3A_1055 = arith.index_cast %scan3A_114 : i32 to index
        %swap3A_1056 = arith.constant 464 : index
        %swap3A_1057 = tpu.vector_load %arg6[%swap3A_1054, %swap3A_1055, %swap3A_1056] {strides = array<i32>} : memref<4x16x768xf32, #tpu.memory_space<vmem>>, vector<1x1x16xf32>,
        %swap3A_1058 = vector.shape_cast %swap3A_1057 : vector<1x1x16xf32> to vector<16xf32>
        %swap3A_1059 = vector.shape_cast %get3A_1045 : vector<16xf32> to vector<1x1x16xf32>
        tpu.vector_store %arg6[%swap3A_1054, %swap3A_1055, %swap3A_1056], %swap3A_1059 {add = true, strides = array<i32>} : memref<4x16x768xf32, #tpu.memory_space<vmem>>, vector<1x1x16xf32>,
        %swap3A_1060 = arith.constant 2 : i32
        %swap3A_1061 = arith.index_cast %swap3A_1060 : i32 to index
        %swap3A_1062 = arith.index_cast %scan3A_114 : i32 to index
        %swap3A_1063 = arith.constant 464 : index
        %swap3A_1064 = tpu.vector_load %arg6[%swap3A_1061, %swap3A_1062, %swap3A_1063] {strides = array<i32>} : memref<4x16x768xf32, #tpu.memory_space<vmem>>, vector<1x1x16xf32>,
        %swap3A_1065 = vector.shape_cast %swap3A_1064 : vector<1x1x16xf32> to vector<16xf32>
        %swap3A_1066 = vector.shape_cast %get3A_1045 : vector<16xf32> to vector<1x1x16xf32>
        tpu.vector_store %arg6[%swap3A_1061, %swap3A_1062, %swap3A_1063], %swap3A_1066 {add = true, strides = array<i32>} : memref<4x16x768xf32, #tpu.memory_space<vmem>>, vector<1x1x16xf32>,
        %swap3A_1067 = arith.constant 3 : i32
        %swap3A_1068 = arith.index_cast %swap3A_1067 : i32 to index
        %swap3A_1069 = arith.index_cast %scan3A_114 : i32 to index
        %swap3A_1070 = arith.constant 464 : index
        %swap3A_1071 = tpu.vector_load %arg6[%swap3A_1068, %swap3A_1069, %swap3A_1070] {strides = array<i32>} : memref<4x16x768xf32, #tpu.memory_space<vmem>>, vector<1x1x16xf32>,
        %swap3A_1072 = vector.shape_cast %swap3A_1071 : vector<1x1x16xf32> to vector<16xf32>
        %swap3A_1073 = vector.shape_cast %get3A_1045 : vector<16xf32> to vector<1x1x16xf32>
        tpu.vector_store %arg6[%swap3A_1068, %swap3A_1069, %swap3A_1070], %swap3A_1073 {add = true, strides = array<i32>} : memref<4x16x768xf32, #tpu.memory_space<vmem>>, vector<1x1x16xf32>,
        %get3A_1074 = arith.index_cast %scan3A_114 : i32 to index
        %get3A_1075 = arith.constant 480 : index
        %get3A_1076 = tpu.vector_load %arg8[%get3A_1074, %get3A_1075] {strides = array<i32>} : memref<16x768xf32, #tpu.memory_space<vmem>>, vector<1x16xf32>,
        %get3A_1077 = vector.shape_cast %get3A_1076 : vector<1x16xf32> to vector<16xf32>
        %swap3A_1078 = arith.constant 0 : i32
        %swap3A_1079 = arith.index_cast %swap3A_1078 : i32 to index
        %swap3A_1080 = arith.index_cast %scan3A_114 : i32 to index
        %swap3A_1081 = arith.constant 480 : index
        %swap3A_1082 = tpu.vector_load %arg6[%swap3A_1079, %swap3A_1080, %swap3A_1081] {strides = array<i32>} : memref<4x16x768xf32, #tpu.memory_space<vmem>>, vector<1x1x16xf32>,
        %swap3A_1083 = vector.shape_cast %swap3A_1082 : vector<1x1x16xf32> to vector<16xf32>
        %swap3A_1084 = vector.shape_cast %get3A_1077 : vector<16xf32> to vector<1x1x16xf32>
        tpu.vector_store %arg6[%swap3A_1079, %swap3A_1080, %swap3A_1081], %swap3A_1084 {add = true, strides = array<i32>} : memref<4x16x768xf32, #tpu.memory_space<vmem>>, vector<1x1x16xf32>,
        %swap3A_1085 = arith.constant 1 : i32
        %swap3A_1086 = arith.index_cast %swap3A_1085 : i32 to index
        %swap3A_1087 = arith.index_cast %scan3A_114 : i32 to index
        %swap3A_1088 = arith.constant 480 : index
        %swap3A_1089 = tpu.vector_load %arg6[%swap3A_1086, %swap3A_1087, %swap3A_1088] {strides = array<i32>} : memref<4x16x768xf32, #tpu.memory_space<vmem>>, vector<1x1x16xf32>,
        %swap3A_1090 = vector.shape_cast %swap3A_1089 : vector<1x1x16xf32> to vector<16xf32>
        %swap3A_1091 = vector.shape_cast %get3A_1077 : vector<16xf32> to vector<1x1x16xf32>
        tpu.vector_store %arg6[%swap3A_1086, %swap3A_1087, %swap3A_1088], %swap3A_1091 {add = true, strides = array<i32>} : memref<4x16x768xf32, #tpu.memory_space<vmem>>, vector<1x1x16xf32>,
        %swap3A_1092 = arith.constant 2 : i32
        %swap3A_1093 = arith.index_cast %swap3A_1092 : i32 to index
        %swap3A_1094 = arith.index_cast %scan3A_114 : i32 to index
        %swap3A_1095 = arith.constant 480 : index
        %swap3A_1096 = tpu.vector_load %arg6[%swap3A_1093, %swap3A_1094, %swap3A_1095] {strides = array<i32>} : memref<4x16x768xf32, #tpu.memory_space<vmem>>, vector<1x1x16xf32>,
        %swap3A_1097 = vector.shape_cast %swap3A_1096 : vector<1x1x16xf32> to vector<16xf32>
        %swap3A_1098 = vector.shape_cast %get3A_1077 : vector<16xf32> to vector<1x1x16xf32>
        tpu.vector_store %arg6[%swap3A_1093, %swap3A_1094, %swap3A_1095], %swap3A_1098 {add = true, strides = array<i32>} : memref<4x16x768xf32, #tpu.memory_space<vmem>>, vector<1x1x16xf32>,
        %swap3A_1099 = arith.constant 3 : i32
        %swap3A_1100 = arith.index_cast %swap3A_1099 : i32 to index
        %swap3A_1101 = arith.index_cast %scan3A_114 : i32 to index
        %swap3A_1102 = arith.constant 480 : index
        %swap3A_1103 = tpu.vector_load %arg6[%swap3A_1100, %swap3A_1101, %swap3A_1102] {strides = array<i32>} : memref<4x16x768xf32, #tpu.memory_space<vmem>>, vector<1x1x16xf32>,
        %swap3A_1104 = vector.shape_cast %swap3A_1103 : vector<1x1x16xf32> to vector<16xf32>
        %swap3A_1105 = vector.shape_cast %get3A_1077 : vector<16xf32> to vector<1x1x16xf32>
        tpu.vector_store %arg6[%swap3A_1100, %swap3A_1101, %swap3A_1102], %swap3A_1105 {add = true, strides = array<i32>} : memref<4x16x768xf32, #tpu.memory_space<vmem>>, vector<1x1x16xf32>,
        %get3A_1106 = arith.index_cast %scan3A_114 : i32 to index
        %get3A_1107 = arith.constant 496 : index
        %get3A_1108 = tpu.vector_load %arg8[%get3A_1106, %get3A_1107] {strides = array<i32>} : memref<16x768xf32, #tpu.memory_space<vmem>>, vector<1x16xf32>,
        %get3A_1109 = vector.shape_cast %get3A_1108 : vector<1x16xf32> to vector<16xf32>
        %swap3A_1110 = arith.constant 0 : i32
        %swap3A_1111 = arith.index_cast %swap3A_1110 : i32 to index
        %swap3A_1112 = arith.index_cast %scan3A_114 : i32 to index
        %swap3A_1113 = arith.constant 496 : index
        %swap3A_1114 = tpu.vector_load %arg6[%swap3A_1111, %swap3A_1112, %swap3A_1113] {strides = array<i32>} : memref<4x16x768xf32, #tpu.memory_space<vmem>>, vector<1x1x16xf32>,
        %swap3A_1115 = vector.shape_cast %swap3A_1114 : vector<1x1x16xf32> to vector<16xf32>
        %swap3A_1116 = vector.shape_cast %get3A_1109 : vector<16xf32> to vector<1x1x16xf32>
        tpu.vector_store %arg6[%swap3A_1111, %swap3A_1112, %swap3A_1113], %swap3A_1116 {add = true, strides = array<i32>} : memref<4x16x768xf32, #tpu.memory_space<vmem>>, vector<1x1x16xf32>,
        %swap3A_1117 = arith.constant 1 : i32
        %swap3A_1118 = arith.index_cast %swap3A_1117 : i32 to index
        %swap3A_1119 = arith.index_cast %scan3A_114 : i32 to index
        %swap3A_1120 = arith.constant 496 : index
        %swap3A_1121 = tpu.vector_load %arg6[%swap3A_1118, %swap3A_1119, %swap3A_1120] {strides = array<i32>} : memref<4x16x768xf32, #tpu.memory_space<vmem>>, vector<1x1x16xf32>,
        %swap3A_1122 = vector.shape_cast %swap3A_1121 : vector<1x1x16xf32> to vector<16xf32>
        %swap3A_1123 = vector.shape_cast %get3A_1109 : vector<16xf32> to vector<1x1x16xf32>
        tpu.vector_store %arg6[%swap3A_1118, %swap3A_1119, %swap3A_1120], %swap3A_1123 {add = true, strides = array<i32>} : memref<4x16x768xf32, #tpu.memory_space<vmem>>, vector<1x1x16xf32>,
        %swap3A_1124 = arith.constant 2 : i32
        %swap3A_1125 = arith.index_cast %swap3A_1124 : i32 to index
        %swap3A_1126 = arith.index_cast %scan3A_114 : i32 to index
        %swap3A_1127 = arith.constant 496 : index
        %swap3A_1128 = tpu.vector_load %arg6[%swap3A_1125, %swap3A_1126, %swap3A_1127] {strides = array<i32>} : memref<4x16x768xf32, #tpu.memory_space<vmem>>, vector<1x1x16xf32>,
        %swap3A_1129 = vector.shape_cast %swap3A_1128 : vector<1x1x16xf32> to vector<16xf32>
        %swap3A_1130 = vector.shape_cast %get3A_1109 : vector<16xf32> to vector<1x1x16xf32>
        tpu.vector_store %arg6[%swap3A_1125, %swap3A_1126, %swap3A_1127], %swap3A_1130 {add = true, strides = array<i32>} : memref<4x16x768xf32, #tpu.memory_space<vmem>>, vector<1x1x16xf32>,
        %swap3A_1131 = arith.constant 3 : i32
        %swap3A_1132 = arith.index_cast %swap3A_1131 : i32 to index
        %swap3A_1133 = arith.index_cast %scan3A_114 : i32 to index
        %swap3A_1134 = arith.constant 496 : index
        %swap3A_1135 = tpu.vector_load %arg6[%swap3A_1132, %swap3A_1133, %swap3A_1134] {strides = array<i32>} : memref<4x16x768xf32, #tpu.memory_space<vmem>>, vector<1x1x16xf32>,
        %swap3A_1136 = vector.shape_cast %swap3A_1135 : vector<1x1x16xf32> to vector<16xf32>
        %swap3A_1137 = vector.shape_cast %get3A_1109 : vector<16xf32> to vector<1x1x16xf32>
        tpu.vector_store %arg6[%swap3A_1132, %swap3A_1133, %swap3A_1134], %swap3A_1137 {add = true, strides = array<i32>} : memref<4x16x768xf32, #tpu.memory_space<vmem>>, vector<1x1x16xf32>,
        %get3A_1138 = arith.index_cast %scan3A_114 : i32 to index
        %get3A_1139 = arith.constant 512 : index
        %get3A_1140 = tpu.vector_load %arg8[%get3A_1138, %get3A_1139] {strides = array<i32>} : memref<16x768xf32, #tpu.memory_space<vmem>>, vector<1x16xf32>,
        %get3A_1141 = vector.shape_cast %get3A_1140 : vector<1x16xf32> to vector<16xf32>
        %swap3A_1142 = arith.constant 0 : i32
        %swap3A_1143 = arith.index_cast %swap3A_1142 : i32 to index
        %swap3A_1144 = arith.index_cast %scan3A_114 : i32 to index
        %swap3A_1145 = arith.constant 512 : index
        %swap3A_1146 = tpu.vector_load %arg6[%swap3A_1143, %swap3A_1144, %swap3A_1145] {strides = array<i32>} : memref<4x16x768xf32, #tpu.memory_space<vmem>>, vector<1x1x16xf32>,
        %swap3A_1147 = vector.shape_cast %swap3A_1146 : vector<1x1x16xf32> to vector<16xf32>
        %swap3A_1148 = vector.shape_cast %get3A_1141 : vector<16xf32> to vector<1x1x16xf32>
        tpu.vector_store %arg6[%swap3A_1143, %swap3A_1144, %swap3A_1145], %swap3A_1148 {add = true, strides = array<i32>} : memref<4x16x768xf32, #tpu.memory_space<vmem>>, vector<1x1x16xf32>,
        %swap3A_1149 = arith.constant 1 : i32
        %swap3A_1150 = arith.index_cast %swap3A_1149 : i32 to index
        %swap3A_1151 = arith.index_cast %scan3A_114 : i32 to index
        %swap3A_1152 = arith.constant 512 : index
        %swap3A_1153 = tpu.vector_load %arg6[%swap3A_1150, %swap3A_1151, %swap3A_1152] {strides = array<i32>} : memref<4x16x768xf32, #tpu.memory_space<vmem>>, vector<1x1x16xf32>,
        %swap3A_1154 = vector.shape_cast %swap3A_1153 : vector<1x1x16xf32> to vector<16xf32>
        %swap3A_1155 = vector.shape_cast %get3A_1141 : vector<16xf32> to vector<1x1x16xf32>
        tpu.vector_store %arg6[%swap3A_1150, %swap3A_1151, %swap3A_1152], %swap3A_1155 {add = true, strides = array<i32>} : memref<4x16x768xf32, #tpu.memory_space<vmem>>, vector<1x1x16xf32>,
        %swap3A_1156 = arith.constant 2 : i32
        %swap3A_1157 = arith.index_cast %swap3A_1156 : i32 to index
        %swap3A_1158 = arith.index_cast %scan3A_114 : i32 to index
        %swap3A_1159 = arith.constant 512 : index
        %swap3A_1160 = tpu.vector_load %arg6[%swap3A_1157, %swap3A_1158, %swap3A_1159] {strides = array<i32>} : memref<4x16x768xf32, #tpu.memory_space<vmem>>, vector<1x1x16xf32>,
        %swap3A_1161 = vector.shape_cast %swap3A_1160 : vector<1x1x16xf32> to vector<16xf32>
        %swap3A_1162 = vector.shape_cast %get3A_1141 : vector<16xf32> to vector<1x1x16xf32>
        tpu.vector_store %arg6[%swap3A_1157, %swap3A_1158, %swap3A_1159], %swap3A_1162 {add = true, strides = array<i32>} : memref<4x16x768xf32, #tpu.memory_space<vmem>>, vector<1x1x16xf32>,
        %swap3A_1163 = arith.constant 3 : i32
        %swap3A_1164 = arith.index_cast %swap3A_1163 : i32 to index
        %swap3A_1165 = arith.index_cast %scan3A_114 : i32 to index
        %swap3A_1166 = arith.constant 512 : index
        %swap3A_1167 = tpu.vector_load %arg6[%swap3A_1164, %swap3A_1165, %swap3A_1166] {strides = array<i32>} : memref<4x16x768xf32, #tpu.memory_space<vmem>>, vector<1x1x16xf32>,
        %swap3A_1168 = vector.shape_cast %swap3A_1167 : vector<1x1x16xf32> to vector<16xf32>
        %swap3A_1169 = vector.shape_cast %get3A_1141 : vector<16xf32> to vector<1x1x16xf32>
        tpu.vector_store %arg6[%swap3A_1164, %swap3A_1165, %swap3A_1166], %swap3A_1169 {add = true, strides = array<i32>} : memref<4x16x768xf32, #tpu.memory_space<vmem>>, vector<1x1x16xf32>,
        %get3A_1170 = arith.index_cast %scan3A_114 : i32 to index
        %get3A_1171 = arith.constant 528 : index
        %get3A_1172 = tpu.vector_load %arg8[%get3A_1170, %get3A_1171] {strides = array<i32>} : memref<16x768xf32, #tpu.memory_space<vmem>>, vector<1x16xf32>,
        %get3A_1173 = vector.shape_cast %get3A_1172 : vector<1x16xf32> to vector<16xf32>
        %swap3A_1174 = arith.constant 0 : i32
        %swap3A_1175 = arith.index_cast %swap3A_1174 : i32 to index
        %swap3A_1176 = arith.index_cast %scan3A_114 : i32 to index
        %swap3A_1177 = arith.constant 528 : index
        %swap3A_1178 = tpu.vector_load %arg6[%swap3A_1175, %swap3A_1176, %swap3A_1177] {strides = array<i32>} : memref<4x16x768xf32, #tpu.memory_space<vmem>>, vector<1x1x16xf32>,
        %swap3A_1179 = vector.shape_cast %swap3A_1178 : vector<1x1x16xf32> to vector<16xf32>
        %swap3A_1180 = vector.shape_cast %get3A_1173 : vector<16xf32> to vector<1x1x16xf32>
        tpu.vector_store %arg6[%swap3A_1175, %swap3A_1176, %swap3A_1177], %swap3A_1180 {add = true, strides = array<i32>} : memref<4x16x768xf32, #tpu.memory_space<vmem>>, vector<1x1x16xf32>,
        %swap3A_1181 = arith.constant 1 : i32
        %swap3A_1182 = arith.index_cast %swap3A_1181 : i32 to index
        %swap3A_1183 = arith.index_cast %scan3A_114 : i32 to index
        %swap3A_1184 = arith.constant 528 : index
        %swap3A_1185 = tpu.vector_load %arg6[%swap3A_1182, %swap3A_1183, %swap3A_1184] {strides = array<i32>} : memref<4x16x768xf32, #tpu.memory_space<vmem>>, vector<1x1x16xf32>,
        %swap3A_1186 = vector.shape_cast %swap3A_1185 : vector<1x1x16xf32> to vector<16xf32>
        %swap3A_1187 = vector.shape_cast %get3A_1173 : vector<16xf32> to vector<1x1x16xf32>
        tpu.vector_store %arg6[%swap3A_1182, %swap3A_1183, %swap3A_1184], %swap3A_1187 {add = true, strides = array<i32>} : memref<4x16x768xf32, #tpu.memory_space<vmem>>, vector<1x1x16xf32>,
        %swap3A_1188 = arith.constant 2 : i32
        %swap3A_1189 = arith.index_cast %swap3A_1188 : i32 to index
        %swap3A_1190 = arith.index_cast %scan3A_114 : i32 to index
        %swap3A_1191 = arith.constant 528 : index
        %swap3A_1192 = tpu.vector_load %arg6[%swap3A_1189, %swap3A_1190, %swap3A_1191] {strides = array<i32>} : memref<4x16x768xf32, #tpu.memory_space<vmem>>, vector<1x1x16xf32>,
        %swap3A_1193 = vector.shape_cast %swap3A_1192 : vector<1x1x16xf32> to vector<16xf32>
        %swap3A_1194 = vector.shape_cast %get3A_1173 : vector<16xf32> to vector<1x1x16xf32>
        tpu.vector_store %arg6[%swap3A_1189, %swap3A_1190, %swap3A_1191], %swap3A_1194 {add = true, strides = array<i32>} : memref<4x16x768xf32, #tpu.memory_space<vmem>>, vector<1x1x16xf32>,
        %swap3A_1195 = arith.constant 3 : i32
        %swap3A_1196 = arith.index_cast %swap3A_1195 : i32 to index
        %swap3A_1197 = arith.index_cast %scan3A_114 : i32 to index
        %swap3A_1198 = arith.constant 528 : index
        %swap3A_1199 = tpu.vector_load %arg6[%swap3A_1196, %swap3A_1197, %swap3A_1198] {strides = array<i32>} : memref<4x16x768xf32, #tpu.memory_space<vmem>>, vector<1x1x16xf32>,
        %swap3A_1200 = vector.shape_cast %swap3A_1199 : vector<1x1x16xf32> to vector<16xf32>
        %swap3A_1201 = vector.shape_cast %get3A_1173 : vector<16xf32> to vector<1x1x16xf32>
        tpu.vector_store %arg6[%swap3A_1196, %swap3A_1197, %swap3A_1198], %swap3A_1201 {add = true, strides = array<i32>} : memref<4x16x768xf32, #tpu.memory_space<vmem>>, vector<1x1x16xf32>,
        %get3A_1202 = arith.index_cast %scan3A_114 : i32 to index
        %get3A_1203 = arith.constant 544 : index
        %get3A_1204 = tpu.vector_load %arg8[%get3A_1202, %get3A_1203] {strides = array<i32>} : memref<16x768xf32, #tpu.memory_space<vmem>>, vector<1x16xf32>,
        %get3A_1205 = vector.shape_cast %get3A_1204 : vector<1x16xf32> to vector<16xf32>
        %swap3A_1206 = arith.constant 0 : i32
        %swap3A_1207 = arith.index_cast %swap3A_1206 : i32 to index
        %swap3A_1208 = arith.index_cast %scan3A_114 : i32 to index
        %swap3A_1209 = arith.constant 544 : index
        %swap3A_1210 = tpu.vector_load %arg6[%swap3A_1207, %swap3A_1208, %swap3A_1209] {strides = array<i32>} : memref<4x16x768xf32, #tpu.memory_space<vmem>>, vector<1x1x16xf32>,
        %swap3A_1211 = vector.shape_cast %swap3A_1210 : vector<1x1x16xf32> to vector<16xf32>
        %swap3A_1212 = vector.shape_cast %get3A_1205 : vector<16xf32> to vector<1x1x16xf32>
        tpu.vector_store %arg6[%swap3A_1207, %swap3A_1208, %swap3A_1209], %swap3A_1212 {add = true, strides = array<i32>} : memref<4x16x768xf32, #tpu.memory_space<vmem>>, vector<1x1x16xf32>,
        %swap3A_1213 = arith.constant 1 : i32
        %swap3A_1214 = arith.index_cast %swap3A_1213 : i32 to index
        %swap3A_1215 = arith.index_cast %scan3A_114 : i32 to index
        %swap3A_1216 = arith.constant 544 : index
        %swap3A_1217 = tpu.vector_load %arg6[%swap3A_1214, %swap3A_1215, %swap3A_1216] {strides = array<i32>} : memref<4x16x768xf32, #tpu.memory_space<vmem>>, vector<1x1x16xf32>,
        %swap3A_1218 = vector.shape_cast %swap3A_1217 : vector<1x1x16xf32> to vector<16xf32>
        %swap3A_1219 = vector.shape_cast %get3A_1205 : vector<16xf32> to vector<1x1x16xf32>
        tpu.vector_store %arg6[%swap3A_1214, %swap3A_1215, %swap3A_1216], %swap3A_1219 {add = true, strides = array<i32>} : memref<4x16x768xf32, #tpu.memory_space<vmem>>, vector<1x1x16xf32>,
        %swap3A_1220 = arith.constant 2 : i32
        %swap3A_1221 = arith.index_cast %swap3A_1220 : i32 to index
        %swap3A_1222 = arith.index_cast %scan3A_114 : i32 to index
        %swap3A_1223 = arith.constant 544 : index
        %swap3A_1224 = tpu.vector_load %arg6[%swap3A_1221, %swap3A_1222, %swap3A_1223] {strides = array<i32>} : memref<4x16x768xf32, #tpu.memory_space<vmem>>, vector<1x1x16xf32>,
        %swap3A_1225 = vector.shape_cast %swap3A_1224 : vector<1x1x16xf32> to vector<16xf32>
        %swap3A_1226 = vector.shape_cast %get3A_1205 : vector<16xf32> to vector<1x1x16xf32>
        tpu.vector_store %arg6[%swap3A_1221, %swap3A_1222, %swap3A_1223], %swap3A_1226 {add = true, strides = array<i32>} : memref<4x16x768xf32, #tpu.memory_space<vmem>>, vector<1x1x16xf32>,
        %swap3A_1227 = arith.constant 3 : i32
        %swap3A_1228 = arith.index_cast %swap3A_1227 : i32 to index
        %swap3A_1229 = arith.index_cast %scan3A_114 : i32 to index
        %swap3A_1230 = arith.constant 544 : index
        %swap3A_1231 = tpu.vector_load %arg6[%swap3A_1228, %swap3A_1229, %swap3A_1230] {strides = array<i32>} : memref<4x16x768xf32, #tpu.memory_space<vmem>>, vector<1x1x16xf32>,
        %swap3A_1232 = vector.shape_cast %swap3A_1231 : vector<1x1x16xf32> to vector<16xf32>
        %swap3A_1233 = vector.shape_cast %get3A_1205 : vector<16xf32> to vector<1x1x16xf32>
        tpu.vector_store %arg6[%swap3A_1228, %swap3A_1229, %swap3A_1230], %swap3A_1233 {add = true, strides = array<i32>} : memref<4x16x768xf32, #tpu.memory_space<vmem>>, vector<1x1x16xf32>,
        %get3A_1234 = arith.index_cast %scan3A_114 : i32 to index
        %get3A_1235 = arith.constant 560 : index
        %get3A_1236 = tpu.vector_load %arg8[%get3A_1234, %get3A_1235] {strides = array<i32>} : memref<16x768xf32, #tpu.memory_space<vmem>>, vector<1x16xf32>,
        %get3A_1237 = vector.shape_cast %get3A_1236 : vector<1x16xf32> to vector<16xf32>
        %swap3A_1238 = arith.constant 0 : i32
        %swap3A_1239 = arith.index_cast %swap3A_1238 : i32 to index
        %swap3A_1240 = arith.index_cast %scan3A_114 : i32 to index
        %swap3A_1241 = arith.constant 560 : index
        %swap3A_1242 = tpu.vector_load %arg6[%swap3A_1239, %swap3A_1240, %swap3A_1241] {strides = array<i32>} : memref<4x16x768xf32, #tpu.memory_space<vmem>>, vector<1x1x16xf32>,
        %swap3A_1243 = vector.shape_cast %swap3A_1242 : vector<1x1x16xf32> to vector<16xf32>
        %swap3A_1244 = vector.shape_cast %get3A_1237 : vector<16xf32> to vector<1x1x16xf32>
        tpu.vector_store %arg6[%swap3A_1239, %swap3A_1240, %swap3A_1241], %swap3A_1244 {add = true, strides = array<i32>} : memref<4x16x768xf32, #tpu.memory_space<vmem>>, vector<1x1x16xf32>,
        %swap3A_1245 = arith.constant 1 : i32
        %swap3A_1246 = arith.index_cast %swap3A_1245 : i32 to index
        %swap3A_1247 = arith.index_cast %scan3A_114 : i32 to index
        %swap3A_1248 = arith.constant 560 : index
        %swap3A_1249 = tpu.vector_load %arg6[%swap3A_1246, %swap3A_1247, %swap3A_1248] {strides = array<i32>} : memref<4x16x768xf32, #tpu.memory_space<vmem>>, vector<1x1x16xf32>,
        %swap3A_1250 = vector.shape_cast %swap3A_1249 : vector<1x1x16xf32> to vector<16xf32>
        %swap3A_1251 = vector.shape_cast %get3A_1237 : vector<16xf32> to vector<1x1x16xf32>
        tpu.vector_store %arg6[%swap3A_1246, %swap3A_1247, %swap3A_1248], %swap3A_1251 {add = true, strides = array<i32>} : memref<4x16x768xf32, #tpu.memory_space<vmem>>, vector<1x1x16xf32>,
        %swap3A_1252 = arith.constant 2 : i32
        %swap3A_1253 = arith.index_cast %swap3A_1252 : i32 to index
        %swap3A_1254 = arith.index_cast %scan3A_114 : i32 to index
        %swap3A_1255 = arith.constant 560 : index
        %swap3A_1256 = tpu.vector_load %arg6[%swap3A_1253, %swap3A_1254, %swap3A_1255] {strides = array<i32>} : memref<4x16x768xf32, #tpu.memory_space<vmem>>, vector<1x1x16xf32>,
        %swap3A_1257 = vector.shape_cast %swap3A_1256 : vector<1x1x16xf32> to vector<16xf32>
        %swap3A_1258 = vector.shape_cast %get3A_1237 : vector<16xf32> to vector<1x1x16xf32>
        tpu.vector_store %arg6[%swap3A_1253, %swap3A_1254, %swap3A_1255], %swap3A_1258 {add = true, strides = array<i32>} : memref<4x16x768xf32, #tpu.memory_space<vmem>>, vector<1x1x16xf32>,
        %swap3A_1259 = arith.constant 3 : i32
        %swap3A_1260 = arith.index_cast %swap3A_1259 : i32 to index
        %swap3A_1261 = arith.index_cast %scan3A_114 : i32 to index
        %swap3A_1262 = arith.constant 560 : index
        %swap3A_1263 = tpu.vector_load %arg6[%swap3A_1260, %swap3A_1261, %swap3A_1262] {strides = array<i32>} : memref<4x16x768xf32, #tpu.memory_space<vmem>>, vector<1x1x16xf32>,
        %swap3A_1264 = vector.shape_cast %swap3A_1263 : vector<1x1x16xf32> to vector<16xf32>
        %swap3A_1265 = vector.shape_cast %get3A_1237 : vector<16xf32> to vector<1x1x16xf32>
        tpu.vector_store %arg6[%swap3A_1260, %swap3A_1261, %swap3A_1262], %swap3A_1265 {add = true, strides = array<i32>} : memref<4x16x768xf32, #tpu.memory_space<vmem>>, vector<1x1x16xf32>,
        %get3A_1266 = arith.index_cast %scan3A_114 : i32 to index
        %get3A_1267 = arith.constant 576 : index
        %get3A_1268 = tpu.vector_load %arg8[%get3A_1266, %get3A_1267] {strides = array<i32>} : memref<16x768xf32, #tpu.memory_space<vmem>>, vector<1x16xf32>,
        %get3A_1269 = vector.shape_cast %get3A_1268 : vector<1x16xf32> to vector<16xf32>
        %swap3A_1270 = arith.constant 0 : i32
        %swap3A_1271 = arith.index_cast %swap3A_1270 : i32 to index
        %swap3A_1272 = arith.index_cast %scan3A_114 : i32 to index
        %swap3A_1273 = arith.constant 576 : index
        %swap3A_1274 = tpu.vector_load %arg6[%swap3A_1271, %swap3A_1272, %swap3A_1273] {strides = array<i32>} : memref<4x16x768xf32, #tpu.memory_space<vmem>>, vector<1x1x16xf32>,
        %swap3A_1275 = vector.shape_cast %swap3A_1274 : vector<1x1x16xf32> to vector<16xf32>
        %swap3A_1276 = vector.shape_cast %get3A_1269 : vector<16xf32> to vector<1x1x16xf32>
        tpu.vector_store %arg6[%swap3A_1271, %swap3A_1272, %swap3A_1273], %swap3A_1276 {add = true, strides = array<i32>} : memref<4x16x768xf32, #tpu.memory_space<vmem>>, vector<1x1x16xf32>,
        %swap3A_1277 = arith.constant 1 : i32
        %swap3A_1278 = arith.index_cast %swap3A_1277 : i32 to index
        %swap3A_1279 = arith.index_cast %scan3A_114 : i32 to index
        %swap3A_1280 = arith.constant 576 : index
        %swap3A_1281 = tpu.vector_load %arg6[%swap3A_1278, %swap3A_1279, %swap3A_1280] {strides = array<i32>} : memref<4x16x768xf32, #tpu.memory_space<vmem>>, vector<1x1x16xf32>,
        %swap3A_1282 = vector.shape_cast %swap3A_1281 : vector<1x1x16xf32> to vector<16xf32>
        %swap3A_1283 = vector.shape_cast %get3A_1269 : vector<16xf32> to vector<1x1x16xf32>
        tpu.vector_store %arg6[%swap3A_1278, %swap3A_1279, %swap3A_1280], %swap3A_1283 {add = true, strides = array<i32>} : memref<4x16x768xf32, #tpu.memory_space<vmem>>, vector<1x1x16xf32>,
        %swap3A_1284 = arith.constant 2 : i32
        %swap3A_1285 = arith.index_cast %swap3A_1284 : i32 to index
        %swap3A_1286 = arith.index_cast %scan3A_114 : i32 to index
        %swap3A_1287 = arith.constant 576 : index
        %swap3A_1288 = tpu.vector_load %arg6[%swap3A_1285, %swap3A_1286, %swap3A_1287] {strides = array<i32>} : memref<4x16x768xf32, #tpu.memory_space<vmem>>, vector<1x1x16xf32>,
        %swap3A_1289 = vector.shape_cast %swap3A_1288 : vector<1x1x16xf32> to vector<16xf32>
        %swap3A_1290 = vector.shape_cast %get3A_1269 : vector<16xf32> to vector<1x1x16xf32>
        tpu.vector_store %arg6[%swap3A_1285, %swap3A_1286, %swap3A_1287], %swap3A_1290 {add = true, strides = array<i32>} : memref<4x16x768xf32, #tpu.memory_space<vmem>>, vector<1x1x16xf32>,
        %swap3A_1291 = arith.constant 3 : i32
        %swap3A_1292 = arith.index_cast %swap3A_1291 : i32 to index
        %swap3A_1293 = arith.index_cast %scan3A_114 : i32 to index
        %swap3A_1294 = arith.constant 576 : index
        %swap3A_1295 = tpu.vector_load %arg6[%swap3A_1292, %swap3A_1293, %swap3A_1294] {strides = array<i32>} : memref<4x16x768xf32, #tpu.memory_space<vmem>>, vector<1x1x16xf32>,
        %swap3A_1296 = vector.shape_cast %swap3A_1295 : vector<1x1x16xf32> to vector<16xf32>
        %swap3A_1297 = vector.shape_cast %get3A_1269 : vector<16xf32> to vector<1x1x16xf32>
        tpu.vector_store %arg6[%swap3A_1292, %swap3A_1293, %swap3A_1294], %swap3A_1297 {add = true, strides = array<i32>} : memref<4x16x768xf32, #tpu.memory_space<vmem>>, vector<1x1x16xf32>,
        %get3A_1298 = arith.index_cast %scan3A_114 : i32 to index
        %get3A_1299 = arith.constant 592 : index
        %get3A_1300 = tpu.vector_load %arg8[%get3A_1298, %get3A_1299] {strides = array<i32>} : memref<16x768xf32, #tpu.memory_space<vmem>>, vector<1x16xf32>,
        %get3A_1301 = vector.shape_cast %get3A_1300 : vector<1x16xf32> to vector<16xf32>
        %swap3A_1302 = arith.constant 0 : i32
        %swap3A_1303 = arith.index_cast %swap3A_1302 : i32 to index
        %swap3A_1304 = arith.index_cast %scan3A_114 : i32 to index
        %swap3A_1305 = arith.constant 592 : index
        %swap3A_1306 = tpu.vector_load %arg6[%swap3A_1303, %swap3A_1304, %swap3A_1305] {strides = array<i32>} : memref<4x16x768xf32, #tpu.memory_space<vmem>>, vector<1x1x16xf32>,
        %swap3A_1307 = vector.shape_cast %swap3A_1306 : vector<1x1x16xf32> to vector<16xf32>
        %swap3A_1308 = vector.shape_cast %get3A_1301 : vector<16xf32> to vector<1x1x16xf32>
        tpu.vector_store %arg6[%swap3A_1303, %swap3A_1304, %swap3A_1305], %swap3A_1308 {add = true, strides = array<i32>} : memref<4x16x768xf32, #tpu.memory_space<vmem>>, vector<1x1x16xf32>,
        %swap3A_1309 = arith.constant 1 : i32
        %swap3A_1310 = arith.index_cast %swap3A_1309 : i32 to index
        %swap3A_1311 = arith.index_cast %scan3A_114 : i32 to index
        %swap3A_1312 = arith.constant 592 : index
        %swap3A_1313 = tpu.vector_load %arg6[%swap3A_1310, %swap3A_1311, %swap3A_1312] {strides = array<i32>} : memref<4x16x768xf32, #tpu.memory_space<vmem>>, vector<1x1x16xf32>,
        %swap3A_1314 = vector.shape_cast %swap3A_1313 : vector<1x1x16xf32> to vector<16xf32>
        %swap3A_1315 = vector.shape_cast %get3A_1301 : vector<16xf32> to vector<1x1x16xf32>
        tpu.vector_store %arg6[%swap3A_1310, %swap3A_1311, %swap3A_1312], %swap3A_1315 {add = true, strides = array<i32>} : memref<4x16x768xf32, #tpu.memory_space<vmem>>, vector<1x1x16xf32>,
        %swap3A_1316 = arith.constant 2 : i32
        %swap3A_1317 = arith.index_cast %swap3A_1316 : i32 to index
        %swap3A_1318 = arith.index_cast %scan3A_114 : i32 to index
        %swap3A_1319 = arith.constant 592 : index
        %swap3A_1320 = tpu.vector_load %arg6[%swap3A_1317, %swap3A_1318, %swap3A_1319] {strides = array<i32>} : memref<4x16x768xf32, #tpu.memory_space<vmem>>, vector<1x1x16xf32>,
        %swap3A_1321 = vector.shape_cast %swap3A_1320 : vector<1x1x16xf32> to vector<16xf32>
        %swap3A_1322 = vector.shape_cast %get3A_1301 : vector<16xf32> to vector<1x1x16xf32>
        tpu.vector_store %arg6[%swap3A_1317, %swap3A_1318, %swap3A_1319], %swap3A_1322 {add = true, strides = array<i32>} : memref<4x16x768xf32, #tpu.memory_space<vmem>>, vector<1x1x16xf32>,
        %swap3A_1323 = arith.constant 3 : i32
        %swap3A_1324 = arith.index_cast %swap3A_1323 : i32 to index
        %swap3A_1325 = arith.index_cast %scan3A_114 : i32 to index
        %swap3A_1326 = arith.constant 592 : index
        %swap3A_1327 = tpu.vector_load %arg6[%swap3A_1324, %swap3A_1325, %swap3A_1326] {strides = array<i32>} : memref<4x16x768xf32, #tpu.memory_space<vmem>>, vector<1x1x16xf32>,
        %swap3A_1328 = vector.shape_cast %swap3A_1327 : vector<1x1x16xf32> to vector<16xf32>
        %swap3A_1329 = vector.shape_cast %get3A_1301 : vector<16xf32> to vector<1x1x16xf32>
        tpu.vector_store %arg6[%swap3A_1324, %swap3A_1325, %swap3A_1326], %swap3A_1329 {add = true, strides = array<i32>} : memref<4x16x768xf32, #tpu.memory_space<vmem>>, vector<1x1x16xf32>,
        %get3A_1330 = arith.index_cast %scan3A_114 : i32 to index
        %get3A_1331 = arith.constant 608 : index
        %get3A_1332 = tpu.vector_load %arg8[%get3A_1330, %get3A_1331] {strides = array<i32>} : memref<16x768xf32, #tpu.memory_space<vmem>>, vector<1x16xf32>,
        %get3A_1333 = vector.shape_cast %get3A_1332 : vector<1x16xf32> to vector<16xf32>
        %swap3A_1334 = arith.constant 0 : i32
        %swap3A_1335 = arith.index_cast %swap3A_1334 : i32 to index
        %swap3A_1336 = arith.index_cast %scan3A_114 : i32 to index
        %swap3A_1337 = arith.constant 608 : index
        %swap3A_1338 = tpu.vector_load %arg6[%swap3A_1335, %swap3A_1336, %swap3A_1337] {strides = array<i32>} : memref<4x16x768xf32, #tpu.memory_space<vmem>>, vector<1x1x16xf32>,
        %swap3A_1339 = vector.shape_cast %swap3A_1338 : vector<1x1x16xf32> to vector<16xf32>
        %swap3A_1340 = vector.shape_cast %get3A_1333 : vector<16xf32> to vector<1x1x16xf32>
        tpu.vector_store %arg6[%swap3A_1335, %swap3A_1336, %swap3A_1337], %swap3A_1340 {add = true, strides = array<i32>} : memref<4x16x768xf32, #tpu.memory_space<vmem>>, vector<1x1x16xf32>,
        %swap3A_1341 = arith.constant 1 : i32
        %swap3A_1342 = arith.index_cast %swap3A_1341 : i32 to index
        %swap3A_1343 = arith.index_cast %scan3A_114 : i32 to index
        %swap3A_1344 = arith.constant 608 : index
        %swap3A_1345 = tpu.vector_load %arg6[%swap3A_1342, %swap3A_1343, %swap3A_1344] {strides = array<i32>} : memref<4x16x768xf32, #tpu.memory_space<vmem>>, vector<1x1x16xf32>,
        %swap3A_1346 = vector.shape_cast %swap3A_1345 : vector<1x1x16xf32> to vector<16xf32>
        %swap3A_1347 = vector.shape_cast %get3A_1333 : vector<16xf32> to vector<1x1x16xf32>
        tpu.vector_store %arg6[%swap3A_1342, %swap3A_1343, %swap3A_1344], %swap3A_1347 {add = true, strides = array<i32>} : memref<4x16x768xf32, #tpu.memory_space<vmem>>, vector<1x1x16xf32>,
        %swap3A_1348 = arith.constant 2 : i32
        %swap3A_1349 = arith.index_cast %swap3A_1348 : i32 to index
        %swap3A_1350 = arith.index_cast %scan3A_114 : i32 to index
        %swap3A_1351 = arith.constant 608 : index
        %swap3A_1352 = tpu.vector_load %arg6[%swap3A_1349, %swap3A_1350, %swap3A_1351] {strides = array<i32>} : memref<4x16x768xf32, #tpu.memory_space<vmem>>, vector<1x1x16xf32>,
        %swap3A_1353 = vector.shape_cast %swap3A_1352 : vector<1x1x16xf32> to vector<16xf32>
        %swap3A_1354 = vector.shape_cast %get3A_1333 : vector<16xf32> to vector<1x1x16xf32>
        tpu.vector_store %arg6[%swap3A_1349, %swap3A_1350, %swap3A_1351], %swap3A_1354 {add = true, strides = array<i32>} : memref<4x16x768xf32, #tpu.memory_space<vmem>>, vector<1x1x16xf32>,
        %swap3A_1355 = arith.constant 3 : i32
        %swap3A_1356 = arith.index_cast %swap3A_1355 : i32 to index
        %swap3A_1357 = arith.index_cast %scan3A_114 : i32 to index
        %swap3A_1358 = arith.constant 608 : index
        %swap3A_1359 = tpu.vector_load %arg6[%swap3A_1356, %swap3A_1357, %swap3A_1358] {strides = array<i32>} : memref<4x16x768xf32, #tpu.memory_space<vmem>>, vector<1x1x16xf32>,
        %swap3A_1360 = vector.shape_cast %swap3A_1359 : vector<1x1x16xf32> to vector<16xf32>
        %swap3A_1361 = vector.shape_cast %get3A_1333 : vector<16xf32> to vector<1x1x16xf32>
        tpu.vector_store %arg6[%swap3A_1356, %swap3A_1357, %swap3A_1358], %swap3A_1361 {add = true, strides = array<i32>} : memref<4x16x768xf32, #tpu.memory_space<vmem>>, vector<1x1x16xf32>,
        %get3A_1362 = arith.index_cast %scan3A_114 : i32 to index
        %get3A_1363 = arith.constant 624 : index
        %get3A_1364 = tpu.vector_load %arg8[%get3A_1362, %get3A_1363] {strides = array<i32>} : memref<16x768xf32, #tpu.memory_space<vmem>>, vector<1x16xf32>,
        %get3A_1365 = vector.shape_cast %get3A_1364 : vector<1x16xf32> to vector<16xf32>
        %swap3A_1366 = arith.constant 0 : i32
        %swap3A_1367 = arith.index_cast %swap3A_1366 : i32 to index
        %swap3A_1368 = arith.index_cast %scan3A_114 : i32 to index
        %swap3A_1369 = arith.constant 624 : index
        %swap3A_1370 = tpu.vector_load %arg6[%swap3A_1367, %swap3A_1368, %swap3A_1369] {strides = array<i32>} : memref<4x16x768xf32, #tpu.memory_space<vmem>>, vector<1x1x16xf32>,
        %swap3A_1371 = vector.shape_cast %swap3A_1370 : vector<1x1x16xf32> to vector<16xf32>
        %swap3A_1372 = vector.shape_cast %get3A_1365 : vector<16xf32> to vector<1x1x16xf32>
        tpu.vector_store %arg6[%swap3A_1367, %swap3A_1368, %swap3A_1369], %swap3A_1372 {add = true, strides = array<i32>} : memref<4x16x768xf32, #tpu.memory_space<vmem>>, vector<1x1x16xf32>,
        %swap3A_1373 = arith.constant 1 : i32
        %swap3A_1374 = arith.index_cast %swap3A_1373 : i32 to index
        %swap3A_1375 = arith.index_cast %scan3A_114 : i32 to index
        %swap3A_1376 = arith.constant 624 : index
        %swap3A_1377 = tpu.vector_load %arg6[%swap3A_1374, %swap3A_1375, %swap3A_1376] {strides = array<i32>} : memref<4x16x768xf32, #tpu.memory_space<vmem>>, vector<1x1x16xf32>,
        %swap3A_1378 = vector.shape_cast %swap3A_1377 : vector<1x1x16xf32> to vector<16xf32>
        %swap3A_1379 = vector.shape_cast %get3A_1365 : vector<16xf32> to vector<1x1x16xf32>
        tpu.vector_store %arg6[%swap3A_1374, %swap3A_1375, %swap3A_1376], %swap3A_1379 {add = true, strides = array<i32>} : memref<4x16x768xf32, #tpu.memory_space<vmem>>, vector<1x1x16xf32>,
        %swap3A_1380 = arith.constant 2 : i32
        %swap3A_1381 = arith.index_cast %swap3A_1380 : i32 to index
        %swap3A_1382 = arith.index_cast %scan3A_114 : i32 to index
        %swap3A_1383 = arith.constant 624 : index
        %swap3A_1384 = tpu.vector_load %arg6[%swap3A_1381, %swap3A_1382, %swap3A_1383] {strides = array<i32>} : memref<4x16x768xf32, #tpu.memory_space<vmem>>, vector<1x1x16xf32>,
        %swap3A_1385 = vector.shape_cast %swap3A_1384 : vector<1x1x16xf32> to vector<16xf32>
        %swap3A_1386 = vector.shape_cast %get3A_1365 : vector<16xf32> to vector<1x1x16xf32>
        tpu.vector_store %arg6[%swap3A_1381, %swap3A_1382, %swap3A_1383], %swap3A_1386 {add = true, strides = array<i32>} : memref<4x16x768xf32, #tpu.memory_space<vmem>>, vector<1x1x16xf32>,
        %swap3A_1387 = arith.constant 3 : i32
        %swap3A_1388 = arith.index_cast %swap3A_1387 : i32 to index
        %swap3A_1389 = arith.index_cast %scan3A_114 : i32 to index
        %swap3A_1390 = arith.constant 624 : index
        %swap3A_1391 = tpu.vector_load %arg6[%swap3A_1388, %swap3A_1389, %swap3A_1390] {strides = array<i32>} : memref<4x16x768xf32, #tpu.memory_space<vmem>>, vector<1x1x16xf32>,
        %swap3A_1392 = vector.shape_cast %swap3A_1391 : vector<1x1x16xf32> to vector<16xf32>
        %swap3A_1393 = vector.shape_cast %get3A_1365 : vector<16xf32> to vector<1x1x16xf32>
        tpu.vector_store %arg6[%swap3A_1388, %swap3A_1389, %swap3A_1390], %swap3A_1393 {add = true, strides = array<i32>} : memref<4x16x768xf32, #tpu.memory_space<vmem>>, vector<1x1x16xf32>,
        %get3A_1394 = arith.index_cast %scan3A_114 : i32 to index
        %get3A_1395 = arith.constant 640 : index
        %get3A_1396 = tpu.vector_load %arg8[%get3A_1394, %get3A_1395] {strides = array<i32>} : memref<16x768xf32, #tpu.memory_space<vmem>>, vector<1x16xf32>,
        %get3A_1397 = vector.shape_cast %get3A_1396 : vector<1x16xf32> to vector<16xf32>
        %swap3A_1398 = arith.constant 0 : i32
        %swap3A_1399 = arith.index_cast %swap3A_1398 : i32 to index
        %swap3A_1400 = arith.index_cast %scan3A_114 : i32 to index
        %swap3A_1401 = arith.constant 640 : index
        %swap3A_1402 = tpu.vector_load %arg6[%swap3A_1399, %swap3A_1400, %swap3A_1401] {strides = array<i32>} : memref<4x16x768xf32, #tpu.memory_space<vmem>>, vector<1x1x16xf32>,
        %swap3A_1403 = vector.shape_cast %swap3A_1402 : vector<1x1x16xf32> to vector<16xf32>
        %swap3A_1404 = vector.shape_cast %get3A_1397 : vector<16xf32> to vector<1x1x16xf32>
        tpu.vector_store %arg6[%swap3A_1399, %swap3A_1400, %swap3A_1401], %swap3A_1404 {add = true, strides = array<i32>} : memref<4x16x768xf32, #tpu.memory_space<vmem>>, vector<1x1x16xf32>,
        %swap3A_1405 = arith.constant 1 : i32
        %swap3A_1406 = arith.index_cast %swap3A_1405 : i32 to index
        %swap3A_1407 = arith.index_cast %scan3A_114 : i32 to index
        %swap3A_1408 = arith.constant 640 : index
        %swap3A_1409 = tpu.vector_load %arg6[%swap3A_1406, %swap3A_1407, %swap3A_1408] {strides = array<i32>} : memref<4x16x768xf32, #tpu.memory_space<vmem>>, vector<1x1x16xf32>,
        %swap3A_1410 = vector.shape_cast %swap3A_1409 : vector<1x1x16xf32> to vector<16xf32>
        %swap3A_1411 = vector.shape_cast %get3A_1397 : vector<16xf32> to vector<1x1x16xf32>
        tpu.vector_store %arg6[%swap3A_1406, %swap3A_1407, %swap3A_1408], %swap3A_1411 {add = true, strides = array<i32>} : memref<4x16x768xf32, #tpu.memory_space<vmem>>, vector<1x1x16xf32>,
        %swap3A_1412 = arith.constant 2 : i32
        %swap3A_1413 = arith.index_cast %swap3A_1412 : i32 to index
        %swap3A_1414 = arith.index_cast %scan3A_114 : i32 to index
        %swap3A_1415 = arith.constant 640 : index
        %swap3A_1416 = tpu.vector_load %arg6[%swap3A_1413, %swap3A_1414, %swap3A_1415] {strides = array<i32>} : memref<4x16x768xf32, #tpu.memory_space<vmem>>, vector<1x1x16xf32>,
        %swap3A_1417 = vector.shape_cast %swap3A_1416 : vector<1x1x16xf32> to vector<16xf32>
        %swap3A_1418 = vector.shape_cast %get3A_1397 : vector<16xf32> to vector<1x1x16xf32>
        tpu.vector_store %arg6[%swap3A_1413, %swap3A_1414, %swap3A_1415], %swap3A_1418 {add = true, strides = array<i32>} : memref<4x16x768xf32, #tpu.memory_space<vmem>>, vector<1x1x16xf32>,
        %swap3A_1419 = arith.constant 3 : i32
        %swap3A_1420 = arith.index_cast %swap3A_1419 : i32 to index
        %swap3A_1421 = arith.index_cast %scan3A_114 : i32 to index
        %swap3A_1422 = arith.constant 640 : index
        %swap3A_1423 = tpu.vector_load %arg6[%swap3A_1420, %swap3A_1421, %swap3A_1422] {strides = array<i32>} : memref<4x16x768xf32, #tpu.memory_space<vmem>>, vector<1x1x16xf32>,
        %swap3A_1424 = vector.shape_cast %swap3A_1423 : vector<1x1x16xf32> to vector<16xf32>
        %swap3A_1425 = vector.shape_cast %get3A_1397 : vector<16xf32> to vector<1x1x16xf32>
        tpu.vector_store %arg6[%swap3A_1420, %swap3A_1421, %swap3A_1422], %swap3A_1425 {add = true, strides = array<i32>} : memref<4x16x768xf32, #tpu.memory_space<vmem>>, vector<1x1x16xf32>,
        %get3A_1426 = arith.index_cast %scan3A_114 : i32 to index
        %get3A_1427 = arith.constant 656 : index
        %get3A_1428 = tpu.vector_load %arg8[%get3A_1426, %get3A_1427] {strides = array<i32>} : memref<16x768xf32, #tpu.memory_space<vmem>>, vector<1x16xf32>,
        %get3A_1429 = vector.shape_cast %get3A_1428 : vector<1x16xf32> to vector<16xf32>
        %swap3A_1430 = arith.constant 0 : i32
        %swap3A_1431 = arith.index_cast %swap3A_1430 : i32 to index
        %swap3A_1432 = arith.index_cast %scan3A_114 : i32 to index
        %swap3A_1433 = arith.constant 656 : index
        %swap3A_1434 = tpu.vector_load %arg6[%swap3A_1431, %swap3A_1432, %swap3A_1433] {strides = array<i32>} : memref<4x16x768xf32, #tpu.memory_space<vmem>>, vector<1x1x16xf32>,
        %swap3A_1435 = vector.shape_cast %swap3A_1434 : vector<1x1x16xf32> to vector<16xf32>
        %swap3A_1436 = vector.shape_cast %get3A_1429 : vector<16xf32> to vector<1x1x16xf32>
        tpu.vector_store %arg6[%swap3A_1431, %swap3A_1432, %swap3A_1433], %swap3A_1436 {add = true, strides = array<i32>} : memref<4x16x768xf32, #tpu.memory_space<vmem>>, vector<1x1x16xf32>,
        %swap3A_1437 = arith.constant 1 : i32
        %swap3A_1438 = arith.index_cast %swap3A_1437 : i32 to index
        %swap3A_1439 = arith.index_cast %scan3A_114 : i32 to index
        %swap3A_1440 = arith.constant 656 : index
        %swap3A_1441 = tpu.vector_load %arg6[%swap3A_1438, %swap3A_1439, %swap3A_1440] {strides = array<i32>} : memref<4x16x768xf32, #tpu.memory_space<vmem>>, vector<1x1x16xf32>,
        %swap3A_1442 = vector.shape_cast %swap3A_1441 : vector<1x1x16xf32> to vector<16xf32>
        %swap3A_1443 = vector.shape_cast %get3A_1429 : vector<16xf32> to vector<1x1x16xf32>
        tpu.vector_store %arg6[%swap3A_1438, %swap3A_1439, %swap3A_1440], %swap3A_1443 {add = true, strides = array<i32>} : memref<4x16x768xf32, #tpu.memory_space<vmem>>, vector<1x1x16xf32>,
        %swap3A_1444 = arith.constant 2 : i32
        %swap3A_1445 = arith.index_cast %swap3A_1444 : i32 to index
        %swap3A_1446 = arith.index_cast %scan3A_114 : i32 to index
        %swap3A_1447 = arith.constant 656 : index
        %swap3A_1448 = tpu.vector_load %arg6[%swap3A_1445, %swap3A_1446, %swap3A_1447] {strides = array<i32>} : memref<4x16x768xf32, #tpu.memory_space<vmem>>, vector<1x1x16xf32>,
        %swap3A_1449 = vector.shape_cast %swap3A_1448 : vector<1x1x16xf32> to vector<16xf32>
        %swap3A_1450 = vector.shape_cast %get3A_1429 : vector<16xf32> to vector<1x1x16xf32>
        tpu.vector_store %arg6[%swap3A_1445, %swap3A_1446, %swap3A_1447], %swap3A_1450 {add = true, strides = array<i32>} : memref<4x16x768xf32, #tpu.memory_space<vmem>>, vector<1x1x16xf32>,
        %swap3A_1451 = arith.constant 3 : i32
        %swap3A_1452 = arith.index_cast %swap3A_1451 : i32 to index
        %swap3A_1453 = arith.index_cast %scan3A_114 : i32 to index
        %swap3A_1454 = arith.constant 656 : index
        %swap3A_1455 = tpu.vector_load %arg6[%swap3A_1452, %swap3A_1453, %swap3A_1454] {strides = array<i32>} : memref<4x16x768xf32, #tpu.memory_space<vmem>>, vector<1x1x16xf32>,
        %swap3A_1456 = vector.shape_cast %swap3A_1455 : vector<1x1x16xf32> to vector<16xf32>
        %swap3A_1457 = vector.shape_cast %get3A_1429 : vector<16xf32> to vector<1x1x16xf32>
        tpu.vector_store %arg6[%swap3A_1452, %swap3A_1453, %swap3A_1454], %swap3A_1457 {add = true, strides = array<i32>} : memref<4x16x768xf32, #tpu.memory_space<vmem>>, vector<1x1x16xf32>,
        %get3A_1458 = arith.index_cast %scan3A_114 : i32 to index
        %get3A_1459 = arith.constant 672 : index
        %get3A_1460 = tpu.vector_load %arg8[%get3A_1458, %get3A_1459] {strides = array<i32>} : memref<16x768xf32, #tpu.memory_space<vmem>>, vector<1x16xf32>,
        %get3A_1461 = vector.shape_cast %get3A_1460 : vector<1x16xf32> to vector<16xf32>
        %swap3A_1462 = arith.constant 0 : i32
        %swap3A_1463 = arith.index_cast %swap3A_1462 : i32 to index
        %swap3A_1464 = arith.index_cast %scan3A_114 : i32 to index
        %swap3A_1465 = arith.constant 672 : index
        %swap3A_1466 = tpu.vector_load %arg6[%swap3A_1463, %swap3A_1464, %swap3A_1465] {strides = array<i32>} : memref<4x16x768xf32, #tpu.memory_space<vmem>>, vector<1x1x16xf32>,
        %swap3A_1467 = vector.shape_cast %swap3A_1466 : vector<1x1x16xf32> to vector<16xf32>
        %swap3A_1468 = vector.shape_cast %get3A_1461 : vector<16xf32> to vector<1x1x16xf32>
        tpu.vector_store %arg6[%swap3A_1463, %swap3A_1464, %swap3A_1465], %swap3A_1468 {add = true, strides = array<i32>} : memref<4x16x768xf32, #tpu.memory_space<vmem>>, vector<1x1x16xf32>,
        %swap3A_1469 = arith.constant 1 : i32
        %swap3A_1470 = arith.index_cast %swap3A_1469 : i32 to index
        %swap3A_1471 = arith.index_cast %scan3A_114 : i32 to index
        %swap3A_1472 = arith.constant 672 : index
        %swap3A_1473 = tpu.vector_load %arg6[%swap3A_1470, %swap3A_1471, %swap3A_1472] {strides = array<i32>} : memref<4x16x768xf32, #tpu.memory_space<vmem>>, vector<1x1x16xf32>,
        %swap3A_1474 = vector.shape_cast %swap3A_1473 : vector<1x1x16xf32> to vector<16xf32>
        %swap3A_1475 = vector.shape_cast %get3A_1461 : vector<16xf32> to vector<1x1x16xf32>
        tpu.vector_store %arg6[%swap3A_1470, %swap3A_1471, %swap3A_1472], %swap3A_1475 {add = true, strides = array<i32>} : memref<4x16x768xf32, #tpu.memory_space<vmem>>, vector<1x1x16xf32>,
        %swap3A_1476 = arith.constant 2 : i32
        %swap3A_1477 = arith.index_cast %swap3A_1476 : i32 to index
        %swap3A_1478 = arith.index_cast %scan3A_114 : i32 to index
        %swap3A_1479 = arith.constant 672 : index
        %swap3A_1480 = tpu.vector_load %arg6[%swap3A_1477, %swap3A_1478, %swap3A_1479] {strides = array<i32>} : memref<4x16x768xf32, #tpu.memory_space<vmem>>, vector<1x1x16xf32>,
        %swap3A_1481 = vector.shape_cast %swap3A_1480 : vector<1x1x16xf32> to vector<16xf32>
        %swap3A_1482 = vector.shape_cast %get3A_1461 : vector<16xf32> to vector<1x1x16xf32>
        tpu.vector_store %arg6[%swap3A_1477, %swap3A_1478, %swap3A_1479], %swap3A_1482 {add = true, strides = array<i32>} : memref<4x16x768xf32, #tpu.memory_space<vmem>>, vector<1x1x16xf32>,
        %swap3A_1483 = arith.constant 3 : i32
        %swap3A_1484 = arith.index_cast %swap3A_1483 : i32 to index
        %swap3A_1485 = arith.index_cast %scan3A_114 : i32 to index
        %swap3A_1486 = arith.constant 672 : index
        %swap3A_1487 = tpu.vector_load %arg6[%swap3A_1484, %swap3A_1485, %swap3A_1486] {strides = array<i32>} : memref<4x16x768xf32, #tpu.memory_space<vmem>>, vector<1x1x16xf32>,
        %swap3A_1488 = vector.shape_cast %swap3A_1487 : vector<1x1x16xf32> to vector<16xf32>
        %swap3A_1489 = vector.shape_cast %get3A_1461 : vector<16xf32> to vector<1x1x16xf32>
        tpu.vector_store %arg6[%swap3A_1484, %swap3A_1485, %swap3A_1486], %swap3A_1489 {add = true, strides = array<i32>} : memref<4x16x768xf32, #tpu.memory_space<vmem>>, vector<1x1x16xf32>,
        %get3A_1490 = arith.index_cast %scan3A_114 : i32 to index
        %get3A_1491 = arith.constant 688 : index
        %get3A_1492 = tpu.vector_load %arg8[%get3A_1490, %get3A_1491] {strides = array<i32>} : memref<16x768xf32, #tpu.memory_space<vmem>>, vector<1x16xf32>,
        %get3A_1493 = vector.shape_cast %get3A_1492 : vector<1x16xf32> to vector<16xf32>
        %swap3A_1494 = arith.constant 0 : i32
        %swap3A_1495 = arith.index_cast %swap3A_1494 : i32 to index
        %swap3A_1496 = arith.index_cast %scan3A_114 : i32 to index
        %swap3A_1497 = arith.constant 688 : index
        %swap3A_1498 = tpu.vector_load %arg6[%swap3A_1495, %swap3A_1496, %swap3A_1497] {strides = array<i32>} : memref<4x16x768xf32, #tpu.memory_space<vmem>>, vector<1x1x16xf32>,
        %swap3A_1499 = vector.shape_cast %swap3A_1498 : vector<1x1x16xf32> to vector<16xf32>
        %swap3A_1500 = vector.shape_cast %get3A_1493 : vector<16xf32> to vector<1x1x16xf32>
        tpu.vector_store %arg6[%swap3A_1495, %swap3A_1496, %swap3A_1497], %swap3A_1500 {add = true, strides = array<i32>} : memref<4x16x768xf32, #tpu.memory_space<vmem>>, vector<1x1x16xf32>,
        %swap3A_1501 = arith.constant 1 : i32
        %swap3A_1502 = arith.index_cast %swap3A_1501 : i32 to index
        %swap3A_1503 = arith.index_cast %scan3A_114 : i32 to index
        %swap3A_1504 = arith.constant 688 : index
        %swap3A_1505 = tpu.vector_load %arg6[%swap3A_1502, %swap3A_1503, %swap3A_1504] {strides = array<i32>} : memref<4x16x768xf32, #tpu.memory_space<vmem>>, vector<1x1x16xf32>,
        %swap3A_1506 = vector.shape_cast %swap3A_1505 : vector<1x1x16xf32> to vector<16xf32>
        %swap3A_1507 = vector.shape_cast %get3A_1493 : vector<16xf32> to vector<1x1x16xf32>
        tpu.vector_store %arg6[%swap3A_1502, %swap3A_1503, %swap3A_1504], %swap3A_1507 {add = true, strides = array<i32>} : memref<4x16x768xf32, #tpu.memory_space<vmem>>, vector<1x1x16xf32>,
        %swap3A_1508 = arith.constant 2 : i32
        %swap3A_1509 = arith.index_cast %swap3A_1508 : i32 to index
        %swap3A_1510 = arith.index_cast %scan3A_114 : i32 to index
        %swap3A_1511 = arith.constant 688 : index
        %swap3A_1512 = tpu.vector_load %arg6[%swap3A_1509, %swap3A_1510, %swap3A_1511] {strides = array<i32>} : memref<4x16x768xf32, #tpu.memory_space<vmem>>, vector<1x1x16xf32>,
        %swap3A_1513 = vector.shape_cast %swap3A_1512 : vector<1x1x16xf32> to vector<16xf32>
        %swap3A_1514 = vector.shape_cast %get3A_1493 : vector<16xf32> to vector<1x1x16xf32>
        tpu.vector_store %arg6[%swap3A_1509, %swap3A_1510, %swap3A_1511], %swap3A_1514 {add = true, strides = array<i32>} : memref<4x16x768xf32, #tpu.memory_space<vmem>>, vector<1x1x16xf32>,
        %swap3A_1515 = arith.constant 3 : i32
        %swap3A_1516 = arith.index_cast %swap3A_1515 : i32 to index
        %swap3A_1517 = arith.index_cast %scan3A_114 : i32 to index
        %swap3A_1518 = arith.constant 688 : index
        %swap3A_1519 = tpu.vector_load %arg6[%swap3A_1516, %swap3A_1517, %swap3A_1518] {strides = array<i32>} : memref<4x16x768xf32, #tpu.memory_space<vmem>>, vector<1x1x16xf32>,
        %swap3A_1520 = vector.shape_cast %swap3A_1519 : vector<1x1x16xf32> to vector<16xf32>
        %swap3A_1521 = vector.shape_cast %get3A_1493 : vector<16xf32> to vector<1x1x16xf32>
        tpu.vector_store %arg6[%swap3A_1516, %swap3A_1517, %swap3A_1518], %swap3A_1521 {add = true, strides = array<i32>} : memref<4x16x768xf32, #tpu.memory_space<vmem>>, vector<1x1x16xf32>,
        %get3A_1522 = arith.index_cast %scan3A_114 : i32 to index
        %get3A_1523 = arith.constant 704 : index
        %get3A_1524 = tpu.vector_load %arg8[%get3A_1522, %get3A_1523] {strides = array<i32>} : memref<16x768xf32, #tpu.memory_space<vmem>>, vector<1x16xf32>,
        %get3A_1525 = vector.shape_cast %get3A_1524 : vector<1x16xf32> to vector<16xf32>
        %swap3A_1526 = arith.constant 0 : i32
        %swap3A_1527 = arith.index_cast %swap3A_1526 : i32 to index
        %swap3A_1528 = arith.index_cast %scan3A_114 : i32 to index
        %swap3A_1529 = arith.constant 704 : index
        %swap3A_1530 = tpu.vector_load %arg6[%swap3A_1527, %swap3A_1528, %swap3A_1529] {strides = array<i32>} : memref<4x16x768xf32, #tpu.memory_space<vmem>>, vector<1x1x16xf32>,
        %swap3A_1531 = vector.shape_cast %swap3A_1530 : vector<1x1x16xf32> to vector<16xf32>
        %swap3A_1532 = vector.shape_cast %get3A_1525 : vector<16xf32> to vector<1x1x16xf32>
        tpu.vector_store %arg6[%swap3A_1527, %swap3A_1528, %swap3A_1529], %swap3A_1532 {add = true, strides = array<i32>} : memref<4x16x768xf32, #tpu.memory_space<vmem>>, vector<1x1x16xf32>,
        %swap3A_1533 = arith.constant 1 : i32
        %swap3A_1534 = arith.index_cast %swap3A_1533 : i32 to index
        %swap3A_1535 = arith.index_cast %scan3A_114 : i32 to index
        %swap3A_1536 = arith.constant 704 : index
        %swap3A_1537 = tpu.vector_load %arg6[%swap3A_1534, %swap3A_1535, %swap3A_1536] {strides = array<i32>} : memref<4x16x768xf32, #tpu.memory_space<vmem>>, vector<1x1x16xf32>,
        %swap3A_1538 = vector.shape_cast %swap3A_1537 : vector<1x1x16xf32> to vector<16xf32>
        %swap3A_1539 = vector.shape_cast %get3A_1525 : vector<16xf32> to vector<1x1x16xf32>
        tpu.vector_store %arg6[%swap3A_1534, %swap3A_1535, %swap3A_1536], %swap3A_1539 {add = true, strides = array<i32>} : memref<4x16x768xf32, #tpu.memory_space<vmem>>, vector<1x1x16xf32>,
        %swap3A_1540 = arith.constant 2 : i32
        %swap3A_1541 = arith.index_cast %swap3A_1540 : i32 to index
        %swap3A_1542 = arith.index_cast %scan3A_114 : i32 to index
        %swap3A_1543 = arith.constant 704 : index
        %swap3A_1544 = tpu.vector_load %arg6[%swap3A_1541, %swap3A_1542, %swap3A_1543] {strides = array<i32>} : memref<4x16x768xf32, #tpu.memory_space<vmem>>, vector<1x1x16xf32>,
        %swap3A_1545 = vector.shape_cast %swap3A_1544 : vector<1x1x16xf32> to vector<16xf32>
        %swap3A_1546 = vector.shape_cast %get3A_1525 : vector<16xf32> to vector<1x1x16xf32>
        tpu.vector_store %arg6[%swap3A_1541, %swap3A_1542, %swap3A_1543], %swap3A_1546 {add = true, strides = array<i32>} : memref<4x16x768xf32, #tpu.memory_space<vmem>>, vector<1x1x16xf32>,
        %swap3A_1547 = arith.constant 3 : i32
        %swap3A_1548 = arith.index_cast %swap3A_1547 : i32 to index
        %swap3A_1549 = arith.index_cast %scan3A_114 : i32 to index
        %swap3A_1550 = arith.constant 704 : index
        %swap3A_1551 = tpu.vector_load %arg6[%swap3A_1548, %swap3A_1549, %swap3A_1550] {strides = array<i32>} : memref<4x16x768xf32, #tpu.memory_space<vmem>>, vector<1x1x16xf32>,
        %swap3A_1552 = vector.shape_cast %swap3A_1551 : vector<1x1x16xf32> to vector<16xf32>
        %swap3A_1553 = vector.shape_cast %get3A_1525 : vector<16xf32> to vector<1x1x16xf32>
        tpu.vector_store %arg6[%swap3A_1548, %swap3A_1549, %swap3A_1550], %swap3A_1553 {add = true, strides = array<i32>} : memref<4x16x768xf32, #tpu.memory_space<vmem>>, vector<1x1x16xf32>,
        %get3A_1554 = arith.index_cast %scan3A_114 : i32 to index
        %get3A_1555 = arith.constant 720 : index
        %get3A_1556 = tpu.vector_load %arg8[%get3A_1554, %get3A_1555] {strides = array<i32>} : memref<16x768xf32, #tpu.memory_space<vmem>>, vector<1x16xf32>,
        %get3A_1557 = vector.shape_cast %get3A_1556 : vector<1x16xf32> to vector<16xf32>
        %swap3A_1558 = arith.constant 0 : i32
        %swap3A_1559 = arith.index_cast %swap3A_1558 : i32 to index
        %swap3A_1560 = arith.index_cast %scan3A_114 : i32 to index
        %swap3A_1561 = arith.constant 720 : index
        %swap3A_1562 = tpu.vector_load %arg6[%swap3A_1559, %swap3A_1560, %swap3A_1561] {strides = array<i32>} : memref<4x16x768xf32, #tpu.memory_space<vmem>>, vector<1x1x16xf32>,
        %swap3A_1563 = vector.shape_cast %swap3A_1562 : vector<1x1x16xf32> to vector<16xf32>
        %swap3A_1564 = vector.shape_cast %get3A_1557 : vector<16xf32> to vector<1x1x16xf32>
        tpu.vector_store %arg6[%swap3A_1559, %swap3A_1560, %swap3A_1561], %swap3A_1564 {add = true, strides = array<i32>} : memref<4x16x768xf32, #tpu.memory_space<vmem>>, vector<1x1x16xf32>,
        %swap3A_1565 = arith.constant 1 : i32
        %swap3A_1566 = arith.index_cast %swap3A_1565 : i32 to index
        %swap3A_1567 = arith.index_cast %scan3A_114 : i32 to index
        %swap3A_1568 = arith.constant 720 : index
        %swap3A_1569 = tpu.vector_load %arg6[%swap3A_1566, %swap3A_1567, %swap3A_1568] {strides = array<i32>} : memref<4x16x768xf32, #tpu.memory_space<vmem>>, vector<1x1x16xf32>,
        %swap3A_1570 = vector.shape_cast %swap3A_1569 : vector<1x1x16xf32> to vector<16xf32>
        %swap3A_1571 = vector.shape_cast %get3A_1557 : vector<16xf32> to vector<1x1x16xf32>
        tpu.vector_store %arg6[%swap3A_1566, %swap3A_1567, %swap3A_1568], %swap3A_1571 {add = true, strides = array<i32>} : memref<4x16x768xf32, #tpu.memory_space<vmem>>, vector<1x1x16xf32>,
        %swap3A_1572 = arith.constant 2 : i32
        %swap3A_1573 = arith.index_cast %swap3A_1572 : i32 to index
        %swap3A_1574 = arith.index_cast %scan3A_114 : i32 to index
        %swap3A_1575 = arith.constant 720 : index
        %swap3A_1576 = tpu.vector_load %arg6[%swap3A_1573, %swap3A_1574, %swap3A_1575] {strides = array<i32>} : memref<4x16x768xf32, #tpu.memory_space<vmem>>, vector<1x1x16xf32>,
        %swap3A_1577 = vector.shape_cast %swap3A_1576 : vector<1x1x16xf32> to vector<16xf32>
        %swap3A_1578 = vector.shape_cast %get3A_1557 : vector<16xf32> to vector<1x1x16xf32>
        tpu.vector_store %arg6[%swap3A_1573, %swap3A_1574, %swap3A_1575], %swap3A_1578 {add = true, strides = array<i32>} : memref<4x16x768xf32, #tpu.memory_space<vmem>>, vector<1x1x16xf32>,
        %swap3A_1579 = arith.constant 3 : i32
        %swap3A_1580 = arith.index_cast %swap3A_1579 : i32 to index
        %swap3A_1581 = arith.index_cast %scan3A_114 : i32 to index
        %swap3A_1582 = arith.constant 720 : index
        %swap3A_1583 = tpu.vector_load %arg6[%swap3A_1580, %swap3A_1581, %swap3A_1582] {strides = array<i32>} : memref<4x16x768xf32, #tpu.memory_space<vmem>>, vector<1x1x16xf32>,
        %swap3A_1584 = vector.shape_cast %swap3A_1583 : vector<1x1x16xf32> to vector<16xf32>
        %swap3A_1585 = vector.shape_cast %get3A_1557 : vector<16xf32> to vector<1x1x16xf32>
        tpu.vector_store %arg6[%swap3A_1580, %swap3A_1581, %swap3A_1582], %swap3A_1585 {add = true, strides = array<i32>} : memref<4x16x768xf32, #tpu.memory_space<vmem>>, vector<1x1x16xf32>,
        %get3A_1586 = arith.index_cast %scan3A_114 : i32 to index
        %get3A_1587 = arith.constant 736 : index
        %get3A_1588 = tpu.vector_load %arg8[%get3A_1586, %get3A_1587] {strides = array<i32>} : memref<16x768xf32, #tpu.memory_space<vmem>>, vector<1x16xf32>,
        %get3A_1589 = vector.shape_cast %get3A_1588 : vector<1x16xf32> to vector<16xf32>
        %swap3A_1590 = arith.constant 0 : i32
        %swap3A_1591 = arith.index_cast %swap3A_1590 : i32 to index
        %swap3A_1592 = arith.index_cast %scan3A_114 : i32 to index
        %swap3A_1593 = arith.constant 736 : index
        %swap3A_1594 = tpu.vector_load %arg6[%swap3A_1591, %swap3A_1592, %swap3A_1593] {strides = array<i32>} : memref<4x16x768xf32, #tpu.memory_space<vmem>>, vector<1x1x16xf32>,
        %swap3A_1595 = vector.shape_cast %swap3A_1594 : vector<1x1x16xf32> to vector<16xf32>
        %swap3A_1596 = vector.shape_cast %get3A_1589 : vector<16xf32> to vector<1x1x16xf32>
        tpu.vector_store %arg6[%swap3A_1591, %swap3A_1592, %swap3A_1593], %swap3A_1596 {add = true, strides = array<i32>} : memref<4x16x768xf32, #tpu.memory_space<vmem>>, vector<1x1x16xf32>,
        %swap3A_1597 = arith.constant 1 : i32
        %swap3A_1598 = arith.index_cast %swap3A_1597 : i32 to index
        %swap3A_1599 = arith.index_cast %scan3A_114 : i32 to index
        %swap3A_1600 = arith.constant 736 : index
        %swap3A_1601 = tpu.vector_load %arg6[%swap3A_1598, %swap3A_1599, %swap3A_1600] {strides = array<i32>} : memref<4x16x768xf32, #tpu.memory_space<vmem>>, vector<1x1x16xf32>,
        %swap3A_1602 = vector.shape_cast %swap3A_1601 : vector<1x1x16xf32> to vector<16xf32>
        %swap3A_1603 = vector.shape_cast %get3A_1589 : vector<16xf32> to vector<1x1x16xf32>
        tpu.vector_store %arg6[%swap3A_1598, %swap3A_1599, %swap3A_1600], %swap3A_1603 {add = true, strides = array<i32>} : memref<4x16x768xf32, #tpu.memory_space<vmem>>, vector<1x1x16xf32>,
        %swap3A_1604 = arith.constant 2 : i32
        %swap3A_1605 = arith.index_cast %swap3A_1604 : i32 to index
        %swap3A_1606 = arith.index_cast %scan3A_114 : i32 to index
        %swap3A_1607 = arith.constant 736 : index
        %swap3A_1608 = tpu.vector_load %arg6[%swap3A_1605, %swap3A_1606, %swap3A_1607] {strides = array<i32>} : memref<4x16x768xf32, #tpu.memory_space<vmem>>, vector<1x1x16xf32>,
        %swap3A_1609 = vector.shape_cast %swap3A_1608 : vector<1x1x16xf32> to vector<16xf32>
        %swap3A_1610 = vector.shape_cast %get3A_1589 : vector<16xf32> to vector<1x1x16xf32>
        tpu.vector_store %arg6[%swap3A_1605, %swap3A_1606, %swap3A_1607], %swap3A_1610 {add = true, strides = array<i32>} : memref<4x16x768xf32, #tpu.memory_space<vmem>>, vector<1x1x16xf32>,
        %swap3A_1611 = arith.constant 3 : i32
        %swap3A_1612 = arith.index_cast %swap3A_1611 : i32 to index
        %swap3A_1613 = arith.index_cast %scan3A_114 : i32 to index
        %swap3A_1614 = arith.constant 736 : index
        %swap3A_1615 = tpu.vector_load %arg6[%swap3A_1612, %swap3A_1613, %swap3A_1614] {strides = array<i32>} : memref<4x16x768xf32, #tpu.memory_space<vmem>>, vector<1x1x16xf32>,
        %swap3A_1616 = vector.shape_cast %swap3A_1615 : vector<1x1x16xf32> to vector<16xf32>
        %swap3A_1617 = vector.shape_cast %get3A_1589 : vector<16xf32> to vector<1x1x16xf32>
        tpu.vector_store %arg6[%swap3A_1612, %swap3A_1613, %swap3A_1614], %swap3A_1617 {add = true, strides = array<i32>} : memref<4x16x768xf32, #tpu.memory_space<vmem>>, vector<1x1x16xf32>,
        %get3A_1618 = arith.index_cast %scan3A_114 : i32 to index
        %get3A_1619 = arith.constant 752 : index
        %get3A_1620 = tpu.vector_load %arg8[%get3A_1618, %get3A_1619] {strides = array<i32>} : memref<16x768xf32, #tpu.memory_space<vmem>>, vector<1x16xf32>,
        %get3A_1621 = vector.shape_cast %get3A_1620 : vector<1x16xf32> to vector<16xf32>
        %swap3A_1622 = arith.constant 0 : i32
        %swap3A_1623 = arith.index_cast %swap3A_1622 : i32 to index
        %swap3A_1624 = arith.index_cast %scan3A_114 : i32 to index
        %swap3A_1625 = arith.constant 752 : index
        %swap3A_1626 = tpu.vector_load %arg6[%swap3A_1623, %swap3A_1624, %swap3A_1625] {strides = array<i32>} : memref<4x16x768xf32, #tpu.memory_space<vmem>>, vector<1x1x16xf32>,
        %swap3A_1627 = vector.shape_cast %swap3A_1626 : vector<1x1x16xf32> to vector<16xf32>
        %swap3A_1628 = vector.shape_cast %get3A_1621 : vector<16xf32> to vector<1x1x16xf32>
        tpu.vector_store %arg6[%swap3A_1623, %swap3A_1624, %swap3A_1625], %swap3A_1628 {add = true, strides = array<i32>} : memref<4x16x768xf32, #tpu.memory_space<vmem>>, vector<1x1x16xf32>,
        %swap3A_1629 = arith.constant 1 : i32
        %swap3A_1630 = arith.index_cast %swap3A_1629 : i32 to index
        %swap3A_1631 = arith.index_cast %scan3A_114 : i32 to index
        %swap3A_1632 = arith.constant 752 : index
        %swap3A_1633 = tpu.vector_load %arg6[%swap3A_1630, %swap3A_1631, %swap3A_1632] {strides = array<i32>} : memref<4x16x768xf32, #tpu.memory_space<vmem>>, vector<1x1x16xf32>,
        %swap3A_1634 = vector.shape_cast %swap3A_1633 : vector<1x1x16xf32> to vector<16xf32>
        %swap3A_1635 = vector.shape_cast %get3A_1621 : vector<16xf32> to vector<1x1x16xf32>
        tpu.vector_store %arg6[%swap3A_1630, %swap3A_1631, %swap3A_1632], %swap3A_1635 {add = true, strides = array<i32>} : memref<4x16x768xf32, #tpu.memory_space<vmem>>, vector<1x1x16xf32>,
        %swap3A_1636 = arith.constant 2 : i32
        %swap3A_1637 = arith.index_cast %swap3A_1636 : i32 to index
        %swap3A_1638 = arith.index_cast %scan3A_114 : i32 to index
        %swap3A_1639 = arith.constant 752 : index
        %swap3A_1640 = tpu.vector_load %arg6[%swap3A_1637, %swap3A_1638, %swap3A_1639] {strides = array<i32>} : memref<4x16x768xf32, #tpu.memory_space<vmem>>, vector<1x1x16xf32>,
        %swap3A_1641 = vector.shape_cast %swap3A_1640 : vector<1x1x16xf32> to vector<16xf32>
        %swap3A_1642 = vector.shape_cast %get3A_1621 : vector<16xf32> to vector<1x1x16xf32>
        tpu.vector_store %arg6[%swap3A_1637, %swap3A_1638, %swap3A_1639], %swap3A_1642 {add = true, strides = array<i32>} : memref<4x16x768xf32, #tpu.memory_space<vmem>>, vector<1x1x16xf32>,
        %swap3A_1643 = arith.constant 3 : i32
        %swap3A_1644 = arith.index_cast %swap3A_1643 : i32 to index
        %swap3A_1645 = arith.index_cast %scan3A_114 : i32 to index
        %swap3A_1646 = arith.constant 752 : index
        %swap3A_1647 = tpu.vector_load %arg6[%swap3A_1644, %swap3A_1645, %swap3A_1646] {strides = array<i32>} : memref<4x16x768xf32, #tpu.memory_space<vmem>>, vector<1x1x16xf32>,
        %swap3A_1648 = vector.shape_cast %swap3A_1647 : vector<1x1x16xf32> to vector<16xf32>
        %swap3A_1649 = vector.shape_cast %get3A_1621 : vector<16xf32> to vector<1x1x16xf32>
        tpu.vector_store %arg6[%swap3A_1644, %swap3A_1645, %swap3A_1646], %swap3A_1649 {add = true, strides = array<i32>} : memref<4x16x768xf32, #tpu.memory_space<vmem>>, vector<1x1x16xf32>,
        %scan3A_1650 = arith.constant 0 : i32
        scf.yield %scan3A_1650 : i32
      }
      %scan3A_103 = arith.constant 16 : i32
      %mul3A_104 = arith.constant 16 : i32
      %mul3A_105 = arith.muli %add3A_71, %mul3A_104 : i32
      %add3A_106 = arith.addi %mul3A_2, %mul3A_105 : i32
      %dma_start3A_107 = arith.constant 0 : i32
      %dma_start3A_108 = arith.constant 0 : i32
      %dma_start3A_109 = tpu.memref_slice %arg4[%dma_start3A_107, %add3A_106, %dma_start3A_108] : memref<4x8192x768xf32, #tpu.memory_space<hbm>> -> memref<4x16x768xf32, #tpu.memory_space<hbm>>
      %dma_start3A_110 = arith.constant 0 : i32
      %dma_start3A_111 = arith.constant 0 : i32
      %dma_start3A_112 = tpu.memref_slice %arg4[%dma_start3A_110, %add3A_106, %dma_start3A_111] : memref<4x8192x768xf32, #tpu.memory_space<hbm>> -> memref<4x16x768xf32, #tpu.memory_space<hbm>>
      tpu.enqueue_dma source(%arg6 : memref<4x16x768xf32, #tpu.memory_space<vmem>>) target(%dma_start3A_112 : memref<4x16x768xf32, #tpu.memory_space<hbm>>) target_semaphore(%arg14 : memref<!tpu.dma_semaphore, #tpu.memory_space<semaphore_mem>>)
      %scan3A_113 = arith.constant 0 : i32
      scf.yield %scan3A_113 : i32
    }
    %scan3A_19 = arith.constant 8 : i32
    %add3A_20 = arith.constant 240 : i32
    %add3A_21 = arith.addi %mul3A_2, %add3A_20 : i32
    %dma_wait3A = arith.constant 0 : i32
    %dma_wait3A_22 = arith.constant 0 : i32
    %dma_wait3A_23 = tpu.memref_slice %arg4[%dma_wait3A, %add3A_21, %dma_wait3A_22] : memref<4x8192x768xf32, #tpu.memory_space<hbm>> -> memref<4x16x768xf32, #tpu.memory_space<hbm>>
    %dma_wait3A_24 = arith.constant 0 : i32
    %dma_wait3A_25 = arith.constant 0 : i32
    %dma_wait3A_26 = tpu.memref_slice %arg4[%dma_wait3A_24, %add3A_21, %dma_wait3A_25] : memref<4x8192x768xf32, #tpu.memory_space<hbm>> -> memref<4x16x768xf32, #tpu.memory_space<hbm>>
    tpu.wait_dma2 semaphore(%arg14 : memref<!tpu.dma_semaphore, #tpu.memory_space<semaphore_mem>>) src(%arg6 : memref<4x16x768xf32, #tpu.memory_space<vmem>>) dst(%dma_wait3A_26 : memref<4x16x768xf32, #tpu.memory_space<hbm>>)
    return
  }
}

</mosaic_0001>

<sc_bundles>
// kernel: kernel.3.cloned.1.call-start
scs
__scs_entry_jumppad:
0x0: {  	(pc) =	sbr.rel $0x88, $3  }
0x1: {  	(tag) =	ssettag $0x0;
	lr =	simm.s32 $0x1  }
0x2: {  	[smem:$0x3F9F] =	sst lr;
	_ =	strace $0xD0000000  }
0x3: {  	_ = 	snop  }
0x4: {  	_ = 	snop  }
0x5: {  	_ = 	snop  }
0x6: {  	_ = 	snop  }
0x7: {  	_ = 	snop  }
__scs_overlays_trampoline_lowered:
0x8: {  	[smem:$0x3FAE] =	sst s0  }
0x9: {  	[smem:$0x3FAF] =	sst s1  }
0xa: {  	[smem:$0x3FB0] =	sst s2  }
0xb: {  	[smem:$0x3FB1] =	sst s3  }
0xc: {  	[smem:$0x3FB2] =	sst s4  }
0xd: {  	[smem:$0x3FB3] =	sst s5  }
0xe: {  	[smem:$0x3FB4] =	sst s6  }
0xf: {  	[smem:$0x3FB5] =	sst s7  }
0x10: {  	[smem:$0x3FB6] =	sst s8  }
0x11: {  	[smem:$0x3FB7] =	sst s9;
	s0 =	simm.s32 @!p0 $0x0  }
0x12: {  	s1 =	sld [smem:$0x3F9D];
	s0 =	simm.s32 @p0 $0x1  }
0x13: {  	[smem:$0x3FB8] =	sst s0;
	s0 =	simm.s32 @!p1 $0x0  }
0x14: {  	s2 =	sld [smem:$0x3F9C];
	s0 =	simm.s32 @p1 $0x1  }
0x15: {  	[smem:$0x3FB9] =	sst s0;
	s0 =	simm.s32 @!p2 $0x0  }
0x16: {  	s3 =	sld [smem:$0x3FDB];
	s0 =	simm.s32 @p2 $0x1  }
0x17: {  	s4 =	simm.s32 $0x1BF5;
	[smem:$0x3FBB] =	sst s0  }
0x18: {  	s0 =	sld [smem:$0x3F9E];
	_ =	swait.ge [sflag:s4], $0x0  }
0x19: {  	s7 =	sld [smem:$0x3F9F]  }
0x1a: {  	s8 =	sadd.s32 $0xFFFFE003, lr  }
0x1b: {  	s9 =	sadd.s32 $0xFFFFFEF7, lr;
	s5 =	simm.s32 $0xFFFFFFFF;
	p2 =	slt.u32 s8, $0xFFFFF086  }
0x1c: {  	p1 =	slt.u32 s9, $0xF7A;
	s5 =	simm.s32 @!p2 $0x0  }
0x1d: {  	s5 =	simm.s32 @p1 $0x1;
	p0 =	seq.s32 s7, s2  }
0x1e: {  	s7 =	smul.u32 @!p0 $0xF7A, s2;
	p2 =	seq.s32 @!p0 s5, $0x0  }
0x1f: {  	s9 =	smul.u32 $0xF7A, s1;
	s8 =	simm.s32 @!p0 $0x1BF5;
	p2 =	por !p2, p0  }
0x20: {  	[sflag:s8] =	ssyncset.s32 @!p0 $0xFFFFF086;
	s6 =	sadd.s32 @!p0 s3, s7;
	s7 =	simm.s32 @!p0 $0x108  }
0x21: {  	s3 =	sadd.s32 s3, s9;
	s6 =	sadd.s32 @!p0 $0x88, s6;
	s7 =	simm.s32 @p2 $0x1082  }
0x22: {  	[simem:s7], [sflag:s8] =	dma.local @!p0 [hbm:s6], $0xF7A  }
0x23: {  	s9 =	sor.u32 $0xD0000000, s2;
	s6 =	simm.s32 $0x108;
	_ =	swait.ge @!p0 [sflag:s8], $0x0  }
0x24: {  	s3 =	sadd.s32 $0x88, s3;
	s6 =	simm.s32 @!p1 $0x1082;
	[sflag:s4] =	ssyncset.s32 $0xFFFFF086  }
0x25: {  	[simem:s6], [sflag:s4] =	dma.local [hbm:s3], $0xF7A  }
0x26: {  	[smem:$0x3F9F] =	sst s1;
	(tag) =	ssettag s2;
	_ =	strace s9  }
0x27: {  	s1 =	sld [smem:$0x3FAF]  }
0x28: {  	s2 =	sld [smem:$0x3FB0]  }
0x29: {  	s4 =	sld [smem:$0x3FB2]  }
0x2a: {  	p0 =	seq.s32 s5, $0x0;
	s5 =	sld [smem:$0x3FB3]  }
0x2b: {  	s6 =	sld [smem:$0x3FB4]  }
0x2c: {  	s7 =	sld [smem:$0x3FB5]  }
0x2d: {  	s3 =	simm.s32 $0x108;
	s8 =	sld [smem:$0x3FB6]  }
0x2e: {  	s3 =	simm.s32 @!p0 $0x1082;
	s9 =	sld [smem:$0x3FB7]  }
0x2f: {  	lr =	sadd.s32 s0, s3;
	s0 =	sld [smem:$0x3FAE]  }
0x30: {  	s3 =	sld [smem:$0x3FB1]  }
0x31: {  	[smem:$0x3FBA] =	sst s10  }
0x32: {  	s10 =	sld [smem:$0x3FB8];
	_ =	sdelay $0x3  }
0x33: {  	p0 =	seq.s32 s10, $0x1;
	s10 =	sld [smem:$0x3FBA];
	_ =	sdelay $0x3  }
0x34: {  	[smem:$0x3FBA] =	sst s10  }
0x35: {  	s10 =	sld [smem:$0x3FB9];
	_ =	sdelay $0x3  }
0x36: {  	p1 =	seq.s32 s10, $0x1;
	s10 =	sld [smem:$0x3FBA];
	_ =	sdelay $0x3  }
0x37: {  	[smem:$0x3FBA] =	sst s10  }
0x38: {  	s10 =	sld [smem:$0x3FBB]  }
0x39: {  	_ = 	snop;
	(pc) =	sbr.ind lr, $3  }
0x3a: {  	_ = 	snop  }
0x3b: {  	_ = 	snop  }
0x3c: {  	p2 =	seq.s32 s10, $0x1;
	s10 =	sld [smem:$0x3FBA]  }
0x3d: {  	_ =	shalt  }
0x3e: {  	_ =	shalt  }
0x3f: {  	_ =	shalt  }
0x40: {  	_ =	shalt  }
0x41: {  	_ =	shalt  }
0x42: {  	_ =	shalt  }
0x43: {  	_ =	shalt  }
0x44: {  	_ =	shalt  }
0x45: {  	_ =	shalt  }
0x46: {  	_ =	shalt  }
0x47: {  	_ =	shalt  }
0x48: {  	_ =	shalt  }
0x49: {  	_ =	shalt  }
0x4a: {  	_ =	shalt  }
0x4b: {  	_ =	shalt  }
0x4c: {  	_ =	shalt  }
0x4d: {  	_ =	shalt  }
0x4e: {  	_ =	shalt  }
0x4f: {  	_ =	shalt  }
0x50: {  	_ =	shalt  }
0x51: {  	_ =	shalt  }
0x52: {  	_ =	shalt  }
0x53: {  	_ =	shalt  }
0x54: {  	_ =	shalt  }
0x55: {  	_ =	shalt  }
0x56: {  	_ =	shalt  }
0x57: {  	_ =	shalt  }
0x58: {  	_ =	shalt  }
0x59: {  	_ =	shalt  }
0x5a: {  	_ =	shalt  }
0x5b: {  	_ =	shalt  }
0x5c: {  	_ =	shalt  }
0x5d: {  	_ =	shalt  }
0x5e: {  	_ =	shalt  }
0x5f: {  	_ =	shalt  }
0x60: {  	_ =	shalt  }
0x61: {  	_ =	shalt  }
0x62: {  	_ =	shalt  }
0x63: {  	_ =	shalt  }
0x64: {  	_ =	shalt  }
0x65: {  	_ =	shalt  }
0x66: {  	_ =	shalt  }
0x67: {  	_ =	shalt  }
0x68: {  	_ =	shalt  }
0x69: {  	_ =	shalt  }
0x6a: {  	_ =	shalt  }
0x6b: {  	_ =	shalt  }
0x6c: {  	_ =	shalt  }
0x6d: {  	_ =	shalt  }
0x6e: {  	_ =	shalt  }
0x6f: {  	_ =	shalt  }
0x70: {  	_ =	shalt  }
0x71: {  	_ =	shalt  }
0x72: {  	_ =	shalt  }
0x73: {  	_ =	shalt  }
0x74: {  	_ =	shalt  }
0x75: {  	_ =	shalt  }
0x76: {  	_ =	shalt  }
0x77: {  	_ =	shalt  }
0x78: {  	_ =	shalt  }
0x79: {  	_ =	shalt  }
0x7a: {  	_ =	shalt  }
0x7b: {  	_ =	shalt  }
0x7c: {  	_ =	shalt  }
0x7d: {  	_ =	shalt  }
0x7e: {  	_ =	shalt  }
0x7f: {  	_ =	shalt  }
0x80: {  	_ =	shalt  }
0x81: {  	_ =	shalt  }
0x82: {  	_ =	shalt  }
0x83: {  	_ =	shalt  }
0x84: {  	_ =	shalt  }
0x85: {  	_ =	shalt  }
0x86: {  	_ =	shalt  }
0x87: {  	_ =	shalt  }
.Lfunc_end0:
.L_simem_size_0:
called_computation_lowered:
.L_overlay_start_0:
0x88: {  	s2 =	sld [smem:$0x3FD9]  }
0x89: {  	s3 =	sld [smem:$0x3FFE];
	_ =	sdelay $0x1  }
0x8a: {  	s1 =	srdreg.scid  }
0x8b: {  	s0 =	sand.u32 $0x1, s1  }
0x8c: {  	s18 =	sshll.u32 s0, $0xA;
	s2 =	sadd.s32 s3, s2  }
0x8d: {  	s2 =	sadd.s32 s2, s18  }
0x8e: {  	[smem:$0x3FC6] =	sst s2  }
0x8f: {  	_ = 	snop  }
0x90: {  	s2 =	sld [smem:$0x3FC9]  }
0x91: {  	s19 =	sld [smem:$0x3FC8]  }
0x92: {  	s4 =	sld [smem:$0x3FD0];
	(tm) =	ssettm $0x1  }
0x93: {  	s5 =	sld [smem:$0x3FFB];
	_ =	sdelay $0x3  }
0x94: {  	_ =	strace s5  }
0x95: {  	s5 =	sld [smem:$0x3FFC];
	_ =	sdelay $0x3  }
0x96: {  	_ =	strace s5  }
0x97: {  	s5 =	sld [smem:$0x3FFD];
	_ =	sdelay $0x3  }
0x98: {  	_ =	strace s5  }
0x99: {  	_ =	strace $0x8FFFFFFF  }
0x9a: {  	s20 =	sld [smem:$0x3FDB];
	_ =	sdelay $0x1  }
0x9b: {  	s6 =	simm.s32 $_scs_section_size  }
0x9c: {  	s7 =	simm.s32 $_size__tile_overlayer_lowered;
	s8 =	simm.s32 $_tile_overlayer_lowered  }
0x9d: {  	s23 =	simm.s32 $0x1BFF;
	s22 =	sshll.u32 s8, $0x1;
	s5 =	sadd.s32 s6, s20  }
0x9e: {  	s9 =	simm.s32 $0x0;
	s21 =	sshll.u32 s7, $0x1;
	s7 =	sadd.s32 s22, s5  }
0x9f: {  	[timem:s9], [sflag:s23] =	dma.local [hbm:s7], s21  }
0xa0: {  	_ =	swait.ge [sflag:s23], s21  }
0xa1: {  	s6 =	ssub.s32 $0x0, s21;
	[sflag:s23] =	ssyncset.done $0x0  }
0xa2: {  	[sflag:s23] =	ssyncadd.s32 s6;
	_ =	sdelay $0x1  }
0xa3: {  	s24 =	simm.s32 $0x1B8B  }
0xa4: {  	_ =	swait.ge [sflag:s24], $0x1  }
0xa5: {  	[sflag:s24] =	ssyncset.done $0x0  }
0xa6: {  	s25 =	simm.s32 $0x1B8E;
	[sflag:s24] =	ssyncadd.s32 $0xFFFFFFFF  }
0xa7: {  	s26 =	simm.s32 $execute0_lowered;
	[smem:$0x3FD2] =	sst s25  }
0xa8: {  	s6 =	sshll.u32 s26, $0x1;
	_ =	strace $0x80000046;
	[dreg:$0x1] =	wrdreg $0xFFFFFFFF  }
0xa9: {  	s28 =	simm.s32 $_size_execute0_lowered;
	s5 =	sadd.s32 s5, s6;
	[dreg:$0x0] =	wrdreg $0x0  }
0xaa: {  	s6 =	sshll.u32 s28, $0x1;
	[dreg:$0x2] =	wrdreg s5  }
0xab: {  	[dreg:$0x3] =	wrdreg s6  }
0xac: {  	[dreg:$0x4] =	wrdreg $0xC0  }
0xad: {  	_ =	task [dreg:s9], $0x5FFFF  }
0xae: {  	[dreg:$0x1] =	wrdreg $0xFFFFFFFF  }
0xaf: {  	[dreg:$0x0] =	wrdreg $0x60  }
0xb0: {  	[dreg:$0x2] =	wrdreg s2  }
0xb1: {  	[dreg:$0x3] =	wrdreg s19  }
0xb2: {  	[dreg:$0x4] =	wrdreg s4  }
0xb3: {  	[dreg:$0x5] =	wrdreg $0x9  }
0xb4: {  	_ =	task.clear_ibuf [dreg:s9], $0x6FFFF;
	_ =	strace $0x90000046  }
0xb5: {  	s29 =	simm.s32 $0x9;
	_ =	strace $0x80000048  }
0xb6: {  	_ =	swait.ge [sflag:s29], $0x1  }
0xb7: {  	[sflag:s29] =	ssyncadd.s32 $0xFFFFFFFF  }
0xb8: {  	_ =	strace $0x90000048  }
0xb9: {  	_ =	sfence  }
0xba: {  	s30 =	sld [smem:$0x0];
	_ =	sdelay $0x2  }
0xbb: {  	s31 =	sshll.u32 s1, $0xD;
	s1 =	sshrl.u32 s1, $0x2  }
0xbc: {  	s3 =	sand.u32 $0x4000, s31;
	s1 =	sadd.s32 s1, s30  }
0xbd: {  	s0 =	sor.u32 s3, s0;
	s1 =	sshll.u32 s1, $0x11  }
0xbe: {  	s0 =	sor.u32 s1, s0  }
0xbf: {  	s0 =	sadd.s32 $0x8F2B, s0  }
0xc0: {  	[sflag:s0] =	ssyncadd.remote.s32 $0x1  }
0xc1: {  	_ =	sfence.sel $0xFFFF  }
0xc2: {  	[dreg:$0x0] =	wrdreg $0xFFFFFFFF;
	(pc) =	sbr.abs _section_cstart, $3  }
0xc3: {  	[dreg:$0x1] =	wrdreg $0xFFFFFFFF  }
0xc4: {  	_ =	task.clear_ibuf [dreg:s9], $0x2FFFF;
	_ =	strace $0x9FFFFFFF  }
0xc5: {  	(tm) =	ssettm $0x7FFFFFFF  }
tec
execute0_lowered:
.L_overlay_start_1:
0x0: {  	(tag) =	ssettag $0x1  }
0x1: {  	s1 =	rddreg [dreg:$0x0]  }
0x2: {  	s0 =	srdreg.scid;
	s3 =	rddreg [dreg:$0x1]  }
0x3: {  	s2 =	stileid.u32;
	s4 =	rddreg [dreg:$0x2]  }
0x4: {  	s6 =	simm.s32 $0x0;
	s12 =	simm.s32 $0x3000;
	s13 =	simm.s32 $0x600000  }
0x5: {  	s15 =	simm.s32 $0xC000;
	s16 =	simm.s32 $0x1B000;
	s0 =	sand.u32 $0x1, s0  }
0x6: {  	s17 =	simm.s32 $0x1;
	s2 =	sshll.u32 s2, $0x9;
	s5 =	sshll.u32 s0, $0x8  }
0x7: {  	s18 =	simm.s32 $0x3;
	s0 =	ssub.s32 $0x2, s0;
	s5 =	sor.u32 s5, s2  }
0x8: {  	s19 =	simm.s32 $0x5;
	s7 =	sshrl.u32 s0, $0x1;
	s2 =	sshrl.u32 s5, $0x3  }
0x9: {  	s20 =	simm.s32 $0x2;
	s0 =	ssub.s32 s0, s7;
	s2 =	smul.u32 $0x300, s2  }
0xa: {  	s21 =	simm.s32 $0x4;
	[smem:$0x7FF] =	sst s6;
	s0 =	smax.u32 s0, $0x1  }
0xb: {  	_ =	strace $0x80000047;
	[dreg:$0x6] =	wrdreg s0;
	s31 =	sadd.s32 s1, s2  }
0xc: {  	s9 =	sor.u32 $0x10, s5;
	s2 =	sadd.s32 s3, s2;
	[dreg:$0x4] =	wrdreg s31  }
0xd: {  	s10 =	sor.u32 $0x20, s5;
	s7 =	simm.s32 $0x0;
	[dreg:$0x5] =	wrdreg s2  }
.LBB2_1:
0xe: {  	[dreg:$0x7] =	wrdreg s7  }
0xf: {  	s0 =	rddreg [dreg:$0x4]  }
0x10: {  	[tilespmem:s6], [sflag:$0x1] =	stream.strided.gather [hbm4b:s0+s12], $0xC000, s13, s12, $0x38;
	[tilespmem:$0x1E000] =	vst v63  }
0x11: {  	s31 =	rddreg [dreg:$0x5];
	s2 =	simm.s32 $0x18000;
	s24 =	simm.s32 $0x0  }
0x12: {  	[tilespmem:s2], [sflag:$0x3] =	stream.linear.gather [hbm4b:s31+s6], $0x3000, $0x38;
	[tilespmem:$0x1E000] =	vst v63  }
.LBB2_2:
0x13: {  	s0 =	sshll.u32 s24, $0x5  }
0x14: {  	p0 =	seq.s32 s24, $0x0;
	s2 =	sadd.s32 s9, s0  }
0x15: {  	s7 =	simm.s32 @!p0 $0x6;
	s2 =	sshrl.u32 s2, $0x3  }
0x16: {  	_ =	swait.ge @!p0 [sflag:s7], $0xC000;
	s25 =	smul.u32 $0x300, s2  }
0x17: {  	[sflag:s7] =	ssyncset.done @!p0 $0x0  }
0x18: {  	[sflag:s7] =	ssyncadd.s32 @!p0 $0xFFFF4000;
	s2 =	sadd.s32 s1, s25  }
0x19: {  	[tilespmem:s15], [sflag:$0x2] =	stream.strided.gather [hbm4b:s2+s12], $0xC000, s13, s12, $0x38;
	[tilespmem:$0x1E000] =	vst v63  }
0x1a: {  	s31 =	sadd.s32 s3, s25;
	s2 =	simm.s32 $0x0  }
0x1b: {  	[tilespmem:s16], [sflag:$0x4] =	stream.linear.gather [hbm4b:s31+s2], $0x3000, $0x38;
	[tilespmem:$0x1E000] =	vst v63  }
0x1c: {  	_ =	swait.ge [sflag:s17], $0xC000  }
0x1d: {  	[sflag:s17] =	ssyncset.done $0x0  }
0x1e: {  	[sflag:s17] =	ssyncadd.s32 $0xFFFF4000  }
0x1f: {  	_ =	swait.ge [sflag:s18], $0x3000  }
0x20: {  	[sflag:s18] =	ssyncset.done $0x0  }
0x21: {  	s7 =	simm.s32 $0x0;
	[sflag:s18] =	ssyncadd.s32 $0xFFFFD000  }
.LBB2_3:
0x22: {  	s8 =	sshrl.u32 s7, $0x3  }
0x23: {  	s11 =	smul.u32 $0x1800, s8  }
0x24: {  	s30 =	sand.u32 $0x380, s2  }
0x25: {  	s8 =	sor.u32 s30, s11  }
0x26: {  	v0 =	vld [tilespmem:s8+$0x18000];
	_ =	sdelay $0x3  }
0x27: {  	v1 =	vld [tilespmem:s8+$0x18010]  }
0x28: {  	[tilespmem:s8+$0x0] =	vst.add.f32.msk $0xffff, v0  }
0x29: {  	[tilespmem:s8+$0x3000] =	vst.add.f32.msk $0xffff, v0  }
0x2a: {  	[tilespmem:s8+$0x6000] =	vst.add.f32.msk $0xffff, v0  }
0x2b: {  	s14 =	sor.u32 $0x10, s8;
	[tilespmem:s8+$0x9000] =	vst.add.f32.msk $0xffff, v0  }
0x2c: {  	[tilespmem:s14+$0x0] =	vst.add.f32.msk $0xffff, v1  }
0x2d: {  	v25 =	vld [tilespmem:s8+$0x18020];
	_ =	sdelay $0x1  }
0x2e: {  	[tilespmem:s8+$0x3010] =	vst.add.f32.msk $0xffff, v1  }
0x2f: {  	[tilespmem:s8+$0x6010] =	vst.add.f32.msk $0xffff, v1  }
0x30: {  	s31 =	sor.u32 $0x20, s8;
	[tilespmem:s8+$0x9010] =	vst.add.f32.msk $0xffff, v1  }
0x31: {  	[tilespmem:s31+$0x0] =	vst.add.f32.msk $0xffff, v25  }
0x32: {  	v26 =	vld [tilespmem:s8+$0x18030];
	_ =	sdelay $0x1  }
0x33: {  	[tilespmem:s8+$0x3020] =	vst.add.f32.msk $0xffff, v25  }
0x34: {  	[tilespmem:s8+$0x6020] =	vst.add.f32.msk $0xffff, v25  }
0x35: {  	s22 =	sor.u32 $0x30, s8;
	[tilespmem:s8+$0x9020] =	vst.add.f32.msk $0xffff, v25  }
0x36: {  	[tilespmem:s22+$0x0] =	vst.add.f32.msk $0xffff, v26  }
0x37: {  	v27 =	vld [tilespmem:s8+$0x18040];
	_ =	sdelay $0x1  }
0x38: {  	[tilespmem:s8+$0x3030] =	vst.add.f32.msk $0xffff, v26  }
0x39: {  	[tilespmem:s8+$0x6030] =	vst.add.f32.msk $0xffff, v26  }
0x3a: {  	s23 =	sor.u32 $0x40, s8;
	[tilespmem:s8+$0x9030] =	vst.add.f32.msk $0xffff, v26  }
0x3b: {  	[tilespmem:s23+$0x0] =	vst.add.f32.msk $0xffff, v27  }
0x3c: {  	v28 =	vld [tilespmem:s8+$0x18050];
	_ =	sdelay $0x1  }
0x3d: {  	[tilespmem:s8+$0x3040] =	vst.add.f32.msk $0xffff, v27  }
0x3e: {  	[tilespmem:s8+$0x6040] =	vst.add.f32.msk $0xffff, v27  }
0x3f: {  	s26 =	sor.u32 $0x50, s8;
	[tilespmem:s8+$0x9040] =	vst.add.f32.msk $0xffff, v27  }
0x40: {  	[tilespmem:s26+$0x0] =	vst.add.f32.msk $0xffff, v28  }
0x41: {  	v29 =	vld [tilespmem:s8+$0x18060];
	_ =	sdelay $0x1  }
0x42: {  	[tilespmem:s8+$0x3050] =	vst.add.f32.msk $0xffff, v28  }
0x43: {  	[tilespmem:s8+$0x6050] =	vst.add.f32.msk $0xffff, v28  }
0x44: {  	s28 =	sor.u32 $0x60, s8;
	[tilespmem:s8+$0x9050] =	vst.add.f32.msk $0xffff, v28  }
0x45: {  	[tilespmem:s28+$0x0] =	vst.add.f32.msk $0xffff, v29  }
0x46: {  	v30 =	vld [tilespmem:s8+$0x18070];
	_ =	sdelay $0x1  }
0x47: {  	[tilespmem:s8+$0x3060] =	vst.add.f32.msk $0xffff, v29  }
0x48: {  	[tilespmem:s8+$0x6060] =	vst.add.f32.msk $0xffff, v29  }
0x49: {  	s29 =	sor.u32 $0x70, s8;
	[tilespmem:s8+$0x9060] =	vst.add.f32.msk $0xffff, v29  }
0x4a: {  	[tilespmem:s29+$0x0] =	vst.add.f32.msk $0xffff, v30  }
0x4b: {  	v31 =	vld [tilespmem:s8+$0x18400];
	_ =	sdelay $0x1  }
0x4c: {  	[tilespmem:s8+$0x3070] =	vst.add.f32.msk $0xffff, v30  }
0x4d: {  	[tilespmem:s8+$0x6070] =	vst.add.f32.msk $0xffff, v30  }
0x4e: {  	s30 =	sor.u32 $0x400, s8;
	[tilespmem:s8+$0x9070] =	vst.add.f32.msk $0xffff, v30  }
0x4f: {  	s11 =	sadd.s32 s11, s2;
	[tilespmem:s30+$0x0] =	vst.add.f32.msk $0xffff, v31  }
0x50: {  	s14 =	sor.u32 $0x6400, s11;
	[tilespmem:s8+$0x3400] =	vst.add.f32.msk $0xffff, v31  }
0x51: {  	[tilespmem:s14+$0x0] =	vst.add.f32.msk $0xffff, v31  }
0x52: {  	v32 =	vld [tilespmem:s8+$0x18410];
	_ =	sdelay $0x3  }
0x53: {  	s22 =	sor.u32 $0x410, s8;
	[tilespmem:s8+$0x9400] =	vst.add.f32.msk $0xffff, v31  }
0x54: {  	[tilespmem:s22+$0x0] =	vst.add.f32.msk $0xffff, v32  }
0x55: {  	[tilespmem:s8+$0x3410] =	vst.add.f32.msk $0xffff, v32  }
0x56: {  	[tilespmem:s14+$0x10] =	vst.add.f32.msk $0xffff, v32  }
0x57: {  	v33 =	vld [tilespmem:s8+$0x18420];
	_ =	sdelay $0x3  }
0x58: {  	s31 =	sor.u32 $0x420, s8;
	[tilespmem:s8+$0x9410] =	vst.add.f32.msk $0xffff, v32  }
0x59: {  	[tilespmem:s31+$0x0] =	vst.add.f32.msk $0xffff, v33  }
0x5a: {  	[tilespmem:s8+$0x3420] =	vst.add.f32.msk $0xffff, v33  }
0x5b: {  	[tilespmem:s14+$0x20] =	vst.add.f32.msk $0xffff, v33  }
0x5c: {  	v34 =	vld [tilespmem:s8+$0x18430];
	_ =	sdelay $0x3  }
0x5d: {  	s23 =	sor.u32 $0x430, s8;
	[tilespmem:s8+$0x9420] =	vst.add.f32.msk $0xffff, v33  }
0x5e: {  	[tilespmem:s23+$0x0] =	vst.add.f32.msk $0xffff, v34  }
0x5f: {  	[tilespmem:s8+$0x3430] =	vst.add.f32.msk $0xffff, v34  }
0x60: {  	[tilespmem:s14+$0x30] =	vst.add.f32.msk $0xffff, v34  }
0x61: {  	v35 =	vld [tilespmem:s8+$0x18440];
	_ =	sdelay $0x3  }
0x62: {  	s26 =	sor.u32 $0x440, s8;
	[tilespmem:s8+$0x9430] =	vst.add.f32.msk $0xffff, v34  }
0x63: {  	[tilespmem:s26+$0x0] =	vst.add.f32.msk $0xffff, v35  }
0x64: {  	[tilespmem:s8+$0x3440] =	vst.add.f32.msk $0xffff, v35  }
0x65: {  	[tilespmem:s14+$0x40] =	vst.add.f32.msk $0xffff, v35  }
0x66: {  	v36 =	vld [tilespmem:s8+$0x18450];
	_ =	sdelay $0x3  }
0x67: {  	s28 =	sor.u32 $0x450, s8;
	[tilespmem:s8+$0x9440] =	vst.add.f32.msk $0xffff, v35  }
0x68: {  	[tilespmem:s28+$0x0] =	vst.add.f32.msk $0xffff, v36  }
0x69: {  	[tilespmem:s8+$0x3450] =	vst.add.f32.msk $0xffff, v36  }
0x6a: {  	[tilespmem:s14+$0x50] =	vst.add.f32.msk $0xffff, v36  }
0x6b: {  	v37 =	vld [tilespmem:s8+$0x18460];
	_ =	sdelay $0x3  }
0x6c: {  	s29 =	sor.u32 $0x460, s8;
	[tilespmem:s8+$0x9450] =	vst.add.f32.msk $0xffff, v36  }
0x6d: {  	[tilespmem:s29+$0x0] =	vst.add.f32.msk $0xffff, v37  }
0x6e: {  	[tilespmem:s8+$0x3460] =	vst.add.f32.msk $0xffff, v37  }
0x6f: {  	[tilespmem:s14+$0x60] =	vst.add.f32.msk $0xffff, v37  }
0x70: {  	v38 =	vld [tilespmem:s8+$0x18470];
	_ =	sdelay $0x3  }
0x71: {  	s30 =	sor.u32 $0x470, s8;
	[tilespmem:s8+$0x9460] =	vst.add.f32.msk $0xffff, v37  }
0x72: {  	[tilespmem:s30+$0x0] =	vst.add.f32.msk $0xffff, v38  }
0x73: {  	[tilespmem:s8+$0x3470] =	vst.add.f32.msk $0xffff, v38  }
0x74: {  	[tilespmem:s14+$0x70] =	vst.add.f32.msk $0xffff, v38  }
0x75: {  	v39 =	vld [tilespmem:s8+$0x18800]  }
0x76: {  	[tilespmem:s8+$0x9470] =	vst.add.f32.msk $0xffff, v38  }
0x77: {  	v40 =	vld [tilespmem:s8+$0x18810]  }
0x78: {  	v41 =	vld [tilespmem:s8+$0x18820]  }
0x79: {  	v42 =	vld [tilespmem:s8+$0x18830]  }
0x7a: {  	v43 =	vld [tilespmem:s8+$0x18840]  }
0x7b: {  	v44 =	vld [tilespmem:s8+$0x18850]  }
0x7c: {  	v45 =	vld [tilespmem:s8+$0x18860]  }
0x7d: {  	v46 =	vld [tilespmem:s8+$0x18870]  }
0x7e: {  	v47 =	vld [tilespmem:s8+$0x18C00]  }
0x7f: {  	v48 =	vld [tilespmem:s8+$0x18C10]  }
0x80: {  	v49 =	vld [tilespmem:s8+$0x18C20]  }
0x81: {  	v50 =	vld [tilespmem:s8+$0x18C30]  }
0x82: {  	v51 =	vld [tilespmem:s8+$0x18C40]  }
0x83: {  	v52 =	vld [tilespmem:s8+$0x18C50]  }
0x84: {  	v53 =	vld [tilespmem:s8+$0x18C60]  }
0x85: {  	v54 =	vld [tilespmem:s8+$0x18C70]  }
0x86: {  	v55 =	vld [tilespmem:s8+$0x19000]  }
0x87: {  	v56 =	vld [tilespmem:s8+$0x19010]  }
0x88: {  	v57 =	vld [tilespmem:s8+$0x19020]  }
0x89: {  	v58 =	vld [tilespmem:s8+$0x19030]  }
0x8a: {  	v59 =	vld [tilespmem:s8+$0x19040]  }
0x8b: {  	v60 =	vld [tilespmem:s8+$0x19050]  }
0x8c: {  	v61 =	vld [tilespmem:s8+$0x19060]  }
0x8d: {  	v62 =	vld [tilespmem:s8+$0x19070]  }
0x8e: {  	v63 =	vld [tilespmem:s8+$0x19400]  }
0x8f: {  	[tilespmem:s8+$0x800] =	vst.add.f32.msk $0xffff, v39  }
0x90: {  	[tilespmem:s8+$0x3800] =	vst.add.f32.msk $0xffff, v39  }
0x91: {  	[tilespmem:s8+$0x6800] =	vst.add.f32.msk $0xffff, v39  }
0x92: {  	[tilespmem:s8+$0x9800] =	vst.add.f32.msk $0xffff, v39  }
0x93: {  	[tilespmem:s8+$0x810] =	vst.add.f32.msk $0xffff, v40  }
0x94: {  	[tilespmem:s8+$0x3810] =	vst.add.f32.msk $0xffff, v40  }
0x95: {  	[tilespmem:s8+$0x6810] =	vst.add.f32.msk $0xffff, v40  }
0x96: {  	[tilespmem:s8+$0x9810] =	vst.add.f32.msk $0xffff, v40  }
0x97: {  	[tilespmem:s8+$0x820] =	vst.add.f32.msk $0xffff, v41  }
0x98: {  	[tilespmem:s8+$0x3820] =	vst.add.f32.msk $0xffff, v41  }
0x99: {  	[tilespmem:s8+$0x6820] =	vst.add.f32.msk $0xffff, v41  }
0x9a: {  	[tilespmem:s8+$0x9820] =	vst.add.f32.msk $0xffff, v41  }
0x9b: {  	[tilespmem:s8+$0x830] =	vst.add.f32.msk $0xffff, v42  }
0x9c: {  	[tilespmem:s8+$0x3830] =	vst.add.f32.msk $0xffff, v42  }
0x9d: {  	[tilespmem:s8+$0x6830] =	vst.add.f32.msk $0xffff, v42  }
0x9e: {  	[tilespmem:s8+$0x9830] =	vst.add.f32.msk $0xffff, v42  }
0x9f: {  	[tilespmem:s8+$0x840] =	vst.add.f32.msk $0xffff, v43  }
0xa0: {  	[tilespmem:s8+$0x3840] =	vst.add.f32.msk $0xffff, v43  }
0xa1: {  	[tilespmem:s8+$0x6840] =	vst.add.f32.msk $0xffff, v43  }
0xa2: {  	[tilespmem:s8+$0x9840] =	vst.add.f32.msk $0xffff, v43  }
0xa3: {  	[tilespmem:s8+$0x850] =	vst.add.f32.msk $0xffff, v44  }
0xa4: {  	[tilespmem:s8+$0x3850] =	vst.add.f32.msk $0xffff, v44  }
0xa5: {  	[tilespmem:s8+$0x6850] =	vst.add.f32.msk $0xffff, v44  }
0xa6: {  	[tilespmem:s8+$0x9850] =	vst.add.f32.msk $0xffff, v44  }
0xa7: {  	[tilespmem:s8+$0x860] =	vst.add.f32.msk $0xffff, v45  }
0xa8: {  	[tilespmem:s8+$0x3860] =	vst.add.f32.msk $0xffff, v45  }
0xa9: {  	[tilespmem:s8+$0x6860] =	vst.add.f32.msk $0xffff, v45  }
0xaa: {  	[tilespmem:s8+$0x9860] =	vst.add.f32.msk $0xffff, v45  }
0xab: {  	[tilespmem:s8+$0x870] =	vst.add.f32.msk $0xffff, v46  }
0xac: {  	[tilespmem:s8+$0x3870] =	vst.add.f32.msk $0xffff, v46  }
0xad: {  	[tilespmem:s8+$0x6870] =	vst.add.f32.msk $0xffff, v46  }
0xae: {  	[tilespmem:s8+$0x9870] =	vst.add.f32.msk $0xffff, v46  }
0xaf: {  	[tilespmem:s8+$0xC00] =	vst.add.f32.msk $0xffff, v47  }
0xb0: {  	[tilespmem:s8+$0x3C00] =	vst.add.f32.msk $0xffff, v47  }
0xb1: {  	[tilespmem:s8+$0x6C00] =	vst.add.f32.msk $0xffff, v47  }
0xb2: {  	[tilespmem:s8+$0x9C00] =	vst.add.f32.msk $0xffff, v47  }
0xb3: {  	[tilespmem:s8+$0xC10] =	vst.add.f32.msk $0xffff, v48  }
0xb4: {  	[tilespmem:s8+$0x3C10] =	vst.add.f32.msk $0xffff, v48  }
0xb5: {  	[tilespmem:s8+$0x6C10] =	vst.add.f32.msk $0xffff, v48  }
0xb6: {  	[tilespmem:s8+$0x9C10] =	vst.add.f32.msk $0xffff, v48  }
0xb7: {  	[tilespmem:s8+$0xC20] =	vst.add.f32.msk $0xffff, v49  }
0xb8: {  	[tilespmem:s8+$0x3C20] =	vst.add.f32.msk $0xffff, v49  }
0xb9: {  	[tilespmem:s8+$0x6C20] =	vst.add.f32.msk $0xffff, v49  }
0xba: {  	[tilespmem:s8+$0x9C20] =	vst.add.f32.msk $0xffff, v49  }
0xbb: {  	[tilespmem:s8+$0xC30] =	vst.add.f32.msk $0xffff, v50  }
0xbc: {  	[tilespmem:s8+$0x3C30] =	vst.add.f32.msk $0xffff, v50  }
0xbd: {  	[tilespmem:s8+$0x6C30] =	vst.add.f32.msk $0xffff, v50  }
0xbe: {  	[tilespmem:s8+$0x9C30] =	vst.add.f32.msk $0xffff, v50  }
0xbf: {  	[tilespmem:s8+$0xC40] =	vst.add.f32.msk $0xffff, v51  }
0xc0: {  	[tilespmem:s8+$0x3C40] =	vst.add.f32.msk $0xffff, v51  }
0xc1: {  	[tilespmem:s8+$0x6C40] =	vst.add.f32.msk $0xffff, v51  }
0xc2: {  	[tilespmem:s8+$0x9C40] =	vst.add.f32.msk $0xffff, v51  }
0xc3: {  	[tilespmem:s8+$0xC50] =	vst.add.f32.msk $0xffff, v52  }
0xc4: {  	[tilespmem:s8+$0x3C50] =	vst.add.f32.msk $0xffff, v52  }
0xc5: {  	[tilespmem:s8+$0x6C50] =	vst.add.f32.msk $0xffff, v52  }
0xc6: {  	[tilespmem:s8+$0x9C50] =	vst.add.f32.msk $0xffff, v52  }
0xc7: {  	[tilespmem:s8+$0xC60] =	vst.add.f32.msk $0xffff, v53  }
0xc8: {  	[tilespmem:s8+$0x3C60] =	vst.add.f32.msk $0xffff, v53  }
0xc9: {  	[tilespmem:s8+$0x6C60] =	vst.add.f32.msk $0xffff, v53  }
0xca: {  	[tilespmem:s8+$0x9C60] =	vst.add.f32.msk $0xffff, v53  }
0xcb: {  	[tilespmem:s8+$0xC70] =	vst.add.f32.msk $0xffff, v54  }
0xcc: {  	[tilespmem:s8+$0x3C70] =	vst.add.f32.msk $0xffff, v54  }
0xcd: {  	[tilespmem:s8+$0x6C70] =	vst.add.f32.msk $0xffff, v54  }
0xce: {  	[tilespmem:s8+$0x9C70] =	vst.add.f32.msk $0xffff, v54  }
0xcf: {  	[tilespmem:s8+$0x1000] =	vst.add.f32.msk $0xffff, v55  }
0xd0: {  	[tilespmem:s8+$0x4000] =	vst.add.f32.msk $0xffff, v55  }
0xd1: {  	[tilespmem:s8+$0x7000] =	vst.add.f32.msk $0xffff, v55  }
0xd2: {  	[tilespmem:s8+$0xA000] =	vst.add.f32.msk $0xffff, v55  }
0xd3: {  	[tilespmem:s8+$0x1010] =	vst.add.f32.msk $0xffff, v56  }
0xd4: {  	[tilespmem:s8+$0x4010] =	vst.add.f32.msk $0xffff, v56  }
0xd5: {  	[tilespmem:s8+$0x7010] =	vst.add.f32.msk $0xffff, v56  }
0xd6: {  	[tilespmem:s8+$0xA010] =	vst.add.f32.msk $0xffff, v56  }
0xd7: {  	[tilespmem:s8+$0x1020] =	vst.add.f32.msk $0xffff, v57  }
0xd8: {  	[tilespmem:s8+$0x4020] =	vst.add.f32.msk $0xffff, v57  }
0xd9: {  	[tilespmem:s8+$0x7020] =	vst.add.f32.msk $0xffff, v57  }
0xda: {  	[tilespmem:s8+$0xA020] =	vst.add.f32.msk $0xffff, v57  }
0xdb: {  	[tilespmem:s8+$0x1030] =	vst.add.f32.msk $0xffff, v58  }
0xdc: {  	[tilespmem:s8+$0x4030] =	vst.add.f32.msk $0xffff, v58  }
0xdd: {  	[tilespmem:s8+$0x7030] =	vst.add.f32.msk $0xffff, v58  }
0xde: {  	[tilespmem:s8+$0xA030] =	vst.add.f32.msk $0xffff, v58  }
0xdf: {  	[tilespmem:s8+$0x1040] =	vst.add.f32.msk $0xffff, v59  }
0xe0: {  	[tilespmem:s8+$0x4040] =	vst.add.f32.msk $0xffff, v59  }
0xe1: {  	[tilespmem:s8+$0x7040] =	vst.add.f32.msk $0xffff, v59  }
0xe2: {  	[tilespmem:s8+$0xA040] =	vst.add.f32.msk $0xffff, v59  }
0xe3: {  	[tilespmem:s8+$0x1050] =	vst.add.f32.msk $0xffff, v60  }
0xe4: {  	[tilespmem:s8+$0x4050] =	vst.add.f32.msk $0xffff, v60  }
0xe5: {  	[tilespmem:s8+$0x7050] =	vst.add.f32.msk $0xffff, v60  }
0xe6: {  	[tilespmem:s8+$0xA050] =	vst.add.f32.msk $0xffff, v60  }
0xe7: {  	[tilespmem:s8+$0x1060] =	vst.add.f32.msk $0xffff, v61  }
0xe8: {  	[tilespmem:s8+$0x4060] =	vst.add.f32.msk $0xffff, v61  }
0xe9: {  	[tilespmem:s8+$0x7060] =	vst.add.f32.msk $0xffff, v61  }
0xea: {  	[tilespmem:s8+$0xA060] =	vst.add.f32.msk $0xffff, v61  }
0xeb: {  	[tilespmem:s8+$0x1070] =	vst.add.f32.msk $0xffff, v62  }
0xec: {  	[tilespmem:s8+$0x4070] =	vst.add.f32.msk $0xffff, v62  }
0xed: {  	[tilespmem:s8+$0x7070] =	vst.add.f32.msk $0xffff, v62  }
0xee: {  	[tilespmem:s8+$0xA070] =	vst.add.f32.msk $0xffff, v62  }
0xef: {  	s31 =	sor.u32 $0x4400, s11;
	[tilespmem:s8+$0x1400] =	vst.add.f32.msk $0xffff, v63  }
0xf0: {  	[tilespmem:s31+$0x0] =	vst.add.f32.msk $0xffff, v63  }
0xf1: {  	s11 =	sor.u32 $0xA400, s11;
	[tilespmem:s8+$0x7400] =	vst.add.f32.msk $0xffff, v63  }
0xf2: {  	[tilespmem:s11+$0x0] =	vst.add.f32.msk $0xffff, v63  }
0xf3: {  	v0 =	vld [tilespmem:s8+$0x19410];
	_ =	sdelay $0x4  }
0xf4: {  	[tilespmem:s8+$0x1410] =	vst.add.f32.msk $0xffff, v0  }
0xf5: {  	[tilespmem:s31+$0x10] =	vst.add.f32.msk $0xffff, v0  }
0xf6: {  	[tilespmem:s8+$0x7410] =	vst.add.f32.msk $0xffff, v0  }
0xf7: {  	[tilespmem:s11+$0x10] =	vst.add.f32.msk $0xffff, v0  }
0xf8: {  	v0 =	vld [tilespmem:s8+$0x19420];
	_ =	sdelay $0x4  }
0xf9: {  	[tilespmem:s8+$0x1420] =	vst.add.f32.msk $0xffff, v0  }
0xfa: {  	[tilespmem:s31+$0x20] =	vst.add.f32.msk $0xffff, v0  }
0xfb: {  	[tilespmem:s8+$0x7420] =	vst.add.f32.msk $0xffff, v0  }
0xfc: {  	[tilespmem:s11+$0x20] =	vst.add.f32.msk $0xffff, v0  }
0xfd: {  	v0 =	vld [tilespmem:s8+$0x19430];
	_ =	sdelay $0x4  }
0xfe: {  	[tilespmem:s8+$0x1430] =	vst.add.f32.msk $0xffff, v0  }
0xff: {  	[tilespmem:s31+$0x30] =	vst.add.f32.msk $0xffff, v0  }
0x100: {  	[tilespmem:s8+$0x7430] =	vst.add.f32.msk $0xffff, v0  }
0x101: {  	[tilespmem:s11+$0x30] =	vst.add.f32.msk $0xffff, v0  }
0x102: {  	v0 =	vld [tilespmem:s8+$0x19440];
	_ =	sdelay $0x4  }
0x103: {  	[tilespmem:s8+$0x1440] =	vst.add.f32.msk $0xffff, v0  }
0x104: {  	[tilespmem:s31+$0x40] =	vst.add.f32.msk $0xffff, v0  }
0x105: {  	[tilespmem:s8+$0x7440] =	vst.add.f32.msk $0xffff, v0  }
0x106: {  	[tilespmem:s11+$0x40] =	vst.add.f32.msk $0xffff, v0  }
0x107: {  	v0 =	vld [tilespmem:s8+$0x19450];
	_ =	sdelay $0x4  }
0x108: {  	[tilespmem:s8+$0x1450] =	vst.add.f32.msk $0xffff, v0  }
0x109: {  	[tilespmem:s31+$0x50] =	vst.add.f32.msk $0xffff, v0  }
0x10a: {  	[tilespmem:s8+$0x7450] =	vst.add.f32.msk $0xffff, v0  }
0x10b: {  	[tilespmem:s11+$0x50] =	vst.add.f32.msk $0xffff, v0  }
0x10c: {  	v0 =	vld [tilespmem:s8+$0x19460];
	_ =	sdelay $0x4  }
0x10d: {  	[tilespmem:s8+$0x1460] =	vst.add.f32.msk $0xffff, v0  }
0x10e: {  	[tilespmem:s31+$0x60] =	vst.add.f32.msk $0xffff, v0  }
0x10f: {  	[tilespmem:s8+$0x7460] =	vst.add.f32.msk $0xffff, v0  }
0x110: {  	[tilespmem:s11+$0x60] =	vst.add.f32.msk $0xffff, v0  }
0x111: {  	v0 =	vld [tilespmem:s8+$0x19470];
	_ =	sdelay $0x2  }
0x112: {  	p0 =	sne.s32 s7, $0xF  }
.Ltmp0:
0x113: {  	_ = 	snop;
	(pc) =	sbr.rel @p0 .LBB2_3-.Ltmp0, $4  }
0x114: {  	[tilespmem:s8+$0x1470] =	vst.add.f32.msk $0xffff, v0  }
0x115: {  	[tilespmem:s31+$0x70] =	vst.add.f32.msk $0xffff, v0  }
0x116: {  	[tilespmem:s8+$0x7470] =	vst.add.f32.msk $0xffff, v0  }
0x117: {  	s7 =	sadd.s32 $0x1, s7;
	s2 =	sadd.s32 $0x80, s2;
	[tilespmem:s11+$0x70] =	vst.add.f32.msk $0xffff, v0  }
0x118: {  	s2 =	sor.u32 s5, s0  }
0x119: {  	s2 =	sshrl.u32 s2, $0x3  }
0x11a: {  	p0 =	seq.s32 s24, $0x7;
	s2 =	smul.u32 $0x300, s2  }
0x11b: {  	s0 =	sadd.s32 @!p0 s0, s10  }
0x11c: {  	s0 =	sshrl.u32 @!p0 s0, $0x3;
	s2 =	sadd.s32 s4, s2  }
0x11d: {  	[hbm4b:s2+s12] =	stream.strided.scatter [tilespmem:s6], [sflag:$0x5], $0xC000, s13, s12, $0x38;
	[tilespmem:$0x1E000] =	vst v63  }
0x11e: {  	s0 =	smul.u32 @!p0 $0x300, s0;
	_ =	swait.ge [sflag:s19], $0xC000  }
0x11f: {  	s7 =	simm.s32 @!p0 $0x3000;
	s8 =	simm.s32 @!p0 $0x600000;
	[sflag:s19] =	ssyncset.done $0x0  }
0x120: {  	s11 =	simm.s32 @!p0 $0x0;
	s2 =	sadd.s32 @!p0 s1, s0;
	[sflag:s19] =	ssyncadd.s32 $0xFFFF4000  }
0x121: {  	[tilespmem:s11], [sflag:$0x1] =	stream.strided.gather @!p0 [hbm4b:s2+s7], $0xC000, s8, s7, $0x38;
	[tilespmem:$0x1E000] =	vst v63  }
0x122: {  	s0 =	sadd.s32 @!p0 s3, s0;
	s2 =	simm.s32 @!p0 $0x18000  }
0x123: {  	[tilespmem:s2], [sflag:$0x3] =	stream.linear.gather @!p0 [hbm4b:s0+s11], $0x3000, $0x38;
	[tilespmem:$0x1E000] =	vst v63  }
0x124: {  	_ =	swait.ge [sflag:s20], $0xC000  }
0x125: {  	[sflag:s20] =	ssyncset.done $0x0  }
0x126: {  	s23 =	simm.s32 $0x0;
	[sflag:s20] =	ssyncadd.s32 $0xFFFF4000  }
0x127: {  	s28 =	simm.s32 $0x0;
	s0 =	smul.u32 $0x1800, s23;
	_ =	swait.ge [sflag:s21], $0x3000  }
0x128: {  	s26 =	sand.u32 $0x380, s28;
	[sflag:s21] =	ssyncset.done $0x0  }
0x129: {  	s26 =	sor.u32 s26, s0;
	[sflag:s21] =	ssyncadd.s32 $0xFFFFD000  }
0x12a: {  	v0 =	vld [tilespmem:s26+$0x1B000];
	_ =	sdelay $0x3  }
0x12b: {  	v1 =	vld [tilespmem:s26+$0x1B010]  }
0x12c: {  	[tilespmem:s26+$0xC000] =	vst.add.f32.msk $0xffff, v0  }
0x12d: {  	[tilespmem:s26+$0x15000] =	vst.add.f32.msk $0xffff, v0  }
0x12e: {  	[tilespmem:s26+$0x12000] =	vst.add.f32.msk $0xffff, v0  }
0x12f: {  	[tilespmem:s26+$0xF000] =	vst.add.f32.msk $0xffff, v0  }
0x130: {  	[tilespmem:s26+$0x12010] =	vst.add.f32.msk $0xffff, v1  }
0x131: {  	s2 =	sadd.s32 $0x15000, s26;
	[tilespmem:s26+$0xC010] =	vst.add.f32.msk $0xffff, v1  }
0x132: {  	s31 =	sor.u32 $0x10, s2;
	[tilespmem:s26+$0xF010] =	vst.add.f32.msk $0xffff, v1  }
0x133: {  	[tilespmem:s31+$0x0] =	vst.add.f32.msk $0xffff, v1  }
0x134: {  	v0 =	vld [tilespmem:s26+$0x1B020];
	_ =	sdelay $0x4  }
0x135: {  	[tilespmem:s26+$0xC020] =	vst.add.f32.msk $0xffff, v0  }
0x136: {  	[tilespmem:s26+$0xF020] =	vst.add.f32.msk $0xffff, v0  }
0x137: {  	s8 =	sor.u32 $0x20, s2;
	[tilespmem:s26+$0x12020] =	vst.add.f32.msk $0xffff, v0  }
0x138: {  	[tilespmem:s8+$0x0] =	vst.add.f32.msk $0xffff, v0  }
0x139: {  	v0 =	vld [tilespmem:s26+$0x1B030];
	_ =	sdelay $0x4  }
0x13a: {  	[tilespmem:s26+$0xF030] =	vst.add.f32.msk $0xffff, v0  }
0x13b: {  	[tilespmem:s26+$0xC030] =	vst.add.f32.msk $0xffff, v0  }
0x13c: {  	s11 =	sor.u32 $0x30, s2;
	[tilespmem:s26+$0x12030] =	vst.add.f32.msk $0xffff, v0  }
0x13d: {  	[tilespmem:s11+$0x0] =	vst.add.f32.msk $0xffff, v0  }
0x13e: {  	v0 =	vld [tilespmem:s26+$0x1B040];
	_ =	sdelay $0x4  }
0x13f: {  	[tilespmem:s26+$0xF040] =	vst.add.f32.msk $0xffff, v0  }
0x140: {  	[tilespmem:s26+$0xC040] =	vst.add.f32.msk $0xffff, v0  }
0x141: {  	s14 =	sor.u32 $0x40, s2;
	[tilespmem:s26+$0x12040] =	vst.add.f32.msk $0xffff, v0  }
0x142: {  	[tilespmem:s14+$0x0] =	vst.add.f32.msk $0xffff, v0  }
0x143: {  	v0 =	vld [tilespmem:s26+$0x1B050];
	_ =	sdelay $0x4  }
0x144: {  	[tilespmem:s26+$0xF050] =	vst.add.f32.msk $0xffff, v0  }
0x145: {  	[tilespmem:s26+$0xC050] =	vst.add.f32.msk $0xffff, v0  }
0x146: {  	s22 =	sor.u32 $0x50, s2;
	[tilespmem:s26+$0x12050] =	vst.add.f32.msk $0xffff, v0  }
0x147: {  	[tilespmem:s22+$0x0] =	vst.add.f32.msk $0xffff, v0  }
0x148: {  	v0 =	vld [tilespmem:s26+$0x1B060];
	_ =	sdelay $0x4  }
0x149: {  	[tilespmem:s26+$0xF060] =	vst.add.f32.msk $0xffff, v0  }
0x14a: {  	[tilespmem:s26+$0xC060] =	vst.add.f32.msk $0xffff, v0  }
0x14b: {  	s23 =	sor.u32 $0x60, s2;
	[tilespmem:s26+$0x12060] =	vst.add.f32.msk $0xffff, v0  }
0x14c: {  	[tilespmem:s23+$0x0] =	vst.add.f32.msk $0xffff, v0  }
0x14d: {  	v0 =	vld [tilespmem:s26+$0x1B070];
	_ =	sdelay $0x4  }
0x14e: {  	[tilespmem:s26+$0xF070] =	vst.add.f32.msk $0xffff, v0  }
0x14f: {  	[tilespmem:s26+$0xC070] =	vst.add.f32.msk $0xffff, v0  }
0x150: {  	s2 =	sor.u32 $0x70, s2;
	[tilespmem:s26+$0x12070] =	vst.add.f32.msk $0xffff, v0  }
0x151: {  	[tilespmem:s2+$0x0] =	vst.add.f32.msk $0xffff, v0  }
0x152: {  	v0 =	vld [tilespmem:s26+$0x1B400];
	_ =	sdelay $0x4  }
0x153: {  	s0 =	sadd.s32 $0x0, s0;
	[tilespmem:s26+$0xC400] =	vst.add.f32.msk $0xffff, v0  }
0x154: {  	s2 =	sor.u32 $0x6400, s0;
	[tilespmem:s26+$0xF400] =	vst.add.f32.msk $0xffff, v0  }
0x155: {  	[tilespmem:s2+$0xC000] =	vst.add.f32.msk $0xffff, v0  }
0x156: {  	v1 =	vld [tilespmem:s26+$0x1B410];
	_ =	sdelay $0x3  }
0x157: {  	[tilespmem:s26+$0x15400] =	vst.add.f32.msk $0xffff, v0  }
0x158: {  	[tilespmem:s26+$0xC410] =	vst.add.f32.msk $0xffff, v1  }
0x159: {  	s7 =	sadd.s32 $0x15400, s26;
	[tilespmem:s26+$0xF410] =	vst.add.f32.msk $0xffff, v1  }
0x15a: {  	s31 =	sor.u32 $0x10, s7;
	[tilespmem:s2+$0xC010] =	vst.add.f32.msk $0xffff, v1  }
0x15b: {  	[tilespmem:s31+$0x0] =	vst.add.f32.msk $0xffff, v1  }
0x15c: {  	v0 =	vld [tilespmem:s26+$0x1B420];
	_ =	sdelay $0x4  }
0x15d: {  	[tilespmem:s26+$0xC420] =	vst.add.f32.msk $0xffff, v0  }
0x15e: {  	[tilespmem:s26+$0xF420] =	vst.add.f32.msk $0xffff, v0  }
0x15f: {  	s11 =	sor.u32 $0x20, s7;
	[tilespmem:s2+$0xC020] =	vst.add.f32.msk $0xffff, v0  }
0x160: {  	[tilespmem:s11+$0x0] =	vst.add.f32.msk $0xffff, v0  }
0x161: {  	v0 =	vld [tilespmem:s26+$0x1B430];
	_ =	sdelay $0x4  }
0x162: {  	[tilespmem:s26+$0xC430] =	vst.add.f32.msk $0xffff, v0  }
0x163: {  	[tilespmem:s26+$0xF430] =	vst.add.f32.msk $0xffff, v0  }
0x164: {  	s14 =	sor.u32 $0x30, s7;
	[tilespmem:s2+$0xC030] =	vst.add.f32.msk $0xffff, v0  }
0x165: {  	[tilespmem:s14+$0x0] =	vst.add.f32.msk $0xffff, v0  }
0x166: {  	v0 =	vld [tilespmem:s26+$0x1B440];
	_ =	sdelay $0x4  }
0x167: {  	[tilespmem:s26+$0xC440] =	vst.add.f32.msk $0xffff, v0  }
0x168: {  	[tilespmem:s26+$0xF440] =	vst.add.f32.msk $0xffff, v0  }
0x169: {  	s22 =	sor.u32 $0x40, s7;
	[tilespmem:s2+$0xC040] =	vst.add.f32.msk $0xffff, v0  }
0x16a: {  	[tilespmem:s22+$0x0] =	vst.add.f32.msk $0xffff, v0  }
0x16b: {  	v0 =	vld [tilespmem:s26+$0x1B450];
	_ =	sdelay $0x4  }
0x16c: {  	[tilespmem:s26+$0xC450] =	vst.add.f32.msk $0xffff, v0  }
0x16d: {  	[tilespmem:s26+$0xF450] =	vst.add.f32.msk $0xffff, v0  }
0x16e: {  	s23 =	sor.u32 $0x50, s7;
	[tilespmem:s2+$0xC050] =	vst.add.f32.msk $0xffff, v0  }
0x16f: {  	[tilespmem:s23+$0x0] =	vst.add.f32.msk $0xffff, v0  }
0x170: {  	v0 =	vld [tilespmem:s26+$0x1B460];
	_ =	sdelay $0x4  }
0x171: {  	[tilespmem:s26+$0xC460] =	vst.add.f32.msk $0xffff, v0  }
0x172: {  	[tilespmem:s26+$0xF460] =	vst.add.f32.msk $0xffff, v0  }
0x173: {  	s31 =	sor.u32 $0x60, s7;
	[tilespmem:s2+$0xC060] =	vst.add.f32.msk $0xffff, v0  }
0x174: {  	[tilespmem:s31+$0x0] =	vst.add.f32.msk $0xffff, v0  }
0x175: {  	v0 =	vld [tilespmem:s26+$0x1B470];
	_ =	sdelay $0x4  }
0x176: {  	[tilespmem:s26+$0xC470] =	vst.add.f32.msk $0xffff, v0  }
0x177: {  	[tilespmem:s26+$0xF470] =	vst.add.f32.msk $0xffff, v0  }
0x178: {  	s8 =	sor.u32 $0x70, s7;
	[tilespmem:s2+$0xC070] =	vst.add.f32.msk $0xffff, v0  }
0x179: {  	[tilespmem:s8+$0x0] =	vst.add.f32.msk $0xffff, v0  }
0x17a: {  	v0 =	vld [tilespmem:s26+$0x1B800];
	_ =	sdelay $0x2  }
0x17b: {  	v1 =	vld [tilespmem:s26+$0x1B810];
	_ =	sdelay $0x1  }
0x17c: {  	[tilespmem:s26+$0x15800] =	vst.add.f32.msk $0xffff, v0  }
0x17d: {  	[tilespmem:s26+$0x12800] =	vst.add.f32.msk $0xffff, v0  }
0x17e: {  	[tilespmem:s26+$0xC800] =	vst.add.f32.msk $0xffff, v0  }
0x17f: {  	[tilespmem:s26+$0xF810] =	vst.add.f32.msk $0xffff, v1  }
0x180: {  	s2 =	sadd.s32 $0x12800, s26;
	[tilespmem:s26+$0xC810] =	vst.add.f32.msk $0xffff, v1  }
0x181: {  	s7 =	sadd.s32 $0x15800, s26;
	s11 =	sor.u32 $0x10, s2;
	[tilespmem:s26+$0xF800] =	vst.add.f32.msk $0xffff, v0  }
0x182: {  	s14 =	sor.u32 $0x10, s7;
	[tilespmem:s11+$0x0] =	vst.add.f32.msk $0xffff, v1  }
0x183: {  	[tilespmem:s14+$0x0] =	vst.add.f32.msk $0xffff, v1  }
0x184: {  	v0 =	vld [tilespmem:s26+$0x1B820];
	_ =	sdelay $0x4  }
0x185: {  	[tilespmem:s26+$0xC820] =	vst.add.f32.msk $0xffff, v0  }
0x186: {  	s22 =	sor.u32 $0x20, s2;
	[tilespmem:s26+$0xF820] =	vst.add.f32.msk $0xffff, v0  }
0x187: {  	s23 =	sor.u32 $0x20, s7;
	[tilespmem:s22+$0x0] =	vst.add.f32.msk $0xffff, v0  }
0x188: {  	[tilespmem:s23+$0x0] =	vst.add.f32.msk $0xffff, v0  }
0x189: {  	v0 =	vld [tilespmem:s26+$0x1B830];
	_ =	sdelay $0x4  }
0x18a: {  	[tilespmem:s26+$0xC830] =	vst.add.f32.msk $0xffff, v0  }
0x18b: {  	s31 =	sor.u32 $0x30, s2;
	[tilespmem:s26+$0xF830] =	vst.add.f32.msk $0xffff, v0  }
0x18c: {  	s11 =	sor.u32 $0x30, s7;
	[tilespmem:s31+$0x0] =	vst.add.f32.msk $0xffff, v0  }
0x18d: {  	[tilespmem:s11+$0x0] =	vst.add.f32.msk $0xffff, v0  }
0x18e: {  	v0 =	vld [tilespmem:s26+$0x1B840];
	_ =	sdelay $0x4  }
0x18f: {  	[tilespmem:s26+$0xC840] =	vst.add.f32.msk $0xffff, v0  }
0x190: {  	s14 =	sor.u32 $0x40, s2;
	[tilespmem:s26+$0xF840] =	vst.add.f32.msk $0xffff, v0  }
0x191: {  	s22 =	sor.u32 $0x40, s7;
	[tilespmem:s14+$0x0] =	vst.add.f32.msk $0xffff, v0  }
0x192: {  	[tilespmem:s22+$0x0] =	vst.add.f32.msk $0xffff, v0  }
0x193: {  	v0 =	vld [tilespmem:s26+$0x1B850];
	_ =	sdelay $0x4  }
0x194: {  	[tilespmem:s26+$0xC850] =	vst.add.f32.msk $0xffff, v0  }
0x195: {  	s23 =	sor.u32 $0x50, s2;
	[tilespmem:s26+$0xF850] =	vst.add.f32.msk $0xffff, v0  }
0x196: {  	s31 =	sor.u32 $0x50, s7;
	[tilespmem:s23+$0x0] =	vst.add.f32.msk $0xffff, v0  }
0x197: {  	[tilespmem:s31+$0x0] =	vst.add.f32.msk $0xffff, v0  }
0x198: {  	v0 =	vld [tilespmem:s26+$0x1B860];
	_ =	sdelay $0x4  }
0x199: {  	[tilespmem:s26+$0xC860] =	vst.add.f32.msk $0xffff, v0  }
0x19a: {  	s11 =	sor.u32 $0x60, s2;
	[tilespmem:s26+$0xF860] =	vst.add.f32.msk $0xffff, v0  }
0x19b: {  	s14 =	sor.u32 $0x60, s7;
	[tilespmem:s11+$0x0] =	vst.add.f32.msk $0xffff, v0  }
0x19c: {  	[tilespmem:s14+$0x0] =	vst.add.f32.msk $0xffff, v0  }
0x19d: {  	v0 =	vld [tilespmem:s26+$0x1B870];
	_ =	sdelay $0x4  }
0x19e: {  	[tilespmem:s26+$0xC870] =	vst.add.f32.msk $0xffff, v0  }
0x19f: {  	s2 =	sor.u32 $0x70, s2;
	[tilespmem:s26+$0xF870] =	vst.add.f32.msk $0xffff, v0  }
0x1a0: {  	s22 =	sor.u32 $0x70, s7;
	[tilespmem:s2+$0x0] =	vst.add.f32.msk $0xffff, v0  }
0x1a1: {  	[tilespmem:s22+$0x0] =	vst.add.f32.msk $0xffff, v0  }
0x1a2: {  	v0 =	vld [tilespmem:s26+$0x1BC00];
	_ =	sdelay $0x1  }
0x1a3: {  	v1 =	vld [tilespmem:s26+$0x1BC10];
	_ =	sdelay $0x2  }
0x1a4: {  	[tilespmem:s26+$0x15C00] =	vst.add.f32.msk $0xffff, v0  }
0x1a5: {  	[tilespmem:s26+$0xCC00] =	vst.add.f32.msk $0xffff, v0  }
0x1a6: {  	[tilespmem:s26+$0xCC10] =	vst.add.f32.msk $0xffff, v1  }
0x1a7: {  	[tilespmem:s26+$0xFC00] =	vst.add.f32.msk $0xffff, v0  }
0x1a8: {  	s2 =	sadd.s32 $0x12C00, s26;
	[tilespmem:s26+$0x12C00] =	vst.add.f32.msk $0xffff, v0  }
0x1a9: {  	s7 =	sadd.s32 $0x15C00, s26;
	s23 =	sor.u32 $0x10, s2;
	[tilespmem:s26+$0xFC10] =	vst.add.f32.msk $0xffff, v1  }
0x1aa: {  	s31 =	sor.u32 $0x10, s7;
	[tilespmem:s23+$0x0] =	vst.add.f32.msk $0xffff, v1  }
0x1ab: {  	[tilespmem:s31+$0x0] =	vst.add.f32.msk $0xffff, v1  }
0x1ac: {  	v0 =	vld [tilespmem:s26+$0x1BC20];
	_ =	sdelay $0x4  }
0x1ad: {  	[tilespmem:s26+$0xCC20] =	vst.add.f32.msk $0xffff, v0  }
0x1ae: {  	s11 =	sor.u32 $0x20, s2;
	[tilespmem:s26+$0xFC20] =	vst.add.f32.msk $0xffff, v0  }
0x1af: {  	s14 =	sor.u32 $0x20, s7;
	[tilespmem:s11+$0x0] =	vst.add.f32.msk $0xffff, v0  }
0x1b0: {  	[tilespmem:s14+$0x0] =	vst.add.f32.msk $0xffff, v0  }
0x1b1: {  	v0 =	vld [tilespmem:s26+$0x1BC30];
	_ =	sdelay $0x4  }
0x1b2: {  	[tilespmem:s26+$0xCC30] =	vst.add.f32.msk $0xffff, v0  }
0x1b3: {  	s22 =	sor.u32 $0x30, s2;
	[tilespmem:s26+$0xFC30] =	vst.add.f32.msk $0xffff, v0  }
0x1b4: {  	s23 =	sor.u32 $0x30, s7;
	[tilespmem:s22+$0x0] =	vst.add.f32.msk $0xffff, v0  }
0x1b5: {  	[tilespmem:s23+$0x0] =	vst.add.f32.msk $0xffff, v0  }
0x1b6: {  	v0 =	vld [tilespmem:s26+$0x1BC40];
	_ =	sdelay $0x4  }
0x1b7: {  	[tilespmem:s26+$0xCC40] =	vst.add.f32.msk $0xffff, v0  }
0x1b8: {  	s31 =	sor.u32 $0x40, s2;
	[tilespmem:s26+$0xFC40] =	vst.add.f32.msk $0xffff, v0  }
0x1b9: {  	s11 =	sor.u32 $0x40, s7;
	[tilespmem:s31+$0x0] =	vst.add.f32.msk $0xffff, v0  }
0x1ba: {  	[tilespmem:s11+$0x0] =	vst.add.f32.msk $0xffff, v0  }
0x1bb: {  	v0 =	vld [tilespmem:s26+$0x1BC50];
	_ =	sdelay $0x4  }
0x1bc: {  	[tilespmem:s26+$0xCC50] =	vst.add.f32.msk $0xffff, v0  }
0x1bd: {  	s14 =	sor.u32 $0x50, s2;
	[tilespmem:s26+$0xFC50] =	vst.add.f32.msk $0xffff, v0  }
0x1be: {  	s22 =	sor.u32 $0x50, s7;
	[tilespmem:s14+$0x0] =	vst.add.f32.msk $0xffff, v0  }
0x1bf: {  	[tilespmem:s22+$0x0] =	vst.add.f32.msk $0xffff, v0  }
0x1c0: {  	v0 =	vld [tilespmem:s26+$0x1BC60];
	_ =	sdelay $0x4  }
0x1c1: {  	[tilespmem:s26+$0xCC60] =	vst.add.f32.msk $0xffff, v0  }
0x1c2: {  	s23 =	sor.u32 $0x60, s2;
	[tilespmem:s26+$0xFC60] =	vst.add.f32.msk $0xffff, v0  }
0x1c3: {  	s31 =	sor.u32 $0x60, s7;
	[tilespmem:s23+$0x0] =	vst.add.f32.msk $0xffff, v0  }
0x1c4: {  	[tilespmem:s31+$0x0] =	vst.add.f32.msk $0xffff, v0  }
0x1c5: {  	v0 =	vld [tilespmem:s26+$0x1BC70];
	_ =	sdelay $0x4  }
0x1c6: {  	[tilespmem:s26+$0xCC70] =	vst.add.f32.msk $0xffff, v0  }
0x1c7: {  	s2 =	sor.u32 $0x70, s2;
	[tilespmem:s26+$0xFC70] =	vst.add.f32.msk $0xffff, v0  }
0x1c8: {  	s7 =	sor.u32 $0x70, s7;
	[tilespmem:s2+$0x0] =	vst.add.f32.msk $0xffff, v0  }
0x1c9: {  	[tilespmem:s7+$0x0] =	vst.add.f32.msk $0xffff, v0  }
0x1ca: {  	v0 =	vld [tilespmem:s26+$0x1C000];
	_ =	sdelay $0x3  }
0x1cb: {  	v1 =	vld [tilespmem:s26+$0x1C010]  }
0x1cc: {  	[tilespmem:s26+$0x16000] =	vst.add.f32.msk $0xffff, v0  }
0x1cd: {  	[tilespmem:s26+$0x13000] =	vst.add.f32.msk $0xffff, v0  }
0x1ce: {  	[tilespmem:s26+$0xD000] =	vst.add.f32.msk $0xffff, v0  }
0x1cf: {  	[tilespmem:s26+$0x10000] =	vst.add.f32.msk $0xffff, v0  }
0x1d0: {  	s2 =	sadd.s32 $0x13000, s26;
	[tilespmem:s26+$0xD010] =	vst.add.f32.msk $0xffff, v1  }
0x1d1: {  	s8 =	sor.u32 $0x10, s2;
	[tilespmem:s26+$0x10010] =	vst.add.f32.msk $0xffff, v1  }
0x1d2: {  	[tilespmem:s8+$0x0] =	vst.add.f32.msk $0xffff, v1  }
0x1d3: {  	v0 =	vld [tilespmem:s26+$0x1C020];
	_ =	sdelay $0x3  }
0x1d4: {  	[tilespmem:s26+$0x16010] =	vst.add.f32.msk $0xffff, v1  }
0x1d5: {  	[tilespmem:s26+$0xD020] =	vst.add.f32.msk $0xffff, v0  }
0x1d6: {  	s11 =	sor.u32 $0x20, s2;
	[tilespmem:s26+$0x10020] =	vst.add.f32.msk $0xffff, v0  }
0x1d7: {  	[tilespmem:s11+$0x0] =	vst.add.f32.msk $0xffff, v0  }
0x1d8: {  	v1 =	vld [tilespmem:s26+$0x1C030];
	_ =	sdelay $0x3  }
0x1d9: {  	[tilespmem:s26+$0x16020] =	vst.add.f32.msk $0xffff, v0  }
0x1da: {  	[tilespmem:s26+$0xD030] =	vst.add.f32.msk $0xffff, v1  }
0x1db: {  	s14 =	sor.u32 $0x30, s2;
	[tilespmem:s26+$0x10030] =	vst.add.f32.msk $0xffff, v1  }
0x1dc: {  	[tilespmem:s14+$0x0] =	vst.add.f32.msk $0xffff, v1  }
0x1dd: {  	v0 =	vld [tilespmem:s26+$0x1C040];
	_ =	sdelay $0x3  }
0x1de: {  	[tilespmem:s26+$0x16030] =	vst.add.f32.msk $0xffff, v1  }
0x1df: {  	[tilespmem:s26+$0xD040] =	vst.add.f32.msk $0xffff, v0  }
0x1e0: {  	s22 =	sor.u32 $0x40, s2;
	[tilespmem:s26+$0x10040] =	vst.add.f32.msk $0xffff, v0  }
0x1e1: {  	[tilespmem:s22+$0x0] =	vst.add.f32.msk $0xffff, v0  }
0x1e2: {  	v1 =	vld [tilespmem:s26+$0x1C050];
	_ =	sdelay $0x3  }
0x1e3: {  	[tilespmem:s26+$0x16040] =	vst.add.f32.msk $0xffff, v0  }
0x1e4: {  	[tilespmem:s26+$0xD050] =	vst.add.f32.msk $0xffff, v1  }
0x1e5: {  	s23 =	sor.u32 $0x50, s2;
	[tilespmem:s26+$0x10050] =	vst.add.f32.msk $0xffff, v1  }
0x1e6: {  	[tilespmem:s23+$0x0] =	vst.add.f32.msk $0xffff, v1  }
0x1e7: {  	v0 =	vld [tilespmem:s26+$0x1C060];
	_ =	sdelay $0x3  }
0x1e8: {  	[tilespmem:s26+$0x16050] =	vst.add.f32.msk $0xffff, v1  }
0x1e9: {  	[tilespmem:s26+$0xD060] =	vst.add.f32.msk $0xffff, v0  }
0x1ea: {  	s31 =	sor.u32 $0x60, s2;
	[tilespmem:s26+$0x10060] =	vst.add.f32.msk $0xffff, v0  }
0x1eb: {  	[tilespmem:s31+$0x0] =	vst.add.f32.msk $0xffff, v0  }
0x1ec: {  	v1 =	vld [tilespmem:s26+$0x1C070];
	_ =	sdelay $0x3  }
0x1ed: {  	[tilespmem:s26+$0x16060] =	vst.add.f32.msk $0xffff, v0  }
0x1ee: {  	[tilespmem:s26+$0xD070] =	vst.add.f32.msk $0xffff, v1  }
0x1ef: {  	s2 =	sor.u32 $0x70, s2;
	[tilespmem:s26+$0x10070] =	vst.add.f32.msk $0xffff, v1  }
0x1f0: {  	[tilespmem:s2+$0x0] =	vst.add.f32.msk $0xffff, v1  }
0x1f1: {  	v0 =	vld [tilespmem:s26+$0x1C400];
	_ =	sdelay $0x3  }
0x1f2: {  	[tilespmem:s26+$0x16070] =	vst.add.f32.msk $0xffff, v1  }
0x1f3: {  	s2 =	sor.u32 $0x4400, s0;
	[tilespmem:s26+$0xD400] =	vst.add.f32.msk $0xffff, v0  }
0x1f4: {  	[tilespmem:s2+$0xC000] =	vst.add.f32.msk $0xffff, v0  }
0x1f5: {  	s0 =	sor.u32 $0xA400, s0;
	[tilespmem:s26+$0x13400] =	vst.add.f32.msk $0xffff, v0  }
0x1f6: {  	[tilespmem:s0+$0xC000] =	vst.add.f32.msk $0xffff, v0  }
0x1f7: {  	s30 =	simm.s32 $0x1;
	s29 =	sadd.s32 $0x13400, s26;
	v0 =	vld [tilespmem:s26+$0x1C410]  }
.LBB2_5:
0x1f8: {  	_ = 	snop  }
0x1f9: {  	p0 =	sne.s32 s30, $0xF  }
0x1fa: {  	s28 =	sadd.s32 $0x80, s28;
	s7 =	smov.u32 s30;
	s30 =	sadd.s32 $0x1, s30  }
0x1fb: {  	_ = 	snop  }
0x1fc: {  	s8 =	sor.u32 $0x10, s29;
	[tilespmem:s26+$0xD410] =	vst.add.f32.msk $0xffff, v0  }
0x1fd: {  	[tilespmem:s2+$0xC010] =	vst.add.f32.msk $0xffff, v0  }
0x1fe: {  	[tilespmem:s8+$0x0] =	vst.add.f32.msk $0xffff, v0  }
0x1ff: {  	[tilespmem:s0+$0xC010] =	vst.add.f32.msk $0xffff, v0  }
0x200: {  	v0 =	vld [tilespmem:s26+$0x1C420];
	_ =	sdelay $0x4  }
0x201: {  	s8 =	sor.u32 $0x20, s29;
	[tilespmem:s26+$0xD420] =	vst.add.f32.msk $0xffff, v0  }
0x202: {  	[tilespmem:s2+$0xC020] =	vst.add.f32.msk $0xffff, v0  }
0x203: {  	[tilespmem:s8+$0x0] =	vst.add.f32.msk $0xffff, v0  }
0x204: {  	[tilespmem:s0+$0xC020] =	vst.add.f32.msk $0xffff, v0  }
0x205: {  	v0 =	vld [tilespmem:s26+$0x1C430];
	_ =	sdelay $0x4  }
0x206: {  	s8 =	sor.u32 $0x30, s29;
	[tilespmem:s26+$0xD430] =	vst.add.f32.msk $0xffff, v0  }
0x207: {  	[tilespmem:s2+$0xC030] =	vst.add.f32.msk $0xffff, v0  }
0x208: {  	[tilespmem:s8+$0x0] =	vst.add.f32.msk $0xffff, v0  }
0x209: {  	[tilespmem:s0+$0xC030] =	vst.add.f32.msk $0xffff, v0  }
0x20a: {  	v0 =	vld [tilespmem:s26+$0x1C440];
	_ =	sdelay $0x4  }
0x20b: {  	s8 =	sor.u32 $0x40, s29;
	[tilespmem:s26+$0xD440] =	vst.add.f32.msk $0xffff, v0  }
0x20c: {  	[tilespmem:s2+$0xC040] =	vst.add.f32.msk $0xffff, v0  }
0x20d: {  	[tilespmem:s8+$0x0] =	vst.add.f32.msk $0xffff, v0  }
0x20e: {  	[tilespmem:s0+$0xC040] =	vst.add.f32.msk $0xffff, v0  }
0x20f: {  	v0 =	vld [tilespmem:s26+$0x1C450];
	_ =	sdelay $0x4  }
0x210: {  	s8 =	sor.u32 $0x50, s29;
	[tilespmem:s26+$0xD450] =	vst.add.f32.msk $0xffff, v0  }
0x211: {  	[tilespmem:s2+$0xC050] =	vst.add.f32.msk $0xffff, v0  }
0x212: {  	[tilespmem:s8+$0x0] =	vst.add.f32.msk $0xffff, v0  }
0x213: {  	[tilespmem:s0+$0xC050] =	vst.add.f32.msk $0xffff, v0  }
0x214: {  	v0 =	vld [tilespmem:s26+$0x1C460];
	_ =	sdelay $0x4  }
0x215: {  	s8 =	sor.u32 $0x60, s29;
	[tilespmem:s26+$0xD460] =	vst.add.f32.msk $0xffff, v0  }
0x216: {  	[tilespmem:s2+$0xC060] =	vst.add.f32.msk $0xffff, v0  }
0x217: {  	[tilespmem:s8+$0x0] =	vst.add.f32.msk $0xffff, v0  }
0x218: {  	[tilespmem:s0+$0xC060] =	vst.add.f32.msk $0xffff, v0  }
0x219: {  	v0 =	vld [tilespmem:s26+$0x1C470];
	_ =	sdelay $0x4  }
0x21a: {  	s7 =	sshrl.u32 s7, $0x3;
	s8 =	sor.u32 $0x70, s29;
	[tilespmem:s26+$0xD470] =	vst.add.f32.msk $0xffff, v0  }
0x21b: {  	s7 =	smul.u32 $0x1800, s7;
	[tilespmem:s2+$0xC070] =	vst.add.f32.msk $0xffff, v0  }
0x21c: {  	s2 =	sand.u32 $0x380, s28;
	[tilespmem:s8+$0x0] =	vst.add.f32.msk $0xffff, v0  }
0x21d: {  	s31 =	sadd.s32 s7, s28;
	s26 =	sor.u32 s2, s7;
	[tilespmem:s0+$0xC070] =	vst.add.f32.msk $0xffff, v0  }
0x21e: {  	s22 =	sadd.s32 $0x15000, s26;
	s11 =	sadd.s32 $0x15400, s26;
	s7 =	sadd.s32 $0x12800, s26;
	v0 =	vld [tilespmem:s26+$0x1B000]  }
0x21f: {  	s8 =	sadd.s32 $0x15800, s26;
	s14 =	sadd.s32 $0x12C00, s26;
	s0 =	sadd.s32 $0x15C00, s26;
	v1 =	vld [tilespmem:s26+$0x1B010]  }
0x220: {  	s2 =	sadd.s32 $0x13000, s26;
	s29 =	sadd.s32 $0x13400, s26;
	_ =	sdelay $0x2  }
0x221: {  	[tilespmem:s26+$0xC000] =	vst.add.f32.msk $0xffff, v0  }
0x222: {  	[tilespmem:s26+$0x15000] =	vst.add.f32.msk $0xffff, v0  }
0x223: {  	[tilespmem:s26+$0x12000] =	vst.add.f32.msk $0xffff, v0  }
0x224: {  	[tilespmem:s26+$0xF000] =	vst.add.f32.msk $0xffff, v0  }
0x225: {  	[tilespmem:s26+$0x12010] =	vst.add.f32.msk $0xffff, v1  }
0x226: {  	[tilespmem:s26+$0xC010] =	vst.add.f32.msk $0xffff, v1  }
0x227: {  	s23 =	sor.u32 $0x10, s22;
	[tilespmem:s26+$0xF010] =	vst.add.f32.msk $0xffff, v1  }
0x228: {  	[tilespmem:s23+$0x0] =	vst.add.f32.msk $0xffff, v1  }
0x229: {  	v0 =	vld [tilespmem:s26+$0x1B020];
	_ =	sdelay $0x4  }
0x22a: {  	[tilespmem:s26+$0xC020] =	vst.add.f32.msk $0xffff, v0  }
0x22b: {  	[tilespmem:s26+$0xF020] =	vst.add.f32.msk $0xffff, v0  }
0x22c: {  	s23 =	sor.u32 $0x20, s22;
	[tilespmem:s26+$0x12020] =	vst.add.f32.msk $0xffff, v0  }
0x22d: {  	[tilespmem:s23+$0x0] =	vst.add.f32.msk $0xffff, v0  }
0x22e: {  	v0 =	vld [tilespmem:s26+$0x1B030];
	_ =	sdelay $0x4  }
0x22f: {  	[tilespmem:s26+$0xF030] =	vst.add.f32.msk $0xffff, v0  }
0x230: {  	[tilespmem:s26+$0xC030] =	vst.add.f32.msk $0xffff, v0  }
0x231: {  	s23 =	sor.u32 $0x30, s22;
	[tilespmem:s26+$0x12030] =	vst.add.f32.msk $0xffff, v0  }
0x232: {  	[tilespmem:s23+$0x0] =	vst.add.f32.msk $0xffff, v0  }
0x233: {  	v0 =	vld [tilespmem:s26+$0x1B040];
	_ =	sdelay $0x4  }
0x234: {  	[tilespmem:s26+$0xF040] =	vst.add.f32.msk $0xffff, v0  }
0x235: {  	[tilespmem:s26+$0xC040] =	vst.add.f32.msk $0xffff, v0  }
0x236: {  	s23 =	sor.u32 $0x40, s22;
	[tilespmem:s26+$0x12040] =	vst.add.f32.msk $0xffff, v0  }
0x237: {  	[tilespmem:s23+$0x0] =	vst.add.f32.msk $0xffff, v0  }
0x238: {  	v0 =	vld [tilespmem:s26+$0x1B050];
	_ =	sdelay $0x4  }
0x239: {  	[tilespmem:s26+$0xF050] =	vst.add.f32.msk $0xffff, v0  }
0x23a: {  	[tilespmem:s26+$0xC050] =	vst.add.f32.msk $0xffff, v0  }
0x23b: {  	s23 =	sor.u32 $0x50, s22;
	[tilespmem:s26+$0x12050] =	vst.add.f32.msk $0xffff, v0  }
0x23c: {  	[tilespmem:s23+$0x0] =	vst.add.f32.msk $0xffff, v0  }
0x23d: {  	v0 =	vld [tilespmem:s26+$0x1B060];
	_ =	sdelay $0x4  }
0x23e: {  	[tilespmem:s26+$0xF060] =	vst.add.f32.msk $0xffff, v0  }
0x23f: {  	[tilespmem:s26+$0xC060] =	vst.add.f32.msk $0xffff, v0  }
0x240: {  	s23 =	sor.u32 $0x60, s22;
	[tilespmem:s26+$0x12060] =	vst.add.f32.msk $0xffff, v0  }
0x241: {  	[tilespmem:s23+$0x0] =	vst.add.f32.msk $0xffff, v0  }
0x242: {  	v0 =	vld [tilespmem:s26+$0x1B070];
	_ =	sdelay $0x4  }
0x243: {  	[tilespmem:s26+$0xF070] =	vst.add.f32.msk $0xffff, v0  }
0x244: {  	[tilespmem:s26+$0xC070] =	vst.add.f32.msk $0xffff, v0  }
0x245: {  	s22 =	sor.u32 $0x70, s22;
	[tilespmem:s26+$0x12070] =	vst.add.f32.msk $0xffff, v0  }
0x246: {  	[tilespmem:s22+$0x0] =	vst.add.f32.msk $0xffff, v0  }
0x247: {  	v0 =	vld [tilespmem:s26+$0x1B400];
	_ =	sdelay $0x4  }
0x248: {  	[tilespmem:s26+$0xC400] =	vst.add.f32.msk $0xffff, v0  }
0x249: {  	s22 =	sor.u32 $0x6400, s31;
	[tilespmem:s26+$0xF400] =	vst.add.f32.msk $0xffff, v0  }
0x24a: {  	[tilespmem:s22+$0xC000] =	vst.add.f32.msk $0xffff, v0  }
0x24b: {  	v1 =	vld [tilespmem:s26+$0x1B410]  }
0x24c: {  	[tilespmem:s26+$0x15400] =	vst.add.f32.msk $0xffff, v0;
	_ =	sdelay $0x3  }
0x24d: {  	[tilespmem:s26+$0xC410] =	vst.add.f32.msk $0xffff, v1  }
0x24e: {  	[tilespmem:s26+$0xF410] =	vst.add.f32.msk $0xffff, v1  }
0x24f: {  	s23 =	sor.u32 $0x10, s11;
	[tilespmem:s22+$0xC010] =	vst.add.f32.msk $0xffff, v1  }
0x250: {  	[tilespmem:s23+$0x0] =	vst.add.f32.msk $0xffff, v1  }
0x251: {  	v0 =	vld [tilespmem:s26+$0x1B420];
	_ =	sdelay $0x4  }
0x252: {  	[tilespmem:s26+$0xC420] =	vst.add.f32.msk $0xffff, v0  }
0x253: {  	[tilespmem:s26+$0xF420] =	vst.add.f32.msk $0xffff, v0  }
0x254: {  	s23 =	sor.u32 $0x20, s11;
	[tilespmem:s22+$0xC020] =	vst.add.f32.msk $0xffff, v0  }
0x255: {  	[tilespmem:s23+$0x0] =	vst.add.f32.msk $0xffff, v0  }
0x256: {  	v0 =	vld [tilespmem:s26+$0x1B430];
	_ =	sdelay $0x4  }
0x257: {  	[tilespmem:s26+$0xC430] =	vst.add.f32.msk $0xffff, v0  }
0x258: {  	[tilespmem:s26+$0xF430] =	vst.add.f32.msk $0xffff, v0  }
0x259: {  	s23 =	sor.u32 $0x30, s11;
	[tilespmem:s22+$0xC030] =	vst.add.f32.msk $0xffff, v0  }
0x25a: {  	[tilespmem:s23+$0x0] =	vst.add.f32.msk $0xffff, v0  }
0x25b: {  	v0 =	vld [tilespmem:s26+$0x1B440];
	_ =	sdelay $0x4  }
0x25c: {  	[tilespmem:s26+$0xC440] =	vst.add.f32.msk $0xffff, v0  }
0x25d: {  	[tilespmem:s26+$0xF440] =	vst.add.f32.msk $0xffff, v0  }
0x25e: {  	s23 =	sor.u32 $0x40, s11;
	[tilespmem:s22+$0xC040] =	vst.add.f32.msk $0xffff, v0  }
0x25f: {  	[tilespmem:s23+$0x0] =	vst.add.f32.msk $0xffff, v0  }
0x260: {  	v0 =	vld [tilespmem:s26+$0x1B450];
	_ =	sdelay $0x4  }
0x261: {  	[tilespmem:s26+$0xC450] =	vst.add.f32.msk $0xffff, v0  }
0x262: {  	[tilespmem:s26+$0xF450] =	vst.add.f32.msk $0xffff, v0  }
0x263: {  	s23 =	sor.u32 $0x50, s11;
	[tilespmem:s22+$0xC050] =	vst.add.f32.msk $0xffff, v0  }
0x264: {  	[tilespmem:s23+$0x0] =	vst.add.f32.msk $0xffff, v0  }
0x265: {  	v0 =	vld [tilespmem:s26+$0x1B460];
	_ =	sdelay $0x4  }
0x266: {  	[tilespmem:s26+$0xC460] =	vst.add.f32.msk $0xffff, v0  }
0x267: {  	[tilespmem:s26+$0xF460] =	vst.add.f32.msk $0xffff, v0  }
0x268: {  	s23 =	sor.u32 $0x60, s11;
	[tilespmem:s22+$0xC060] =	vst.add.f32.msk $0xffff, v0  }
0x269: {  	[tilespmem:s23+$0x0] =	vst.add.f32.msk $0xffff, v0  }
0x26a: {  	v0 =	vld [tilespmem:s26+$0x1B470];
	_ =	sdelay $0x4  }
0x26b: {  	[tilespmem:s26+$0xC470] =	vst.add.f32.msk $0xffff, v0  }
0x26c: {  	[tilespmem:s26+$0xF470] =	vst.add.f32.msk $0xffff, v0  }
0x26d: {  	s11 =	sor.u32 $0x70, s11;
	[tilespmem:s22+$0xC070] =	vst.add.f32.msk $0xffff, v0  }
0x26e: {  	[tilespmem:s11+$0x0] =	vst.add.f32.msk $0xffff, v0  }
0x26f: {  	v0 =	vld [tilespmem:s26+$0x1B800]  }
0x270: {  	v1 =	vld [tilespmem:s26+$0x1B810];
	_ =	sdelay $0x3  }
0x271: {  	[tilespmem:s26+$0x15800] =	vst.add.f32.msk $0xffff, v0  }
0x272: {  	[tilespmem:s26+$0x12800] =	vst.add.f32.msk $0xffff, v0  }
0x273: {  	[tilespmem:s26+$0xC800] =	vst.add.f32.msk $0xffff, v0  }
0x274: {  	[tilespmem:s26+$0xF810] =	vst.add.f32.msk $0xffff, v1  }
0x275: {  	[tilespmem:s26+$0xC810] =	vst.add.f32.msk $0xffff, v1  }
0x276: {  	s11 =	sor.u32 $0x10, s7;
	[tilespmem:s26+$0xF800] =	vst.add.f32.msk $0xffff, v0  }
0x277: {  	[tilespmem:s11+$0x0] =	vst.add.f32.msk $0xffff, v1;
	s11 =	sor.u32 $0x10, s8  }
0x278: {  	[tilespmem:s11+$0x0] =	vst.add.f32.msk $0xffff, v1  }
0x279: {  	v0 =	vld [tilespmem:s26+$0x1B820];
	_ =	sdelay $0x4  }
0x27a: {  	[tilespmem:s26+$0xC820] =	vst.add.f32.msk $0xffff, v0  }
0x27b: {  	s11 =	sor.u32 $0x20, s7;
	[tilespmem:s26+$0xF820] =	vst.add.f32.msk $0xffff, v0  }
0x27c: {  	[tilespmem:s11+$0x0] =	vst.add.f32.msk $0xffff, v0;
	s11 =	sor.u32 $0x20, s8  }
0x27d: {  	[tilespmem:s11+$0x0] =	vst.add.f32.msk $0xffff, v0  }
0x27e: {  	v0 =	vld [tilespmem:s26+$0x1B830];
	_ =	sdelay $0x4  }
0x27f: {  	[tilespmem:s26+$0xC830] =	vst.add.f32.msk $0xffff, v0  }
0x280: {  	s11 =	sor.u32 $0x30, s7;
	[tilespmem:s26+$0xF830] =	vst.add.f32.msk $0xffff, v0  }
0x281: {  	[tilespmem:s11+$0x0] =	vst.add.f32.msk $0xffff, v0;
	s11 =	sor.u32 $0x30, s8  }
0x282: {  	[tilespmem:s11+$0x0] =	vst.add.f32.msk $0xffff, v0  }
0x283: {  	v0 =	vld [tilespmem:s26+$0x1B840];
	_ =	sdelay $0x4  }
0x284: {  	[tilespmem:s26+$0xC840] =	vst.add.f32.msk $0xffff, v0  }
0x285: {  	s11 =	sor.u32 $0x40, s7;
	[tilespmem:s26+$0xF840] =	vst.add.f32.msk $0xffff, v0  }
0x286: {  	[tilespmem:s11+$0x0] =	vst.add.f32.msk $0xffff, v0;
	s11 =	sor.u32 $0x40, s8  }
0x287: {  	[tilespmem:s11+$0x0] =	vst.add.f32.msk $0xffff, v0  }
0x288: {  	v0 =	vld [tilespmem:s26+$0x1B850];
	_ =	sdelay $0x4  }
0x289: {  	[tilespmem:s26+$0xC850] =	vst.add.f32.msk $0xffff, v0  }
0x28a: {  	s11 =	sor.u32 $0x50, s7;
	[tilespmem:s26+$0xF850] =	vst.add.f32.msk $0xffff, v0  }
0x28b: {  	[tilespmem:s11+$0x0] =	vst.add.f32.msk $0xffff, v0;
	s11 =	sor.u32 $0x50, s8  }
0x28c: {  	[tilespmem:s11+$0x0] =	vst.add.f32.msk $0xffff, v0  }
0x28d: {  	v0 =	vld [tilespmem:s26+$0x1B860];
	_ =	sdelay $0x4  }
0x28e: {  	[tilespmem:s26+$0xC860] =	vst.add.f32.msk $0xffff, v0  }
0x28f: {  	s11 =	sor.u32 $0x60, s7;
	[tilespmem:s26+$0xF860] =	vst.add.f32.msk $0xffff, v0  }
0x290: {  	[tilespmem:s11+$0x0] =	vst.add.f32.msk $0xffff, v0;
	s11 =	sor.u32 $0x60, s8  }
0x291: {  	[tilespmem:s11+$0x0] =	vst.add.f32.msk $0xffff, v0  }
0x292: {  	v0 =	vld [tilespmem:s26+$0x1B870];
	_ =	sdelay $0x4  }
0x293: {  	[tilespmem:s26+$0xC870] =	vst.add.f32.msk $0xffff, v0  }
0x294: {  	s7 =	sor.u32 $0x70, s7;
	[tilespmem:s26+$0xF870] =	vst.add.f32.msk $0xffff, v0  }
0x295: {  	[tilespmem:s7+$0x0] =	vst.add.f32.msk $0xffff, v0;
	s7 =	sor.u32 $0x70, s8  }
0x296: {  	[tilespmem:s7+$0x0] =	vst.add.f32.msk $0xffff, v0  }
0x297: {  	v0 =	vld [tilespmem:s26+$0x1BC00]  }
0x298: {  	v1 =	vld [tilespmem:s26+$0x1BC10];
	_ =	sdelay $0x3  }
0x299: {  	[tilespmem:s26+$0x15C00] =	vst.add.f32.msk $0xffff, v0  }
0x29a: {  	[tilespmem:s26+$0xCC00] =	vst.add.f32.msk $0xffff, v0  }
0x29b: {  	[tilespmem:s26+$0xCC10] =	vst.add.f32.msk $0xffff, v1  }
0x29c: {  	[tilespmem:s26+$0xFC00] =	vst.add.f32.msk $0xffff, v0  }
0x29d: {  	[tilespmem:s26+$0x12C00] =	vst.add.f32.msk $0xffff, v0  }
0x29e: {  	s7 =	sor.u32 $0x10, s14;
	[tilespmem:s26+$0xFC10] =	vst.add.f32.msk $0xffff, v1  }
0x29f: {  	[tilespmem:s7+$0x0] =	vst.add.f32.msk $0xffff, v1;
	s7 =	sor.u32 $0x10, s0  }
0x2a0: {  	[tilespmem:s7+$0x0] =	vst.add.f32.msk $0xffff, v1  }
0x2a1: {  	v0 =	vld [tilespmem:s26+$0x1BC20];
	_ =	sdelay $0x4  }
0x2a2: {  	[tilespmem:s26+$0xCC20] =	vst.add.f32.msk $0xffff, v0  }
0x2a3: {  	s7 =	sor.u32 $0x20, s14;
	[tilespmem:s26+$0xFC20] =	vst.add.f32.msk $0xffff, v0  }
0x2a4: {  	[tilespmem:s7+$0x0] =	vst.add.f32.msk $0xffff, v0;
	s7 =	sor.u32 $0x20, s0  }
0x2a5: {  	[tilespmem:s7+$0x0] =	vst.add.f32.msk $0xffff, v0  }
0x2a6: {  	v0 =	vld [tilespmem:s26+$0x1BC30];
	_ =	sdelay $0x4  }
0x2a7: {  	[tilespmem:s26+$0xCC30] =	vst.add.f32.msk $0xffff, v0  }
0x2a8: {  	s7 =	sor.u32 $0x30, s14;
	[tilespmem:s26+$0xFC30] =	vst.add.f32.msk $0xffff, v0  }
0x2a9: {  	[tilespmem:s7+$0x0] =	vst.add.f32.msk $0xffff, v0;
	s7 =	sor.u32 $0x30, s0  }
0x2aa: {  	[tilespmem:s7+$0x0] =	vst.add.f32.msk $0xffff, v0  }
0x2ab: {  	v0 =	vld [tilespmem:s26+$0x1BC40];
	_ =	sdelay $0x4  }
0x2ac: {  	[tilespmem:s26+$0xCC40] =	vst.add.f32.msk $0xffff, v0  }
0x2ad: {  	s7 =	sor.u32 $0x40, s14;
	[tilespmem:s26+$0xFC40] =	vst.add.f32.msk $0xffff, v0  }
0x2ae: {  	[tilespmem:s7+$0x0] =	vst.add.f32.msk $0xffff, v0;
	s7 =	sor.u32 $0x40, s0  }
0x2af: {  	[tilespmem:s7+$0x0] =	vst.add.f32.msk $0xffff, v0  }
0x2b0: {  	v0 =	vld [tilespmem:s26+$0x1BC50];
	_ =	sdelay $0x4  }
0x2b1: {  	[tilespmem:s26+$0xCC50] =	vst.add.f32.msk $0xffff, v0  }
0x2b2: {  	s7 =	sor.u32 $0x50, s14;
	[tilespmem:s26+$0xFC50] =	vst.add.f32.msk $0xffff, v0  }
0x2b3: {  	[tilespmem:s7+$0x0] =	vst.add.f32.msk $0xffff, v0;
	s7 =	sor.u32 $0x50, s0  }
0x2b4: {  	[tilespmem:s7+$0x0] =	vst.add.f32.msk $0xffff, v0  }
0x2b5: {  	v0 =	vld [tilespmem:s26+$0x1BC60];
	_ =	sdelay $0x4  }
0x2b6: {  	[tilespmem:s26+$0xCC60] =	vst.add.f32.msk $0xffff, v0  }
0x2b7: {  	s7 =	sor.u32 $0x60, s14;
	[tilespmem:s26+$0xFC60] =	vst.add.f32.msk $0xffff, v0  }
0x2b8: {  	[tilespmem:s7+$0x0] =	vst.add.f32.msk $0xffff, v0;
	s7 =	sor.u32 $0x60, s0  }
0x2b9: {  	[tilespmem:s7+$0x0] =	vst.add.f32.msk $0xffff, v0  }
0x2ba: {  	v0 =	vld [tilespmem:s26+$0x1BC70];
	_ =	sdelay $0x4  }
0x2bb: {  	[tilespmem:s26+$0xCC70] =	vst.add.f32.msk $0xffff, v0  }
0x2bc: {  	s7 =	sor.u32 $0x70, s14;
	[tilespmem:s26+$0xFC70] =	vst.add.f32.msk $0xffff, v0  }
0x2bd: {  	s0 =	sor.u32 $0x70, s0;
	[tilespmem:s7+$0x0] =	vst.add.f32.msk $0xffff, v0  }
0x2be: {  	[tilespmem:s0+$0x0] =	vst.add.f32.msk $0xffff, v0  }
0x2bf: {  	v0 =	vld [tilespmem:s26+$0x1C000]  }
0x2c0: {  	v1 =	vld [tilespmem:s26+$0x1C010];
	_ =	sdelay $0x3  }
0x2c1: {  	[tilespmem:s26+$0x16000] =	vst.add.f32.msk $0xffff, v0  }
0x2c2: {  	[tilespmem:s26+$0x13000] =	vst.add.f32.msk $0xffff, v0  }
0x2c3: {  	[tilespmem:s26+$0xD000] =	vst.add.f32.msk $0xffff, v0  }
0x2c4: {  	[tilespmem:s26+$0x10000] =	vst.add.f32.msk $0xffff, v0  }
0x2c5: {  	[tilespmem:s26+$0xD010] =	vst.add.f32.msk $0xffff, v1  }
0x2c6: {  	s0 =	sor.u32 $0x10, s2;
	[tilespmem:s26+$0x10010] =	vst.add.f32.msk $0xffff, v1  }
0x2c7: {  	[tilespmem:s0+$0x0] =	vst.add.f32.msk $0xffff, v1  }
0x2c8: {  	v0 =	vld [tilespmem:s26+$0x1C020]  }
0x2c9: {  	[tilespmem:s26+$0x16010] =	vst.add.f32.msk $0xffff, v1;
	_ =	sdelay $0x3  }
0x2ca: {  	[tilespmem:s26+$0xD020] =	vst.add.f32.msk $0xffff, v0  }
0x2cb: {  	s0 =	sor.u32 $0x20, s2;
	[tilespmem:s26+$0x10020] =	vst.add.f32.msk $0xffff, v0  }
0x2cc: {  	[tilespmem:s0+$0x0] =	vst.add.f32.msk $0xffff, v0  }
0x2cd: {  	v1 =	vld [tilespmem:s26+$0x1C030]  }
0x2ce: {  	[tilespmem:s26+$0x16020] =	vst.add.f32.msk $0xffff, v0;
	_ =	sdelay $0x3  }
0x2cf: {  	[tilespmem:s26+$0xD030] =	vst.add.f32.msk $0xffff, v1  }
0x2d0: {  	s0 =	sor.u32 $0x30, s2;
	[tilespmem:s26+$0x10030] =	vst.add.f32.msk $0xffff, v1  }
0x2d1: {  	[tilespmem:s0+$0x0] =	vst.add.f32.msk $0xffff, v1  }
0x2d2: {  	v0 =	vld [tilespmem:s26+$0x1C040]  }
0x2d3: {  	[tilespmem:s26+$0x16030] =	vst.add.f32.msk $0xffff, v1;
	_ =	sdelay $0x3  }
0x2d4: {  	[tilespmem:s26+$0xD040] =	vst.add.f32.msk $0xffff, v0  }
0x2d5: {  	s0 =	sor.u32 $0x40, s2;
	[tilespmem:s26+$0x10040] =	vst.add.f32.msk $0xffff, v0  }
0x2d6: {  	[tilespmem:s0+$0x0] =	vst.add.f32.msk $0xffff, v0  }
0x2d7: {  	v1 =	vld [tilespmem:s26+$0x1C050]  }
0x2d8: {  	[tilespmem:s26+$0x16040] =	vst.add.f32.msk $0xffff, v0;
	_ =	sdelay $0x3  }
0x2d9: {  	[tilespmem:s26+$0xD050] =	vst.add.f32.msk $0xffff, v1  }
0x2da: {  	s0 =	sor.u32 $0x50, s2;
	[tilespmem:s26+$0x10050] =	vst.add.f32.msk $0xffff, v1  }
0x2db: {  	[tilespmem:s0+$0x0] =	vst.add.f32.msk $0xffff, v1  }
0x2dc: {  	v0 =	vld [tilespmem:s26+$0x1C060]  }
0x2dd: {  	[tilespmem:s26+$0x16050] =	vst.add.f32.msk $0xffff, v1;
	_ =	sdelay $0x3  }
0x2de: {  	[tilespmem:s26+$0xD060] =	vst.add.f32.msk $0xffff, v0  }
0x2df: {  	s0 =	sor.u32 $0x60, s2;
	[tilespmem:s26+$0x10060] =	vst.add.f32.msk $0xffff, v0  }
0x2e0: {  	[tilespmem:s0+$0x0] =	vst.add.f32.msk $0xffff, v0  }
0x2e1: {  	v1 =	vld [tilespmem:s26+$0x1C070]  }
0x2e2: {  	[tilespmem:s26+$0x16060] =	vst.add.f32.msk $0xffff, v0;
	_ =	sdelay $0x3  }
0x2e3: {  	s0 =	sor.u32 $0x70, s2;
	[tilespmem:s26+$0xD070] =	vst.add.f32.msk $0xffff, v1  }
0x2e4: {  	[tilespmem:s26+$0x10070] =	vst.add.f32.msk $0xffff, v1  }
0x2e5: {  	[tilespmem:s0+$0x0] =	vst.add.f32.msk $0xffff, v1  }
0x2e6: {  	v0 =	vld [tilespmem:s26+$0x1C400]  }
0x2e7: {  	[tilespmem:s26+$0x16070] =	vst.add.f32.msk $0xffff, v1;
	_ =	sdelay $0x2  }
0x2e8: {  	s2 =	sor.u32 $0x4400, s31  }
.Ltmp1:
0x2e9: {  	[tilespmem:s26+$0xD400] =	vst.add.f32.msk $0xffff, v0;
	(pc) =	sbr.rel @p0 .LBB2_5-.Ltmp1, $4  }
0x2ea: {  	s0 =	sor.u32 $0xA400, s31;
	[tilespmem:s2+$0xC000] =	vst.add.f32.msk $0xffff, v0  }
0x2eb: {  	[tilespmem:s26+$0x13400] =	vst.add.f32.msk $0xffff, v0  }
0x2ec: {  	[tilespmem:s0+$0xC000] =	vst.add.f32.msk $0xffff, v0  }
0x2ed: {  	v0 =	vld [tilespmem:s26+$0x1C410]  }
0x2ee: {  	_ =	sdelay $0x3  }
0x2ef: {  	[tilespmem:s26+$0xD410] =	vst.add.f32.msk $0xffff, v0  }
0x2f0: {  	s7 =	sor.u32 $0x10, s29;
	[tilespmem:s2+$0xC010] =	vst.add.f32.msk $0xffff, v0  }
0x2f1: {  	[tilespmem:s7+$0x0] =	vst.add.f32.msk $0xffff, v0  }
0x2f2: {  	[tilespmem:s0+$0xC010] =	vst.add.f32.msk $0xffff, v0  }
0x2f3: {  	v0 =	vld [tilespmem:s26+$0x1C420];
	_ =	sdelay $0x4  }
0x2f4: {  	[tilespmem:s26+$0xD420] =	vst.add.f32.msk $0xffff, v0  }
0x2f5: {  	s11 =	sor.u32 $0x20, s29;
	[tilespmem:s2+$0xC020] =	vst.add.f32.msk $0xffff, v0  }
0x2f6: {  	[tilespmem:s11+$0x0] =	vst.add.f32.msk $0xffff, v0  }
0x2f7: {  	[tilespmem:s0+$0xC020] =	vst.add.f32.msk $0xffff, v0  }
0x2f8: {  	v0 =	vld [tilespmem:s26+$0x1C430];
	_ =	sdelay $0x4  }
0x2f9: {  	[tilespmem:s26+$0xD430] =	vst.add.f32.msk $0xffff, v0  }
0x2fa: {  	s14 =	sor.u32 $0x30, s29;
	[tilespmem:s2+$0xC030] =	vst.add.f32.msk $0xffff, v0  }
0x2fb: {  	[tilespmem:s14+$0x0] =	vst.add.f32.msk $0xffff, v0  }
0x2fc: {  	[tilespmem:s0+$0xC030] =	vst.add.f32.msk $0xffff, v0  }
0x2fd: {  	v0 =	vld [tilespmem:s26+$0x1C440];
	_ =	sdelay $0x4  }
0x2fe: {  	[tilespmem:s26+$0xD440] =	vst.add.f32.msk $0xffff, v0  }
0x2ff: {  	s22 =	sor.u32 $0x40, s29;
	[tilespmem:s2+$0xC040] =	vst.add.f32.msk $0xffff, v0  }
0x300: {  	[tilespmem:s22+$0x0] =	vst.add.f32.msk $0xffff, v0  }
0x301: {  	[tilespmem:s0+$0xC040] =	vst.add.f32.msk $0xffff, v0  }
0x302: {  	v0 =	vld [tilespmem:s26+$0x1C450];
	_ =	sdelay $0x4  }
0x303: {  	[tilespmem:s26+$0xD450] =	vst.add.f32.msk $0xffff, v0  }
0x304: {  	s23 =	sor.u32 $0x50, s29;
	[tilespmem:s2+$0xC050] =	vst.add.f32.msk $0xffff, v0  }
0x305: {  	[tilespmem:s23+$0x0] =	vst.add.f32.msk $0xffff, v0  }
0x306: {  	[tilespmem:s0+$0xC050] =	vst.add.f32.msk $0xffff, v0  }
0x307: {  	v0 =	vld [tilespmem:s26+$0x1C460];
	_ =	sdelay $0x4  }
0x308: {  	[tilespmem:s26+$0xD460] =	vst.add.f32.msk $0xffff, v0  }
0x309: {  	s28 =	sor.u32 $0x60, s29;
	[tilespmem:s2+$0xC060] =	vst.add.f32.msk $0xffff, v0  }
0x30a: {  	[tilespmem:s28+$0x0] =	vst.add.f32.msk $0xffff, v0  }
0x30b: {  	[tilespmem:s0+$0xC060] =	vst.add.f32.msk $0xffff, v0  }
0x30c: {  	v0 =	vld [tilespmem:s26+$0x1C470];
	_ =	sdelay $0x2  }
0x30d: {  	s24 =	sadd.s32 $0x1, s24  }
0x30e: {  	p0 =	sne.s32 s24, $0x8  }
.Ltmp2:
0x30f: {  	[tilespmem:s26+$0xD470] =	vst.add.f32.msk $0xffff, v0;
	(pc) =	sbr.rel @p0 .LBB2_2-.Ltmp2, $4  }
0x310: {  	s30 =	sor.u32 $0x70, s29;
	[tilespmem:s2+$0xC070] =	vst.add.f32.msk $0xffff, v0  }
0x311: {  	[tilespmem:s30+$0x0] =	vst.add.f32.msk $0xffff, v0  }
0x312: {  	s31 =	sadd.s32 s4, s25;
	[tilespmem:s0+$0xC070] =	vst.add.f32.msk $0xffff, v0  }
0x313: {  	[hbm4b:s31+s12] =	stream.strided.scatter [tilespmem:s15], [sflag:$0x6], $0xC000, s13, s12, $0x38;
	[tilespmem:$0x1E000] =	vst v63  }
0x314: {  	s2 =	simm.s32 $0x6  }
0x315: {  	_ =	swait.ge [sflag:s2], $0xC000  }
0x316: {  	s7 =	rddreg [dreg:$0x7]  }
0x317: {  	s0 =	rddreg [dreg:$0x6];
	s7 =	sadd.s32 $0x1, s7  }
0x318: {  	p0 =	sne.s32 s7, s0  }
.Ltmp3:
0x319: {  	_ = 	snop;
	(pc) =	sbr.rel @p0 .LBB2_1-.Ltmp3, $3  }
0x31a: {  	_ =	sdelay $0x1  }
0x31b: {  	[sflag:s2] =	ssyncset.done $0x0  }
0x31c: {  	[sflag:s2] =	ssyncadd.s32 $0xFFFF4000  }
0x31d: {  	_ =	sfence.sel $0x180000  }
0x31e: {  	[bflag:$0x0] =	sbarrier.arrive $0xFFFF  }
0x31f: {  	_ =	strace $0x90000047  }
0x320: {  	s0 =	stileid.u32;
	[bflag:$0x2] =	sbarrier.arrive $0xFFFF  }
0x321: {  	p0 =	sne.s32 s0, $0x0;
	s0 =	rddreg [dreg:$0x3]  }
0x322: {  	s0 =	sadd.s32 @!p0 $0x100000, s0  }
0x323: {  	[sflag:s0] =	ssyncadd.tile.s32 @!p0 $0x1;
	_ =	shalt  }
.Lfunc_end2:
_tile_overlayer_lowered:
.L_overlay_start_2:
0x324: {  	(tag) =	ssettag $0x2  }
0x325: {  	s0 =	rddreg [dreg:$0x0];
	s2 =	stileid.u32  }
0x326: {  	s1 =	rddreg [dreg:$0x1];
	p0 =	sne.s32 s2, $0x0  }
0x327: {  	s3 =	rddreg [dreg:$0x2];
	[bflag:$0x3] =	sbarrier.arrive $0xFFFF;
	s2 =	simm.s32 @!p0 $0x1C07  }
0x328: {  	[timem:s3], [sflag:s2] =	dma.local @!p0 [hbm:s0], s1  }
0x329: {  	s0 =	simm.s32 @!p0 $0x7  }
0x32a: {  	_ =	swait.ge @!p0 [sflag:s0], s1  }
0x32b: {  	s1 =	ssub.s32 @!p0 $0x0, s1;
	[sflag:s0] =	ssyncset.done @!p0 $0x0  }
0x32c: {  	[sflag:s0] =	ssyncadd.s32 @!p0 s1  }
0x32d: {  	[bflag:$0x3] =	sbarrier.arrive $0xFFFF  }
0x32e: {  	_ =	shalt  }

</sc_bundles>
